<compile_context>
chip_gen: v7x
topology: tpu7x:2x2x1
jax: 0.10.2.dev20260603
libtpu: 0.0.44.dev20260713+nightly
codegen_flags: <defaults>
</compile_context>

<pallas_src>
import functools
import math

import jax
import jax.numpy as jnp
from jax import lax
from jax.experimental import pallas as pl
from jax.experimental.pallas import tpu as pltpu
from jax.experimental.pallas import tpu_sc as plsc

SMOOTH = 0.1
CONF = 1.0 - SMOOTH

NC = 2
NS = 16
NW = NC * NS
LANES = 16

SC_ROWS = 48640
CR = 16
RING = 4

BLK_ROWS = 80
NSTREAMS = 6


def _sc_reduce_and_gather(xt, target, s_coef, g_coef):
    n = target.shape[0]
    tc_rows = xt.shape[0] - SC_ROWS
    b_per_w = n // NW
    rpw = SC_ROWS // NW
    nchunks = rpw // CR
    assert nchunks % RING == RING - 1
    mesh = plsc.VectorSubcoreMesh(core_axis_name="c", subcore_axis_name="s")

    @functools.partial(
        pl.kernel,
        mesh=mesh,
        out_type=jax.ShapeDtypeStruct((NW, LANES), jnp.float32),
        scratch_types=[
            pltpu.VMEM((b_per_w,), jnp.int32),
            pltpu.VMEM((b_per_w, n), jnp.float32),
            pltpu.VMEM((RING, CR, n), jnp.float32),
            pltpu.VMEM((LANES,), jnp.float32),
            pltpu.SemaphoreType.DMA,
            pltpu.SemaphoreType.DMA,
        ],
    )
    def sc_kernel(x_hbm, tgt_hbm, out_hbm, tgt_v, rows_v, buf_v, acc_v,
                  gsem, dsem):
        cid = lax.axis_index("c")
        sid = lax.axis_index("s")
        wid = sid * NC + cid
        lane_iota = lax.iota(jnp.int32, LANES)
        zeros16 = jnp.zeros((LANES,), jnp.float32)

        gbase = wid * b_per_w
        pltpu.sync_copy(tgt_hbm.at[pl.ds(gbase, b_per_w)], tgt_v)
        grows = pltpu.async_copy(x_hbm.at[tgt_v], rows_v, gsem)

        drow0 = tc_rows + wid * rpw

        def chunk_src(k):
            row = pl.multiple_of(drow0 + k * CR, 8)
            return x_hbm.at[pl.ds(row, CR), :]

        def buf_wait(b):
            pltpu.make_async_copy(chunk_src(0), buf_v.at[b], dsem).wait()

        def accum_buf(b, acc):
            def row_body(i, a):
                for cidx in range(n // LANES):
                    a = a + buf_v[b, i, pl.ds(cidx * LANES, LANES)]
                return a
            return lax.fori_loop(0, CR, row_body, acc)

        for p in range(RING - 1):
            pltpu.async_copy(chunk_src(p), buf_v.at[p], dsem)

        main_iters = (nchunks - (RING - 1)) // RING

        def ring_body(k2, acc):
            for b in range(RING):
                k = RING * k2 + b
                buf_wait(b)
                pltpu.async_copy(chunk_src(k + RING - 1),
                                 buf_v.at[(b + RING - 1) % RING], dsem)
                acc = accum_buf(b, acc)
            return acc

        dense = lax.fori_loop(0, main_iters, ring_body, zeros16)
        for k in range(RING * main_iters, nchunks):
            buf_wait(k % RING)
            dense = accum_buf(k % RING, dense)

        grows.wait()
        gacc = zeros16
        for e in range(b_per_w):
            col0 = gbase + (e & ~(LANES - 1))
            seg = rows_v[e, pl.ds(col0, LANES)]
            gacc = gacc + jnp.where(lane_iota == (e & (LANES - 1)), seg,
                                    0.0)
        acc_v[...] = dense * s_coef + gacc * g_coef
        pltpu.sync_copy(acc_v, out_hbm.at[wid])

    return sc_kernel(xt, target)


def kernel(x, target):
    n, size = x.shape
    s = SMOOTH / (size - 1)
    c0 = float(n * ((size - 1) * s * math.log(s) + CONF * math.log(CONF)))
    s_coef = float(s)
    g_coef = float(CONF - s)

    xt = x.T
    sc_part = _sc_reduce_and_gather(xt, target.astype(jnp.int32), s_coef,
                                    g_coef)

    grid = (size - SC_ROWS) // (BLK_ROWS * NSTREAMS)

    def tc_body(*refs):
        x_refs = refs[:NSTREAMS]
        o_ref = refs[NSTREAMS]
        i = pl.program_id(0)

        @pl.when(i == 0)
        def _init():
            o_ref[0, 0] = jnp.float32(0.0)

        part = x_refs[0][...]
        for r in x_refs[1:]:
            part = part + r[...]
        o_ref[0, 0] += jnp.sum(part)

        @pl.when(i == grid - 1)
        def _final():
            o_ref[0, 0] = c0 - s_coef * o_ref[0, 0]

    tc_sum = pl.pallas_call(
        tc_body,
        grid=(grid,),
        in_specs=[
            pl.BlockSpec(
                (BLK_ROWS, n),
                functools.partial(
                    lambda k, i: (NSTREAMS * i + k, 0), k))
            for k in range(NSTREAMS)
        ],
        out_specs=pl.BlockSpec((1, 1), lambda i: (0, 0),
                               memory_space=pltpu.SMEM),
        out_shape=jax.ShapeDtypeStruct((1, 1), jnp.float32),
    )(*([xt] * NSTREAMS))

    def combine_body(t_ref, g_ref, o_ref):
        o_ref[0, 0] = t_ref[0, 0] - jnp.sum(g_ref[...])

    out = pl.pallas_call(
        combine_body,
        in_specs=[
            pl.BlockSpec(memory_space=pltpu.SMEM),
            pl.BlockSpec(memory_space=pltpu.VMEM),
        ],
        out_specs=pl.BlockSpec(memory_space=pltpu.SMEM),
        out_shape=jax.ShapeDtypeStruct((1, 1), jnp.float32),
    )(tc_sum, sc_part)
    return out.reshape(())

# --- scband reference (transcript-rebuilt; emitter-appended) ---
"""Pipeline reference for scband-label-smoothing-41927470743883 (READ-ONLY COPY).

The authoritative reference and input builder live on the scoring server;
editing this copy changes nothing except your own understanding.
"""

import jax, jax.numpy as jnp
import numpy as np

SIZE = 100000
SMOOTHING = 0.1
CONFIDENCE = 1.0 - SMOOTHING


def setup_inputs(seed: int = 0) -> dict:
    key = jax.random.key(seed)
    k1, k2 = jax.random.split(key)
    x = jax.random.normal(k1, (1024, SIZE), dtype=jnp.float32)
    target = jax.random.randint(k2, (1024,), 0, SIZE, dtype=jnp.int64 if jax.config.jax_enable_x64 else jnp.int32)
    return {"x": x, "target": target}


def reference(x, target):
    # Build smoothed true distribution: fill with smoothing/(size-1), scatter confidence at target
    n = x.shape[0]
    true_dist = jnp.full(x.shape, SMOOTHING / (SIZE - 1), dtype=x.dtype)
    true_dist = true_dist.at[jnp.arange(n), target].set(CONFIDENCE)
    # KLDivLoss with size_average=False (sum reduction): sum(target * (log(target) - input))
    loss = jnp.sum(true_dist * (jnp.log(true_dist) - x))
    return loss

if __name__ == "__main__":
    import jax
    _d = setup_inputs()
    print(jax.jit(kernel)(*tuple(_d.values())))

</pallas_src>

<mosaic_0001>
#map = affine_map<(d0, d1) -> (0, 0)>
#map1 = affine_map<(d0, d1) -> (0)>
module attributes {stable_mosaic.version = 14 : i64} {
  func.func @sc_kernel(%arg0: i32, %arg1: i32, %arg2: memref<100000x1024xf32, #tpu.memory_space<hbm>>, %arg3: memref<1024xi32, #tpu.memory_space<hbm>>, %arg4: memref<32x16xf32, #tpu.memory_space<hbm>>, %arg5: memref<32xi32, #tpu.memory_space<vmem>>, %arg6: memref<32x1024xf32, #tpu.memory_space<vmem>>, %arg7: memref<4x16x1024xf32, #tpu.memory_space<vmem>>, %arg8: memref<16xf32, #tpu.memory_space<vmem>>, %arg9: memref<!tpu.dma_semaphore, #tpu.memory_space<semaphore_mem>>, %arg10: memref<!tpu.dma_semaphore, #tpu.memory_space<semaphore_mem>>) attributes {dimension_semantics = [#tpu.dimension_semantics<core_parallel>, #tpu.dimension_semantics<subcore_parallel>], iteration_bounds = array<i64: 2, 16>, scalar_prefetch = 0 : i64, scratch_operands = 6 : i64, tpu.core_type = #tpu.core_type<sc_vector_subcore>, window_params = [{transform_indices = #map}, {transform_indices = #map1}, {transform_indices = #map}]} {
    %mul3A = arith.constant 2 : i32
    %mul3A_0 = arith.muli %arg1, %mul3A : i32
    %add3A = arith.addi %mul3A_0, %arg0 : i32
    %iota3A = tpu.iota {dimensions = array<i32: 0>} : vector<16xi32>
    %broadcast_in_dim3A = arith.constant 0.000000e+00 : f32
    %broadcast_in_dim3A_1 = vector.broadcast %broadcast_in_dim3A : f32 to vector<16xf32>
    %mul3A_2 = arith.constant 32 : i32
    %mul3A_3 = arith.muli %add3A, %mul3A_2 : i32
    "tpu.region"() ({
      %run_scoped3A = tpu.sem_alloc : memref<!tpu.dma_semaphore, #tpu.memory_space<semaphore_mem>>
      %dma_start3A_584 = tpu.memref_slice %arg3[%mul3A_3] : memref<1024xi32, #tpu.memory_space<hbm>> -> memref<32xi32, #tpu.memory_space<hbm>>
      %dma_start3A_585 = tpu.memref_slice %arg3[%mul3A_3] : memref<1024xi32, #tpu.memory_space<hbm>> -> memref<32xi32, #tpu.memory_space<hbm>>
      tpu.enqueue_dma source(%dma_start3A_585 : memref<32xi32, #tpu.memory_space<hbm>>) target(%arg5 : memref<32xi32, #tpu.memory_space<vmem>>) target_semaphore(%run_scoped3A : memref<!tpu.dma_semaphore, #tpu.memory_space<semaphore_mem>>)
      %dma_wait3A_586 = tpu.memref_slice %arg3[%mul3A_3] : memref<1024xi32, #tpu.memory_space<hbm>> -> memref<32xi32, #tpu.memory_space<hbm>>
      %dma_wait3A_587 = tpu.memref_slice %arg3[%mul3A_3] : memref<1024xi32, #tpu.memory_space<hbm>> -> memref<32xi32, #tpu.memory_space<hbm>>
      tpu.wait_dma2 semaphore(%run_scoped3A : memref<!tpu.dma_semaphore, #tpu.memory_space<semaphore_mem>>) src(%dma_wait3A_587 : memref<32xi32, #tpu.memory_space<hbm>>) dst(%arg5 : memref<32xi32, #tpu.memory_space<vmem>>)
      tpu.yield
    }) : () -> ()
    %dma_start3A = arith.constant 0 : i32
    %dma_start3A_4 = arith.constant 0 : i32
    %dma_start3A_5 = tpu.memref_slice %arg2[%dma_start3A, %dma_start3A_4] : memref<100000x1024xf32, #tpu.memory_space<hbm>> -> memref<100000x1024xf32, #tpu.memory_space<hbm>>
    tpu.enqueue_indirect_dma source(%dma_start3A_5 : memref<100000x1024xf32, #tpu.memory_space<hbm>>) target(%arg6 : memref<32x1024xf32, #tpu.memory_space<vmem>>) offsets(%arg5 : memref<32xi32, #tpu.memory_space<vmem>>) semaphore(%arg9 : memref<!tpu.dma_semaphore, #tpu.memory_space<semaphore_mem>>)
    %mul3A_6 = arith.constant 1520 : i32
    %mul3A_7 = arith.muli %add3A, %mul3A_6 : i32
    %add3A_8 = arith.constant 51360 : i32
    %add3A_9 = arith.addi %add3A_8, %mul3A_7 : i32
    %add3A_10 = arith.constant 0 : i32
    %add3A_11 = arith.addi %add3A_9, %add3A_10 : i32
    %multiple_of3A = tpu.assume_multiple %add3A_11, 8 : i32
    %dma_start3A_12 = arith.constant 0 : i32
    %dma_start3A_13 = arith.constant 0 : i32
    %dma_start3A_14 = arith.constant 0 : i32
    %dma_start3A_15 = tpu.memref_slice %arg7[%dma_start3A_12, %dma_start3A_13, %dma_start3A_14] : memref<4x16x1024xf32, #tpu.memory_space<vmem>> -> memref<1x16x1024xf32, #tpu.memory_space<vmem>>
    %dma_start3A_16 = tpu.memref_squeeze %dma_start3A_15 : memref<1x16x1024xf32, #tpu.memory_space<vmem>> -> memref<16x1024xf32, #tpu.memory_space<vmem>>
    %dma_start3A_17 = arith.constant 0 : i32
    %dma_start3A_18 = tpu.memref_slice %arg2[%multiple_of3A, %dma_start3A_17] : memref<100000x1024xf32, #tpu.memory_space<hbm>> -> memref<16x1024xf32, #tpu.memory_space<hbm>>
    %dma_start3A_19 = arith.constant 0 : i32
    %dma_start3A_20 = arith.constant 0 : i32
    %dma_start3A_21 = tpu.memref_slice %arg7[%dma_start3A_12, %dma_start3A_19, %dma_start3A_20] : memref<4x16x1024xf32, #tpu.memory_space<vmem>> -> memref<1x16x1024xf32, #tpu.memory_space<vmem>>
    %dma_start3A_22 = tpu.memref_squeeze %dma_start3A_21 : memref<1x16x1024xf32, #tpu.memory_space<vmem>> -> memref<16x1024xf32, #tpu.memory_space<vmem>>
    %dma_start3A_23 = arith.constant 0 : i32
    %dma_start3A_24 = tpu.memref_slice %arg2[%multiple_of3A, %dma_start3A_23] : memref<100000x1024xf32, #tpu.memory_space<hbm>> -> memref<16x1024xf32, #tpu.memory_space<hbm>>
    tpu.enqueue_dma source(%dma_start3A_24 : memref<16x1024xf32, #tpu.memory_space<hbm>>) target(%dma_start3A_22 : memref<16x1024xf32, #tpu.memory_space<vmem>>) target_semaphore(%arg10 : memref<!tpu.dma_semaphore, #tpu.memory_space<semaphore_mem>>)
    %add3A_25 = arith.constant 16 : i32
    %add3A_26 = arith.addi %add3A_9, %add3A_25 : i32
    %multiple_of3A_27 = tpu.assume_multiple %add3A_26, 8 : i32
    %dma_start3A_28 = arith.constant 1 : i32
    %dma_start3A_29 = arith.constant 0 : i32
    %dma_start3A_30 = arith.constant 0 : i32
    %dma_start3A_31 = tpu.memref_slice %arg7[%dma_start3A_28, %dma_start3A_29, %dma_start3A_30] : memref<4x16x1024xf32, #tpu.memory_space<vmem>> -> memref<1x16x1024xf32, #tpu.memory_space<vmem>>
    %dma_start3A_32 = tpu.memref_squeeze %dma_start3A_31 : memref<1x16x1024xf32, #tpu.memory_space<vmem>> -> memref<16x1024xf32, #tpu.memory_space<vmem>>
    %dma_start3A_33 = arith.constant 0 : i32
    %dma_start3A_34 = tpu.memref_slice %arg2[%multiple_of3A_27, %dma_start3A_33] : memref<100000x1024xf32, #tpu.memory_space<hbm>> -> memref<16x1024xf32, #tpu.memory_space<hbm>>
    %dma_start3A_35 = arith.constant 0 : i32
    %dma_start3A_36 = arith.constant 0 : i32
    %dma_start3A_37 = tpu.memref_slice %arg7[%dma_start3A_28, %dma_start3A_35, %dma_start3A_36] : memref<4x16x1024xf32, #tpu.memory_space<vmem>> -> memref<1x16x1024xf32, #tpu.memory_space<vmem>>
    %dma_start3A_38 = tpu.memref_squeeze %dma_start3A_37 : memref<1x16x1024xf32, #tpu.memory_space<vmem>> -> memref<16x1024xf32, #tpu.memory_space<vmem>>
    %dma_start3A_39 = arith.constant 0 : i32
    %dma_start3A_40 = tpu.memref_slice %arg2[%multiple_of3A_27, %dma_start3A_39] : memref<100000x1024xf32, #tpu.memory_space<hbm>> -> memref<16x1024xf32, #tpu.memory_space<hbm>>
    tpu.enqueue_dma source(%dma_start3A_40 : memref<16x1024xf32, #tpu.memory_space<hbm>>) target(%dma_start3A_38 : memref<16x1024xf32, #tpu.memory_space<vmem>>) target_semaphore(%arg10 : memref<!tpu.dma_semaphore, #tpu.memory_space<semaphore_mem>>)
    %add3A_41 = arith.constant 32 : i32
    %add3A_42 = arith.addi %add3A_9, %add3A_41 : i32
    %multiple_of3A_43 = tpu.assume_multiple %add3A_42, 8 : i32
    %dma_start3A_44 = arith.constant 2 : i32
    %dma_start3A_45 = arith.constant 0 : i32
    %dma_start3A_46 = arith.constant 0 : i32
    %dma_start3A_47 = tpu.memref_slice %arg7[%dma_start3A_44, %dma_start3A_45, %dma_start3A_46] : memref<4x16x1024xf32, #tpu.memory_space<vmem>> -> memref<1x16x1024xf32, #tpu.memory_space<vmem>>
    %dma_start3A_48 = tpu.memref_squeeze %dma_start3A_47 : memref<1x16x1024xf32, #tpu.memory_space<vmem>> -> memref<16x1024xf32, #tpu.memory_space<vmem>>
    %dma_start3A_49 = arith.constant 0 : i32
    %dma_start3A_50 = tpu.memref_slice %arg2[%multiple_of3A_43, %dma_start3A_49] : memref<100000x1024xf32, #tpu.memory_space<hbm>> -> memref<16x1024xf32, #tpu.memory_space<hbm>>
    %dma_start3A_51 = arith.constant 0 : i32
    %dma_start3A_52 = arith.constant 0 : i32
    %dma_start3A_53 = tpu.memref_slice %arg7[%dma_start3A_44, %dma_start3A_51, %dma_start3A_52] : memref<4x16x1024xf32, #tpu.memory_space<vmem>> -> memref<1x16x1024xf32, #tpu.memory_space<vmem>>
    %dma_start3A_54 = tpu.memref_squeeze %dma_start3A_53 : memref<1x16x1024xf32, #tpu.memory_space<vmem>> -> memref<16x1024xf32, #tpu.memory_space<vmem>>
    %dma_start3A_55 = arith.constant 0 : i32
    %dma_start3A_56 = tpu.memref_slice %arg2[%multiple_of3A_43, %dma_start3A_55] : memref<100000x1024xf32, #tpu.memory_space<hbm>> -> memref<16x1024xf32, #tpu.memory_space<hbm>>
    tpu.enqueue_dma source(%dma_start3A_56 : memref<16x1024xf32, #tpu.memory_space<hbm>>) target(%dma_start3A_54 : memref<16x1024xf32, #tpu.memory_space<vmem>>) target_semaphore(%arg10 : memref<!tpu.dma_semaphore, #tpu.memory_space<semaphore_mem>>)
    %scan3A = arith.constant 0 : i32
    %scan3A_57 = arith.constant 23 : i32
    %scan3A_58 = arith.addi %scan3A, %scan3A_57 : i32
    %scan3A_59 = arith.constant 1 : i32
    %scan3A_60 = scf.for %scan3A_584 = %scan3A to %scan3A_58 step %scan3A_59 iter_args(%scan3A_585 = %broadcast_in_dim3A_1) -> (vector<16xf32>)  : i32 {
      %mul3A_586 = arith.constant 4 : i32
      %mul3A_587 = arith.muli %mul3A_586, %scan3A_584 : i32
      %add3A_588 = arith.constant 0 : i32
      %add3A_589 = arith.addi %mul3A_587, %add3A_588 : i32
      %add3A_590 = arith.constant 0 : i32
      %add3A_591 = arith.addi %add3A_9, %add3A_590 : i32
      %multiple_of3A_592 = tpu.assume_multiple %add3A_591, 8 : i32
      %dma_wait3A_593 = arith.constant 0 : i32
      %dma_wait3A_594 = arith.constant 0 : i32
      %dma_wait3A_595 = arith.constant 0 : i32
      %dma_wait3A_596 = tpu.memref_slice %arg7[%dma_wait3A_593, %dma_wait3A_594, %dma_wait3A_595] : memref<4x16x1024xf32, #tpu.memory_space<vmem>> -> memref<1x16x1024xf32, #tpu.memory_space<vmem>>
      %dma_wait3A_597 = tpu.memref_squeeze %dma_wait3A_596 : memref<1x16x1024xf32, #tpu.memory_space<vmem>> -> memref<16x1024xf32, #tpu.memory_space<vmem>>
      %dma_wait3A_598 = arith.constant 0 : i32
      %dma_wait3A_599 = tpu.memref_slice %arg2[%multiple_of3A_592, %dma_wait3A_598] : memref<100000x1024xf32, #tpu.memory_space<hbm>> -> memref<16x1024xf32, #tpu.memory_space<hbm>>
      %dma_wait3A_600 = arith.constant 0 : i32
      %dma_wait3A_601 = arith.constant 0 : i32
      %dma_wait3A_602 = tpu.memref_slice %arg7[%dma_wait3A_593, %dma_wait3A_600, %dma_wait3A_601] : memref<4x16x1024xf32, #tpu.memory_space<vmem>> -> memref<1x16x1024xf32, #tpu.memory_space<vmem>>
      %dma_wait3A_603 = tpu.memref_squeeze %dma_wait3A_602 : memref<1x16x1024xf32, #tpu.memory_space<vmem>> -> memref<16x1024xf32, #tpu.memory_space<vmem>>
      %dma_wait3A_604 = arith.constant 0 : i32
      %dma_wait3A_605 = tpu.memref_slice %arg2[%multiple_of3A_592, %dma_wait3A_604] : memref<100000x1024xf32, #tpu.memory_space<hbm>> -> memref<16x1024xf32, #tpu.memory_space<hbm>>
      tpu.wait_dma2 semaphore(%arg10 : memref<!tpu.dma_semaphore, #tpu.memory_space<semaphore_mem>>) src(%dma_wait3A_605 : memref<16x1024xf32, #tpu.memory_space<hbm>>) dst(%dma_wait3A_603 : memref<16x1024xf32, #tpu.memory_space<vmem>>)
      %add3A_606 = arith.constant 4 : i32
      %add3A_607 = arith.addi %add3A_589, %add3A_606 : i32
      %sub3A = arith.constant 1 : i32
      %sub3A_608 = arith.subi %add3A_607, %sub3A : i32
      %mul3A_609 = arith.constant 16 : i32
      %mul3A_610 = arith.muli %sub3A_608, %mul3A_609 : i32
      %add3A_611 = arith.addi %add3A_9, %mul3A_610 : i32
      %multiple_of3A_612 = tpu.assume_multiple %add3A_611, 8 : i32
      %dma_start3A_613 = arith.constant 3 : i32
      %dma_start3A_614 = arith.constant 0 : i32
      %dma_start3A_615 = arith.constant 0 : i32
      %dma_start3A_616 = tpu.memref_slice %arg7[%dma_start3A_613, %dma_start3A_614, %dma_start3A_615] : memref<4x16x1024xf32, #tpu.memory_space<vmem>> -> memref<1x16x1024xf32, #tpu.memory_space<vmem>>
      %dma_start3A_617 = tpu.memref_squeeze %dma_start3A_616 : memref<1x16x1024xf32, #tpu.memory_space<vmem>> -> memref<16x1024xf32, #tpu.memory_space<vmem>>
      %dma_start3A_618 = arith.constant 0 : i32
      %dma_start3A_619 = tpu.memref_slice %arg2[%multiple_of3A_612, %dma_start3A_618] : memref<100000x1024xf32, #tpu.memory_space<hbm>> -> memref<16x1024xf32, #tpu.memory_space<hbm>>
      %dma_start3A_620 = arith.constant 0 : i32
      %dma_start3A_621 = arith.constant 0 : i32
      %dma_start3A_622 = tpu.memref_slice %arg7[%dma_start3A_613, %dma_start3A_620, %dma_start3A_621] : memref<4x16x1024xf32, #tpu.memory_space<vmem>> -> memref<1x16x1024xf32, #tpu.memory_space<vmem>>
      %dma_start3A_623 = tpu.memref_squeeze %dma_start3A_622 : memref<1x16x1024xf32, #tpu.memory_space<vmem>> -> memref<16x1024xf32, #tpu.memory_space<vmem>>
      %dma_start3A_624 = arith.constant 0 : i32
      %dma_start3A_625 = tpu.memref_slice %arg2[%multiple_of3A_612, %dma_start3A_624] : memref<100000x1024xf32, #tpu.memory_space<hbm>> -> memref<16x1024xf32, #tpu.memory_space<hbm>>
      tpu.enqueue_dma source(%dma_start3A_625 : memref<16x1024xf32, #tpu.memory_space<hbm>>) target(%dma_start3A_623 : memref<16x1024xf32, #tpu.memory_space<vmem>>) target_semaphore(%arg10 : memref<!tpu.dma_semaphore, #tpu.memory_space<semaphore_mem>>)
      %scan3A_626 = arith.constant 0 : i32
      %scan3A_627 = arith.constant 16 : i32
      %scan3A_628 = arith.addi %scan3A_626, %scan3A_627 : i32
      %scan3A_629 = arith.constant 1 : i32
      %scan3A_630 = scf.for %scan3A_773 = %scan3A_626 to %scan3A_628 step %scan3A_629 iter_args(%scan3A_774 = %scan3A_585) -> (vector<16xf32>)  : i32 {
        %get3A_775 = arith.constant 0 : i32
        %get3A_776 = arith.index_cast %get3A_775 : i32 to index
        %get3A_777 = arith.index_cast %scan3A_773 : i32 to index
        %get3A_778 = arith.constant 0 : index
        %get3A_779 = tpu.vector_load %arg7[%get3A_776, %get3A_777, %get3A_778] {strides = array<i32>} : memref<4x16x1024xf32, #tpu.memory_space<vmem>>, vector<1x1x16xf32>,
        %get3A_780 = vector.shape_cast %get3A_779 : vector<1x1x16xf32> to vector<16xf32>
        %add3A_781 = arith.addf %scan3A_774, %get3A_780 : vector<16xf32>
        %get3A_782 = arith.constant 0 : i32
        %get3A_783 = arith.index_cast %get3A_782 : i32 to index
        %get3A_784 = arith.index_cast %scan3A_773 : i32 to index
        %get3A_785 = arith.constant 16 : index
        %get3A_786 = tpu.vector_load %arg7[%get3A_783, %get3A_784, %get3A_785] {strides = array<i32>} : memref<4x16x1024xf32, #tpu.memory_space<vmem>>, vector<1x1x16xf32>,
        %get3A_787 = vector.shape_cast %get3A_786 : vector<1x1x16xf32> to vector<16xf32>
        %add3A_788 = arith.addf %add3A_781, %get3A_787 : vector<16xf32>
        %get3A_789 = arith.constant 0 : i32
        %get3A_790 = arith.index_cast %get3A_789 : i32 to index
        %get3A_791 = arith.index_cast %scan3A_773 : i32 to index
        %get3A_792 = arith.constant 32 : index
        %get3A_793 = tpu.vector_load %arg7[%get3A_790, %get3A_791, %get3A_792] {strides = array<i32>} : memref<4x16x1024xf32, #tpu.memory_space<vmem>>, vector<1x1x16xf32>,
        %get3A_794 = vector.shape_cast %get3A_793 : vector<1x1x16xf32> to vector<16xf32>
        %add3A_795 = arith.addf %add3A_788, %get3A_794 : vector<16xf32>
        %get3A_796 = arith.constant 0 : i32
        %get3A_797 = arith.index_cast %get3A_796 : i32 to index
        %get3A_798 = arith.index_cast %scan3A_773 : i32 to index
        %get3A_799 = arith.constant 48 : index
        %get3A_800 = tpu.vector_load %arg7[%get3A_797, %get3A_798, %get3A_799] {strides = array<i32>} : memref<4x16x1024xf32, #tpu.memory_space<vmem>>, vector<1x1x16xf32>,
        %get3A_801 = vector.shape_cast %get3A_800 : vector<1x1x16xf32> to vector<16xf32>
        %add3A_802 = arith.addf %add3A_795, %get3A_801 : vector<16xf32>
        %get3A_803 = arith.constant 0 : i32
        %get3A_804 = arith.index_cast %get3A_803 : i32 to index
        %get3A_805 = arith.index_cast %scan3A_773 : i32 to index
        %get3A_806 = arith.constant 64 : index
        %get3A_807 = tpu.vector_load %arg7[%get3A_804, %get3A_805, %get3A_806] {strides = array<i32>} : memref<4x16x1024xf32, #tpu.memory_space<vmem>>, vector<1x1x16xf32>,
        %get3A_808 = vector.shape_cast %get3A_807 : vector<1x1x16xf32> to vector<16xf32>
        %add3A_809 = arith.addf %add3A_802, %get3A_808 : vector<16xf32>
        %get3A_810 = arith.constant 0 : i32
        %get3A_811 = arith.index_cast %get3A_810 : i32 to index
        %get3A_812 = arith.index_cast %scan3A_773 : i32 to index
        %get3A_813 = arith.constant 80 : index
        %get3A_814 = tpu.vector_load %arg7[%get3A_811, %get3A_812, %get3A_813] {strides = array<i32>} : memref<4x16x1024xf32, #tpu.memory_space<vmem>>, vector<1x1x16xf32>,
        %get3A_815 = vector.shape_cast %get3A_814 : vector<1x1x16xf32> to vector<16xf32>
        %add3A_816 = arith.addf %add3A_809, %get3A_815 : vector<16xf32>
        %get3A_817 = arith.constant 0 : i32
        %get3A_818 = arith.index_cast %get3A_817 : i32 to index
        %get3A_819 = arith.index_cast %scan3A_773 : i32 to index
        %get3A_820 = arith.constant 96 : index
        %get3A_821 = tpu.vector_load %arg7[%get3A_818, %get3A_819, %get3A_820] {strides = array<i32>} : memref<4x16x1024xf32, #tpu.memory_space<vmem>>, vector<1x1x16xf32>,
        %get3A_822 = vector.shape_cast %get3A_821 : vector<1x1x16xf32> to vector<16xf32>
        %add3A_823 = arith.addf %add3A_816, %get3A_822 : vector<16xf32>
        %get3A_824 = arith.constant 0 : i32
        %get3A_825 = arith.index_cast %get3A_824 : i32 to index
        %get3A_826 = arith.index_cast %scan3A_773 : i32 to index
        %get3A_827 = arith.constant 112 : index
        %get3A_828 = tpu.vector_load %arg7[%get3A_825, %get3A_826, %get3A_827] {strides = array<i32>} : memref<4x16x1024xf32, #tpu.memory_space<vmem>>, vector<1x1x16xf32>,
        %get3A_829 = vector.shape_cast %get3A_828 : vector<1x1x16xf32> to vector<16xf32>
        %add3A_830 = arith.addf %add3A_823, %get3A_829 : vector<16xf32>
        %get3A_831 = arith.constant 0 : i32
        %get3A_832 = arith.index_cast %get3A_831 : i32 to index
        %get3A_833 = arith.index_cast %scan3A_773 : i32 to index
        %get3A_834 = arith.constant 128 : index
        %get3A_835 = tpu.vector_load %arg7[%get3A_832, %get3A_833, %get3A_834] {strides = array<i32>} : memref<4x16x1024xf32, #tpu.memory_space<vmem>>, vector<1x1x16xf32>,
        %get3A_836 = vector.shape_cast %get3A_835 : vector<1x1x16xf32> to vector<16xf32>
        %add3A_837 = arith.addf %add3A_830, %get3A_836 : vector<16xf32>
        %get3A_838 = arith.constant 0 : i32
        %get3A_839 = arith.index_cast %get3A_838 : i32 to index
        %get3A_840 = arith.index_cast %scan3A_773 : i32 to index
        %get3A_841 = arith.constant 144 : index
        %get3A_842 = tpu.vector_load %arg7[%get3A_839, %get3A_840, %get3A_841] {strides = array<i32>} : memref<4x16x1024xf32, #tpu.memory_space<vmem>>, vector<1x1x16xf32>,
        %get3A_843 = vector.shape_cast %get3A_842 : vector<1x1x16xf32> to vector<16xf32>
        %add3A_844 = arith.addf %add3A_837, %get3A_843 : vector<16xf32>
        %get3A_845 = arith.constant 0 : i32
        %get3A_846 = arith.index_cast %get3A_845 : i32 to index
        %get3A_847 = arith.index_cast %scan3A_773 : i32 to index
        %get3A_848 = arith.constant 160 : index
        %get3A_849 = tpu.vector_load %arg7[%get3A_846, %get3A_847, %get3A_848] {strides = array<i32>} : memref<4x16x1024xf32, #tpu.memory_space<vmem>>, vector<1x1x16xf32>,
        %get3A_850 = vector.shape_cast %get3A_849 : vector<1x1x16xf32> to vector<16xf32>
        %add3A_851 = arith.addf %add3A_844, %get3A_850 : vector<16xf32>
        %get3A_852 = arith.constant 0 : i32
        %get3A_853 = arith.index_cast %get3A_852 : i32 to index
        %get3A_854 = arith.index_cast %scan3A_773 : i32 to index
        %get3A_855 = arith.constant 176 : index
        %get3A_856 = tpu.vector_load %arg7[%get3A_853, %get3A_854, %get3A_855] {strides = array<i32>} : memref<4x16x1024xf32, #tpu.memory_space<vmem>>, vector<1x1x16xf32>,
        %get3A_857 = vector.shape_cast %get3A_856 : vector<1x1x16xf32> to vector<16xf32>
        %add3A_858 = arith.addf %add3A_851, %get3A_857 : vector<16xf32>
        %get3A_859 = arith.constant 0 : i32
        %get3A_860 = arith.index_cast %get3A_859 : i32 to index
        %get3A_861 = arith.index_cast %scan3A_773 : i32 to index
        %get3A_862 = arith.constant 192 : index
        %get3A_863 = tpu.vector_load %arg7[%get3A_860, %get3A_861, %get3A_862] {strides = array<i32>} : memref<4x16x1024xf32, #tpu.memory_space<vmem>>, vector<1x1x16xf32>,
        %get3A_864 = vector.shape_cast %get3A_863 : vector<1x1x16xf32> to vector<16xf32>
        %add3A_865 = arith.addf %add3A_858, %get3A_864 : vector<16xf32>
        %get3A_866 = arith.constant 0 : i32
        %get3A_867 = arith.index_cast %get3A_866 : i32 to index
        %get3A_868 = arith.index_cast %scan3A_773 : i32 to index
        %get3A_869 = arith.constant 208 : index
        %get3A_870 = tpu.vector_load %arg7[%get3A_867, %get3A_868, %get3A_869] {strides = array<i32>} : memref<4x16x1024xf32, #tpu.memory_space<vmem>>, vector<1x1x16xf32>,
        %get3A_871 = vector.shape_cast %get3A_870 : vector<1x1x16xf32> to vector<16xf32>
        %add3A_872 = arith.addf %add3A_865, %get3A_871 : vector<16xf32>
        %get3A_873 = arith.constant 0 : i32
        %get3A_874 = arith.index_cast %get3A_873 : i32 to index
        %get3A_875 = arith.index_cast %scan3A_773 : i32 to index
        %get3A_876 = arith.constant 224 : index
        %get3A_877 = tpu.vector_load %arg7[%get3A_874, %get3A_875, %get3A_876] {strides = array<i32>} : memref<4x16x1024xf32, #tpu.memory_space<vmem>>, vector<1x1x16xf32>,
        %get3A_878 = vector.shape_cast %get3A_877 : vector<1x1x16xf32> to vector<16xf32>
        %add3A_879 = arith.addf %add3A_872, %get3A_878 : vector<16xf32>
        %get3A_880 = arith.constant 0 : i32
        %get3A_881 = arith.index_cast %get3A_880 : i32 to index
        %get3A_882 = arith.index_cast %scan3A_773 : i32 to index
        %get3A_883 = arith.constant 240 : index
        %get3A_884 = tpu.vector_load %arg7[%get3A_881, %get3A_882, %get3A_883] {strides = array<i32>} : memref<4x16x1024xf32, #tpu.memory_space<vmem>>, vector<1x1x16xf32>,
        %get3A_885 = vector.shape_cast %get3A_884 : vector<1x1x16xf32> to vector<16xf32>
        %add3A_886 = arith.addf %add3A_879, %get3A_885 : vector<16xf32>
        %get3A_887 = arith.constant 0 : i32
        %get3A_888 = arith.index_cast %get3A_887 : i32 to index
        %get3A_889 = arith.index_cast %scan3A_773 : i32 to index
        %get3A_890 = arith.constant 256 : index
        %get3A_891 = tpu.vector_load %arg7[%get3A_888, %get3A_889, %get3A_890] {strides = array<i32>} : memref<4x16x1024xf32, #tpu.memory_space<vmem>>, vector<1x1x16xf32>,
        %get3A_892 = vector.shape_cast %get3A_891 : vector<1x1x16xf32> to vector<16xf32>
        %add3A_893 = arith.addf %add3A_886, %get3A_892 : vector<16xf32>
        %get3A_894 = arith.constant 0 : i32
        %get3A_895 = arith.index_cast %get3A_894 : i32 to index
        %get3A_896 = arith.index_cast %scan3A_773 : i32 to index
        %get3A_897 = arith.constant 272 : index
        %get3A_898 = tpu.vector_load %arg7[%get3A_895, %get3A_896, %get3A_897] {strides = array<i32>} : memref<4x16x1024xf32, #tpu.memory_space<vmem>>, vector<1x1x16xf32>,
        %get3A_899 = vector.shape_cast %get3A_898 : vector<1x1x16xf32> to vector<16xf32>
        %add3A_900 = arith.addf %add3A_893, %get3A_899 : vector<16xf32>
        %get3A_901 = arith.constant 0 : i32
        %get3A_902 = arith.index_cast %get3A_901 : i32 to index
        %get3A_903 = arith.index_cast %scan3A_773 : i32 to index
        %get3A_904 = arith.constant 288 : index
        %get3A_905 = tpu.vector_load %arg7[%get3A_902, %get3A_903, %get3A_904] {strides = array<i32>} : memref<4x16x1024xf32, #tpu.memory_space<vmem>>, vector<1x1x16xf32>,
        %get3A_906 = vector.shape_cast %get3A_905 : vector<1x1x16xf32> to vector<16xf32>
        %add3A_907 = arith.addf %add3A_900, %get3A_906 : vector<16xf32>
        %get3A_908 = arith.constant 0 : i32
        %get3A_909 = arith.index_cast %get3A_908 : i32 to index
        %get3A_910 = arith.index_cast %scan3A_773 : i32 to index
        %get3A_911 = arith.constant 304 : index
        %get3A_912 = tpu.vector_load %arg7[%get3A_909, %get3A_910, %get3A_911] {strides = array<i32>} : memref<4x16x1024xf32, #tpu.memory_space<vmem>>, vector<1x1x16xf32>,
        %get3A_913 = vector.shape_cast %get3A_912 : vector<1x1x16xf32> to vector<16xf32>
        %add3A_914 = arith.addf %add3A_907, %get3A_913 : vector<16xf32>
        %get3A_915 = arith.constant 0 : i32
        %get3A_916 = arith.index_cast %get3A_915 : i32 to index
        %get3A_917 = arith.index_cast %scan3A_773 : i32 to index
        %get3A_918 = arith.constant 320 : index
        %get3A_919 = tpu.vector_load %arg7[%get3A_916, %get3A_917, %get3A_918] {strides = array<i32>} : memref<4x16x1024xf32, #tpu.memory_space<vmem>>, vector<1x1x16xf32>,
        %get3A_920 = vector.shape_cast %get3A_919 : vector<1x1x16xf32> to vector<16xf32>
        %add3A_921 = arith.addf %add3A_914, %get3A_920 : vector<16xf32>
        %get3A_922 = arith.constant 0 : i32
        %get3A_923 = arith.index_cast %get3A_922 : i32 to index
        %get3A_924 = arith.index_cast %scan3A_773 : i32 to index
        %get3A_925 = arith.constant 336 : index
        %get3A_926 = tpu.vector_load %arg7[%get3A_923, %get3A_924, %get3A_925] {strides = array<i32>} : memref<4x16x1024xf32, #tpu.memory_space<vmem>>, vector<1x1x16xf32>,
        %get3A_927 = vector.shape_cast %get3A_926 : vector<1x1x16xf32> to vector<16xf32>
        %add3A_928 = arith.addf %add3A_921, %get3A_927 : vector<16xf32>
        %get3A_929 = arith.constant 0 : i32
        %get3A_930 = arith.index_cast %get3A_929 : i32 to index
        %get3A_931 = arith.index_cast %scan3A_773 : i32 to index
        %get3A_932 = arith.constant 352 : index
        %get3A_933 = tpu.vector_load %arg7[%get3A_930, %get3A_931, %get3A_932] {strides = array<i32>} : memref<4x16x1024xf32, #tpu.memory_space<vmem>>, vector<1x1x16xf32>,
        %get3A_934 = vector.shape_cast %get3A_933 : vector<1x1x16xf32> to vector<16xf32>
        %add3A_935 = arith.addf %add3A_928, %get3A_934 : vector<16xf32>
        %get3A_936 = arith.constant 0 : i32
        %get3A_937 = arith.index_cast %get3A_936 : i32 to index
        %get3A_938 = arith.index_cast %scan3A_773 : i32 to index
        %get3A_939 = arith.constant 368 : index
        %get3A_940 = tpu.vector_load %arg7[%get3A_937, %get3A_938, %get3A_939] {strides = array<i32>} : memref<4x16x1024xf32, #tpu.memory_space<vmem>>, vector<1x1x16xf32>,
        %get3A_941 = vector.shape_cast %get3A_940 : vector<1x1x16xf32> to vector<16xf32>
        %add3A_942 = arith.addf %add3A_935, %get3A_941 : vector<16xf32>
        %get3A_943 = arith.constant 0 : i32
        %get3A_944 = arith.index_cast %get3A_943 : i32 to index
        %get3A_945 = arith.index_cast %scan3A_773 : i32 to index
        %get3A_946 = arith.constant 384 : index
        %get3A_947 = tpu.vector_load %arg7[%get3A_944, %get3A_945, %get3A_946] {strides = array<i32>} : memref<4x16x1024xf32, #tpu.memory_space<vmem>>, vector<1x1x16xf32>,
        %get3A_948 = vector.shape_cast %get3A_947 : vector<1x1x16xf32> to vector<16xf32>
        %add3A_949 = arith.addf %add3A_942, %get3A_948 : vector<16xf32>
        %get3A_950 = arith.constant 0 : i32
        %get3A_951 = arith.index_cast %get3A_950 : i32 to index
        %get3A_952 = arith.index_cast %scan3A_773 : i32 to index
        %get3A_953 = arith.constant 400 : index
        %get3A_954 = tpu.vector_load %arg7[%get3A_951, %get3A_952, %get3A_953] {strides = array<i32>} : memref<4x16x1024xf32, #tpu.memory_space<vmem>>, vector<1x1x16xf32>,
        %get3A_955 = vector.shape_cast %get3A_954 : vector<1x1x16xf32> to vector<16xf32>
        %add3A_956 = arith.addf %add3A_949, %get3A_955 : vector<16xf32>
        %get3A_957 = arith.constant 0 : i32
        %get3A_958 = arith.index_cast %get3A_957 : i32 to index
        %get3A_959 = arith.index_cast %scan3A_773 : i32 to index
        %get3A_960 = arith.constant 416 : index
        %get3A_961 = tpu.vector_load %arg7[%get3A_958, %get3A_959, %get3A_960] {strides = array<i32>} : memref<4x16x1024xf32, #tpu.memory_space<vmem>>, vector<1x1x16xf32>,
        %get3A_962 = vector.shape_cast %get3A_961 : vector<1x1x16xf32> to vector<16xf32>
        %add3A_963 = arith.addf %add3A_956, %get3A_962 : vector<16xf32>
        %get3A_964 = arith.constant 0 : i32
        %get3A_965 = arith.index_cast %get3A_964 : i32 to index
        %get3A_966 = arith.index_cast %scan3A_773 : i32 to index
        %get3A_967 = arith.constant 432 : index
        %get3A_968 = tpu.vector_load %arg7[%get3A_965, %get3A_966, %get3A_967] {strides = array<i32>} : memref<4x16x1024xf32, #tpu.memory_space<vmem>>, vector<1x1x16xf32>,
        %get3A_969 = vector.shape_cast %get3A_968 : vector<1x1x16xf32> to vector<16xf32>
        %add3A_970 = arith.addf %add3A_963, %get3A_969 : vector<16xf32>
        %get3A_971 = arith.constant 0 : i32
        %get3A_972 = arith.index_cast %get3A_971 : i32 to index
        %get3A_973 = arith.index_cast %scan3A_773 : i32 to index
        %get3A_974 = arith.constant 448 : index
        %get3A_975 = tpu.vector_load %arg7[%get3A_972, %get3A_973, %get3A_974] {strides = array<i32>} : memref<4x16x1024xf32, #tpu.memory_space<vmem>>, vector<1x1x16xf32>,
        %get3A_976 = vector.shape_cast %get3A_975 : vector<1x1x16xf32> to vector<16xf32>
        %add3A_977 = arith.addf %add3A_970, %get3A_976 : vector<16xf32>
        %get3A_978 = arith.constant 0 : i32
        %get3A_979 = arith.index_cast %get3A_978 : i32 to index
        %get3A_980 = arith.index_cast %scan3A_773 : i32 to index
        %get3A_981 = arith.constant 464 : index
        %get3A_982 = tpu.vector_load %arg7[%get3A_979, %get3A_980, %get3A_981] {strides = array<i32>} : memref<4x16x1024xf32, #tpu.memory_space<vmem>>, vector<1x1x16xf32>,
        %get3A_983 = vector.shape_cast %get3A_982 : vector<1x1x16xf32> to vector<16xf32>
        %add3A_984 = arith.addf %add3A_977, %get3A_983 : vector<16xf32>
        %get3A_985 = arith.constant 0 : i32
        %get3A_986 = arith.index_cast %get3A_985 : i32 to index
        %get3A_987 = arith.index_cast %scan3A_773 : i32 to index
        %get3A_988 = arith.constant 480 : index
        %get3A_989 = tpu.vector_load %arg7[%get3A_986, %get3A_987, %get3A_988] {strides = array<i32>} : memref<4x16x1024xf32, #tpu.memory_space<vmem>>, vector<1x1x16xf32>,
        %get3A_990 = vector.shape_cast %get3A_989 : vector<1x1x16xf32> to vector<16xf32>
        %add3A_991 = arith.addf %add3A_984, %get3A_990 : vector<16xf32>
        %get3A_992 = arith.constant 0 : i32
        %get3A_993 = arith.index_cast %get3A_992 : i32 to index
        %get3A_994 = arith.index_cast %scan3A_773 : i32 to index
        %get3A_995 = arith.constant 496 : index
        %get3A_996 = tpu.vector_load %arg7[%get3A_993, %get3A_994, %get3A_995] {strides = array<i32>} : memref<4x16x1024xf32, #tpu.memory_space<vmem>>, vector<1x1x16xf32>,
        %get3A_997 = vector.shape_cast %get3A_996 : vector<1x1x16xf32> to vector<16xf32>
        %add3A_998 = arith.addf %add3A_991, %get3A_997 : vector<16xf32>
        %get3A_999 = arith.constant 0 : i32
        %get3A_1000 = arith.index_cast %get3A_999 : i32 to index
        %get3A_1001 = arith.index_cast %scan3A_773 : i32 to index
        %get3A_1002 = arith.constant 512 : index
        %get3A_1003 = tpu.vector_load %arg7[%get3A_1000, %get3A_1001, %get3A_1002] {strides = array<i32>} : memref<4x16x1024xf32, #tpu.memory_space<vmem>>, vector<1x1x16xf32>,
        %get3A_1004 = vector.shape_cast %get3A_1003 : vector<1x1x16xf32> to vector<16xf32>
        %add3A_1005 = arith.addf %add3A_998, %get3A_1004 : vector<16xf32>
        %get3A_1006 = arith.constant 0 : i32
        %get3A_1007 = arith.index_cast %get3A_1006 : i32 to index
        %get3A_1008 = arith.index_cast %scan3A_773 : i32 to index
        %get3A_1009 = arith.constant 528 : index
        %get3A_1010 = tpu.vector_load %arg7[%get3A_1007, %get3A_1008, %get3A_1009] {strides = array<i32>} : memref<4x16x1024xf32, #tpu.memory_space<vmem>>, vector<1x1x16xf32>,
        %get3A_1011 = vector.shape_cast %get3A_1010 : vector<1x1x16xf32> to vector<16xf32>
        %add3A_1012 = arith.addf %add3A_1005, %get3A_1011 : vector<16xf32>
        %get3A_1013 = arith.constant 0 : i32
        %get3A_1014 = arith.index_cast %get3A_1013 : i32 to index
        %get3A_1015 = arith.index_cast %scan3A_773 : i32 to index
        %get3A_1016 = arith.constant 544 : index
        %get3A_1017 = tpu.vector_load %arg7[%get3A_1014, %get3A_1015, %get3A_1016] {strides = array<i32>} : memref<4x16x1024xf32, #tpu.memory_space<vmem>>, vector<1x1x16xf32>,
        %get3A_1018 = vector.shape_cast %get3A_1017 : vector<1x1x16xf32> to vector<16xf32>
        %add3A_1019 = arith.addf %add3A_1012, %get3A_1018 : vector<16xf32>
        %get3A_1020 = arith.constant 0 : i32
        %get3A_1021 = arith.index_cast %get3A_1020 : i32 to index
        %get3A_1022 = arith.index_cast %scan3A_773 : i32 to index
        %get3A_1023 = arith.constant 560 : index
        %get3A_1024 = tpu.vector_load %arg7[%get3A_1021, %get3A_1022, %get3A_1023] {strides = array<i32>} : memref<4x16x1024xf32, #tpu.memory_space<vmem>>, vector<1x1x16xf32>,
        %get3A_1025 = vector.shape_cast %get3A_1024 : vector<1x1x16xf32> to vector<16xf32>
        %add3A_1026 = arith.addf %add3A_1019, %get3A_1025 : vector<16xf32>
        %get3A_1027 = arith.constant 0 : i32
        %get3A_1028 = arith.index_cast %get3A_1027 : i32 to index
        %get3A_1029 = arith.index_cast %scan3A_773 : i32 to index
        %get3A_1030 = arith.constant 576 : index
        %get3A_1031 = tpu.vector_load %arg7[%get3A_1028, %get3A_1029, %get3A_1030] {strides = array<i32>} : memref<4x16x1024xf32, #tpu.memory_space<vmem>>, vector<1x1x16xf32>,
        %get3A_1032 = vector.shape_cast %get3A_1031 : vector<1x1x16xf32> to vector<16xf32>
        %add3A_1033 = arith.addf %add3A_1026, %get3A_1032 : vector<16xf32>
        %get3A_1034 = arith.constant 0 : i32
        %get3A_1035 = arith.index_cast %get3A_1034 : i32 to index
        %get3A_1036 = arith.index_cast %scan3A_773 : i32 to index
        %get3A_1037 = arith.constant 592 : index
        %get3A_1038 = tpu.vector_load %arg7[%get3A_1035, %get3A_1036, %get3A_1037] {strides = array<i32>} : memref<4x16x1024xf32, #tpu.memory_space<vmem>>, vector<1x1x16xf32>,
        %get3A_1039 = vector.shape_cast %get3A_1038 : vector<1x1x16xf32> to vector<16xf32>
        %add3A_1040 = arith.addf %add3A_1033, %get3A_1039 : vector<16xf32>
        %get3A_1041 = arith.constant 0 : i32
        %get3A_1042 = arith.index_cast %get3A_1041 : i32 to index
        %get3A_1043 = arith.index_cast %scan3A_773 : i32 to index
        %get3A_1044 = arith.constant 608 : index
        %get3A_1045 = tpu.vector_load %arg7[%get3A_1042, %get3A_1043, %get3A_1044] {strides = array<i32>} : memref<4x16x1024xf32, #tpu.memory_space<vmem>>, vector<1x1x16xf32>,
        %get3A_1046 = vector.shape_cast %get3A_1045 : vector<1x1x16xf32> to vector<16xf32>
        %add3A_1047 = arith.addf %add3A_1040, %get3A_1046 : vector<16xf32>
        %get3A_1048 = arith.constant 0 : i32
        %get3A_1049 = arith.index_cast %get3A_1048 : i32 to index
        %get3A_1050 = arith.index_cast %scan3A_773 : i32 to index
        %get3A_1051 = arith.constant 624 : index
        %get3A_1052 = tpu.vector_load %arg7[%get3A_1049, %get3A_1050, %get3A_1051] {strides = array<i32>} : memref<4x16x1024xf32, #tpu.memory_space<vmem>>, vector<1x1x16xf32>,
        %get3A_1053 = vector.shape_cast %get3A_1052 : vector<1x1x16xf32> to vector<16xf32>
        %add3A_1054 = arith.addf %add3A_1047, %get3A_1053 : vector<16xf32>
        %get3A_1055 = arith.constant 0 : i32
        %get3A_1056 = arith.index_cast %get3A_1055 : i32 to index
        %get3A_1057 = arith.index_cast %scan3A_773 : i32 to index
        %get3A_1058 = arith.constant 640 : index
        %get3A_1059 = tpu.vector_load %arg7[%get3A_1056, %get3A_1057, %get3A_1058] {strides = array<i32>} : memref<4x16x1024xf32, #tpu.memory_space<vmem>>, vector<1x1x16xf32>,
        %get3A_1060 = vector.shape_cast %get3A_1059 : vector<1x1x16xf32> to vector<16xf32>
        %add3A_1061 = arith.addf %add3A_1054, %get3A_1060 : vector<16xf32>
        %get3A_1062 = arith.constant 0 : i32
        %get3A_1063 = arith.index_cast %get3A_1062 : i32 to index
        %get3A_1064 = arith.index_cast %scan3A_773 : i32 to index
        %get3A_1065 = arith.constant 656 : index
        %get3A_1066 = tpu.vector_load %arg7[%get3A_1063, %get3A_1064, %get3A_1065] {strides = array<i32>} : memref<4x16x1024xf32, #tpu.memory_space<vmem>>, vector<1x1x16xf32>,
        %get3A_1067 = vector.shape_cast %get3A_1066 : vector<1x1x16xf32> to vector<16xf32>
        %add3A_1068 = arith.addf %add3A_1061, %get3A_1067 : vector<16xf32>
        %get3A_1069 = arith.constant 0 : i32
        %get3A_1070 = arith.index_cast %get3A_1069 : i32 to index
        %get3A_1071 = arith.index_cast %scan3A_773 : i32 to index
        %get3A_1072 = arith.constant 672 : index
        %get3A_1073 = tpu.vector_load %arg7[%get3A_1070, %get3A_1071, %get3A_1072] {strides = array<i32>} : memref<4x16x1024xf32, #tpu.memory_space<vmem>>, vector<1x1x16xf32>,
        %get3A_1074 = vector.shape_cast %get3A_1073 : vector<1x1x16xf32> to vector<16xf32>
        %add3A_1075 = arith.addf %add3A_1068, %get3A_1074 : vector<16xf32>
        %get3A_1076 = arith.constant 0 : i32
        %get3A_1077 = arith.index_cast %get3A_1076 : i32 to index
        %get3A_1078 = arith.index_cast %scan3A_773 : i32 to index
        %get3A_1079 = arith.constant 688 : index
        %get3A_1080 = tpu.vector_load %arg7[%get3A_1077, %get3A_1078, %get3A_1079] {strides = array<i32>} : memref<4x16x1024xf32, #tpu.memory_space<vmem>>, vector<1x1x16xf32>,
        %get3A_1081 = vector.shape_cast %get3A_1080 : vector<1x1x16xf32> to vector<16xf32>
        %add3A_1082 = arith.addf %add3A_1075, %get3A_1081 : vector<16xf32>
        %get3A_1083 = arith.constant 0 : i32
        %get3A_1084 = arith.index_cast %get3A_1083 : i32 to index
        %get3A_1085 = arith.index_cast %scan3A_773 : i32 to index
        %get3A_1086 = arith.constant 704 : index
        %get3A_1087 = tpu.vector_load %arg7[%get3A_1084, %get3A_1085, %get3A_1086] {strides = array<i32>} : memref<4x16x1024xf32, #tpu.memory_space<vmem>>, vector<1x1x16xf32>,
        %get3A_1088 = vector.shape_cast %get3A_1087 : vector<1x1x16xf32> to vector<16xf32>
        %add3A_1089 = arith.addf %add3A_1082, %get3A_1088 : vector<16xf32>
        %get3A_1090 = arith.constant 0 : i32
        %get3A_1091 = arith.index_cast %get3A_1090 : i32 to index
        %get3A_1092 = arith.index_cast %scan3A_773 : i32 to index
        %get3A_1093 = arith.constant 720 : index
        %get3A_1094 = tpu.vector_load %arg7[%get3A_1091, %get3A_1092, %get3A_1093] {strides = array<i32>} : memref<4x16x1024xf32, #tpu.memory_space<vmem>>, vector<1x1x16xf32>,
        %get3A_1095 = vector.shape_cast %get3A_1094 : vector<1x1x16xf32> to vector<16xf32>
        %add3A_1096 = arith.addf %add3A_1089, %get3A_1095 : vector<16xf32>
        %get3A_1097 = arith.constant 0 : i32
        %get3A_1098 = arith.index_cast %get3A_1097 : i32 to index
        %get3A_1099 = arith.index_cast %scan3A_773 : i32 to index
        %get3A_1100 = arith.constant 736 : index
        %get3A_1101 = tpu.vector_load %arg7[%get3A_1098, %get3A_1099, %get3A_1100] {strides = array<i32>} : memref<4x16x1024xf32, #tpu.memory_space<vmem>>, vector<1x1x16xf32>,
        %get3A_1102 = vector.shape_cast %get3A_1101 : vector<1x1x16xf32> to vector<16xf32>
        %add3A_1103 = arith.addf %add3A_1096, %get3A_1102 : vector<16xf32>
        %get3A_1104 = arith.constant 0 : i32
        %get3A_1105 = arith.index_cast %get3A_1104 : i32 to index
        %get3A_1106 = arith.index_cast %scan3A_773 : i32 to index
        %get3A_1107 = arith.constant 752 : index
        %get3A_1108 = tpu.vector_load %arg7[%get3A_1105, %get3A_1106, %get3A_1107] {strides = array<i32>} : memref<4x16x1024xf32, #tpu.memory_space<vmem>>, vector<1x1x16xf32>,
        %get3A_1109 = vector.shape_cast %get3A_1108 : vector<1x1x16xf32> to vector<16xf32>
        %add3A_1110 = arith.addf %add3A_1103, %get3A_1109 : vector<16xf32>
        %get3A_1111 = arith.constant 0 : i32
        %get3A_1112 = arith.index_cast %get3A_1111 : i32 to index
        %get3A_1113 = arith.index_cast %scan3A_773 : i32 to index
        %get3A_1114 = arith.constant 768 : index
        %get3A_1115 = tpu.vector_load %arg7[%get3A_1112, %get3A_1113, %get3A_1114] {strides = array<i32>} : memref<4x16x1024xf32, #tpu.memory_space<vmem>>, vector<1x1x16xf32>,
        %get3A_1116 = vector.shape_cast %get3A_1115 : vector<1x1x16xf32> to vector<16xf32>
        %add3A_1117 = arith.addf %add3A_1110, %get3A_1116 : vector<16xf32>
        %get3A_1118 = arith.constant 0 : i32
        %get3A_1119 = arith.index_cast %get3A_1118 : i32 to index
        %get3A_1120 = arith.index_cast %scan3A_773 : i32 to index
        %get3A_1121 = arith.constant 784 : index
        %get3A_1122 = tpu.vector_load %arg7[%get3A_1119, %get3A_1120, %get3A_1121] {strides = array<i32>} : memref<4x16x1024xf32, #tpu.memory_space<vmem>>, vector<1x1x16xf32>,
        %get3A_1123 = vector.shape_cast %get3A_1122 : vector<1x1x16xf32> to vector<16xf32>
        %add3A_1124 = arith.addf %add3A_1117, %get3A_1123 : vector<16xf32>
        %get3A_1125 = arith.constant 0 : i32
        %get3A_1126 = arith.index_cast %get3A_1125 : i32 to index
        %get3A_1127 = arith.index_cast %scan3A_773 : i32 to index
        %get3A_1128 = arith.constant 800 : index
        %get3A_1129 = tpu.vector_load %arg7[%get3A_1126, %get3A_1127, %get3A_1128] {strides = array<i32>} : memref<4x16x1024xf32, #tpu.memory_space<vmem>>, vector<1x1x16xf32>,
        %get3A_1130 = vector.shape_cast %get3A_1129 : vector<1x1x16xf32> to vector<16xf32>
        %add3A_1131 = arith.addf %add3A_1124, %get3A_1130 : vector<16xf32>
        %get3A_1132 = arith.constant 0 : i32
        %get3A_1133 = arith.index_cast %get3A_1132 : i32 to index
        %get3A_1134 = arith.index_cast %scan3A_773 : i32 to index
        %get3A_1135 = arith.constant 816 : index
        %get3A_1136 = tpu.vector_load %arg7[%get3A_1133, %get3A_1134, %get3A_1135] {strides = array<i32>} : memref<4x16x1024xf32, #tpu.memory_space<vmem>>, vector<1x1x16xf32>,
        %get3A_1137 = vector.shape_cast %get3A_1136 : vector<1x1x16xf32> to vector<16xf32>
        %add3A_1138 = arith.addf %add3A_1131, %get3A_1137 : vector<16xf32>
        %get3A_1139 = arith.constant 0 : i32
        %get3A_1140 = arith.index_cast %get3A_1139 : i32 to index
        %get3A_1141 = arith.index_cast %scan3A_773 : i32 to index
        %get3A_1142 = arith.constant 832 : index
        %get3A_1143 = tpu.vector_load %arg7[%get3A_1140, %get3A_1141, %get3A_1142] {strides = array<i32>} : memref<4x16x1024xf32, #tpu.memory_space<vmem>>, vector<1x1x16xf32>,
        %get3A_1144 = vector.shape_cast %get3A_1143 : vector<1x1x16xf32> to vector<16xf32>
        %add3A_1145 = arith.addf %add3A_1138, %get3A_1144 : vector<16xf32>
        %get3A_1146 = arith.constant 0 : i32
        %get3A_1147 = arith.index_cast %get3A_1146 : i32 to index
        %get3A_1148 = arith.index_cast %scan3A_773 : i32 to index
        %get3A_1149 = arith.constant 848 : index
        %get3A_1150 = tpu.vector_load %arg7[%get3A_1147, %get3A_1148, %get3A_1149] {strides = array<i32>} : memref<4x16x1024xf32, #tpu.memory_space<vmem>>, vector<1x1x16xf32>,
        %get3A_1151 = vector.shape_cast %get3A_1150 : vector<1x1x16xf32> to vector<16xf32>
        %add3A_1152 = arith.addf %add3A_1145, %get3A_1151 : vector<16xf32>
        %get3A_1153 = arith.constant 0 : i32
        %get3A_1154 = arith.index_cast %get3A_1153 : i32 to index
        %get3A_1155 = arith.index_cast %scan3A_773 : i32 to index
        %get3A_1156 = arith.constant 864 : index
        %get3A_1157 = tpu.vector_load %arg7[%get3A_1154, %get3A_1155, %get3A_1156] {strides = array<i32>} : memref<4x16x1024xf32, #tpu.memory_space<vmem>>, vector<1x1x16xf32>,
        %get3A_1158 = vector.shape_cast %get3A_1157 : vector<1x1x16xf32> to vector<16xf32>
        %add3A_1159 = arith.addf %add3A_1152, %get3A_1158 : vector<16xf32>
        %get3A_1160 = arith.constant 0 : i32
        %get3A_1161 = arith.index_cast %get3A_1160 : i32 to index
        %get3A_1162 = arith.index_cast %scan3A_773 : i32 to index
        %get3A_1163 = arith.constant 880 : index
        %get3A_1164 = tpu.vector_load %arg7[%get3A_1161, %get3A_1162, %get3A_1163] {strides = array<i32>} : memref<4x16x1024xf32, #tpu.memory_space<vmem>>, vector<1x1x16xf32>,
        %get3A_1165 = vector.shape_cast %get3A_1164 : vector<1x1x16xf32> to vector<16xf32>
        %add3A_1166 = arith.addf %add3A_1159, %get3A_1165 : vector<16xf32>
        %get3A_1167 = arith.constant 0 : i32
        %get3A_1168 = arith.index_cast %get3A_1167 : i32 to index
        %get3A_1169 = arith.index_cast %scan3A_773 : i32 to index
        %get3A_1170 = arith.constant 896 : index
        %get3A_1171 = tpu.vector_load %arg7[%get3A_1168, %get3A_1169, %get3A_1170] {strides = array<i32>} : memref<4x16x1024xf32, #tpu.memory_space<vmem>>, vector<1x1x16xf32>,
        %get3A_1172 = vector.shape_cast %get3A_1171 : vector<1x1x16xf32> to vector<16xf32>
        %add3A_1173 = arith.addf %add3A_1166, %get3A_1172 : vector<16xf32>
        %get3A_1174 = arith.constant 0 : i32
        %get3A_1175 = arith.index_cast %get3A_1174 : i32 to index
        %get3A_1176 = arith.index_cast %scan3A_773 : i32 to index
        %get3A_1177 = arith.constant 912 : index
        %get3A_1178 = tpu.vector_load %arg7[%get3A_1175, %get3A_1176, %get3A_1177] {strides = array<i32>} : memref<4x16x1024xf32, #tpu.memory_space<vmem>>, vector<1x1x16xf32>,
        %get3A_1179 = vector.shape_cast %get3A_1178 : vector<1x1x16xf32> to vector<16xf32>
        %add3A_1180 = arith.addf %add3A_1173, %get3A_1179 : vector<16xf32>
        %get3A_1181 = arith.constant 0 : i32
        %get3A_1182 = arith.index_cast %get3A_1181 : i32 to index
        %get3A_1183 = arith.index_cast %scan3A_773 : i32 to index
        %get3A_1184 = arith.constant 928 : index
        %get3A_1185 = tpu.vector_load %arg7[%get3A_1182, %get3A_1183, %get3A_1184] {strides = array<i32>} : memref<4x16x1024xf32, #tpu.memory_space<vmem>>, vector<1x1x16xf32>,
        %get3A_1186 = vector.shape_cast %get3A_1185 : vector<1x1x16xf32> to vector<16xf32>
        %add3A_1187 = arith.addf %add3A_1180, %get3A_1186 : vector<16xf32>
        %get3A_1188 = arith.constant 0 : i32
        %get3A_1189 = arith.index_cast %get3A_1188 : i32 to index
        %get3A_1190 = arith.index_cast %scan3A_773 : i32 to index
        %get3A_1191 = arith.constant 944 : index
        %get3A_1192 = tpu.vector_load %arg7[%get3A_1189, %get3A_1190, %get3A_1191] {strides = array<i32>} : memref<4x16x1024xf32, #tpu.memory_space<vmem>>, vector<1x1x16xf32>,
        %get3A_1193 = vector.shape_cast %get3A_1192 : vector<1x1x16xf32> to vector<16xf32>
        %add3A_1194 = arith.addf %add3A_1187, %get3A_1193 : vector<16xf32>
        %get3A_1195 = arith.constant 0 : i32
        %get3A_1196 = arith.index_cast %get3A_1195 : i32 to index
        %get3A_1197 = arith.index_cast %scan3A_773 : i32 to index
        %get3A_1198 = arith.constant 960 : index
        %get3A_1199 = tpu.vector_load %arg7[%get3A_1196, %get3A_1197, %get3A_1198] {strides = array<i32>} : memref<4x16x1024xf32, #tpu.memory_space<vmem>>, vector<1x1x16xf32>,
        %get3A_1200 = vector.shape_cast %get3A_1199 : vector<1x1x16xf32> to vector<16xf32>
        %add3A_1201 = arith.addf %add3A_1194, %get3A_1200 : vector<16xf32>
        %get3A_1202 = arith.constant 0 : i32
        %get3A_1203 = arith.index_cast %get3A_1202 : i32 to index
        %get3A_1204 = arith.index_cast %scan3A_773 : i32 to index
        %get3A_1205 = arith.constant 976 : index
        %get3A_1206 = tpu.vector_load %arg7[%get3A_1203, %get3A_1204, %get3A_1205] {strides = array<i32>} : memref<4x16x1024xf32, #tpu.memory_space<vmem>>, vector<1x1x16xf32>,
        %get3A_1207 = vector.shape_cast %get3A_1206 : vector<1x1x16xf32> to vector<16xf32>
        %add3A_1208 = arith.addf %add3A_1201, %get3A_1207 : vector<16xf32>
        %get3A_1209 = arith.constant 0 : i32
        %get3A_1210 = arith.index_cast %get3A_1209 : i32 to index
        %get3A_1211 = arith.index_cast %scan3A_773 : i32 to index
        %get3A_1212 = arith.constant 992 : index
        %get3A_1213 = tpu.vector_load %arg7[%get3A_1210, %get3A_1211, %get3A_1212] {strides = array<i32>} : memref<4x16x1024xf32, #tpu.memory_space<vmem>>, vector<1x1x16xf32>,
        %get3A_1214 = vector.shape_cast %get3A_1213 : vector<1x1x16xf32> to vector<16xf32>
        %add3A_1215 = arith.addf %add3A_1208, %get3A_1214 : vector<16xf32>
        %get3A_1216 = arith.constant 0 : i32
        %get3A_1217 = arith.index_cast %get3A_1216 : i32 to index
        %get3A_1218 = arith.index_cast %scan3A_773 : i32 to index
        %get3A_1219 = arith.constant 1008 : index
        %get3A_1220 = tpu.vector_load %arg7[%get3A_1217, %get3A_1218, %get3A_1219] {strides = array<i32>} : memref<4x16x1024xf32, #tpu.memory_space<vmem>>, vector<1x1x16xf32>,
        %get3A_1221 = vector.shape_cast %get3A_1220 : vector<1x1x16xf32> to vector<16xf32>
        %add3A_1222 = arith.addf %add3A_1215, %get3A_1221 : vector<16xf32>
        scf.yield %add3A_1222 : vector<16xf32>
      }
      %scan3A_631 = arith.constant 16 : i32
      %mul3A_632 = arith.constant 4 : i32
      %mul3A_633 = arith.muli %mul3A_632, %scan3A_584 : i32
      %add3A_634 = arith.constant 1 : i32
      %add3A_635 = arith.addi %mul3A_633, %add3A_634 : i32
      %add3A_636 = arith.constant 0 : i32
      %add3A_637 = arith.addi %add3A_9, %add3A_636 : i32
      %multiple_of3A_638 = tpu.assume_multiple %add3A_637, 8 : i32
      %dma_wait3A_639 = arith.constant 1 : i32
      %dma_wait3A_640 = arith.constant 0 : i32
      %dma_wait3A_641 = arith.constant 0 : i32
      %dma_wait3A_642 = tpu.memref_slice %arg7[%dma_wait3A_639, %dma_wait3A_640, %dma_wait3A_641] : memref<4x16x1024xf32, #tpu.memory_space<vmem>> -> memref<1x16x1024xf32, #tpu.memory_space<vmem>>
      %dma_wait3A_643 = tpu.memref_squeeze %dma_wait3A_642 : memref<1x16x1024xf32, #tpu.memory_space<vmem>> -> memref<16x1024xf32, #tpu.memory_space<vmem>>
      %dma_wait3A_644 = arith.constant 0 : i32
      %dma_wait3A_645 = tpu.memref_slice %arg2[%multiple_of3A_638, %dma_wait3A_644] : memref<100000x1024xf32, #tpu.memory_space<hbm>> -> memref<16x1024xf32, #tpu.memory_space<hbm>>
      %dma_wait3A_646 = arith.constant 0 : i32
      %dma_wait3A_647 = arith.constant 0 : i32
      %dma_wait3A_648 = tpu.memref_slice %arg7[%dma_wait3A_639, %dma_wait3A_646, %dma_wait3A_647] : memref<4x16x1024xf32, #tpu.memory_space<vmem>> -> memref<1x16x1024xf32, #tpu.memory_space<vmem>>
      %dma_wait3A_649 = tpu.memref_squeeze %dma_wait3A_648 : memref<1x16x1024xf32, #tpu.memory_space<vmem>> -> memref<16x1024xf32, #tpu.memory_space<vmem>>
      %dma_wait3A_650 = arith.constant 0 : i32
      %dma_wait3A_651 = tpu.memref_slice %arg2[%multiple_of3A_638, %dma_wait3A_650] : memref<100000x1024xf32, #tpu.memory_space<hbm>> -> memref<16x1024xf32, #tpu.memory_space<hbm>>
      tpu.wait_dma2 semaphore(%arg10 : memref<!tpu.dma_semaphore, #tpu.memory_space<semaphore_mem>>) src(%dma_wait3A_651 : memref<16x1024xf32, #tpu.memory_space<hbm>>) dst(%dma_wait3A_649 : memref<16x1024xf32, #tpu.memory_space<vmem>>)
      %add3A_652 = arith.constant 4 : i32
      %add3A_653 = arith.addi %add3A_635, %add3A_652 : i32
      %sub3A_654 = arith.constant 1 : i32
      %sub3A_655 = arith.subi %add3A_653, %sub3A_654 : i32
      %mul3A_656 = arith.constant 16 : i32
      %mul3A_657 = arith.muli %sub3A_655, %mul3A_656 : i32
      %add3A_658 = arith.addi %add3A_9, %mul3A_657 : i32
      %multiple_of3A_659 = tpu.assume_multiple %add3A_658, 8 : i32
      %dma_start3A_660 = arith.constant 0 : i32
      %dma_start3A_661 = arith.constant 0 : i32
      %dma_start3A_662 = arith.constant 0 : i32
      %dma_start3A_663 = tpu.memref_slice %arg7[%dma_start3A_660, %dma_start3A_661, %dma_start3A_662] : memref<4x16x1024xf32, #tpu.memory_space<vmem>> -> memref<1x16x1024xf32, #tpu.memory_space<vmem>>
      %dma_start3A_664 = tpu.memref_squeeze %dma_start3A_663 : memref<1x16x1024xf32, #tpu.memory_space<vmem>> -> memref<16x1024xf32, #tpu.memory_space<vmem>>
      %dma_start3A_665 = arith.constant 0 : i32
      %dma_start3A_666 = tpu.memref_slice %arg2[%multiple_of3A_659, %dma_start3A_665] : memref<100000x1024xf32, #tpu.memory_space<hbm>> -> memref<16x1024xf32, #tpu.memory_space<hbm>>
      %dma_start3A_667 = arith.constant 0 : i32
      %dma_start3A_668 = arith.constant 0 : i32
      %dma_start3A_669 = tpu.memref_slice %arg7[%dma_start3A_660, %dma_start3A_667, %dma_start3A_668] : memref<4x16x1024xf32, #tpu.memory_space<vmem>> -> memref<1x16x1024xf32, #tpu.memory_space<vmem>>
      %dma_start3A_670 = tpu.memref_squeeze %dma_start3A_669 : memref<1x16x1024xf32, #tpu.memory_space<vmem>> -> memref<16x1024xf32, #tpu.memory_space<vmem>>
      %dma_start3A_671 = arith.constant 0 : i32
      %dma_start3A_672 = tpu.memref_slice %arg2[%multiple_of3A_659, %dma_start3A_671] : memref<100000x1024xf32, #tpu.memory_space<hbm>> -> memref<16x1024xf32, #tpu.memory_space<hbm>>
      tpu.enqueue_dma source(%dma_start3A_672 : memref<16x1024xf32, #tpu.memory_space<hbm>>) target(%dma_start3A_670 : memref<16x1024xf32, #tpu.memory_space<vmem>>) target_semaphore(%arg10 : memref<!tpu.dma_semaphore, #tpu.memory_space<semaphore_mem>>)
      %scan3A_673 = arith.constant 0 : i32
      %scan3A_674 = arith.constant 16 : i32
      %scan3A_675 = arith.addi %scan3A_673, %scan3A_674 : i32
      %scan3A_676 = arith.constant 1 : i32
      %scan3A_677 = scf.for %scan3A_773 = %scan3A_673 to %scan3A_675 step %scan3A_676 iter_args(%scan3A_774 = %scan3A_630) -> (vector<16xf32>)  : i32 {
        %get3A_775 = arith.constant 1 : i32
        %get3A_776 = arith.index_cast %get3A_775 : i32 to index
        %get3A_777 = arith.index_cast %scan3A_773 : i32 to index
        %get3A_778 = arith.constant 0 : index
        %get3A_779 = tpu.vector_load %arg7[%get3A_776, %get3A_777, %get3A_778] {strides = array<i32>} : memref<4x16x1024xf32, #tpu.memory_space<vmem>>, vector<1x1x16xf32>,
        %get3A_780 = vector.shape_cast %get3A_779 : vector<1x1x16xf32> to vector<16xf32>
        %add3A_781 = arith.addf %scan3A_774, %get3A_780 : vector<16xf32>
        %get3A_782 = arith.constant 1 : i32
        %get3A_783 = arith.index_cast %get3A_782 : i32 to index
        %get3A_784 = arith.index_cast %scan3A_773 : i32 to index
        %get3A_785 = arith.constant 16 : index
        %get3A_786 = tpu.vector_load %arg7[%get3A_783, %get3A_784, %get3A_785] {strides = array<i32>} : memref<4x16x1024xf32, #tpu.memory_space<vmem>>, vector<1x1x16xf32>,
        %get3A_787 = vector.shape_cast %get3A_786 : vector<1x1x16xf32> to vector<16xf32>
        %add3A_788 = arith.addf %add3A_781, %get3A_787 : vector<16xf32>
        %get3A_789 = arith.constant 1 : i32
        %get3A_790 = arith.index_cast %get3A_789 : i32 to index
        %get3A_791 = arith.index_cast %scan3A_773 : i32 to index
        %get3A_792 = arith.constant 32 : index
        %get3A_793 = tpu.vector_load %arg7[%get3A_790, %get3A_791, %get3A_792] {strides = array<i32>} : memref<4x16x1024xf32, #tpu.memory_space<vmem>>, vector<1x1x16xf32>,
        %get3A_794 = vector.shape_cast %get3A_793 : vector<1x1x16xf32> to vector<16xf32>
        %add3A_795 = arith.addf %add3A_788, %get3A_794 : vector<16xf32>
        %get3A_796 = arith.constant 1 : i32
        %get3A_797 = arith.index_cast %get3A_796 : i32 to index
        %get3A_798 = arith.index_cast %scan3A_773 : i32 to index
        %get3A_799 = arith.constant 48 : index
        %get3A_800 = tpu.vector_load %arg7[%get3A_797, %get3A_798, %get3A_799] {strides = array<i32>} : memref<4x16x1024xf32, #tpu.memory_space<vmem>>, vector<1x1x16xf32>,
        %get3A_801 = vector.shape_cast %get3A_800 : vector<1x1x16xf32> to vector<16xf32>
        %add3A_802 = arith.addf %add3A_795, %get3A_801 : vector<16xf32>
        %get3A_803 = arith.constant 1 : i32
        %get3A_804 = arith.index_cast %get3A_803 : i32 to index
        %get3A_805 = arith.index_cast %scan3A_773 : i32 to index
        %get3A_806 = arith.constant 64 : index
        %get3A_807 = tpu.vector_load %arg7[%get3A_804, %get3A_805, %get3A_806] {strides = array<i32>} : memref<4x16x1024xf32, #tpu.memory_space<vmem>>, vector<1x1x16xf32>,
        %get3A_808 = vector.shape_cast %get3A_807 : vector<1x1x16xf32> to vector<16xf32>
        %add3A_809 = arith.addf %add3A_802, %get3A_808 : vector<16xf32>
        %get3A_810 = arith.constant 1 : i32
        %get3A_811 = arith.index_cast %get3A_810 : i32 to index
        %get3A_812 = arith.index_cast %scan3A_773 : i32 to index
        %get3A_813 = arith.constant 80 : index
        %get3A_814 = tpu.vector_load %arg7[%get3A_811, %get3A_812, %get3A_813] {strides = array<i32>} : memref<4x16x1024xf32, #tpu.memory_space<vmem>>, vector<1x1x16xf32>,
        %get3A_815 = vector.shape_cast %get3A_814 : vector<1x1x16xf32> to vector<16xf32>
        %add3A_816 = arith.addf %add3A_809, %get3A_815 : vector<16xf32>
        %get3A_817 = arith.constant 1 : i32
        %get3A_818 = arith.index_cast %get3A_817 : i32 to index
        %get3A_819 = arith.index_cast %scan3A_773 : i32 to index
        %get3A_820 = arith.constant 96 : index
        %get3A_821 = tpu.vector_load %arg7[%get3A_818, %get3A_819, %get3A_820] {strides = array<i32>} : memref<4x16x1024xf32, #tpu.memory_space<vmem>>, vector<1x1x16xf32>,
        %get3A_822 = vector.shape_cast %get3A_821 : vector<1x1x16xf32> to vector<16xf32>
        %add3A_823 = arith.addf %add3A_816, %get3A_822 : vector<16xf32>
        %get3A_824 = arith.constant 1 : i32
        %get3A_825 = arith.index_cast %get3A_824 : i32 to index
        %get3A_826 = arith.index_cast %scan3A_773 : i32 to index
        %get3A_827 = arith.constant 112 : index
        %get3A_828 = tpu.vector_load %arg7[%get3A_825, %get3A_826, %get3A_827] {strides = array<i32>} : memref<4x16x1024xf32, #tpu.memory_space<vmem>>, vector<1x1x16xf32>,
        %get3A_829 = vector.shape_cast %get3A_828 : vector<1x1x16xf32> to vector<16xf32>
        %add3A_830 = arith.addf %add3A_823, %get3A_829 : vector<16xf32>
        %get3A_831 = arith.constant 1 : i32
        %get3A_832 = arith.index_cast %get3A_831 : i32 to index
        %get3A_833 = arith.index_cast %scan3A_773 : i32 to index
        %get3A_834 = arith.constant 128 : index
        %get3A_835 = tpu.vector_load %arg7[%get3A_832, %get3A_833, %get3A_834] {strides = array<i32>} : memref<4x16x1024xf32, #tpu.memory_space<vmem>>, vector<1x1x16xf32>,
        %get3A_836 = vector.shape_cast %get3A_835 : vector<1x1x16xf32> to vector<16xf32>
        %add3A_837 = arith.addf %add3A_830, %get3A_836 : vector<16xf32>
        %get3A_838 = arith.constant 1 : i32
        %get3A_839 = arith.index_cast %get3A_838 : i32 to index
        %get3A_840 = arith.index_cast %scan3A_773 : i32 to index
        %get3A_841 = arith.constant 144 : index
        %get3A_842 = tpu.vector_load %arg7[%get3A_839, %get3A_840, %get3A_841] {strides = array<i32>} : memref<4x16x1024xf32, #tpu.memory_space<vmem>>, vector<1x1x16xf32>,
        %get3A_843 = vector.shape_cast %get3A_842 : vector<1x1x16xf32> to vector<16xf32>
        %add3A_844 = arith.addf %add3A_837, %get3A_843 : vector<16xf32>
        %get3A_845 = arith.constant 1 : i32
        %get3A_846 = arith.index_cast %get3A_845 : i32 to index
        %get3A_847 = arith.index_cast %scan3A_773 : i32 to index
        %get3A_848 = arith.constant 160 : index
        %get3A_849 = tpu.vector_load %arg7[%get3A_846, %get3A_847, %get3A_848] {strides = array<i32>} : memref<4x16x1024xf32, #tpu.memory_space<vmem>>, vector<1x1x16xf32>,
        %get3A_850 = vector.shape_cast %get3A_849 : vector<1x1x16xf32> to vector<16xf32>
        %add3A_851 = arith.addf %add3A_844, %get3A_850 : vector<16xf32>
        %get3A_852 = arith.constant 1 : i32
        %get3A_853 = arith.index_cast %get3A_852 : i32 to index
        %get3A_854 = arith.index_cast %scan3A_773 : i32 to index
        %get3A_855 = arith.constant 176 : index
        %get3A_856 = tpu.vector_load %arg7[%get3A_853, %get3A_854, %get3A_855] {strides = array<i32>} : memref<4x16x1024xf32, #tpu.memory_space<vmem>>, vector<1x1x16xf32>,
        %get3A_857 = vector.shape_cast %get3A_856 : vector<1x1x16xf32> to vector<16xf32>
        %add3A_858 = arith.addf %add3A_851, %get3A_857 : vector<16xf32>
        %get3A_859 = arith.constant 1 : i32
        %get3A_860 = arith.index_cast %get3A_859 : i32 to index
        %get3A_861 = arith.index_cast %scan3A_773 : i32 to index
        %get3A_862 = arith.constant 192 : index
        %get3A_863 = tpu.vector_load %arg7[%get3A_860, %get3A_861, %get3A_862] {strides = array<i32>} : memref<4x16x1024xf32, #tpu.memory_space<vmem>>, vector<1x1x16xf32>,
        %get3A_864 = vector.shape_cast %get3A_863 : vector<1x1x16xf32> to vector<16xf32>
        %add3A_865 = arith.addf %add3A_858, %get3A_864 : vector<16xf32>
        %get3A_866 = arith.constant 1 : i32
        %get3A_867 = arith.index_cast %get3A_866 : i32 to index
        %get3A_868 = arith.index_cast %scan3A_773 : i32 to index
        %get3A_869 = arith.constant 208 : index
        %get3A_870 = tpu.vector_load %arg7[%get3A_867, %get3A_868, %get3A_869] {strides = array<i32>} : memref<4x16x1024xf32, #tpu.memory_space<vmem>>, vector<1x1x16xf32>,
        %get3A_871 = vector.shape_cast %get3A_870 : vector<1x1x16xf32> to vector<16xf32>
        %add3A_872 = arith.addf %add3A_865, %get3A_871 : vector<16xf32>
        %get3A_873 = arith.constant 1 : i32
        %get3A_874 = arith.index_cast %get3A_873 : i32 to index
        %get3A_875 = arith.index_cast %scan3A_773 : i32 to index
        %get3A_876 = arith.constant 224 : index
        %get3A_877 = tpu.vector_load %arg7[%get3A_874, %get3A_875, %get3A_876] {strides = array<i32>} : memref<4x16x1024xf32, #tpu.memory_space<vmem>>, vector<1x1x16xf32>,
        %get3A_878 = vector.shape_cast %get3A_877 : vector<1x1x16xf32> to vector<16xf32>
        %add3A_879 = arith.addf %add3A_872, %get3A_878 : vector<16xf32>
        %get3A_880 = arith.constant 1 : i32
        %get3A_881 = arith.index_cast %get3A_880 : i32 to index
        %get3A_882 = arith.index_cast %scan3A_773 : i32 to index
        %get3A_883 = arith.constant 240 : index
        %get3A_884 = tpu.vector_load %arg7[%get3A_881, %get3A_882, %get3A_883] {strides = array<i32>} : memref<4x16x1024xf32, #tpu.memory_space<vmem>>, vector<1x1x16xf32>,
        %get3A_885 = vector.shape_cast %get3A_884 : vector<1x1x16xf32> to vector<16xf32>
        %add3A_886 = arith.addf %add3A_879, %get3A_885 : vector<16xf32>
        %get3A_887 = arith.constant 1 : i32
        %get3A_888 = arith.index_cast %get3A_887 : i32 to index
        %get3A_889 = arith.index_cast %scan3A_773 : i32 to index
        %get3A_890 = arith.constant 256 : index
        %get3A_891 = tpu.vector_load %arg7[%get3A_888, %get3A_889, %get3A_890] {strides = array<i32>} : memref<4x16x1024xf32, #tpu.memory_space<vmem>>, vector<1x1x16xf32>,
        %get3A_892 = vector.shape_cast %get3A_891 : vector<1x1x16xf32> to vector<16xf32>
        %add3A_893 = arith.addf %add3A_886, %get3A_892 : vector<16xf32>
        %get3A_894 = arith.constant 1 : i32
        %get3A_895 = arith.index_cast %get3A_894 : i32 to index
        %get3A_896 = arith.index_cast %scan3A_773 : i32 to index
        %get3A_897 = arith.constant 272 : index
        %get3A_898 = tpu.vector_load %arg7[%get3A_895, %get3A_896, %get3A_897] {strides = array<i32>} : memref<4x16x1024xf32, #tpu.memory_space<vmem>>, vector<1x1x16xf32>,
        %get3A_899 = vector.shape_cast %get3A_898 : vector<1x1x16xf32> to vector<16xf32>
        %add3A_900 = arith.addf %add3A_893, %get3A_899 : vector<16xf32>
        %get3A_901 = arith.constant 1 : i32
        %get3A_902 = arith.index_cast %get3A_901 : i32 to index
        %get3A_903 = arith.index_cast %scan3A_773 : i32 to index
        %get3A_904 = arith.constant 288 : index
        %get3A_905 = tpu.vector_load %arg7[%get3A_902, %get3A_903, %get3A_904] {strides = array<i32>} : memref<4x16x1024xf32, #tpu.memory_space<vmem>>, vector<1x1x16xf32>,
        %get3A_906 = vector.shape_cast %get3A_905 : vector<1x1x16xf32> to vector<16xf32>
        %add3A_907 = arith.addf %add3A_900, %get3A_906 : vector<16xf32>
        %get3A_908 = arith.constant 1 : i32
        %get3A_909 = arith.index_cast %get3A_908 : i32 to index
        %get3A_910 = arith.index_cast %scan3A_773 : i32 to index
        %get3A_911 = arith.constant 304 : index
        %get3A_912 = tpu.vector_load %arg7[%get3A_909, %get3A_910, %get3A_911] {strides = array<i32>} : memref<4x16x1024xf32, #tpu.memory_space<vmem>>, vector<1x1x16xf32>,
        %get3A_913 = vector.shape_cast %get3A_912 : vector<1x1x16xf32> to vector<16xf32>
        %add3A_914 = arith.addf %add3A_907, %get3A_913 : vector<16xf32>
        %get3A_915 = arith.constant 1 : i32
        %get3A_916 = arith.index_cast %get3A_915 : i32 to index
        %get3A_917 = arith.index_cast %scan3A_773 : i32 to index
        %get3A_918 = arith.constant 320 : index
        %get3A_919 = tpu.vector_load %arg7[%get3A_916, %get3A_917, %get3A_918] {strides = array<i32>} : memref<4x16x1024xf32, #tpu.memory_space<vmem>>, vector<1x1x16xf32>,
        %get3A_920 = vector.shape_cast %get3A_919 : vector<1x1x16xf32> to vector<16xf32>
        %add3A_921 = arith.addf %add3A_914, %get3A_920 : vector<16xf32>
        %get3A_922 = arith.constant 1 : i32
        %get3A_923 = arith.index_cast %get3A_922 : i32 to index
        %get3A_924 = arith.index_cast %scan3A_773 : i32 to index
        %get3A_925 = arith.constant 336 : index
        %get3A_926 = tpu.vector_load %arg7[%get3A_923, %get3A_924, %get3A_925] {strides = array<i32>} : memref<4x16x1024xf32, #tpu.memory_space<vmem>>, vector<1x1x16xf32>,
        %get3A_927 = vector.shape_cast %get3A_926 : vector<1x1x16xf32> to vector<16xf32>
        %add3A_928 = arith.addf %add3A_921, %get3A_927 : vector<16xf32>
        %get3A_929 = arith.constant 1 : i32
        %get3A_930 = arith.index_cast %get3A_929 : i32 to index
        %get3A_931 = arith.index_cast %scan3A_773 : i32 to index
        %get3A_932 = arith.constant 352 : index
        %get3A_933 = tpu.vector_load %arg7[%get3A_930, %get3A_931, %get3A_932] {strides = array<i32>} : memref<4x16x1024xf32, #tpu.memory_space<vmem>>, vector<1x1x16xf32>,
        %get3A_934 = vector.shape_cast %get3A_933 : vector<1x1x16xf32> to vector<16xf32>
        %add3A_935 = arith.addf %add3A_928, %get3A_934 : vector<16xf32>
        %get3A_936 = arith.constant 1 : i32
        %get3A_937 = arith.index_cast %get3A_936 : i32 to index
        %get3A_938 = arith.index_cast %scan3A_773 : i32 to index
        %get3A_939 = arith.constant 368 : index
        %get3A_940 = tpu.vector_load %arg7[%get3A_937, %get3A_938, %get3A_939] {strides = array<i32>} : memref<4x16x1024xf32, #tpu.memory_space<vmem>>, vector<1x1x16xf32>,
        %get3A_941 = vector.shape_cast %get3A_940 : vector<1x1x16xf32> to vector<16xf32>
        %add3A_942 = arith.addf %add3A_935, %get3A_941 : vector<16xf32>
        %get3A_943 = arith.constant 1 : i32
        %get3A_944 = arith.index_cast %get3A_943 : i32 to index
        %get3A_945 = arith.index_cast %scan3A_773 : i32 to index
        %get3A_946 = arith.constant 384 : index
        %get3A_947 = tpu.vector_load %arg7[%get3A_944, %get3A_945, %get3A_946] {strides = array<i32>} : memref<4x16x1024xf32, #tpu.memory_space<vmem>>, vector<1x1x16xf32>,
        %get3A_948 = vector.shape_cast %get3A_947 : vector<1x1x16xf32> to vector<16xf32>
        %add3A_949 = arith.addf %add3A_942, %get3A_948 : vector<16xf32>
        %get3A_950 = arith.constant 1 : i32
        %get3A_951 = arith.index_cast %get3A_950 : i32 to index
        %get3A_952 = arith.index_cast %scan3A_773 : i32 to index
        %get3A_953 = arith.constant 400 : index
        %get3A_954 = tpu.vector_load %arg7[%get3A_951, %get3A_952, %get3A_953] {strides = array<i32>} : memref<4x16x1024xf32, #tpu.memory_space<vmem>>, vector<1x1x16xf32>,
        %get3A_955 = vector.shape_cast %get3A_954 : vector<1x1x16xf32> to vector<16xf32>
        %add3A_956 = arith.addf %add3A_949, %get3A_955 : vector<16xf32>
        %get3A_957 = arith.constant 1 : i32
        %get3A_958 = arith.index_cast %get3A_957 : i32 to index
        %get3A_959 = arith.index_cast %scan3A_773 : i32 to index
        %get3A_960 = arith.constant 416 : index
        %get3A_961 = tpu.vector_load %arg7[%get3A_958, %get3A_959, %get3A_960] {strides = array<i32>} : memref<4x16x1024xf32, #tpu.memory_space<vmem>>, vector<1x1x16xf32>,
        %get3A_962 = vector.shape_cast %get3A_961 : vector<1x1x16xf32> to vector<16xf32>
        %add3A_963 = arith.addf %add3A_956, %get3A_962 : vector<16xf32>
        %get3A_964 = arith.constant 1 : i32
        %get3A_965 = arith.index_cast %get3A_964 : i32 to index
        %get3A_966 = arith.index_cast %scan3A_773 : i32 to index
        %get3A_967 = arith.constant 432 : index
        %get3A_968 = tpu.vector_load %arg7[%get3A_965, %get3A_966, %get3A_967] {strides = array<i32>} : memref<4x16x1024xf32, #tpu.memory_space<vmem>>, vector<1x1x16xf32>,
        %get3A_969 = vector.shape_cast %get3A_968 : vector<1x1x16xf32> to vector<16xf32>
        %add3A_970 = arith.addf %add3A_963, %get3A_969 : vector<16xf32>
        %get3A_971 = arith.constant 1 : i32
        %get3A_972 = arith.index_cast %get3A_971 : i32 to index
        %get3A_973 = arith.index_cast %scan3A_773 : i32 to index
        %get3A_974 = arith.constant 448 : index
        %get3A_975 = tpu.vector_load %arg7[%get3A_972, %get3A_973, %get3A_974] {strides = array<i32>} : memref<4x16x1024xf32, #tpu.memory_space<vmem>>, vector<1x1x16xf32>,
        %get3A_976 = vector.shape_cast %get3A_975 : vector<1x1x16xf32> to vector<16xf32>
        %add3A_977 = arith.addf %add3A_970, %get3A_976 : vector<16xf32>
        %get3A_978 = arith.constant 1 : i32
        %get3A_979 = arith.index_cast %get3A_978 : i32 to index
        %get3A_980 = arith.index_cast %scan3A_773 : i32 to index
        %get3A_981 = arith.constant 464 : index
        %get3A_982 = tpu.vector_load %arg7[%get3A_979, %get3A_980, %get3A_981] {strides = array<i32>} : memref<4x16x1024xf32, #tpu.memory_space<vmem>>, vector<1x1x16xf32>,
        %get3A_983 = vector.shape_cast %get3A_982 : vector<1x1x16xf32> to vector<16xf32>
        %add3A_984 = arith.addf %add3A_977, %get3A_983 : vector<16xf32>
        %get3A_985 = arith.constant 1 : i32
        %get3A_986 = arith.index_cast %get3A_985 : i32 to index
        %get3A_987 = arith.index_cast %scan3A_773 : i32 to index
        %get3A_988 = arith.constant 480 : index
        %get3A_989 = tpu.vector_load %arg7[%get3A_986, %get3A_987, %get3A_988] {strides = array<i32>} : memref<4x16x1024xf32, #tpu.memory_space<vmem>>, vector<1x1x16xf32>,
        %get3A_990 = vector.shape_cast %get3A_989 : vector<1x1x16xf32> to vector<16xf32>
        %add3A_991 = arith.addf %add3A_984, %get3A_990 : vector<16xf32>
        %get3A_992 = arith.constant 1 : i32
        %get3A_993 = arith.index_cast %get3A_992 : i32 to index
        %get3A_994 = arith.index_cast %scan3A_773 : i32 to index
        %get3A_995 = arith.constant 496 : index
        %get3A_996 = tpu.vector_load %arg7[%get3A_993, %get3A_994, %get3A_995] {strides = array<i32>} : memref<4x16x1024xf32, #tpu.memory_space<vmem>>, vector<1x1x16xf32>,
        %get3A_997 = vector.shape_cast %get3A_996 : vector<1x1x16xf32> to vector<16xf32>
        %add3A_998 = arith.addf %add3A_991, %get3A_997 : vector<16xf32>
        %get3A_999 = arith.constant 1 : i32
        %get3A_1000 = arith.index_cast %get3A_999 : i32 to index
        %get3A_1001 = arith.index_cast %scan3A_773 : i32 to index
        %get3A_1002 = arith.constant 512 : index
        %get3A_1003 = tpu.vector_load %arg7[%get3A_1000, %get3A_1001, %get3A_1002] {strides = array<i32>} : memref<4x16x1024xf32, #tpu.memory_space<vmem>>, vector<1x1x16xf32>,
        %get3A_1004 = vector.shape_cast %get3A_1003 : vector<1x1x16xf32> to vector<16xf32>
        %add3A_1005 = arith.addf %add3A_998, %get3A_1004 : vector<16xf32>
        %get3A_1006 = arith.constant 1 : i32
        %get3A_1007 = arith.index_cast %get3A_1006 : i32 to index
        %get3A_1008 = arith.index_cast %scan3A_773 : i32 to index
        %get3A_1009 = arith.constant 528 : index
        %get3A_1010 = tpu.vector_load %arg7[%get3A_1007, %get3A_1008, %get3A_1009] {strides = array<i32>} : memref<4x16x1024xf32, #tpu.memory_space<vmem>>, vector<1x1x16xf32>,
        %get3A_1011 = vector.shape_cast %get3A_1010 : vector<1x1x16xf32> to vector<16xf32>
        %add3A_1012 = arith.addf %add3A_1005, %get3A_1011 : vector<16xf32>
        %get3A_1013 = arith.constant 1 : i32
        %get3A_1014 = arith.index_cast %get3A_1013 : i32 to index
        %get3A_1015 = arith.index_cast %scan3A_773 : i32 to index
        %get3A_1016 = arith.constant 544 : index
        %get3A_1017 = tpu.vector_load %arg7[%get3A_1014, %get3A_1015, %get3A_1016] {strides = array<i32>} : memref<4x16x1024xf32, #tpu.memory_space<vmem>>, vector<1x1x16xf32>,
        %get3A_1018 = vector.shape_cast %get3A_1017 : vector<1x1x16xf32> to vector<16xf32>
        %add3A_1019 = arith.addf %add3A_1012, %get3A_1018 : vector<16xf32>
        %get3A_1020 = arith.constant 1 : i32
        %get3A_1021 = arith.index_cast %get3A_1020 : i32 to index
        %get3A_1022 = arith.index_cast %scan3A_773 : i32 to index
        %get3A_1023 = arith.constant 560 : index
        %get3A_1024 = tpu.vector_load %arg7[%get3A_1021, %get3A_1022, %get3A_1023] {strides = array<i32>} : memref<4x16x1024xf32, #tpu.memory_space<vmem>>, vector<1x1x16xf32>,
        %get3A_1025 = vector.shape_cast %get3A_1024 : vector<1x1x16xf32> to vector<16xf32>
        %add3A_1026 = arith.addf %add3A_1019, %get3A_1025 : vector<16xf32>
        %get3A_1027 = arith.constant 1 : i32
        %get3A_1028 = arith.index_cast %get3A_1027 : i32 to index
        %get3A_1029 = arith.index_cast %scan3A_773 : i32 to index
        %get3A_1030 = arith.constant 576 : index
        %get3A_1031 = tpu.vector_load %arg7[%get3A_1028, %get3A_1029, %get3A_1030] {strides = array<i32>} : memref<4x16x1024xf32, #tpu.memory_space<vmem>>, vector<1x1x16xf32>,
        %get3A_1032 = vector.shape_cast %get3A_1031 : vector<1x1x16xf32> to vector<16xf32>
        %add3A_1033 = arith.addf %add3A_1026, %get3A_1032 : vector<16xf32>
        %get3A_1034 = arith.constant 1 : i32
        %get3A_1035 = arith.index_cast %get3A_1034 : i32 to index
        %get3A_1036 = arith.index_cast %scan3A_773 : i32 to index
        %get3A_1037 = arith.constant 592 : index
        %get3A_1038 = tpu.vector_load %arg7[%get3A_1035, %get3A_1036, %get3A_1037] {strides = array<i32>} : memref<4x16x1024xf32, #tpu.memory_space<vmem>>, vector<1x1x16xf32>,
        %get3A_1039 = vector.shape_cast %get3A_1038 : vector<1x1x16xf32> to vector<16xf32>
        %add3A_1040 = arith.addf %add3A_1033, %get3A_1039 : vector<16xf32>
        %get3A_1041 = arith.constant 1 : i32
        %get3A_1042 = arith.index_cast %get3A_1041 : i32 to index
        %get3A_1043 = arith.index_cast %scan3A_773 : i32 to index
        %get3A_1044 = arith.constant 608 : index
        %get3A_1045 = tpu.vector_load %arg7[%get3A_1042, %get3A_1043, %get3A_1044] {strides = array<i32>} : memref<4x16x1024xf32, #tpu.memory_space<vmem>>, vector<1x1x16xf32>,
        %get3A_1046 = vector.shape_cast %get3A_1045 : vector<1x1x16xf32> to vector<16xf32>
        %add3A_1047 = arith.addf %add3A_1040, %get3A_1046 : vector<16xf32>
        %get3A_1048 = arith.constant 1 : i32
        %get3A_1049 = arith.index_cast %get3A_1048 : i32 to index
        %get3A_1050 = arith.index_cast %scan3A_773 : i32 to index
        %get3A_1051 = arith.constant 624 : index
        %get3A_1052 = tpu.vector_load %arg7[%get3A_1049, %get3A_1050, %get3A_1051] {strides = array<i32>} : memref<4x16x1024xf32, #tpu.memory_space<vmem>>, vector<1x1x16xf32>,
        %get3A_1053 = vector.shape_cast %get3A_1052 : vector<1x1x16xf32> to vector<16xf32>
        %add3A_1054 = arith.addf %add3A_1047, %get3A_1053 : vector<16xf32>
        %get3A_1055 = arith.constant 1 : i32
        %get3A_1056 = arith.index_cast %get3A_1055 : i32 to index
        %get3A_1057 = arith.index_cast %scan3A_773 : i32 to index
        %get3A_1058 = arith.constant 640 : index
        %get3A_1059 = tpu.vector_load %arg7[%get3A_1056, %get3A_1057, %get3A_1058] {strides = array<i32>} : memref<4x16x1024xf32, #tpu.memory_space<vmem>>, vector<1x1x16xf32>,
        %get3A_1060 = vector.shape_cast %get3A_1059 : vector<1x1x16xf32> to vector<16xf32>
        %add3A_1061 = arith.addf %add3A_1054, %get3A_1060 : vector<16xf32>
        %get3A_1062 = arith.constant 1 : i32
        %get3A_1063 = arith.index_cast %get3A_1062 : i32 to index
        %get3A_1064 = arith.index_cast %scan3A_773 : i32 to index
        %get3A_1065 = arith.constant 656 : index
        %get3A_1066 = tpu.vector_load %arg7[%get3A_1063, %get3A_1064, %get3A_1065] {strides = array<i32>} : memref<4x16x1024xf32, #tpu.memory_space<vmem>>, vector<1x1x16xf32>,
        %get3A_1067 = vector.shape_cast %get3A_1066 : vector<1x1x16xf32> to vector<16xf32>
        %add3A_1068 = arith.addf %add3A_1061, %get3A_1067 : vector<16xf32>
        %get3A_1069 = arith.constant 1 : i32
        %get3A_1070 = arith.index_cast %get3A_1069 : i32 to index
        %get3A_1071 = arith.index_cast %scan3A_773 : i32 to index
        %get3A_1072 = arith.constant 672 : index
        %get3A_1073 = tpu.vector_load %arg7[%get3A_1070, %get3A_1071, %get3A_1072] {strides = array<i32>} : memref<4x16x1024xf32, #tpu.memory_space<vmem>>, vector<1x1x16xf32>,
        %get3A_1074 = vector.shape_cast %get3A_1073 : vector<1x1x16xf32> to vector<16xf32>
        %add3A_1075 = arith.addf %add3A_1068, %get3A_1074 : vector<16xf32>
        %get3A_1076 = arith.constant 1 : i32
        %get3A_1077 = arith.index_cast %get3A_1076 : i32 to index
        %get3A_1078 = arith.index_cast %scan3A_773 : i32 to index
        %get3A_1079 = arith.constant 688 : index
        %get3A_1080 = tpu.vector_load %arg7[%get3A_1077, %get3A_1078, %get3A_1079] {strides = array<i32>} : memref<4x16x1024xf32, #tpu.memory_space<vmem>>, vector<1x1x16xf32>,
        %get3A_1081 = vector.shape_cast %get3A_1080 : vector<1x1x16xf32> to vector<16xf32>
        %add3A_1082 = arith.addf %add3A_1075, %get3A_1081 : vector<16xf32>
        %get3A_1083 = arith.constant 1 : i32
        %get3A_1084 = arith.index_cast %get3A_1083 : i32 to index
        %get3A_1085 = arith.index_cast %scan3A_773 : i32 to index
        %get3A_1086 = arith.constant 704 : index
        %get3A_1087 = tpu.vector_load %arg7[%get3A_1084, %get3A_1085, %get3A_1086] {strides = array<i32>} : memref<4x16x1024xf32, #tpu.memory_space<vmem>>, vector<1x1x16xf32>,
        %get3A_1088 = vector.shape_cast %get3A_1087 : vector<1x1x16xf32> to vector<16xf32>
        %add3A_1089 = arith.addf %add3A_1082, %get3A_1088 : vector<16xf32>
        %get3A_1090 = arith.constant 1 : i32
        %get3A_1091 = arith.index_cast %get3A_1090 : i32 to index
        %get3A_1092 = arith.index_cast %scan3A_773 : i32 to index
        %get3A_1093 = arith.constant 720 : index
        %get3A_1094 = tpu.vector_load %arg7[%get3A_1091, %get3A_1092, %get3A_1093] {strides = array<i32>} : memref<4x16x1024xf32, #tpu.memory_space<vmem>>, vector<1x1x16xf32>,
        %get3A_1095 = vector.shape_cast %get3A_1094 : vector<1x1x16xf32> to vector<16xf32>
        %add3A_1096 = arith.addf %add3A_1089, %get3A_1095 : vector<16xf32>
        %get3A_1097 = arith.constant 1 : i32
        %get3A_1098 = arith.index_cast %get3A_1097 : i32 to index
        %get3A_1099 = arith.index_cast %scan3A_773 : i32 to index
        %get3A_1100 = arith.constant 736 : index
        %get3A_1101 = tpu.vector_load %arg7[%get3A_1098, %get3A_1099, %get3A_1100] {strides = array<i32>} : memref<4x16x1024xf32, #tpu.memory_space<vmem>>, vector<1x1x16xf32>,
        %get3A_1102 = vector.shape_cast %get3A_1101 : vector<1x1x16xf32> to vector<16xf32>
        %add3A_1103 = arith.addf %add3A_1096, %get3A_1102 : vector<16xf32>
        %get3A_1104 = arith.constant 1 : i32
        %get3A_1105 = arith.index_cast %get3A_1104 : i32 to index
        %get3A_1106 = arith.index_cast %scan3A_773 : i32 to index
        %get3A_1107 = arith.constant 752 : index
        %get3A_1108 = tpu.vector_load %arg7[%get3A_1105, %get3A_1106, %get3A_1107] {strides = array<i32>} : memref<4x16x1024xf32, #tpu.memory_space<vmem>>, vector<1x1x16xf32>,
        %get3A_1109 = vector.shape_cast %get3A_1108 : vector<1x1x16xf32> to vector<16xf32>
        %add3A_1110 = arith.addf %add3A_1103, %get3A_1109 : vector<16xf32>
        %get3A_1111 = arith.constant 1 : i32
        %get3A_1112 = arith.index_cast %get3A_1111 : i32 to index
        %get3A_1113 = arith.index_cast %scan3A_773 : i32 to index
        %get3A_1114 = arith.constant 768 : index
        %get3A_1115 = tpu.vector_load %arg7[%get3A_1112, %get3A_1113, %get3A_1114] {strides = array<i32>} : memref<4x16x1024xf32, #tpu.memory_space<vmem>>, vector<1x1x16xf32>,
        %get3A_1116 = vector.shape_cast %get3A_1115 : vector<1x1x16xf32> to vector<16xf32>
        %add3A_1117 = arith.addf %add3A_1110, %get3A_1116 : vector<16xf32>
        %get3A_1118 = arith.constant 1 : i32
        %get3A_1119 = arith.index_cast %get3A_1118 : i32 to index
        %get3A_1120 = arith.index_cast %scan3A_773 : i32 to index
        %get3A_1121 = arith.constant 784 : index
        %get3A_1122 = tpu.vector_load %arg7[%get3A_1119, %get3A_1120, %get3A_1121] {strides = array<i32>} : memref<4x16x1024xf32, #tpu.memory_space<vmem>>, vector<1x1x16xf32>,
        %get3A_1123 = vector.shape_cast %get3A_1122 : vector<1x1x16xf32> to vector<16xf32>
        %add3A_1124 = arith.addf %add3A_1117, %get3A_1123 : vector<16xf32>
        %get3A_1125 = arith.constant 1 : i32
        %get3A_1126 = arith.index_cast %get3A_1125 : i32 to index
        %get3A_1127 = arith.index_cast %scan3A_773 : i32 to index
        %get3A_1128 = arith.constant 800 : index
        %get3A_1129 = tpu.vector_load %arg7[%get3A_1126, %get3A_1127, %get3A_1128] {strides = array<i32>} : memref<4x16x1024xf32, #tpu.memory_space<vmem>>, vector<1x1x16xf32>,
        %get3A_1130 = vector.shape_cast %get3A_1129 : vector<1x1x16xf32> to vector<16xf32>
        %add3A_1131 = arith.addf %add3A_1124, %get3A_1130 : vector<16xf32>
        %get3A_1132 = arith.constant 1 : i32
        %get3A_1133 = arith.index_cast %get3A_1132 : i32 to index
        %get3A_1134 = arith.index_cast %scan3A_773 : i32 to index
        %get3A_1135 = arith.constant 816 : index
        %get3A_1136 = tpu.vector_load %arg7[%get3A_1133, %get3A_1134, %get3A_1135] {strides = array<i32>} : memref<4x16x1024xf32, #tpu.memory_space<vmem>>, vector<1x1x16xf32>,
        %get3A_1137 = vector.shape_cast %get3A_1136 : vector<1x1x16xf32> to vector<16xf32>
        %add3A_1138 = arith.addf %add3A_1131, %get3A_1137 : vector<16xf32>
        %get3A_1139 = arith.constant 1 : i32
        %get3A_1140 = arith.index_cast %get3A_1139 : i32 to index
        %get3A_1141 = arith.index_cast %scan3A_773 : i32 to index
        %get3A_1142 = arith.constant 832 : index
        %get3A_1143 = tpu.vector_load %arg7[%get3A_1140, %get3A_1141, %get3A_1142] {strides = array<i32>} : memref<4x16x1024xf32, #tpu.memory_space<vmem>>, vector<1x1x16xf32>,
        %get3A_1144 = vector.shape_cast %get3A_1143 : vector<1x1x16xf32> to vector<16xf32>
        %add3A_1145 = arith.addf %add3A_1138, %get3A_1144 : vector<16xf32>
        %get3A_1146 = arith.constant 1 : i32
        %get3A_1147 = arith.index_cast %get3A_1146 : i32 to index
        %get3A_1148 = arith.index_cast %scan3A_773 : i32 to index
        %get3A_1149 = arith.constant 848 : index
        %get3A_1150 = tpu.vector_load %arg7[%get3A_1147, %get3A_1148, %get3A_1149] {strides = array<i32>} : memref<4x16x1024xf32, #tpu.memory_space<vmem>>, vector<1x1x16xf32>,
        %get3A_1151 = vector.shape_cast %get3A_1150 : vector<1x1x16xf32> to vector<16xf32>
        %add3A_1152 = arith.addf %add3A_1145, %get3A_1151 : vector<16xf32>
        %get3A_1153 = arith.constant 1 : i32
        %get3A_1154 = arith.index_cast %get3A_1153 : i32 to index
        %get3A_1155 = arith.index_cast %scan3A_773 : i32 to index
        %get3A_1156 = arith.constant 864 : index
        %get3A_1157 = tpu.vector_load %arg7[%get3A_1154, %get3A_1155, %get3A_1156] {strides = array<i32>} : memref<4x16x1024xf32, #tpu.memory_space<vmem>>, vector<1x1x16xf32>,
        %get3A_1158 = vector.shape_cast %get3A_1157 : vector<1x1x16xf32> to vector<16xf32>
        %add3A_1159 = arith.addf %add3A_1152, %get3A_1158 : vector<16xf32>
        %get3A_1160 = arith.constant 1 : i32
        %get3A_1161 = arith.index_cast %get3A_1160 : i32 to index
        %get3A_1162 = arith.index_cast %scan3A_773 : i32 to index
        %get3A_1163 = arith.constant 880 : index
        %get3A_1164 = tpu.vector_load %arg7[%get3A_1161, %get3A_1162, %get3A_1163] {strides = array<i32>} : memref<4x16x1024xf32, #tpu.memory_space<vmem>>, vector<1x1x16xf32>,
        %get3A_1165 = vector.shape_cast %get3A_1164 : vector<1x1x16xf32> to vector<16xf32>
        %add3A_1166 = arith.addf %add3A_1159, %get3A_1165 : vector<16xf32>
        %get3A_1167 = arith.constant 1 : i32
        %get3A_1168 = arith.index_cast %get3A_1167 : i32 to index
        %get3A_1169 = arith.index_cast %scan3A_773 : i32 to index
        %get3A_1170 = arith.constant 896 : index
        %get3A_1171 = tpu.vector_load %arg7[%get3A_1168, %get3A_1169, %get3A_1170] {strides = array<i32>} : memref<4x16x1024xf32, #tpu.memory_space<vmem>>, vector<1x1x16xf32>,
        %get3A_1172 = vector.shape_cast %get3A_1171 : vector<1x1x16xf32> to vector<16xf32>
        %add3A_1173 = arith.addf %add3A_1166, %get3A_1172 : vector<16xf32>
        %get3A_1174 = arith.constant 1 : i32
        %get3A_1175 = arith.index_cast %get3A_1174 : i32 to index
        %get3A_1176 = arith.index_cast %scan3A_773 : i32 to index
        %get3A_1177 = arith.constant 912 : index
        %get3A_1178 = tpu.vector_load %arg7[%get3A_1175, %get3A_1176, %get3A_1177] {strides = array<i32>} : memref<4x16x1024xf32, #tpu.memory_space<vmem>>, vector<1x1x16xf32>,
        %get3A_1179 = vector.shape_cast %get3A_1178 : vector<1x1x16xf32> to vector<16xf32>
        %add3A_1180 = arith.addf %add3A_1173, %get3A_1179 : vector<16xf32>
        %get3A_1181 = arith.constant 1 : i32
        %get3A_1182 = arith.index_cast %get3A_1181 : i32 to index
        %get3A_1183 = arith.index_cast %scan3A_773 : i32 to index
        %get3A_1184 = arith.constant 928 : index
        %get3A_1185 = tpu.vector_load %arg7[%get3A_1182, %get3A_1183, %get3A_1184] {strides = array<i32>} : memref<4x16x1024xf32, #tpu.memory_space<vmem>>, vector<1x1x16xf32>,
        %get3A_1186 = vector.shape_cast %get3A_1185 : vector<1x1x16xf32> to vector<16xf32>
        %add3A_1187 = arith.addf %add3A_1180, %get3A_1186 : vector<16xf32>
        %get3A_1188 = arith.constant 1 : i32
        %get3A_1189 = arith.index_cast %get3A_1188 : i32 to index
        %get3A_1190 = arith.index_cast %scan3A_773 : i32 to index
        %get3A_1191 = arith.constant 944 : index
        %get3A_1192 = tpu.vector_load %arg7[%get3A_1189, %get3A_1190, %get3A_1191] {strides = array<i32>} : memref<4x16x1024xf32, #tpu.memory_space<vmem>>, vector<1x1x16xf32>,
        %get3A_1193 = vector.shape_cast %get3A_1192 : vector<1x1x16xf32> to vector<16xf32>
        %add3A_1194 = arith.addf %add3A_1187, %get3A_1193 : vector<16xf32>
        %get3A_1195 = arith.constant 1 : i32
        %get3A_1196 = arith.index_cast %get3A_1195 : i32 to index
        %get3A_1197 = arith.index_cast %scan3A_773 : i32 to index
        %get3A_1198 = arith.constant 960 : index
        %get3A_1199 = tpu.vector_load %arg7[%get3A_1196, %get3A_1197, %get3A_1198] {strides = array<i32>} : memref<4x16x1024xf32, #tpu.memory_space<vmem>>, vector<1x1x16xf32>,
        %get3A_1200 = vector.shape_cast %get3A_1199 : vector<1x1x16xf32> to vector<16xf32>
        %add3A_1201 = arith.addf %add3A_1194, %get3A_1200 : vector<16xf32>
        %get3A_1202 = arith.constant 1 : i32
        %get3A_1203 = arith.index_cast %get3A_1202 : i32 to index
        %get3A_1204 = arith.index_cast %scan3A_773 : i32 to index
        %get3A_1205 = arith.constant 976 : index
        %get3A_1206 = tpu.vector_load %arg7[%get3A_1203, %get3A_1204, %get3A_1205] {strides = array<i32>} : memref<4x16x1024xf32, #tpu.memory_space<vmem>>, vector<1x1x16xf32>,
        %get3A_1207 = vector.shape_cast %get3A_1206 : vector<1x1x16xf32> to vector<16xf32>
        %add3A_1208 = arith.addf %add3A_1201, %get3A_1207 : vector<16xf32>
        %get3A_1209 = arith.constant 1 : i32
        %get3A_1210 = arith.index_cast %get3A_1209 : i32 to index
        %get3A_1211 = arith.index_cast %scan3A_773 : i32 to index
        %get3A_1212 = arith.constant 992 : index
        %get3A_1213 = tpu.vector_load %arg7[%get3A_1210, %get3A_1211, %get3A_1212] {strides = array<i32>} : memref<4x16x1024xf32, #tpu.memory_space<vmem>>, vector<1x1x16xf32>,
        %get3A_1214 = vector.shape_cast %get3A_1213 : vector<1x1x16xf32> to vector<16xf32>
        %add3A_1215 = arith.addf %add3A_1208, %get3A_1214 : vector<16xf32>
        %get3A_1216 = arith.constant 1 : i32
        %get3A_1217 = arith.index_cast %get3A_1216 : i32 to index
        %get3A_1218 = arith.index_cast %scan3A_773 : i32 to index
        %get3A_1219 = arith.constant 1008 : index
        %get3A_1220 = tpu.vector_load %arg7[%get3A_1217, %get3A_1218, %get3A_1219] {strides = array<i32>} : memref<4x16x1024xf32, #tpu.memory_space<vmem>>, vector<1x1x16xf32>,
        %get3A_1221 = vector.shape_cast %get3A_1220 : vector<1x1x16xf32> to vector<16xf32>
        %add3A_1222 = arith.addf %add3A_1215, %get3A_1221 : vector<16xf32>
        scf.yield %add3A_1222 : vector<16xf32>
      }
      %scan3A_678 = arith.constant 16 : i32
      %mul3A_679 = arith.constant 4 : i32
      %mul3A_680 = arith.muli %mul3A_679, %scan3A_584 : i32
      %add3A_681 = arith.constant 2 : i32
      %add3A_682 = arith.addi %mul3A_680, %add3A_681 : i32
      %add3A_683 = arith.constant 0 : i32
      %add3A_684 = arith.addi %add3A_9, %add3A_683 : i32
      %multiple_of3A_685 = tpu.assume_multiple %add3A_684, 8 : i32
      %dma_wait3A_686 = arith.constant 2 : i32
      %dma_wait3A_687 = arith.constant 0 : i32
      %dma_wait3A_688 = arith.constant 0 : i32
      %dma_wait3A_689 = tpu.memref_slice %arg7[%dma_wait3A_686, %dma_wait3A_687, %dma_wait3A_688] : memref<4x16x1024xf32, #tpu.memory_space<vmem>> -> memref<1x16x1024xf32, #tpu.memory_space<vmem>>
      %dma_wait3A_690 = tpu.memref_squeeze %dma_wait3A_689 : memref<1x16x1024xf32, #tpu.memory_space<vmem>> -> memref<16x1024xf32, #tpu.memory_space<vmem>>
      %dma_wait3A_691 = arith.constant 0 : i32
      %dma_wait3A_692 = tpu.memref_slice %arg2[%multiple_of3A_685, %dma_wait3A_691] : memref<100000x1024xf32, #tpu.memory_space<hbm>> -> memref<16x1024xf32, #tpu.memory_space<hbm>>
      %dma_wait3A_693 = arith.constant 0 : i32
      %dma_wait3A_694 = arith.constant 0 : i32
      %dma_wait3A_695 = tpu.memref_slice %arg7[%dma_wait3A_686, %dma_wait3A_693, %dma_wait3A_694] : memref<4x16x1024xf32, #tpu.memory_space<vmem>> -> memref<1x16x1024xf32, #tpu.memory_space<vmem>>
      %dma_wait3A_696 = tpu.memref_squeeze %dma_wait3A_695 : memref<1x16x1024xf32, #tpu.memory_space<vmem>> -> memref<16x1024xf32, #tpu.memory_space<vmem>>
      %dma_wait3A_697 = arith.constant 0 : i32
      %dma_wait3A_698 = tpu.memref_slice %arg2[%multiple_of3A_685, %dma_wait3A_697] : memref<100000x1024xf32, #tpu.memory_space<hbm>> -> memref<16x1024xf32, #tpu.memory_space<hbm>>
      tpu.wait_dma2 semaphore(%arg10 : memref<!tpu.dma_semaphore, #tpu.memory_space<semaphore_mem>>) src(%dma_wait3A_698 : memref<16x1024xf32, #tpu.memory_space<hbm>>) dst(%dma_wait3A_696 : memref<16x1024xf32, #tpu.memory_space<vmem>>)
      %add3A_699 = arith.constant 4 : i32
      %add3A_700 = arith.addi %add3A_682, %add3A_699 : i32
      %sub3A_701 = arith.constant 1 : i32
      %sub3A_702 = arith.subi %add3A_700, %sub3A_701 : i32
      %mul3A_703 = arith.constant 16 : i32
      %mul3A_704 = arith.muli %sub3A_702, %mul3A_703 : i32
      %add3A_705 = arith.addi %add3A_9, %mul3A_704 : i32
      %multiple_of3A_706 = tpu.assume_multiple %add3A_705, 8 : i32
      %dma_start3A_707 = arith.constant 1 : i32
      %dma_start3A_708 = arith.constant 0 : i32
      %dma_start3A_709 = arith.constant 0 : i32
      %dma_start3A_710 = tpu.memref_slice %arg7[%dma_start3A_707, %dma_start3A_708, %dma_start3A_709] : memref<4x16x1024xf32, #tpu.memory_space<vmem>> -> memref<1x16x1024xf32, #tpu.memory_space<vmem>>
      %dma_start3A_711 = tpu.memref_squeeze %dma_start3A_710 : memref<1x16x1024xf32, #tpu.memory_space<vmem>> -> memref<16x1024xf32, #tpu.memory_space<vmem>>
      %dma_start3A_712 = arith.constant 0 : i32
      %dma_start3A_713 = tpu.memref_slice %arg2[%multiple_of3A_706, %dma_start3A_712] : memref<100000x1024xf32, #tpu.memory_space<hbm>> -> memref<16x1024xf32, #tpu.memory_space<hbm>>
      %dma_start3A_714 = arith.constant 0 : i32
      %dma_start3A_715 = arith.constant 0 : i32
      %dma_start3A_716 = tpu.memref_slice %arg7[%dma_start3A_707, %dma_start3A_714, %dma_start3A_715] : memref<4x16x1024xf32, #tpu.memory_space<vmem>> -> memref<1x16x1024xf32, #tpu.memory_space<vmem>>
      %dma_start3A_717 = tpu.memref_squeeze %dma_start3A_716 : memref<1x16x1024xf32, #tpu.memory_space<vmem>> -> memref<16x1024xf32, #tpu.memory_space<vmem>>
      %dma_start3A_718 = arith.constant 0 : i32
      %dma_start3A_719 = tpu.memref_slice %arg2[%multiple_of3A_706, %dma_start3A_718] : memref<100000x1024xf32, #tpu.memory_space<hbm>> -> memref<16x1024xf32, #tpu.memory_space<hbm>>
      tpu.enqueue_dma source(%dma_start3A_719 : memref<16x1024xf32, #tpu.memory_space<hbm>>) target(%dma_start3A_717 : memref<16x1024xf32, #tpu.memory_space<vmem>>) target_semaphore(%arg10 : memref<!tpu.dma_semaphore, #tpu.memory_space<semaphore_mem>>)
      %scan3A_720 = arith.constant 0 : i32
      %scan3A_721 = arith.constant 16 : i32
      %scan3A_722 = arith.addi %scan3A_720, %scan3A_721 : i32
      %scan3A_723 = arith.constant 1 : i32
      %scan3A_724 = scf.for %scan3A_773 = %scan3A_720 to %scan3A_722 step %scan3A_723 iter_args(%scan3A_774 = %scan3A_677) -> (vector<16xf32>)  : i32 {
        %get3A_775 = arith.constant 2 : i32
        %get3A_776 = arith.index_cast %get3A_775 : i32 to index
        %get3A_777 = arith.index_cast %scan3A_773 : i32 to index
        %get3A_778 = arith.constant 0 : index
        %get3A_779 = tpu.vector_load %arg7[%get3A_776, %get3A_777, %get3A_778] {strides = array<i32>} : memref<4x16x1024xf32, #tpu.memory_space<vmem>>, vector<1x1x16xf32>,
        %get3A_780 = vector.shape_cast %get3A_779 : vector<1x1x16xf32> to vector<16xf32>
        %add3A_781 = arith.addf %scan3A_774, %get3A_780 : vector<16xf32>
        %get3A_782 = arith.constant 2 : i32
        %get3A_783 = arith.index_cast %get3A_782 : i32 to index
        %get3A_784 = arith.index_cast %scan3A_773 : i32 to index
        %get3A_785 = arith.constant 16 : index
        %get3A_786 = tpu.vector_load %arg7[%get3A_783, %get3A_784, %get3A_785] {strides = array<i32>} : memref<4x16x1024xf32, #tpu.memory_space<vmem>>, vector<1x1x16xf32>,
        %get3A_787 = vector.shape_cast %get3A_786 : vector<1x1x16xf32> to vector<16xf32>
        %add3A_788 = arith.addf %add3A_781, %get3A_787 : vector<16xf32>
        %get3A_789 = arith.constant 2 : i32
        %get3A_790 = arith.index_cast %get3A_789 : i32 to index
        %get3A_791 = arith.index_cast %scan3A_773 : i32 to index
        %get3A_792 = arith.constant 32 : index
        %get3A_793 = tpu.vector_load %arg7[%get3A_790, %get3A_791, %get3A_792] {strides = array<i32>} : memref<4x16x1024xf32, #tpu.memory_space<vmem>>, vector<1x1x16xf32>,
        %get3A_794 = vector.shape_cast %get3A_793 : vector<1x1x16xf32> to vector<16xf32>
        %add3A_795 = arith.addf %add3A_788, %get3A_794 : vector<16xf32>
        %get3A_796 = arith.constant 2 : i32
        %get3A_797 = arith.index_cast %get3A_796 : i32 to index
        %get3A_798 = arith.index_cast %scan3A_773 : i32 to index
        %get3A_799 = arith.constant 48 : index
        %get3A_800 = tpu.vector_load %arg7[%get3A_797, %get3A_798, %get3A_799] {strides = array<i32>} : memref<4x16x1024xf32, #tpu.memory_space<vmem>>, vector<1x1x16xf32>,
        %get3A_801 = vector.shape_cast %get3A_800 : vector<1x1x16xf32> to vector<16xf32>
        %add3A_802 = arith.addf %add3A_795, %get3A_801 : vector<16xf32>
        %get3A_803 = arith.constant 2 : i32
        %get3A_804 = arith.index_cast %get3A_803 : i32 to index
        %get3A_805 = arith.index_cast %scan3A_773 : i32 to index
        %get3A_806 = arith.constant 64 : index
        %get3A_807 = tpu.vector_load %arg7[%get3A_804, %get3A_805, %get3A_806] {strides = array<i32>} : memref<4x16x1024xf32, #tpu.memory_space<vmem>>, vector<1x1x16xf32>,
        %get3A_808 = vector.shape_cast %get3A_807 : vector<1x1x16xf32> to vector<16xf32>
        %add3A_809 = arith.addf %add3A_802, %get3A_808 : vector<16xf32>
        %get3A_810 = arith.constant 2 : i32
        %get3A_811 = arith.index_cast %get3A_810 : i32 to index
        %get3A_812 = arith.index_cast %scan3A_773 : i32 to index
        %get3A_813 = arith.constant 80 : index
        %get3A_814 = tpu.vector_load %arg7[%get3A_811, %get3A_812, %get3A_813] {strides = array<i32>} : memref<4x16x1024xf32, #tpu.memory_space<vmem>>, vector<1x1x16xf32>,
        %get3A_815 = vector.shape_cast %get3A_814 : vector<1x1x16xf32> to vector<16xf32>
        %add3A_816 = arith.addf %add3A_809, %get3A_815 : vector<16xf32>
        %get3A_817 = arith.constant 2 : i32
        %get3A_818 = arith.index_cast %get3A_817 : i32 to index
        %get3A_819 = arith.index_cast %scan3A_773 : i32 to index
        %get3A_820 = arith.constant 96 : index
        %get3A_821 = tpu.vector_load %arg7[%get3A_818, %get3A_819, %get3A_820] {strides = array<i32>} : memref<4x16x1024xf32, #tpu.memory_space<vmem>>, vector<1x1x16xf32>,
        %get3A_822 = vector.shape_cast %get3A_821 : vector<1x1x16xf32> to vector<16xf32>
        %add3A_823 = arith.addf %add3A_816, %get3A_822 : vector<16xf32>
        %get3A_824 = arith.constant 2 : i32
        %get3A_825 = arith.index_cast %get3A_824 : i32 to index
        %get3A_826 = arith.index_cast %scan3A_773 : i32 to index
        %get3A_827 = arith.constant 112 : index
        %get3A_828 = tpu.vector_load %arg7[%get3A_825, %get3A_826, %get3A_827] {strides = array<i32>} : memref<4x16x1024xf32, #tpu.memory_space<vmem>>, vector<1x1x16xf32>,
        %get3A_829 = vector.shape_cast %get3A_828 : vector<1x1x16xf32> to vector<16xf32>
        %add3A_830 = arith.addf %add3A_823, %get3A_829 : vector<16xf32>
        %get3A_831 = arith.constant 2 : i32
        %get3A_832 = arith.index_cast %get3A_831 : i32 to index
        %get3A_833 = arith.index_cast %scan3A_773 : i32 to index
        %get3A_834 = arith.constant 128 : index
        %get3A_835 = tpu.vector_load %arg7[%get3A_832, %get3A_833, %get3A_834] {strides = array<i32>} : memref<4x16x1024xf32, #tpu.memory_space<vmem>>, vector<1x1x16xf32>,
        %get3A_836 = vector.shape_cast %get3A_835 : vector<1x1x16xf32> to vector<16xf32>
        %add3A_837 = arith.addf %add3A_830, %get3A_836 : vector<16xf32>
        %get3A_838 = arith.constant 2 : i32
        %get3A_839 = arith.index_cast %get3A_838 : i32 to index
        %get3A_840 = arith.index_cast %scan3A_773 : i32 to index
        %get3A_841 = arith.constant 144 : index
        %get3A_842 = tpu.vector_load %arg7[%get3A_839, %get3A_840, %get3A_841] {strides = array<i32>} : memref<4x16x1024xf32, #tpu.memory_space<vmem>>, vector<1x1x16xf32>,
        %get3A_843 = vector.shape_cast %get3A_842 : vector<1x1x16xf32> to vector<16xf32>
        %add3A_844 = arith.addf %add3A_837, %get3A_843 : vector<16xf32>
        %get3A_845 = arith.constant 2 : i32
        %get3A_846 = arith.index_cast %get3A_845 : i32 to index
        %get3A_847 = arith.index_cast %scan3A_773 : i32 to index
        %get3A_848 = arith.constant 160 : index
        %get3A_849 = tpu.vector_load %arg7[%get3A_846, %get3A_847, %get3A_848] {strides = array<i32>} : memref<4x16x1024xf32, #tpu.memory_space<vmem>>, vector<1x1x16xf32>,
        %get3A_850 = vector.shape_cast %get3A_849 : vector<1x1x16xf32> to vector<16xf32>
        %add3A_851 = arith.addf %add3A_844, %get3A_850 : vector<16xf32>
        %get3A_852 = arith.constant 2 : i32
        %get3A_853 = arith.index_cast %get3A_852 : i32 to index
        %get3A_854 = arith.index_cast %scan3A_773 : i32 to index
        %get3A_855 = arith.constant 176 : index
        %get3A_856 = tpu.vector_load %arg7[%get3A_853, %get3A_854, %get3A_855] {strides = array<i32>} : memref<4x16x1024xf32, #tpu.memory_space<vmem>>, vector<1x1x16xf32>,
        %get3A_857 = vector.shape_cast %get3A_856 : vector<1x1x16xf32> to vector<16xf32>
        %add3A_858 = arith.addf %add3A_851, %get3A_857 : vector<16xf32>
        %get3A_859 = arith.constant 2 : i32
        %get3A_860 = arith.index_cast %get3A_859 : i32 to index
        %get3A_861 = arith.index_cast %scan3A_773 : i32 to index
        %get3A_862 = arith.constant 192 : index
        %get3A_863 = tpu.vector_load %arg7[%get3A_860, %get3A_861, %get3A_862] {strides = array<i32>} : memref<4x16x1024xf32, #tpu.memory_space<vmem>>, vector<1x1x16xf32>,
        %get3A_864 = vector.shape_cast %get3A_863 : vector<1x1x16xf32> to vector<16xf32>
        %add3A_865 = arith.addf %add3A_858, %get3A_864 : vector<16xf32>
        %get3A_866 = arith.constant 2 : i32
        %get3A_867 = arith.index_cast %get3A_866 : i32 to index
        %get3A_868 = arith.index_cast %scan3A_773 : i32 to index
        %get3A_869 = arith.constant 208 : index
        %get3A_870 = tpu.vector_load %arg7[%get3A_867, %get3A_868, %get3A_869] {strides = array<i32>} : memref<4x16x1024xf32, #tpu.memory_space<vmem>>, vector<1x1x16xf32>,
        %get3A_871 = vector.shape_cast %get3A_870 : vector<1x1x16xf32> to vector<16xf32>
        %add3A_872 = arith.addf %add3A_865, %get3A_871 : vector<16xf32>
        %get3A_873 = arith.constant 2 : i32
        %get3A_874 = arith.index_cast %get3A_873 : i32 to index
        %get3A_875 = arith.index_cast %scan3A_773 : i32 to index
        %get3A_876 = arith.constant 224 : index
        %get3A_877 = tpu.vector_load %arg7[%get3A_874, %get3A_875, %get3A_876] {strides = array<i32>} : memref<4x16x1024xf32, #tpu.memory_space<vmem>>, vector<1x1x16xf32>,
        %get3A_878 = vector.shape_cast %get3A_877 : vector<1x1x16xf32> to vector<16xf32>
        %add3A_879 = arith.addf %add3A_872, %get3A_878 : vector<16xf32>
        %get3A_880 = arith.constant 2 : i32
        %get3A_881 = arith.index_cast %get3A_880 : i32 to index
        %get3A_882 = arith.index_cast %scan3A_773 : i32 to index
        %get3A_883 = arith.constant 240 : index
        %get3A_884 = tpu.vector_load %arg7[%get3A_881, %get3A_882, %get3A_883] {strides = array<i32>} : memref<4x16x1024xf32, #tpu.memory_space<vmem>>, vector<1x1x16xf32>,
        %get3A_885 = vector.shape_cast %get3A_884 : vector<1x1x16xf32> to vector<16xf32>
        %add3A_886 = arith.addf %add3A_879, %get3A_885 : vector<16xf32>
        %get3A_887 = arith.constant 2 : i32
        %get3A_888 = arith.index_cast %get3A_887 : i32 to index
        %get3A_889 = arith.index_cast %scan3A_773 : i32 to index
        %get3A_890 = arith.constant 256 : index
        %get3A_891 = tpu.vector_load %arg7[%get3A_888, %get3A_889, %get3A_890] {strides = array<i32>} : memref<4x16x1024xf32, #tpu.memory_space<vmem>>, vector<1x1x16xf32>,
        %get3A_892 = vector.shape_cast %get3A_891 : vector<1x1x16xf32> to vector<16xf32>
        %add3A_893 = arith.addf %add3A_886, %get3A_892 : vector<16xf32>
        %get3A_894 = arith.constant 2 : i32
        %get3A_895 = arith.index_cast %get3A_894 : i32 to index
        %get3A_896 = arith.index_cast %scan3A_773 : i32 to index
        %get3A_897 = arith.constant 272 : index
        %get3A_898 = tpu.vector_load %arg7[%get3A_895, %get3A_896, %get3A_897] {strides = array<i32>} : memref<4x16x1024xf32, #tpu.memory_space<vmem>>, vector<1x1x16xf32>,
        %get3A_899 = vector.shape_cast %get3A_898 : vector<1x1x16xf32> to vector<16xf32>
        %add3A_900 = arith.addf %add3A_893, %get3A_899 : vector<16xf32>
        %get3A_901 = arith.constant 2 : i32
        %get3A_902 = arith.index_cast %get3A_901 : i32 to index
        %get3A_903 = arith.index_cast %scan3A_773 : i32 to index
        %get3A_904 = arith.constant 288 : index
        %get3A_905 = tpu.vector_load %arg7[%get3A_902, %get3A_903, %get3A_904] {strides = array<i32>} : memref<4x16x1024xf32, #tpu.memory_space<vmem>>, vector<1x1x16xf32>,
        %get3A_906 = vector.shape_cast %get3A_905 : vector<1x1x16xf32> to vector<16xf32>
        %add3A_907 = arith.addf %add3A_900, %get3A_906 : vector<16xf32>
        %get3A_908 = arith.constant 2 : i32
        %get3A_909 = arith.index_cast %get3A_908 : i32 to index
        %get3A_910 = arith.index_cast %scan3A_773 : i32 to index
        %get3A_911 = arith.constant 304 : index
        %get3A_912 = tpu.vector_load %arg7[%get3A_909, %get3A_910, %get3A_911] {strides = array<i32>} : memref<4x16x1024xf32, #tpu.memory_space<vmem>>, vector<1x1x16xf32>,
        %get3A_913 = vector.shape_cast %get3A_912 : vector<1x1x16xf32> to vector<16xf32>
        %add3A_914 = arith.addf %add3A_907, %get3A_913 : vector<16xf32>
        %get3A_915 = arith.constant 2 : i32
        %get3A_916 = arith.index_cast %get3A_915 : i32 to index
        %get3A_917 = arith.index_cast %scan3A_773 : i32 to index
        %get3A_918 = arith.constant 320 : index
        %get3A_919 = tpu.vector_load %arg7[%get3A_916, %get3A_917, %get3A_918] {strides = array<i32>} : memref<4x16x1024xf32, #tpu.memory_space<vmem>>, vector<1x1x16xf32>,
        %get3A_920 = vector.shape_cast %get3A_919 : vector<1x1x16xf32> to vector<16xf32>
        %add3A_921 = arith.addf %add3A_914, %get3A_920 : vector<16xf32>
        %get3A_922 = arith.constant 2 : i32
        %get3A_923 = arith.index_cast %get3A_922 : i32 to index
        %get3A_924 = arith.index_cast %scan3A_773 : i32 to index
        %get3A_925 = arith.constant 336 : index
        %get3A_926 = tpu.vector_load %arg7[%get3A_923, %get3A_924, %get3A_925] {strides = array<i32>} : memref<4x16x1024xf32, #tpu.memory_space<vmem>>, vector<1x1x16xf32>,
        %get3A_927 = vector.shape_cast %get3A_926 : vector<1x1x16xf32> to vector<16xf32>
        %add3A_928 = arith.addf %add3A_921, %get3A_927 : vector<16xf32>
        %get3A_929 = arith.constant 2 : i32
        %get3A_930 = arith.index_cast %get3A_929 : i32 to index
        %get3A_931 = arith.index_cast %scan3A_773 : i32 to index
        %get3A_932 = arith.constant 352 : index
        %get3A_933 = tpu.vector_load %arg7[%get3A_930, %get3A_931, %get3A_932] {strides = array<i32>} : memref<4x16x1024xf32, #tpu.memory_space<vmem>>, vector<1x1x16xf32>,
        %get3A_934 = vector.shape_cast %get3A_933 : vector<1x1x16xf32> to vector<16xf32>
        %add3A_935 = arith.addf %add3A_928, %get3A_934 : vector<16xf32>
        %get3A_936 = arith.constant 2 : i32
        %get3A_937 = arith.index_cast %get3A_936 : i32 to index
        %get3A_938 = arith.index_cast %scan3A_773 : i32 to index
        %get3A_939 = arith.constant 368 : index
        %get3A_940 = tpu.vector_load %arg7[%get3A_937, %get3A_938, %get3A_939] {strides = array<i32>} : memref<4x16x1024xf32, #tpu.memory_space<vmem>>, vector<1x1x16xf32>,
        %get3A_941 = vector.shape_cast %get3A_940 : vector<1x1x16xf32> to vector<16xf32>
        %add3A_942 = arith.addf %add3A_935, %get3A_941 : vector<16xf32>
        %get3A_943 = arith.constant 2 : i32
        %get3A_944 = arith.index_cast %get3A_943 : i32 to index
        %get3A_945 = arith.index_cast %scan3A_773 : i32 to index
        %get3A_946 = arith.constant 384 : index
        %get3A_947 = tpu.vector_load %arg7[%get3A_944, %get3A_945, %get3A_946] {strides = array<i32>} : memref<4x16x1024xf32, #tpu.memory_space<vmem>>, vector<1x1x16xf32>,
        %get3A_948 = vector.shape_cast %get3A_947 : vector<1x1x16xf32> to vector<16xf32>
        %add3A_949 = arith.addf %add3A_942, %get3A_948 : vector<16xf32>
        %get3A_950 = arith.constant 2 : i32
        %get3A_951 = arith.index_cast %get3A_950 : i32 to index
        %get3A_952 = arith.index_cast %scan3A_773 : i32 to index
        %get3A_953 = arith.constant 400 : index
        %get3A_954 = tpu.vector_load %arg7[%get3A_951, %get3A_952, %get3A_953] {strides = array<i32>} : memref<4x16x1024xf32, #tpu.memory_space<vmem>>, vector<1x1x16xf32>,
        %get3A_955 = vector.shape_cast %get3A_954 : vector<1x1x16xf32> to vector<16xf32>
        %add3A_956 = arith.addf %add3A_949, %get3A_955 : vector<16xf32>
        %get3A_957 = arith.constant 2 : i32
        %get3A_958 = arith.index_cast %get3A_957 : i32 to index
        %get3A_959 = arith.index_cast %scan3A_773 : i32 to index
        %get3A_960 = arith.constant 416 : index
        %get3A_961 = tpu.vector_load %arg7[%get3A_958, %get3A_959, %get3A_960] {strides = array<i32>} : memref<4x16x1024xf32, #tpu.memory_space<vmem>>, vector<1x1x16xf32>,
        %get3A_962 = vector.shape_cast %get3A_961 : vector<1x1x16xf32> to vector<16xf32>
        %add3A_963 = arith.addf %add3A_956, %get3A_962 : vector<16xf32>
        %get3A_964 = arith.constant 2 : i32
        %get3A_965 = arith.index_cast %get3A_964 : i32 to index
        %get3A_966 = arith.index_cast %scan3A_773 : i32 to index
        %get3A_967 = arith.constant 432 : index
        %get3A_968 = tpu.vector_load %arg7[%get3A_965, %get3A_966, %get3A_967] {strides = array<i32>} : memref<4x16x1024xf32, #tpu.memory_space<vmem>>, vector<1x1x16xf32>,
        %get3A_969 = vector.shape_cast %get3A_968 : vector<1x1x16xf32> to vector<16xf32>
        %add3A_970 = arith.addf %add3A_963, %get3A_969 : vector<16xf32>
        %get3A_971 = arith.constant 2 : i32
        %get3A_972 = arith.index_cast %get3A_971 : i32 to index
        %get3A_973 = arith.index_cast %scan3A_773 : i32 to index
        %get3A_974 = arith.constant 448 : index
        %get3A_975 = tpu.vector_load %arg7[%get3A_972, %get3A_973, %get3A_974] {strides = array<i32>} : memref<4x16x1024xf32, #tpu.memory_space<vmem>>, vector<1x1x16xf32>,
        %get3A_976 = vector.shape_cast %get3A_975 : vector<1x1x16xf32> to vector<16xf32>
        %add3A_977 = arith.addf %add3A_970, %get3A_976 : vector<16xf32>
        %get3A_978 = arith.constant 2 : i32
        %get3A_979 = arith.index_cast %get3A_978 : i32 to index
        %get3A_980 = arith.index_cast %scan3A_773 : i32 to index
        %get3A_981 = arith.constant 464 : index
        %get3A_982 = tpu.vector_load %arg7[%get3A_979, %get3A_980, %get3A_981] {strides = array<i32>} : memref<4x16x1024xf32, #tpu.memory_space<vmem>>, vector<1x1x16xf32>,
        %get3A_983 = vector.shape_cast %get3A_982 : vector<1x1x16xf32> to vector<16xf32>
        %add3A_984 = arith.addf %add3A_977, %get3A_983 : vector<16xf32>
        %get3A_985 = arith.constant 2 : i32
        %get3A_986 = arith.index_cast %get3A_985 : i32 to index
        %get3A_987 = arith.index_cast %scan3A_773 : i32 to index
        %get3A_988 = arith.constant 480 : index
        %get3A_989 = tpu.vector_load %arg7[%get3A_986, %get3A_987, %get3A_988] {strides = array<i32>} : memref<4x16x1024xf32, #tpu.memory_space<vmem>>, vector<1x1x16xf32>,
        %get3A_990 = vector.shape_cast %get3A_989 : vector<1x1x16xf32> to vector<16xf32>
        %add3A_991 = arith.addf %add3A_984, %get3A_990 : vector<16xf32>
        %get3A_992 = arith.constant 2 : i32
        %get3A_993 = arith.index_cast %get3A_992 : i32 to index
        %get3A_994 = arith.index_cast %scan3A_773 : i32 to index
        %get3A_995 = arith.constant 496 : index
        %get3A_996 = tpu.vector_load %arg7[%get3A_993, %get3A_994, %get3A_995] {strides = array<i32>} : memref<4x16x1024xf32, #tpu.memory_space<vmem>>, vector<1x1x16xf32>,
        %get3A_997 = vector.shape_cast %get3A_996 : vector<1x1x16xf32> to vector<16xf32>
        %add3A_998 = arith.addf %add3A_991, %get3A_997 : vector<16xf32>
        %get3A_999 = arith.constant 2 : i32
        %get3A_1000 = arith.index_cast %get3A_999 : i32 to index
        %get3A_1001 = arith.index_cast %scan3A_773 : i32 to index
        %get3A_1002 = arith.constant 512 : index
        %get3A_1003 = tpu.vector_load %arg7[%get3A_1000, %get3A_1001, %get3A_1002] {strides = array<i32>} : memref<4x16x1024xf32, #tpu.memory_space<vmem>>, vector<1x1x16xf32>,
        %get3A_1004 = vector.shape_cast %get3A_1003 : vector<1x1x16xf32> to vector<16xf32>
        %add3A_1005 = arith.addf %add3A_998, %get3A_1004 : vector<16xf32>
        %get3A_1006 = arith.constant 2 : i32
        %get3A_1007 = arith.index_cast %get3A_1006 : i32 to index
        %get3A_1008 = arith.index_cast %scan3A_773 : i32 to index
        %get3A_1009 = arith.constant 528 : index
        %get3A_1010 = tpu.vector_load %arg7[%get3A_1007, %get3A_1008, %get3A_1009] {strides = array<i32>} : memref<4x16x1024xf32, #tpu.memory_space<vmem>>, vector<1x1x16xf32>,
        %get3A_1011 = vector.shape_cast %get3A_1010 : vector<1x1x16xf32> to vector<16xf32>
        %add3A_1012 = arith.addf %add3A_1005, %get3A_1011 : vector<16xf32>
        %get3A_1013 = arith.constant 2 : i32
        %get3A_1014 = arith.index_cast %get3A_1013 : i32 to index
        %get3A_1015 = arith.index_cast %scan3A_773 : i32 to index
        %get3A_1016 = arith.constant 544 : index
        %get3A_1017 = tpu.vector_load %arg7[%get3A_1014, %get3A_1015, %get3A_1016] {strides = array<i32>} : memref<4x16x1024xf32, #tpu.memory_space<vmem>>, vector<1x1x16xf32>,
        %get3A_1018 = vector.shape_cast %get3A_1017 : vector<1x1x16xf32> to vector<16xf32>
        %add3A_1019 = arith.addf %add3A_1012, %get3A_1018 : vector<16xf32>
        %get3A_1020 = arith.constant 2 : i32
        %get3A_1021 = arith.index_cast %get3A_1020 : i32 to index
        %get3A_1022 = arith.index_cast %scan3A_773 : i32 to index
        %get3A_1023 = arith.constant 560 : index
        %get3A_1024 = tpu.vector_load %arg7[%get3A_1021, %get3A_1022, %get3A_1023] {strides = array<i32>} : memref<4x16x1024xf32, #tpu.memory_space<vmem>>, vector<1x1x16xf32>,
        %get3A_1025 = vector.shape_cast %get3A_1024 : vector<1x1x16xf32> to vector<16xf32>
        %add3A_1026 = arith.addf %add3A_1019, %get3A_1025 : vector<16xf32>
        %get3A_1027 = arith.constant 2 : i32
        %get3A_1028 = arith.index_cast %get3A_1027 : i32 to index
        %get3A_1029 = arith.index_cast %scan3A_773 : i32 to index
        %get3A_1030 = arith.constant 576 : index
        %get3A_1031 = tpu.vector_load %arg7[%get3A_1028, %get3A_1029, %get3A_1030] {strides = array<i32>} : memref<4x16x1024xf32, #tpu.memory_space<vmem>>, vector<1x1x16xf32>,
        %get3A_1032 = vector.shape_cast %get3A_1031 : vector<1x1x16xf32> to vector<16xf32>
        %add3A_1033 = arith.addf %add3A_1026, %get3A_1032 : vector<16xf32>
        %get3A_1034 = arith.constant 2 : i32
        %get3A_1035 = arith.index_cast %get3A_1034 : i32 to index
        %get3A_1036 = arith.index_cast %scan3A_773 : i32 to index
        %get3A_1037 = arith.constant 592 : index
        %get3A_1038 = tpu.vector_load %arg7[%get3A_1035, %get3A_1036, %get3A_1037] {strides = array<i32>} : memref<4x16x1024xf32, #tpu.memory_space<vmem>>, vector<1x1x16xf32>,
        %get3A_1039 = vector.shape_cast %get3A_1038 : vector<1x1x16xf32> to vector<16xf32>
        %add3A_1040 = arith.addf %add3A_1033, %get3A_1039 : vector<16xf32>
        %get3A_1041 = arith.constant 2 : i32
        %get3A_1042 = arith.index_cast %get3A_1041 : i32 to index
        %get3A_1043 = arith.index_cast %scan3A_773 : i32 to index
        %get3A_1044 = arith.constant 608 : index
        %get3A_1045 = tpu.vector_load %arg7[%get3A_1042, %get3A_1043, %get3A_1044] {strides = array<i32>} : memref<4x16x1024xf32, #tpu.memory_space<vmem>>, vector<1x1x16xf32>,
        %get3A_1046 = vector.shape_cast %get3A_1045 : vector<1x1x16xf32> to vector<16xf32>
        %add3A_1047 = arith.addf %add3A_1040, %get3A_1046 : vector<16xf32>
        %get3A_1048 = arith.constant 2 : i32
        %get3A_1049 = arith.index_cast %get3A_1048 : i32 to index
        %get3A_1050 = arith.index_cast %scan3A_773 : i32 to index
        %get3A_1051 = arith.constant 624 : index
        %get3A_1052 = tpu.vector_load %arg7[%get3A_1049, %get3A_1050, %get3A_1051] {strides = array<i32>} : memref<4x16x1024xf32, #tpu.memory_space<vmem>>, vector<1x1x16xf32>,
        %get3A_1053 = vector.shape_cast %get3A_1052 : vector<1x1x16xf32> to vector<16xf32>
        %add3A_1054 = arith.addf %add3A_1047, %get3A_1053 : vector<16xf32>
        %get3A_1055 = arith.constant 2 : i32
        %get3A_1056 = arith.index_cast %get3A_1055 : i32 to index
        %get3A_1057 = arith.index_cast %scan3A_773 : i32 to index
        %get3A_1058 = arith.constant 640 : index
        %get3A_1059 = tpu.vector_load %arg7[%get3A_1056, %get3A_1057, %get3A_1058] {strides = array<i32>} : memref<4x16x1024xf32, #tpu.memory_space<vmem>>, vector<1x1x16xf32>,
        %get3A_1060 = vector.shape_cast %get3A_1059 : vector<1x1x16xf32> to vector<16xf32>
        %add3A_1061 = arith.addf %add3A_1054, %get3A_1060 : vector<16xf32>
        %get3A_1062 = arith.constant 2 : i32
        %get3A_1063 = arith.index_cast %get3A_1062 : i32 to index
        %get3A_1064 = arith.index_cast %scan3A_773 : i32 to index
        %get3A_1065 = arith.constant 656 : index
        %get3A_1066 = tpu.vector_load %arg7[%get3A_1063, %get3A_1064, %get3A_1065] {strides = array<i32>} : memref<4x16x1024xf32, #tpu.memory_space<vmem>>, vector<1x1x16xf32>,
        %get3A_1067 = vector.shape_cast %get3A_1066 : vector<1x1x16xf32> to vector<16xf32>
        %add3A_1068 = arith.addf %add3A_1061, %get3A_1067 : vector<16xf32>
        %get3A_1069 = arith.constant 2 : i32
        %get3A_1070 = arith.index_cast %get3A_1069 : i32 to index
        %get3A_1071 = arith.index_cast %scan3A_773 : i32 to index
        %get3A_1072 = arith.constant 672 : index
        %get3A_1073 = tpu.vector_load %arg7[%get3A_1070, %get3A_1071, %get3A_1072] {strides = array<i32>} : memref<4x16x1024xf32, #tpu.memory_space<vmem>>, vector<1x1x16xf32>,
        %get3A_1074 = vector.shape_cast %get3A_1073 : vector<1x1x16xf32> to vector<16xf32>
        %add3A_1075 = arith.addf %add3A_1068, %get3A_1074 : vector<16xf32>
        %get3A_1076 = arith.constant 2 : i32
        %get3A_1077 = arith.index_cast %get3A_1076 : i32 to index
        %get3A_1078 = arith.index_cast %scan3A_773 : i32 to index
        %get3A_1079 = arith.constant 688 : index
        %get3A_1080 = tpu.vector_load %arg7[%get3A_1077, %get3A_1078, %get3A_1079] {strides = array<i32>} : memref<4x16x1024xf32, #tpu.memory_space<vmem>>, vector<1x1x16xf32>,
        %get3A_1081 = vector.shape_cast %get3A_1080 : vector<1x1x16xf32> to vector<16xf32>
        %add3A_1082 = arith.addf %add3A_1075, %get3A_1081 : vector<16xf32>
        %get3A_1083 = arith.constant 2 : i32
        %get3A_1084 = arith.index_cast %get3A_1083 : i32 to index
        %get3A_1085 = arith.index_cast %scan3A_773 : i32 to index
        %get3A_1086 = arith.constant 704 : index
        %get3A_1087 = tpu.vector_load %arg7[%get3A_1084, %get3A_1085, %get3A_1086] {strides = array<i32>} : memref<4x16x1024xf32, #tpu.memory_space<vmem>>, vector<1x1x16xf32>,
        %get3A_1088 = vector.shape_cast %get3A_1087 : vector<1x1x16xf32> to vector<16xf32>
        %add3A_1089 = arith.addf %add3A_1082, %get3A_1088 : vector<16xf32>
        %get3A_1090 = arith.constant 2 : i32
        %get3A_1091 = arith.index_cast %get3A_1090 : i32 to index
        %get3A_1092 = arith.index_cast %scan3A_773 : i32 to index
        %get3A_1093 = arith.constant 720 : index
        %get3A_1094 = tpu.vector_load %arg7[%get3A_1091, %get3A_1092, %get3A_1093] {strides = array<i32>} : memref<4x16x1024xf32, #tpu.memory_space<vmem>>, vector<1x1x16xf32>,
        %get3A_1095 = vector.shape_cast %get3A_1094 : vector<1x1x16xf32> to vector<16xf32>
        %add3A_1096 = arith.addf %add3A_1089, %get3A_1095 : vector<16xf32>
        %get3A_1097 = arith.constant 2 : i32
        %get3A_1098 = arith.index_cast %get3A_1097 : i32 to index
        %get3A_1099 = arith.index_cast %scan3A_773 : i32 to index
        %get3A_1100 = arith.constant 736 : index
        %get3A_1101 = tpu.vector_load %arg7[%get3A_1098, %get3A_1099, %get3A_1100] {strides = array<i32>} : memref<4x16x1024xf32, #tpu.memory_space<vmem>>, vector<1x1x16xf32>,
        %get3A_1102 = vector.shape_cast %get3A_1101 : vector<1x1x16xf32> to vector<16xf32>
        %add3A_1103 = arith.addf %add3A_1096, %get3A_1102 : vector<16xf32>
        %get3A_1104 = arith.constant 2 : i32
        %get3A_1105 = arith.index_cast %get3A_1104 : i32 to index
        %get3A_1106 = arith.index_cast %scan3A_773 : i32 to index
        %get3A_1107 = arith.constant 752 : index
        %get3A_1108 = tpu.vector_load %arg7[%get3A_1105, %get3A_1106, %get3A_1107] {strides = array<i32>} : memref<4x16x1024xf32, #tpu.memory_space<vmem>>, vector<1x1x16xf32>,
        %get3A_1109 = vector.shape_cast %get3A_1108 : vector<1x1x16xf32> to vector<16xf32>
        %add3A_1110 = arith.addf %add3A_1103, %get3A_1109 : vector<16xf32>
        %get3A_1111 = arith.constant 2 : i32
        %get3A_1112 = arith.index_cast %get3A_1111 : i32 to index
        %get3A_1113 = arith.index_cast %scan3A_773 : i32 to index
        %get3A_1114 = arith.constant 768 : index
        %get3A_1115 = tpu.vector_load %arg7[%get3A_1112, %get3A_1113, %get3A_1114] {strides = array<i32>} : memref<4x16x1024xf32, #tpu.memory_space<vmem>>, vector<1x1x16xf32>,
        %get3A_1116 = vector.shape_cast %get3A_1115 : vector<1x1x16xf32> to vector<16xf32>
        %add3A_1117 = arith.addf %add3A_1110, %get3A_1116 : vector<16xf32>
        %get3A_1118 = arith.constant 2 : i32
        %get3A_1119 = arith.index_cast %get3A_1118 : i32 to index
        %get3A_1120 = arith.index_cast %scan3A_773 : i32 to index
        %get3A_1121 = arith.constant 784 : index
        %get3A_1122 = tpu.vector_load %arg7[%get3A_1119, %get3A_1120, %get3A_1121] {strides = array<i32>} : memref<4x16x1024xf32, #tpu.memory_space<vmem>>, vector<1x1x16xf32>,
        %get3A_1123 = vector.shape_cast %get3A_1122 : vector<1x1x16xf32> to vector<16xf32>
        %add3A_1124 = arith.addf %add3A_1117, %get3A_1123 : vector<16xf32>
        %get3A_1125 = arith.constant 2 : i32
        %get3A_1126 = arith.index_cast %get3A_1125 : i32 to index
        %get3A_1127 = arith.index_cast %scan3A_773 : i32 to index
        %get3A_1128 = arith.constant 800 : index
        %get3A_1129 = tpu.vector_load %arg7[%get3A_1126, %get3A_1127, %get3A_1128] {strides = array<i32>} : memref<4x16x1024xf32, #tpu.memory_space<vmem>>, vector<1x1x16xf32>,
        %get3A_1130 = vector.shape_cast %get3A_1129 : vector<1x1x16xf32> to vector<16xf32>
        %add3A_1131 = arith.addf %add3A_1124, %get3A_1130 : vector<16xf32>
        %get3A_1132 = arith.constant 2 : i32
        %get3A_1133 = arith.index_cast %get3A_1132 : i32 to index
        %get3A_1134 = arith.index_cast %scan3A_773 : i32 to index
        %get3A_1135 = arith.constant 816 : index
        %get3A_1136 = tpu.vector_load %arg7[%get3A_1133, %get3A_1134, %get3A_1135] {strides = array<i32>} : memref<4x16x1024xf32, #tpu.memory_space<vmem>>, vector<1x1x16xf32>,
        %get3A_1137 = vector.shape_cast %get3A_1136 : vector<1x1x16xf32> to vector<16xf32>
        %add3A_1138 = arith.addf %add3A_1131, %get3A_1137 : vector<16xf32>
        %get3A_1139 = arith.constant 2 : i32
        %get3A_1140 = arith.index_cast %get3A_1139 : i32 to index
        %get3A_1141 = arith.index_cast %scan3A_773 : i32 to index
        %get3A_1142 = arith.constant 832 : index
        %get3A_1143 = tpu.vector_load %arg7[%get3A_1140, %get3A_1141, %get3A_1142] {strides = array<i32>} : memref<4x16x1024xf32, #tpu.memory_space<vmem>>, vector<1x1x16xf32>,
        %get3A_1144 = vector.shape_cast %get3A_1143 : vector<1x1x16xf32> to vector<16xf32>
        %add3A_1145 = arith.addf %add3A_1138, %get3A_1144 : vector<16xf32>
        %get3A_1146 = arith.constant 2 : i32
        %get3A_1147 = arith.index_cast %get3A_1146 : i32 to index
        %get3A_1148 = arith.index_cast %scan3A_773 : i32 to index
        %get3A_1149 = arith.constant 848 : index
        %get3A_1150 = tpu.vector_load %arg7[%get3A_1147, %get3A_1148, %get3A_1149] {strides = array<i32>} : memref<4x16x1024xf32, #tpu.memory_space<vmem>>, vector<1x1x16xf32>,
        %get3A_1151 = vector.shape_cast %get3A_1150 : vector<1x1x16xf32> to vector<16xf32>
        %add3A_1152 = arith.addf %add3A_1145, %get3A_1151 : vector<16xf32>
        %get3A_1153 = arith.constant 2 : i32
        %get3A_1154 = arith.index_cast %get3A_1153 : i32 to index
        %get3A_1155 = arith.index_cast %scan3A_773 : i32 to index
        %get3A_1156 = arith.constant 864 : index
        %get3A_1157 = tpu.vector_load %arg7[%get3A_1154, %get3A_1155, %get3A_1156] {strides = array<i32>} : memref<4x16x1024xf32, #tpu.memory_space<vmem>>, vector<1x1x16xf32>,
        %get3A_1158 = vector.shape_cast %get3A_1157 : vector<1x1x16xf32> to vector<16xf32>
        %add3A_1159 = arith.addf %add3A_1152, %get3A_1158 : vector<16xf32>
        %get3A_1160 = arith.constant 2 : i32
        %get3A_1161 = arith.index_cast %get3A_1160 : i32 to index
        %get3A_1162 = arith.index_cast %scan3A_773 : i32 to index
        %get3A_1163 = arith.constant 880 : index
        %get3A_1164 = tpu.vector_load %arg7[%get3A_1161, %get3A_1162, %get3A_1163] {strides = array<i32>} : memref<4x16x1024xf32, #tpu.memory_space<vmem>>, vector<1x1x16xf32>,
        %get3A_1165 = vector.shape_cast %get3A_1164 : vector<1x1x16xf32> to vector<16xf32>
        %add3A_1166 = arith.addf %add3A_1159, %get3A_1165 : vector<16xf32>
        %get3A_1167 = arith.constant 2 : i32
        %get3A_1168 = arith.index_cast %get3A_1167 : i32 to index
        %get3A_1169 = arith.index_cast %scan3A_773 : i32 to index
        %get3A_1170 = arith.constant 896 : index
        %get3A_1171 = tpu.vector_load %arg7[%get3A_1168, %get3A_1169, %get3A_1170] {strides = array<i32>} : memref<4x16x1024xf32, #tpu.memory_space<vmem>>, vector<1x1x16xf32>,
        %get3A_1172 = vector.shape_cast %get3A_1171 : vector<1x1x16xf32> to vector<16xf32>
        %add3A_1173 = arith.addf %add3A_1166, %get3A_1172 : vector<16xf32>
        %get3A_1174 = arith.constant 2 : i32
        %get3A_1175 = arith.index_cast %get3A_1174 : i32 to index
        %get3A_1176 = arith.index_cast %scan3A_773 : i32 to index
        %get3A_1177 = arith.constant 912 : index
        %get3A_1178 = tpu.vector_load %arg7[%get3A_1175, %get3A_1176, %get3A_1177] {strides = array<i32>} : memref<4x16x1024xf32, #tpu.memory_space<vmem>>, vector<1x1x16xf32>,
        %get3A_1179 = vector.shape_cast %get3A_1178 : vector<1x1x16xf32> to vector<16xf32>
        %add3A_1180 = arith.addf %add3A_1173, %get3A_1179 : vector<16xf32>
        %get3A_1181 = arith.constant 2 : i32
        %get3A_1182 = arith.index_cast %get3A_1181 : i32 to index
        %get3A_1183 = arith.index_cast %scan3A_773 : i32 to index
        %get3A_1184 = arith.constant 928 : index
        %get3A_1185 = tpu.vector_load %arg7[%get3A_1182, %get3A_1183, %get3A_1184] {strides = array<i32>} : memref<4x16x1024xf32, #tpu.memory_space<vmem>>, vector<1x1x16xf32>,
        %get3A_1186 = vector.shape_cast %get3A_1185 : vector<1x1x16xf32> to vector<16xf32>
        %add3A_1187 = arith.addf %add3A_1180, %get3A_1186 : vector<16xf32>
        %get3A_1188 = arith.constant 2 : i32
        %get3A_1189 = arith.index_cast %get3A_1188 : i32 to index
        %get3A_1190 = arith.index_cast %scan3A_773 : i32 to index
        %get3A_1191 = arith.constant 944 : index
        %get3A_1192 = tpu.vector_load %arg7[%get3A_1189, %get3A_1190, %get3A_1191] {strides = array<i32>} : memref<4x16x1024xf32, #tpu.memory_space<vmem>>, vector<1x1x16xf32>,
        %get3A_1193 = vector.shape_cast %get3A_1192 : vector<1x1x16xf32> to vector<16xf32>
        %add3A_1194 = arith.addf %add3A_1187, %get3A_1193 : vector<16xf32>
        %get3A_1195 = arith.constant 2 : i32
        %get3A_1196 = arith.index_cast %get3A_1195 : i32 to index
        %get3A_1197 = arith.index_cast %scan3A_773 : i32 to index
        %get3A_1198 = arith.constant 960 : index
        %get3A_1199 = tpu.vector_load %arg7[%get3A_1196, %get3A_1197, %get3A_1198] {strides = array<i32>} : memref<4x16x1024xf32, #tpu.memory_space<vmem>>, vector<1x1x16xf32>,
        %get3A_1200 = vector.shape_cast %get3A_1199 : vector<1x1x16xf32> to vector<16xf32>
        %add3A_1201 = arith.addf %add3A_1194, %get3A_1200 : vector<16xf32>
        %get3A_1202 = arith.constant 2 : i32
        %get3A_1203 = arith.index_cast %get3A_1202 : i32 to index
        %get3A_1204 = arith.index_cast %scan3A_773 : i32 to index
        %get3A_1205 = arith.constant 976 : index
        %get3A_1206 = tpu.vector_load %arg7[%get3A_1203, %get3A_1204, %get3A_1205] {strides = array<i32>} : memref<4x16x1024xf32, #tpu.memory_space<vmem>>, vector<1x1x16xf32>,
        %get3A_1207 = vector.shape_cast %get3A_1206 : vector<1x1x16xf32> to vector<16xf32>
        %add3A_1208 = arith.addf %add3A_1201, %get3A_1207 : vector<16xf32>
        %get3A_1209 = arith.constant 2 : i32
        %get3A_1210 = arith.index_cast %get3A_1209 : i32 to index
        %get3A_1211 = arith.index_cast %scan3A_773 : i32 to index
        %get3A_1212 = arith.constant 992 : index
        %get3A_1213 = tpu.vector_load %arg7[%get3A_1210, %get3A_1211, %get3A_1212] {strides = array<i32>} : memref<4x16x1024xf32, #tpu.memory_space<vmem>>, vector<1x1x16xf32>,
        %get3A_1214 = vector.shape_cast %get3A_1213 : vector<1x1x16xf32> to vector<16xf32>
        %add3A_1215 = arith.addf %add3A_1208, %get3A_1214 : vector<16xf32>
        %get3A_1216 = arith.constant 2 : i32
        %get3A_1217 = arith.index_cast %get3A_1216 : i32 to index
        %get3A_1218 = arith.index_cast %scan3A_773 : i32 to index
        %get3A_1219 = arith.constant 1008 : index
        %get3A_1220 = tpu.vector_load %arg7[%get3A_1217, %get3A_1218, %get3A_1219] {strides = array<i32>} : memref<4x16x1024xf32, #tpu.memory_space<vmem>>, vector<1x1x16xf32>,
        %get3A_1221 = vector.shape_cast %get3A_1220 : vector<1x1x16xf32> to vector<16xf32>
        %add3A_1222 = arith.addf %add3A_1215, %get3A_1221 : vector<16xf32>
        scf.yield %add3A_1222 : vector<16xf32>
      }
      %scan3A_725 = arith.constant 16 : i32
      %mul3A_726 = arith.constant 4 : i32
      %mul3A_727 = arith.muli %mul3A_726, %scan3A_584 : i32
      %add3A_728 = arith.constant 3 : i32
      %add3A_729 = arith.addi %mul3A_727, %add3A_728 : i32
      %add3A_730 = arith.constant 0 : i32
      %add3A_731 = arith.addi %add3A_9, %add3A_730 : i32
      %multiple_of3A_732 = tpu.assume_multiple %add3A_731, 8 : i32
      %dma_wait3A_733 = arith.constant 3 : i32
      %dma_wait3A_734 = arith.constant 0 : i32
      %dma_wait3A_735 = arith.constant 0 : i32
      %dma_wait3A_736 = tpu.memref_slice %arg7[%dma_wait3A_733, %dma_wait3A_734, %dma_wait3A_735] : memref<4x16x1024xf32, #tpu.memory_space<vmem>> -> memref<1x16x1024xf32, #tpu.memory_space<vmem>>
      %dma_wait3A_737 = tpu.memref_squeeze %dma_wait3A_736 : memref<1x16x1024xf32, #tpu.memory_space<vmem>> -> memref<16x1024xf32, #tpu.memory_space<vmem>>
      %dma_wait3A_738 = arith.constant 0 : i32
      %dma_wait3A_739 = tpu.memref_slice %arg2[%multiple_of3A_732, %dma_wait3A_738] : memref<100000x1024xf32, #tpu.memory_space<hbm>> -> memref<16x1024xf32, #tpu.memory_space<hbm>>
      %dma_wait3A_740 = arith.constant 0 : i32
      %dma_wait3A_741 = arith.constant 0 : i32
      %dma_wait3A_742 = tpu.memref_slice %arg7[%dma_wait3A_733, %dma_wait3A_740, %dma_wait3A_741] : memref<4x16x1024xf32, #tpu.memory_space<vmem>> -> memref<1x16x1024xf32, #tpu.memory_space<vmem>>
      %dma_wait3A_743 = tpu.memref_squeeze %dma_wait3A_742 : memref<1x16x1024xf32, #tpu.memory_space<vmem>> -> memref<16x1024xf32, #tpu.memory_space<vmem>>
      %dma_wait3A_744 = arith.constant 0 : i32
      %dma_wait3A_745 = tpu.memref_slice %arg2[%multiple_of3A_732, %dma_wait3A_744] : memref<100000x1024xf32, #tpu.memory_space<hbm>> -> memref<16x1024xf32, #tpu.memory_space<hbm>>
      tpu.wait_dma2 semaphore(%arg10 : memref<!tpu.dma_semaphore, #tpu.memory_space<semaphore_mem>>) src(%dma_wait3A_745 : memref<16x1024xf32, #tpu.memory_space<hbm>>) dst(%dma_wait3A_743 : memref<16x1024xf32, #tpu.memory_space<vmem>>)
      %add3A_746 = arith.constant 4 : i32
      %add3A_747 = arith.addi %add3A_729, %add3A_746 : i32
      %sub3A_748 = arith.constant 1 : i32
      %sub3A_749 = arith.subi %add3A_747, %sub3A_748 : i32
      %mul3A_750 = arith.constant 16 : i32
      %mul3A_751 = arith.muli %sub3A_749, %mul3A_750 : i32
      %add3A_752 = arith.addi %add3A_9, %mul3A_751 : i32
      %multiple_of3A_753 = tpu.assume_multiple %add3A_752, 8 : i32
      %dma_start3A_754 = arith.constant 2 : i32
      %dma_start3A_755 = arith.constant 0 : i32
      %dma_start3A_756 = arith.constant 0 : i32
      %dma_start3A_757 = tpu.memref_slice %arg7[%dma_start3A_754, %dma_start3A_755, %dma_start3A_756] : memref<4x16x1024xf32, #tpu.memory_space<vmem>> -> memref<1x16x1024xf32, #tpu.memory_space<vmem>>
      %dma_start3A_758 = tpu.memref_squeeze %dma_start3A_757 : memref<1x16x1024xf32, #tpu.memory_space<vmem>> -> memref<16x1024xf32, #tpu.memory_space<vmem>>
      %dma_start3A_759 = arith.constant 0 : i32
      %dma_start3A_760 = tpu.memref_slice %arg2[%multiple_of3A_753, %dma_start3A_759] : memref<100000x1024xf32, #tpu.memory_space<hbm>> -> memref<16x1024xf32, #tpu.memory_space<hbm>>
      %dma_start3A_761 = arith.constant 0 : i32
      %dma_start3A_762 = arith.constant 0 : i32
      %dma_start3A_763 = tpu.memref_slice %arg7[%dma_start3A_754, %dma_start3A_761, %dma_start3A_762] : memref<4x16x1024xf32, #tpu.memory_space<vmem>> -> memref<1x16x1024xf32, #tpu.memory_space<vmem>>
      %dma_start3A_764 = tpu.memref_squeeze %dma_start3A_763 : memref<1x16x1024xf32, #tpu.memory_space<vmem>> -> memref<16x1024xf32, #tpu.memory_space<vmem>>
      %dma_start3A_765 = arith.constant 0 : i32
      %dma_start3A_766 = tpu.memref_slice %arg2[%multiple_of3A_753, %dma_start3A_765] : memref<100000x1024xf32, #tpu.memory_space<hbm>> -> memref<16x1024xf32, #tpu.memory_space<hbm>>
      tpu.enqueue_dma source(%dma_start3A_766 : memref<16x1024xf32, #tpu.memory_space<hbm>>) target(%dma_start3A_764 : memref<16x1024xf32, #tpu.memory_space<vmem>>) target_semaphore(%arg10 : memref<!tpu.dma_semaphore, #tpu.memory_space<semaphore_mem>>)
      %scan3A_767 = arith.constant 0 : i32
      %scan3A_768 = arith.constant 16 : i32
      %scan3A_769 = arith.addi %scan3A_767, %scan3A_768 : i32
      %scan3A_770 = arith.constant 1 : i32
      %scan3A_771 = scf.for %scan3A_773 = %scan3A_767 to %scan3A_769 step %scan3A_770 iter_args(%scan3A_774 = %scan3A_724) -> (vector<16xf32>)  : i32 {
        %get3A_775 = arith.constant 3 : i32
        %get3A_776 = arith.index_cast %get3A_775 : i32 to index
        %get3A_777 = arith.index_cast %scan3A_773 : i32 to index
        %get3A_778 = arith.constant 0 : index
        %get3A_779 = tpu.vector_load %arg7[%get3A_776, %get3A_777, %get3A_778] {strides = array<i32>} : memref<4x16x1024xf32, #tpu.memory_space<vmem>>, vector<1x1x16xf32>,
        %get3A_780 = vector.shape_cast %get3A_779 : vector<1x1x16xf32> to vector<16xf32>
        %add3A_781 = arith.addf %scan3A_774, %get3A_780 : vector<16xf32>
        %get3A_782 = arith.constant 3 : i32
        %get3A_783 = arith.index_cast %get3A_782 : i32 to index
        %get3A_784 = arith.index_cast %scan3A_773 : i32 to index
        %get3A_785 = arith.constant 16 : index
        %get3A_786 = tpu.vector_load %arg7[%get3A_783, %get3A_784, %get3A_785] {strides = array<i32>} : memref<4x16x1024xf32, #tpu.memory_space<vmem>>, vector<1x1x16xf32>,
        %get3A_787 = vector.shape_cast %get3A_786 : vector<1x1x16xf32> to vector<16xf32>
        %add3A_788 = arith.addf %add3A_781, %get3A_787 : vector<16xf32>
        %get3A_789 = arith.constant 3 : i32
        %get3A_790 = arith.index_cast %get3A_789 : i32 to index
        %get3A_791 = arith.index_cast %scan3A_773 : i32 to index
        %get3A_792 = arith.constant 32 : index
        %get3A_793 = tpu.vector_load %arg7[%get3A_790, %get3A_791, %get3A_792] {strides = array<i32>} : memref<4x16x1024xf32, #tpu.memory_space<vmem>>, vector<1x1x16xf32>,
        %get3A_794 = vector.shape_cast %get3A_793 : vector<1x1x16xf32> to vector<16xf32>
        %add3A_795 = arith.addf %add3A_788, %get3A_794 : vector<16xf32>
        %get3A_796 = arith.constant 3 : i32
        %get3A_797 = arith.index_cast %get3A_796 : i32 to index
        %get3A_798 = arith.index_cast %scan3A_773 : i32 to index
        %get3A_799 = arith.constant 48 : index
        %get3A_800 = tpu.vector_load %arg7[%get3A_797, %get3A_798, %get3A_799] {strides = array<i32>} : memref<4x16x1024xf32, #tpu.memory_space<vmem>>, vector<1x1x16xf32>,
        %get3A_801 = vector.shape_cast %get3A_800 : vector<1x1x16xf32> to vector<16xf32>
        %add3A_802 = arith.addf %add3A_795, %get3A_801 : vector<16xf32>
        %get3A_803 = arith.constant 3 : i32
        %get3A_804 = arith.index_cast %get3A_803 : i32 to index
        %get3A_805 = arith.index_cast %scan3A_773 : i32 to index
        %get3A_806 = arith.constant 64 : index
        %get3A_807 = tpu.vector_load %arg7[%get3A_804, %get3A_805, %get3A_806] {strides = array<i32>} : memref<4x16x1024xf32, #tpu.memory_space<vmem>>, vector<1x1x16xf32>,
        %get3A_808 = vector.shape_cast %get3A_807 : vector<1x1x16xf32> to vector<16xf32>
        %add3A_809 = arith.addf %add3A_802, %get3A_808 : vector<16xf32>
        %get3A_810 = arith.constant 3 : i32
        %get3A_811 = arith.index_cast %get3A_810 : i32 to index
        %get3A_812 = arith.index_cast %scan3A_773 : i32 to index
        %get3A_813 = arith.constant 80 : index
        %get3A_814 = tpu.vector_load %arg7[%get3A_811, %get3A_812, %get3A_813] {strides = array<i32>} : memref<4x16x1024xf32, #tpu.memory_space<vmem>>, vector<1x1x16xf32>,
        %get3A_815 = vector.shape_cast %get3A_814 : vector<1x1x16xf32> to vector<16xf32>
        %add3A_816 = arith.addf %add3A_809, %get3A_815 : vector<16xf32>
        %get3A_817 = arith.constant 3 : i32
        %get3A_818 = arith.index_cast %get3A_817 : i32 to index
        %get3A_819 = arith.index_cast %scan3A_773 : i32 to index
        %get3A_820 = arith.constant 96 : index
        %get3A_821 = tpu.vector_load %arg7[%get3A_818, %get3A_819, %get3A_820] {strides = array<i32>} : memref<4x16x1024xf32, #tpu.memory_space<vmem>>, vector<1x1x16xf32>,
        %get3A_822 = vector.shape_cast %get3A_821 : vector<1x1x16xf32> to vector<16xf32>
        %add3A_823 = arith.addf %add3A_816, %get3A_822 : vector<16xf32>
        %get3A_824 = arith.constant 3 : i32
        %get3A_825 = arith.index_cast %get3A_824 : i32 to index
        %get3A_826 = arith.index_cast %scan3A_773 : i32 to index
        %get3A_827 = arith.constant 112 : index
        %get3A_828 = tpu.vector_load %arg7[%get3A_825, %get3A_826, %get3A_827] {strides = array<i32>} : memref<4x16x1024xf32, #tpu.memory_space<vmem>>, vector<1x1x16xf32>,
        %get3A_829 = vector.shape_cast %get3A_828 : vector<1x1x16xf32> to vector<16xf32>
        %add3A_830 = arith.addf %add3A_823, %get3A_829 : vector<16xf32>
        %get3A_831 = arith.constant 3 : i32
        %get3A_832 = arith.index_cast %get3A_831 : i32 to index
        %get3A_833 = arith.index_cast %scan3A_773 : i32 to index
        %get3A_834 = arith.constant 128 : index
        %get3A_835 = tpu.vector_load %arg7[%get3A_832, %get3A_833, %get3A_834] {strides = array<i32>} : memref<4x16x1024xf32, #tpu.memory_space<vmem>>, vector<1x1x16xf32>,
        %get3A_836 = vector.shape_cast %get3A_835 : vector<1x1x16xf32> to vector<16xf32>
        %add3A_837 = arith.addf %add3A_830, %get3A_836 : vector<16xf32>
        %get3A_838 = arith.constant 3 : i32
        %get3A_839 = arith.index_cast %get3A_838 : i32 to index
        %get3A_840 = arith.index_cast %scan3A_773 : i32 to index
        %get3A_841 = arith.constant 144 : index
        %get3A_842 = tpu.vector_load %arg7[%get3A_839, %get3A_840, %get3A_841] {strides = array<i32>} : memref<4x16x1024xf32, #tpu.memory_space<vmem>>, vector<1x1x16xf32>,
        %get3A_843 = vector.shape_cast %get3A_842 : vector<1x1x16xf32> to vector<16xf32>
        %add3A_844 = arith.addf %add3A_837, %get3A_843 : vector<16xf32>
        %get3A_845 = arith.constant 3 : i32
        %get3A_846 = arith.index_cast %get3A_845 : i32 to index
        %get3A_847 = arith.index_cast %scan3A_773 : i32 to index
        %get3A_848 = arith.constant 160 : index
        %get3A_849 = tpu.vector_load %arg7[%get3A_846, %get3A_847, %get3A_848] {strides = array<i32>} : memref<4x16x1024xf32, #tpu.memory_space<vmem>>, vector<1x1x16xf32>,
        %get3A_850 = vector.shape_cast %get3A_849 : vector<1x1x16xf32> to vector<16xf32>
        %add3A_851 = arith.addf %add3A_844, %get3A_850 : vector<16xf32>
        %get3A_852 = arith.constant 3 : i32
        %get3A_853 = arith.index_cast %get3A_852 : i32 to index
        %get3A_854 = arith.index_cast %scan3A_773 : i32 to index
        %get3A_855 = arith.constant 176 : index
        %get3A_856 = tpu.vector_load %arg7[%get3A_853, %get3A_854, %get3A_855] {strides = array<i32>} : memref<4x16x1024xf32, #tpu.memory_space<vmem>>, vector<1x1x16xf32>,
        %get3A_857 = vector.shape_cast %get3A_856 : vector<1x1x16xf32> to vector<16xf32>
        %add3A_858 = arith.addf %add3A_851, %get3A_857 : vector<16xf32>
        %get3A_859 = arith.constant 3 : i32
        %get3A_860 = arith.index_cast %get3A_859 : i32 to index
        %get3A_861 = arith.index_cast %scan3A_773 : i32 to index
        %get3A_862 = arith.constant 192 : index
        %get3A_863 = tpu.vector_load %arg7[%get3A_860, %get3A_861, %get3A_862] {strides = array<i32>} : memref<4x16x1024xf32, #tpu.memory_space<vmem>>, vector<1x1x16xf32>,
        %get3A_864 = vector.shape_cast %get3A_863 : vector<1x1x16xf32> to vector<16xf32>
        %add3A_865 = arith.addf %add3A_858, %get3A_864 : vector<16xf32>
        %get3A_866 = arith.constant 3 : i32
        %get3A_867 = arith.index_cast %get3A_866 : i32 to index
        %get3A_868 = arith.index_cast %scan3A_773 : i32 to index
        %get3A_869 = arith.constant 208 : index
        %get3A_870 = tpu.vector_load %arg7[%get3A_867, %get3A_868, %get3A_869] {strides = array<i32>} : memref<4x16x1024xf32, #tpu.memory_space<vmem>>, vector<1x1x16xf32>,
        %get3A_871 = vector.shape_cast %get3A_870 : vector<1x1x16xf32> to vector<16xf32>
        %add3A_872 = arith.addf %add3A_865, %get3A_871 : vector<16xf32>
        %get3A_873 = arith.constant 3 : i32
        %get3A_874 = arith.index_cast %get3A_873 : i32 to index
        %get3A_875 = arith.index_cast %scan3A_773 : i32 to index
        %get3A_876 = arith.constant 224 : index
        %get3A_877 = tpu.vector_load %arg7[%get3A_874, %get3A_875, %get3A_876] {strides = array<i32>} : memref<4x16x1024xf32, #tpu.memory_space<vmem>>, vector<1x1x16xf32>,
        %get3A_878 = vector.shape_cast %get3A_877 : vector<1x1x16xf32> to vector<16xf32>
        %add3A_879 = arith.addf %add3A_872, %get3A_878 : vector<16xf32>
        %get3A_880 = arith.constant 3 : i32
        %get3A_881 = arith.index_cast %get3A_880 : i32 to index
        %get3A_882 = arith.index_cast %scan3A_773 : i32 to index
        %get3A_883 = arith.constant 240 : index
        %get3A_884 = tpu.vector_load %arg7[%get3A_881, %get3A_882, %get3A_883] {strides = array<i32>} : memref<4x16x1024xf32, #tpu.memory_space<vmem>>, vector<1x1x16xf32>,
        %get3A_885 = vector.shape_cast %get3A_884 : vector<1x1x16xf32> to vector<16xf32>
        %add3A_886 = arith.addf %add3A_879, %get3A_885 : vector<16xf32>
        %get3A_887 = arith.constant 3 : i32
        %get3A_888 = arith.index_cast %get3A_887 : i32 to index
        %get3A_889 = arith.index_cast %scan3A_773 : i32 to index
        %get3A_890 = arith.constant 256 : index
        %get3A_891 = tpu.vector_load %arg7[%get3A_888, %get3A_889, %get3A_890] {strides = array<i32>} : memref<4x16x1024xf32, #tpu.memory_space<vmem>>, vector<1x1x16xf32>,
        %get3A_892 = vector.shape_cast %get3A_891 : vector<1x1x16xf32> to vector<16xf32>
        %add3A_893 = arith.addf %add3A_886, %get3A_892 : vector<16xf32>
        %get3A_894 = arith.constant 3 : i32
        %get3A_895 = arith.index_cast %get3A_894 : i32 to index
        %get3A_896 = arith.index_cast %scan3A_773 : i32 to index
        %get3A_897 = arith.constant 272 : index
        %get3A_898 = tpu.vector_load %arg7[%get3A_895, %get3A_896, %get3A_897] {strides = array<i32>} : memref<4x16x1024xf32, #tpu.memory_space<vmem>>, vector<1x1x16xf32>,
        %get3A_899 = vector.shape_cast %get3A_898 : vector<1x1x16xf32> to vector<16xf32>
        %add3A_900 = arith.addf %add3A_893, %get3A_899 : vector<16xf32>
        %get3A_901 = arith.constant 3 : i32
        %get3A_902 = arith.index_cast %get3A_901 : i32 to index
        %get3A_903 = arith.index_cast %scan3A_773 : i32 to index
        %get3A_904 = arith.constant 288 : index
        %get3A_905 = tpu.vector_load %arg7[%get3A_902, %get3A_903, %get3A_904] {strides = array<i32>} : memref<4x16x1024xf32, #tpu.memory_space<vmem>>, vector<1x1x16xf32>,
        %get3A_906 = vector.shape_cast %get3A_905 : vector<1x1x16xf32> to vector<16xf32>
        %add3A_907 = arith.addf %add3A_900, %get3A_906 : vector<16xf32>
        %get3A_908 = arith.constant 3 : i32
        %get3A_909 = arith.index_cast %get3A_908 : i32 to index
        %get3A_910 = arith.index_cast %scan3A_773 : i32 to index
        %get3A_911 = arith.constant 304 : index
        %get3A_912 = tpu.vector_load %arg7[%get3A_909, %get3A_910, %get3A_911] {strides = array<i32>} : memref<4x16x1024xf32, #tpu.memory_space<vmem>>, vector<1x1x16xf32>,
        %get3A_913 = vector.shape_cast %get3A_912 : vector<1x1x16xf32> to vector<16xf32>
        %add3A_914 = arith.addf %add3A_907, %get3A_913 : vector<16xf32>
        %get3A_915 = arith.constant 3 : i32
        %get3A_916 = arith.index_cast %get3A_915 : i32 to index
        %get3A_917 = arith.index_cast %scan3A_773 : i32 to index
        %get3A_918 = arith.constant 320 : index
        %get3A_919 = tpu.vector_load %arg7[%get3A_916, %get3A_917, %get3A_918] {strides = array<i32>} : memref<4x16x1024xf32, #tpu.memory_space<vmem>>, vector<1x1x16xf32>,
        %get3A_920 = vector.shape_cast %get3A_919 : vector<1x1x16xf32> to vector<16xf32>
        %add3A_921 = arith.addf %add3A_914, %get3A_920 : vector<16xf32>
        %get3A_922 = arith.constant 3 : i32
        %get3A_923 = arith.index_cast %get3A_922 : i32 to index
        %get3A_924 = arith.index_cast %scan3A_773 : i32 to index
        %get3A_925 = arith.constant 336 : index
        %get3A_926 = tpu.vector_load %arg7[%get3A_923, %get3A_924, %get3A_925] {strides = array<i32>} : memref<4x16x1024xf32, #tpu.memory_space<vmem>>, vector<1x1x16xf32>,
        %get3A_927 = vector.shape_cast %get3A_926 : vector<1x1x16xf32> to vector<16xf32>
        %add3A_928 = arith.addf %add3A_921, %get3A_927 : vector<16xf32>
        %get3A_929 = arith.constant 3 : i32
        %get3A_930 = arith.index_cast %get3A_929 : i32 to index
        %get3A_931 = arith.index_cast %scan3A_773 : i32 to index
        %get3A_932 = arith.constant 352 : index
        %get3A_933 = tpu.vector_load %arg7[%get3A_930, %get3A_931, %get3A_932] {strides = array<i32>} : memref<4x16x1024xf32, #tpu.memory_space<vmem>>, vector<1x1x16xf32>,
        %get3A_934 = vector.shape_cast %get3A_933 : vector<1x1x16xf32> to vector<16xf32>
        %add3A_935 = arith.addf %add3A_928, %get3A_934 : vector<16xf32>
        %get3A_936 = arith.constant 3 : i32
        %get3A_937 = arith.index_cast %get3A_936 : i32 to index
        %get3A_938 = arith.index_cast %scan3A_773 : i32 to index
        %get3A_939 = arith.constant 368 : index
        %get3A_940 = tpu.vector_load %arg7[%get3A_937, %get3A_938, %get3A_939] {strides = array<i32>} : memref<4x16x1024xf32, #tpu.memory_space<vmem>>, vector<1x1x16xf32>,
        %get3A_941 = vector.shape_cast %get3A_940 : vector<1x1x16xf32> to vector<16xf32>
        %add3A_942 = arith.addf %add3A_935, %get3A_941 : vector<16xf32>
        %get3A_943 = arith.constant 3 : i32
        %get3A_944 = arith.index_cast %get3A_943 : i32 to index
        %get3A_945 = arith.index_cast %scan3A_773 : i32 to index
        %get3A_946 = arith.constant 384 : index
        %get3A_947 = tpu.vector_load %arg7[%get3A_944, %get3A_945, %get3A_946] {strides = array<i32>} : memref<4x16x1024xf32, #tpu.memory_space<vmem>>, vector<1x1x16xf32>,
        %get3A_948 = vector.shape_cast %get3A_947 : vector<1x1x16xf32> to vector<16xf32>
        %add3A_949 = arith.addf %add3A_942, %get3A_948 : vector<16xf32>
        %get3A_950 = arith.constant 3 : i32
        %get3A_951 = arith.index_cast %get3A_950 : i32 to index
        %get3A_952 = arith.index_cast %scan3A_773 : i32 to index
        %get3A_953 = arith.constant 400 : index
        %get3A_954 = tpu.vector_load %arg7[%get3A_951, %get3A_952, %get3A_953] {strides = array<i32>} : memref<4x16x1024xf32, #tpu.memory_space<vmem>>, vector<1x1x16xf32>,
        %get3A_955 = vector.shape_cast %get3A_954 : vector<1x1x16xf32> to vector<16xf32>
        %add3A_956 = arith.addf %add3A_949, %get3A_955 : vector<16xf32>
        %get3A_957 = arith.constant 3 : i32
        %get3A_958 = arith.index_cast %get3A_957 : i32 to index
        %get3A_959 = arith.index_cast %scan3A_773 : i32 to index
        %get3A_960 = arith.constant 416 : index
        %get3A_961 = tpu.vector_load %arg7[%get3A_958, %get3A_959, %get3A_960] {strides = array<i32>} : memref<4x16x1024xf32, #tpu.memory_space<vmem>>, vector<1x1x16xf32>,
        %get3A_962 = vector.shape_cast %get3A_961 : vector<1x1x16xf32> to vector<16xf32>
        %add3A_963 = arith.addf %add3A_956, %get3A_962 : vector<16xf32>
        %get3A_964 = arith.constant 3 : i32
        %get3A_965 = arith.index_cast %get3A_964 : i32 to index
        %get3A_966 = arith.index_cast %scan3A_773 : i32 to index
        %get3A_967 = arith.constant 432 : index
        %get3A_968 = tpu.vector_load %arg7[%get3A_965, %get3A_966, %get3A_967] {strides = array<i32>} : memref<4x16x1024xf32, #tpu.memory_space<vmem>>, vector<1x1x16xf32>,
        %get3A_969 = vector.shape_cast %get3A_968 : vector<1x1x16xf32> to vector<16xf32>
        %add3A_970 = arith.addf %add3A_963, %get3A_969 : vector<16xf32>
        %get3A_971 = arith.constant 3 : i32
        %get3A_972 = arith.index_cast %get3A_971 : i32 to index
        %get3A_973 = arith.index_cast %scan3A_773 : i32 to index
        %get3A_974 = arith.constant 448 : index
        %get3A_975 = tpu.vector_load %arg7[%get3A_972, %get3A_973, %get3A_974] {strides = array<i32>} : memref<4x16x1024xf32, #tpu.memory_space<vmem>>, vector<1x1x16xf32>,
        %get3A_976 = vector.shape_cast %get3A_975 : vector<1x1x16xf32> to vector<16xf32>
        %add3A_977 = arith.addf %add3A_970, %get3A_976 : vector<16xf32>
        %get3A_978 = arith.constant 3 : i32
        %get3A_979 = arith.index_cast %get3A_978 : i32 to index
        %get3A_980 = arith.index_cast %scan3A_773 : i32 to index
        %get3A_981 = arith.constant 464 : index
        %get3A_982 = tpu.vector_load %arg7[%get3A_979, %get3A_980, %get3A_981] {strides = array<i32>} : memref<4x16x1024xf32, #tpu.memory_space<vmem>>, vector<1x1x16xf32>,
        %get3A_983 = vector.shape_cast %get3A_982 : vector<1x1x16xf32> to vector<16xf32>
        %add3A_984 = arith.addf %add3A_977, %get3A_983 : vector<16xf32>
        %get3A_985 = arith.constant 3 : i32
        %get3A_986 = arith.index_cast %get3A_985 : i32 to index
        %get3A_987 = arith.index_cast %scan3A_773 : i32 to index
        %get3A_988 = arith.constant 480 : index
        %get3A_989 = tpu.vector_load %arg7[%get3A_986, %get3A_987, %get3A_988] {strides = array<i32>} : memref<4x16x1024xf32, #tpu.memory_space<vmem>>, vector<1x1x16xf32>,
        %get3A_990 = vector.shape_cast %get3A_989 : vector<1x1x16xf32> to vector<16xf32>
        %add3A_991 = arith.addf %add3A_984, %get3A_990 : vector<16xf32>
        %get3A_992 = arith.constant 3 : i32
        %get3A_993 = arith.index_cast %get3A_992 : i32 to index
        %get3A_994 = arith.index_cast %scan3A_773 : i32 to index
        %get3A_995 = arith.constant 496 : index
        %get3A_996 = tpu.vector_load %arg7[%get3A_993, %get3A_994, %get3A_995] {strides = array<i32>} : memref<4x16x1024xf32, #tpu.memory_space<vmem>>, vector<1x1x16xf32>,
        %get3A_997 = vector.shape_cast %get3A_996 : vector<1x1x16xf32> to vector<16xf32>
        %add3A_998 = arith.addf %add3A_991, %get3A_997 : vector<16xf32>
        %get3A_999 = arith.constant 3 : i32
        %get3A_1000 = arith.index_cast %get3A_999 : i32 to index
        %get3A_1001 = arith.index_cast %scan3A_773 : i32 to index
        %get3A_1002 = arith.constant 512 : index
        %get3A_1003 = tpu.vector_load %arg7[%get3A_1000, %get3A_1001, %get3A_1002] {strides = array<i32>} : memref<4x16x1024xf32, #tpu.memory_space<vmem>>, vector<1x1x16xf32>,
        %get3A_1004 = vector.shape_cast %get3A_1003 : vector<1x1x16xf32> to vector<16xf32>
        %add3A_1005 = arith.addf %add3A_998, %get3A_1004 : vector<16xf32>
        %get3A_1006 = arith.constant 3 : i32
        %get3A_1007 = arith.index_cast %get3A_1006 : i32 to index
        %get3A_1008 = arith.index_cast %scan3A_773 : i32 to index
        %get3A_1009 = arith.constant 528 : index
        %get3A_1010 = tpu.vector_load %arg7[%get3A_1007, %get3A_1008, %get3A_1009] {strides = array<i32>} : memref<4x16x1024xf32, #tpu.memory_space<vmem>>, vector<1x1x16xf32>,
        %get3A_1011 = vector.shape_cast %get3A_1010 : vector<1x1x16xf32> to vector<16xf32>
        %add3A_1012 = arith.addf %add3A_1005, %get3A_1011 : vector<16xf32>
        %get3A_1013 = arith.constant 3 : i32
        %get3A_1014 = arith.index_cast %get3A_1013 : i32 to index
        %get3A_1015 = arith.index_cast %scan3A_773 : i32 to index
        %get3A_1016 = arith.constant 544 : index
        %get3A_1017 = tpu.vector_load %arg7[%get3A_1014, %get3A_1015, %get3A_1016] {strides = array<i32>} : memref<4x16x1024xf32, #tpu.memory_space<vmem>>, vector<1x1x16xf32>,
        %get3A_1018 = vector.shape_cast %get3A_1017 : vector<1x1x16xf32> to vector<16xf32>
        %add3A_1019 = arith.addf %add3A_1012, %get3A_1018 : vector<16xf32>
        %get3A_1020 = arith.constant 3 : i32
        %get3A_1021 = arith.index_cast %get3A_1020 : i32 to index
        %get3A_1022 = arith.index_cast %scan3A_773 : i32 to index
        %get3A_1023 = arith.constant 560 : index
        %get3A_1024 = tpu.vector_load %arg7[%get3A_1021, %get3A_1022, %get3A_1023] {strides = array<i32>} : memref<4x16x1024xf32, #tpu.memory_space<vmem>>, vector<1x1x16xf32>,
        %get3A_1025 = vector.shape_cast %get3A_1024 : vector<1x1x16xf32> to vector<16xf32>
        %add3A_1026 = arith.addf %add3A_1019, %get3A_1025 : vector<16xf32>
        %get3A_1027 = arith.constant 3 : i32
        %get3A_1028 = arith.index_cast %get3A_1027 : i32 to index
        %get3A_1029 = arith.index_cast %scan3A_773 : i32 to index
        %get3A_1030 = arith.constant 576 : index
        %get3A_1031 = tpu.vector_load %arg7[%get3A_1028, %get3A_1029, %get3A_1030] {strides = array<i32>} : memref<4x16x1024xf32, #tpu.memory_space<vmem>>, vector<1x1x16xf32>,
        %get3A_1032 = vector.shape_cast %get3A_1031 : vector<1x1x16xf32> to vector<16xf32>
        %add3A_1033 = arith.addf %add3A_1026, %get3A_1032 : vector<16xf32>
        %get3A_1034 = arith.constant 3 : i32
        %get3A_1035 = arith.index_cast %get3A_1034 : i32 to index
        %get3A_1036 = arith.index_cast %scan3A_773 : i32 to index
        %get3A_1037 = arith.constant 592 : index
        %get3A_1038 = tpu.vector_load %arg7[%get3A_1035, %get3A_1036, %get3A_1037] {strides = array<i32>} : memref<4x16x1024xf32, #tpu.memory_space<vmem>>, vector<1x1x16xf32>,
        %get3A_1039 = vector.shape_cast %get3A_1038 : vector<1x1x16xf32> to vector<16xf32>
        %add3A_1040 = arith.addf %add3A_1033, %get3A_1039 : vector<16xf32>
        %get3A_1041 = arith.constant 3 : i32
        %get3A_1042 = arith.index_cast %get3A_1041 : i32 to index
        %get3A_1043 = arith.index_cast %scan3A_773 : i32 to index
        %get3A_1044 = arith.constant 608 : index
        %get3A_1045 = tpu.vector_load %arg7[%get3A_1042, %get3A_1043, %get3A_1044] {strides = array<i32>} : memref<4x16x1024xf32, #tpu.memory_space<vmem>>, vector<1x1x16xf32>,
        %get3A_1046 = vector.shape_cast %get3A_1045 : vector<1x1x16xf32> to vector<16xf32>
        %add3A_1047 = arith.addf %add3A_1040, %get3A_1046 : vector<16xf32>
        %get3A_1048 = arith.constant 3 : i32
        %get3A_1049 = arith.index_cast %get3A_1048 : i32 to index
        %get3A_1050 = arith.index_cast %scan3A_773 : i32 to index
        %get3A_1051 = arith.constant 624 : index
        %get3A_1052 = tpu.vector_load %arg7[%get3A_1049, %get3A_1050, %get3A_1051] {strides = array<i32>} : memref<4x16x1024xf32, #tpu.memory_space<vmem>>, vector<1x1x16xf32>,
        %get3A_1053 = vector.shape_cast %get3A_1052 : vector<1x1x16xf32> to vector<16xf32>
        %add3A_1054 = arith.addf %add3A_1047, %get3A_1053 : vector<16xf32>
        %get3A_1055 = arith.constant 3 : i32
        %get3A_1056 = arith.index_cast %get3A_1055 : i32 to index
        %get3A_1057 = arith.index_cast %scan3A_773 : i32 to index
        %get3A_1058 = arith.constant 640 : index
        %get3A_1059 = tpu.vector_load %arg7[%get3A_1056, %get3A_1057, %get3A_1058] {strides = array<i32>} : memref<4x16x1024xf32, #tpu.memory_space<vmem>>, vector<1x1x16xf32>,
        %get3A_1060 = vector.shape_cast %get3A_1059 : vector<1x1x16xf32> to vector<16xf32>
        %add3A_1061 = arith.addf %add3A_1054, %get3A_1060 : vector<16xf32>
        %get3A_1062 = arith.constant 3 : i32
        %get3A_1063 = arith.index_cast %get3A_1062 : i32 to index
        %get3A_1064 = arith.index_cast %scan3A_773 : i32 to index
        %get3A_1065 = arith.constant 656 : index
        %get3A_1066 = tpu.vector_load %arg7[%get3A_1063, %get3A_1064, %get3A_1065] {strides = array<i32>} : memref<4x16x1024xf32, #tpu.memory_space<vmem>>, vector<1x1x16xf32>,
        %get3A_1067 = vector.shape_cast %get3A_1066 : vector<1x1x16xf32> to vector<16xf32>
        %add3A_1068 = arith.addf %add3A_1061, %get3A_1067 : vector<16xf32>
        %get3A_1069 = arith.constant 3 : i32
        %get3A_1070 = arith.index_cast %get3A_1069 : i32 to index
        %get3A_1071 = arith.index_cast %scan3A_773 : i32 to index
        %get3A_1072 = arith.constant 672 : index
        %get3A_1073 = tpu.vector_load %arg7[%get3A_1070, %get3A_1071, %get3A_1072] {strides = array<i32>} : memref<4x16x1024xf32, #tpu.memory_space<vmem>>, vector<1x1x16xf32>,
        %get3A_1074 = vector.shape_cast %get3A_1073 : vector<1x1x16xf32> to vector<16xf32>
        %add3A_1075 = arith.addf %add3A_1068, %get3A_1074 : vector<16xf32>
        %get3A_1076 = arith.constant 3 : i32
        %get3A_1077 = arith.index_cast %get3A_1076 : i32 to index
        %get3A_1078 = arith.index_cast %scan3A_773 : i32 to index
        %get3A_1079 = arith.constant 688 : index
        %get3A_1080 = tpu.vector_load %arg7[%get3A_1077, %get3A_1078, %get3A_1079] {strides = array<i32>} : memref<4x16x1024xf32, #tpu.memory_space<vmem>>, vector<1x1x16xf32>,
        %get3A_1081 = vector.shape_cast %get3A_1080 : vector<1x1x16xf32> to vector<16xf32>
        %add3A_1082 = arith.addf %add3A_1075, %get3A_1081 : vector<16xf32>
        %get3A_1083 = arith.constant 3 : i32
        %get3A_1084 = arith.index_cast %get3A_1083 : i32 to index
        %get3A_1085 = arith.index_cast %scan3A_773 : i32 to index
        %get3A_1086 = arith.constant 704 : index
        %get3A_1087 = tpu.vector_load %arg7[%get3A_1084, %get3A_1085, %get3A_1086] {strides = array<i32>} : memref<4x16x1024xf32, #tpu.memory_space<vmem>>, vector<1x1x16xf32>,
        %get3A_1088 = vector.shape_cast %get3A_1087 : vector<1x1x16xf32> to vector<16xf32>
        %add3A_1089 = arith.addf %add3A_1082, %get3A_1088 : vector<16xf32>
        %get3A_1090 = arith.constant 3 : i32
        %get3A_1091 = arith.index_cast %get3A_1090 : i32 to index
        %get3A_1092 = arith.index_cast %scan3A_773 : i32 to index
        %get3A_1093 = arith.constant 720 : index
        %get3A_1094 = tpu.vector_load %arg7[%get3A_1091, %get3A_1092, %get3A_1093] {strides = array<i32>} : memref<4x16x1024xf32, #tpu.memory_space<vmem>>, vector<1x1x16xf32>,
        %get3A_1095 = vector.shape_cast %get3A_1094 : vector<1x1x16xf32> to vector<16xf32>
        %add3A_1096 = arith.addf %add3A_1089, %get3A_1095 : vector<16xf32>
        %get3A_1097 = arith.constant 3 : i32
        %get3A_1098 = arith.index_cast %get3A_1097 : i32 to index
        %get3A_1099 = arith.index_cast %scan3A_773 : i32 to index
        %get3A_1100 = arith.constant 736 : index
        %get3A_1101 = tpu.vector_load %arg7[%get3A_1098, %get3A_1099, %get3A_1100] {strides = array<i32>} : memref<4x16x1024xf32, #tpu.memory_space<vmem>>, vector<1x1x16xf32>,
        %get3A_1102 = vector.shape_cast %get3A_1101 : vector<1x1x16xf32> to vector<16xf32>
        %add3A_1103 = arith.addf %add3A_1096, %get3A_1102 : vector<16xf32>
        %get3A_1104 = arith.constant 3 : i32
        %get3A_1105 = arith.index_cast %get3A_1104 : i32 to index
        %get3A_1106 = arith.index_cast %scan3A_773 : i32 to index
        %get3A_1107 = arith.constant 752 : index
        %get3A_1108 = tpu.vector_load %arg7[%get3A_1105, %get3A_1106, %get3A_1107] {strides = array<i32>} : memref<4x16x1024xf32, #tpu.memory_space<vmem>>, vector<1x1x16xf32>,
        %get3A_1109 = vector.shape_cast %get3A_1108 : vector<1x1x16xf32> to vector<16xf32>
        %add3A_1110 = arith.addf %add3A_1103, %get3A_1109 : vector<16xf32>
        %get3A_1111 = arith.constant 3 : i32
        %get3A_1112 = arith.index_cast %get3A_1111 : i32 to index
        %get3A_1113 = arith.index_cast %scan3A_773 : i32 to index
        %get3A_1114 = arith.constant 768 : index
        %get3A_1115 = tpu.vector_load %arg7[%get3A_1112, %get3A_1113, %get3A_1114] {strides = array<i32>} : memref<4x16x1024xf32, #tpu.memory_space<vmem>>, vector<1x1x16xf32>,
        %get3A_1116 = vector.shape_cast %get3A_1115 : vector<1x1x16xf32> to vector<16xf32>
        %add3A_1117 = arith.addf %add3A_1110, %get3A_1116 : vector<16xf32>
        %get3A_1118 = arith.constant 3 : i32
        %get3A_1119 = arith.index_cast %get3A_1118 : i32 to index
        %get3A_1120 = arith.index_cast %scan3A_773 : i32 to index
        %get3A_1121 = arith.constant 784 : index
        %get3A_1122 = tpu.vector_load %arg7[%get3A_1119, %get3A_1120, %get3A_1121] {strides = array<i32>} : memref<4x16x1024xf32, #tpu.memory_space<vmem>>, vector<1x1x16xf32>,
        %get3A_1123 = vector.shape_cast %get3A_1122 : vector<1x1x16xf32> to vector<16xf32>
        %add3A_1124 = arith.addf %add3A_1117, %get3A_1123 : vector<16xf32>
        %get3A_1125 = arith.constant 3 : i32
        %get3A_1126 = arith.index_cast %get3A_1125 : i32 to index
        %get3A_1127 = arith.index_cast %scan3A_773 : i32 to index
        %get3A_1128 = arith.constant 800 : index
        %get3A_1129 = tpu.vector_load %arg7[%get3A_1126, %get3A_1127, %get3A_1128] {strides = array<i32>} : memref<4x16x1024xf32, #tpu.memory_space<vmem>>, vector<1x1x16xf32>,
        %get3A_1130 = vector.shape_cast %get3A_1129 : vector<1x1x16xf32> to vector<16xf32>
        %add3A_1131 = arith.addf %add3A_1124, %get3A_1130 : vector<16xf32>
        %get3A_1132 = arith.constant 3 : i32
        %get3A_1133 = arith.index_cast %get3A_1132 : i32 to index
        %get3A_1134 = arith.index_cast %scan3A_773 : i32 to index
        %get3A_1135 = arith.constant 816 : index
        %get3A_1136 = tpu.vector_load %arg7[%get3A_1133, %get3A_1134, %get3A_1135] {strides = array<i32>} : memref<4x16x1024xf32, #tpu.memory_space<vmem>>, vector<1x1x16xf32>,
        %get3A_1137 = vector.shape_cast %get3A_1136 : vector<1x1x16xf32> to vector<16xf32>
        %add3A_1138 = arith.addf %add3A_1131, %get3A_1137 : vector<16xf32>
        %get3A_1139 = arith.constant 3 : i32
        %get3A_1140 = arith.index_cast %get3A_1139 : i32 to index
        %get3A_1141 = arith.index_cast %scan3A_773 : i32 to index
        %get3A_1142 = arith.constant 832 : index
        %get3A_1143 = tpu.vector_load %arg7[%get3A_1140, %get3A_1141, %get3A_1142] {strides = array<i32>} : memref<4x16x1024xf32, #tpu.memory_space<vmem>>, vector<1x1x16xf32>,
        %get3A_1144 = vector.shape_cast %get3A_1143 : vector<1x1x16xf32> to vector<16xf32>
        %add3A_1145 = arith.addf %add3A_1138, %get3A_1144 : vector<16xf32>
        %get3A_1146 = arith.constant 3 : i32
        %get3A_1147 = arith.index_cast %get3A_1146 : i32 to index
        %get3A_1148 = arith.index_cast %scan3A_773 : i32 to index
        %get3A_1149 = arith.constant 848 : index
        %get3A_1150 = tpu.vector_load %arg7[%get3A_1147, %get3A_1148, %get3A_1149] {strides = array<i32>} : memref<4x16x1024xf32, #tpu.memory_space<vmem>>, vector<1x1x16xf32>,
        %get3A_1151 = vector.shape_cast %get3A_1150 : vector<1x1x16xf32> to vector<16xf32>
        %add3A_1152 = arith.addf %add3A_1145, %get3A_1151 : vector<16xf32>
        %get3A_1153 = arith.constant 3 : i32
        %get3A_1154 = arith.index_cast %get3A_1153 : i32 to index
        %get3A_1155 = arith.index_cast %scan3A_773 : i32 to index
        %get3A_1156 = arith.constant 864 : index
        %get3A_1157 = tpu.vector_load %arg7[%get3A_1154, %get3A_1155, %get3A_1156] {strides = array<i32>} : memref<4x16x1024xf32, #tpu.memory_space<vmem>>, vector<1x1x16xf32>,
        %get3A_1158 = vector.shape_cast %get3A_1157 : vector<1x1x16xf32> to vector<16xf32>
        %add3A_1159 = arith.addf %add3A_1152, %get3A_1158 : vector<16xf32>
        %get3A_1160 = arith.constant 3 : i32
        %get3A_1161 = arith.index_cast %get3A_1160 : i32 to index
        %get3A_1162 = arith.index_cast %scan3A_773 : i32 to index
        %get3A_1163 = arith.constant 880 : index
        %get3A_1164 = tpu.vector_load %arg7[%get3A_1161, %get3A_1162, %get3A_1163] {strides = array<i32>} : memref<4x16x1024xf32, #tpu.memory_space<vmem>>, vector<1x1x16xf32>,
        %get3A_1165 = vector.shape_cast %get3A_1164 : vector<1x1x16xf32> to vector<16xf32>
        %add3A_1166 = arith.addf %add3A_1159, %get3A_1165 : vector<16xf32>
        %get3A_1167 = arith.constant 3 : i32
        %get3A_1168 = arith.index_cast %get3A_1167 : i32 to index
        %get3A_1169 = arith.index_cast %scan3A_773 : i32 to index
        %get3A_1170 = arith.constant 896 : index
        %get3A_1171 = tpu.vector_load %arg7[%get3A_1168, %get3A_1169, %get3A_1170] {strides = array<i32>} : memref<4x16x1024xf32, #tpu.memory_space<vmem>>, vector<1x1x16xf32>,
        %get3A_1172 = vector.shape_cast %get3A_1171 : vector<1x1x16xf32> to vector<16xf32>
        %add3A_1173 = arith.addf %add3A_1166, %get3A_1172 : vector<16xf32>
        %get3A_1174 = arith.constant 3 : i32
        %get3A_1175 = arith.index_cast %get3A_1174 : i32 to index
        %get3A_1176 = arith.index_cast %scan3A_773 : i32 to index
        %get3A_1177 = arith.constant 912 : index
        %get3A_1178 = tpu.vector_load %arg7[%get3A_1175, %get3A_1176, %get3A_1177] {strides = array<i32>} : memref<4x16x1024xf32, #tpu.memory_space<vmem>>, vector<1x1x16xf32>,
        %get3A_1179 = vector.shape_cast %get3A_1178 : vector<1x1x16xf32> to vector<16xf32>
        %add3A_1180 = arith.addf %add3A_1173, %get3A_1179 : vector<16xf32>
        %get3A_1181 = arith.constant 3 : i32
        %get3A_1182 = arith.index_cast %get3A_1181 : i32 to index
        %get3A_1183 = arith.index_cast %scan3A_773 : i32 to index
        %get3A_1184 = arith.constant 928 : index
        %get3A_1185 = tpu.vector_load %arg7[%get3A_1182, %get3A_1183, %get3A_1184] {strides = array<i32>} : memref<4x16x1024xf32, #tpu.memory_space<vmem>>, vector<1x1x16xf32>,
        %get3A_1186 = vector.shape_cast %get3A_1185 : vector<1x1x16xf32> to vector<16xf32>
        %add3A_1187 = arith.addf %add3A_1180, %get3A_1186 : vector<16xf32>
        %get3A_1188 = arith.constant 3 : i32
        %get3A_1189 = arith.index_cast %get3A_1188 : i32 to index
        %get3A_1190 = arith.index_cast %scan3A_773 : i32 to index
        %get3A_1191 = arith.constant 944 : index
        %get3A_1192 = tpu.vector_load %arg7[%get3A_1189, %get3A_1190, %get3A_1191] {strides = array<i32>} : memref<4x16x1024xf32, #tpu.memory_space<vmem>>, vector<1x1x16xf32>,
        %get3A_1193 = vector.shape_cast %get3A_1192 : vector<1x1x16xf32> to vector<16xf32>
        %add3A_1194 = arith.addf %add3A_1187, %get3A_1193 : vector<16xf32>
        %get3A_1195 = arith.constant 3 : i32
        %get3A_1196 = arith.index_cast %get3A_1195 : i32 to index
        %get3A_1197 = arith.index_cast %scan3A_773 : i32 to index
        %get3A_1198 = arith.constant 960 : index
        %get3A_1199 = tpu.vector_load %arg7[%get3A_1196, %get3A_1197, %get3A_1198] {strides = array<i32>} : memref<4x16x1024xf32, #tpu.memory_space<vmem>>, vector<1x1x16xf32>,
        %get3A_1200 = vector.shape_cast %get3A_1199 : vector<1x1x16xf32> to vector<16xf32>
        %add3A_1201 = arith.addf %add3A_1194, %get3A_1200 : vector<16xf32>
        %get3A_1202 = arith.constant 3 : i32
        %get3A_1203 = arith.index_cast %get3A_1202 : i32 to index
        %get3A_1204 = arith.index_cast %scan3A_773 : i32 to index
        %get3A_1205 = arith.constant 976 : index
        %get3A_1206 = tpu.vector_load %arg7[%get3A_1203, %get3A_1204, %get3A_1205] {strides = array<i32>} : memref<4x16x1024xf32, #tpu.memory_space<vmem>>, vector<1x1x16xf32>,
        %get3A_1207 = vector.shape_cast %get3A_1206 : vector<1x1x16xf32> to vector<16xf32>
        %add3A_1208 = arith.addf %add3A_1201, %get3A_1207 : vector<16xf32>
        %get3A_1209 = arith.constant 3 : i32
        %get3A_1210 = arith.index_cast %get3A_1209 : i32 to index
        %get3A_1211 = arith.index_cast %scan3A_773 : i32 to index
        %get3A_1212 = arith.constant 992 : index
        %get3A_1213 = tpu.vector_load %arg7[%get3A_1210, %get3A_1211, %get3A_1212] {strides = array<i32>} : memref<4x16x1024xf32, #tpu.memory_space<vmem>>, vector<1x1x16xf32>,
        %get3A_1214 = vector.shape_cast %get3A_1213 : vector<1x1x16xf32> to vector<16xf32>
        %add3A_1215 = arith.addf %add3A_1208, %get3A_1214 : vector<16xf32>
        %get3A_1216 = arith.constant 3 : i32
        %get3A_1217 = arith.index_cast %get3A_1216 : i32 to index
        %get3A_1218 = arith.index_cast %scan3A_773 : i32 to index
        %get3A_1219 = arith.constant 1008 : index
        %get3A_1220 = tpu.vector_load %arg7[%get3A_1217, %get3A_1218, %get3A_1219] {strides = array<i32>} : memref<4x16x1024xf32, #tpu.memory_space<vmem>>, vector<1x1x16xf32>,
        %get3A_1221 = vector.shape_cast %get3A_1220 : vector<1x1x16xf32> to vector<16xf32>
        %add3A_1222 = arith.addf %add3A_1215, %get3A_1221 : vector<16xf32>
        scf.yield %add3A_1222 : vector<16xf32>
      }
      %scan3A_772 = arith.constant 16 : i32
      scf.yield %scan3A_771 : vector<16xf32>
    }
    %scan3A_61 = arith.constant 23 : i32
    %add3A_62 = arith.constant 0 : i32
    %add3A_63 = arith.addi %add3A_9, %add3A_62 : i32
    %multiple_of3A_64 = tpu.assume_multiple %add3A_63, 8 : i32
    %dma_wait3A = arith.constant 0 : i32
    %dma_wait3A_65 = arith.constant 0 : i32
    %dma_wait3A_66 = arith.constant 0 : i32
    %dma_wait3A_67 = tpu.memref_slice %arg7[%dma_wait3A, %dma_wait3A_65, %dma_wait3A_66] : memref<4x16x1024xf32, #tpu.memory_space<vmem>> -> memref<1x16x1024xf32, #tpu.memory_space<vmem>>
    %dma_wait3A_68 = tpu.memref_squeeze %dma_wait3A_67 : memref<1x16x1024xf32, #tpu.memory_space<vmem>> -> memref<16x1024xf32, #tpu.memory_space<vmem>>
    %dma_wait3A_69 = arith.constant 0 : i32
    %dma_wait3A_70 = tpu.memref_slice %arg2[%multiple_of3A_64, %dma_wait3A_69] : memref<100000x1024xf32, #tpu.memory_space<hbm>> -> memref<16x1024xf32, #tpu.memory_space<hbm>>
    %dma_wait3A_71 = arith.constant 0 : i32
    %dma_wait3A_72 = arith.constant 0 : i32
    %dma_wait3A_73 = tpu.memref_slice %arg7[%dma_wait3A, %dma_wait3A_71, %dma_wait3A_72] : memref<4x16x1024xf32, #tpu.memory_space<vmem>> -> memref<1x16x1024xf32, #tpu.memory_space<vmem>>
    %dma_wait3A_74 = tpu.memref_squeeze %dma_wait3A_73 : memref<1x16x1024xf32, #tpu.memory_space<vmem>> -> memref<16x1024xf32, #tpu.memory_space<vmem>>
    %dma_wait3A_75 = arith.constant 0 : i32
    %dma_wait3A_76 = tpu.memref_slice %arg2[%multiple_of3A_64, %dma_wait3A_75] : memref<100000x1024xf32, #tpu.memory_space<hbm>> -> memref<16x1024xf32, #tpu.memory_space<hbm>>
    tpu.wait_dma2 semaphore(%arg10 : memref<!tpu.dma_semaphore, #tpu.memory_space<semaphore_mem>>) src(%dma_wait3A_76 : memref<16x1024xf32, #tpu.memory_space<hbm>>) dst(%dma_wait3A_74 : memref<16x1024xf32, #tpu.memory_space<vmem>>)
    %scan3A_77 = arith.constant 0 : i32
    %scan3A_78 = arith.constant 16 : i32
    %scan3A_79 = arith.addi %scan3A_77, %scan3A_78 : i32
    %scan3A_80 = arith.constant 1 : i32
    %scan3A_81 = scf.for %scan3A_584 = %scan3A_77 to %scan3A_79 step %scan3A_80 iter_args(%scan3A_585 = %scan3A_60) -> (vector<16xf32>)  : i32 {
      %get3A_586 = arith.constant 0 : i32
      %get3A_587 = arith.index_cast %get3A_586 : i32 to index
      %get3A_588 = arith.index_cast %scan3A_584 : i32 to index
      %get3A_589 = arith.constant 0 : index
      %get3A_590 = tpu.vector_load %arg7[%get3A_587, %get3A_588, %get3A_589] {strides = array<i32>} : memref<4x16x1024xf32, #tpu.memory_space<vmem>>, vector<1x1x16xf32>,
      %get3A_591 = vector.shape_cast %get3A_590 : vector<1x1x16xf32> to vector<16xf32>
      %add3A_592 = arith.addf %scan3A_585, %get3A_591 : vector<16xf32>
      %get3A_593 = arith.constant 0 : i32
      %get3A_594 = arith.index_cast %get3A_593 : i32 to index
      %get3A_595 = arith.index_cast %scan3A_584 : i32 to index
      %get3A_596 = arith.constant 16 : index
      %get3A_597 = tpu.vector_load %arg7[%get3A_594, %get3A_595, %get3A_596] {strides = array<i32>} : memref<4x16x1024xf32, #tpu.memory_space<vmem>>, vector<1x1x16xf32>,
      %get3A_598 = vector.shape_cast %get3A_597 : vector<1x1x16xf32> to vector<16xf32>
      %add3A_599 = arith.addf %add3A_592, %get3A_598 : vector<16xf32>
      %get3A_600 = arith.constant 0 : i32
      %get3A_601 = arith.index_cast %get3A_600 : i32 to index
      %get3A_602 = arith.index_cast %scan3A_584 : i32 to index
      %get3A_603 = arith.constant 32 : index
      %get3A_604 = tpu.vector_load %arg7[%get3A_601, %get3A_602, %get3A_603] {strides = array<i32>} : memref<4x16x1024xf32, #tpu.memory_space<vmem>>, vector<1x1x16xf32>,
      %get3A_605 = vector.shape_cast %get3A_604 : vector<1x1x16xf32> to vector<16xf32>
      %add3A_606 = arith.addf %add3A_599, %get3A_605 : vector<16xf32>
      %get3A_607 = arith.constant 0 : i32
      %get3A_608 = arith.index_cast %get3A_607 : i32 to index
      %get3A_609 = arith.index_cast %scan3A_584 : i32 to index
      %get3A_610 = arith.constant 48 : index
      %get3A_611 = tpu.vector_load %arg7[%get3A_608, %get3A_609, %get3A_610] {strides = array<i32>} : memref<4x16x1024xf32, #tpu.memory_space<vmem>>, vector<1x1x16xf32>,
      %get3A_612 = vector.shape_cast %get3A_611 : vector<1x1x16xf32> to vector<16xf32>
      %add3A_613 = arith.addf %add3A_606, %get3A_612 : vector<16xf32>
      %get3A_614 = arith.constant 0 : i32
      %get3A_615 = arith.index_cast %get3A_614 : i32 to index
      %get3A_616 = arith.index_cast %scan3A_584 : i32 to index
      %get3A_617 = arith.constant 64 : index
      %get3A_618 = tpu.vector_load %arg7[%get3A_615, %get3A_616, %get3A_617] {strides = array<i32>} : memref<4x16x1024xf32, #tpu.memory_space<vmem>>, vector<1x1x16xf32>,
      %get3A_619 = vector.shape_cast %get3A_618 : vector<1x1x16xf32> to vector<16xf32>
      %add3A_620 = arith.addf %add3A_613, %get3A_619 : vector<16xf32>
      %get3A_621 = arith.constant 0 : i32
      %get3A_622 = arith.index_cast %get3A_621 : i32 to index
      %get3A_623 = arith.index_cast %scan3A_584 : i32 to index
      %get3A_624 = arith.constant 80 : index
      %get3A_625 = tpu.vector_load %arg7[%get3A_622, %get3A_623, %get3A_624] {strides = array<i32>} : memref<4x16x1024xf32, #tpu.memory_space<vmem>>, vector<1x1x16xf32>,
      %get3A_626 = vector.shape_cast %get3A_625 : vector<1x1x16xf32> to vector<16xf32>
      %add3A_627 = arith.addf %add3A_620, %get3A_626 : vector<16xf32>
      %get3A_628 = arith.constant 0 : i32
      %get3A_629 = arith.index_cast %get3A_628 : i32 to index
      %get3A_630 = arith.index_cast %scan3A_584 : i32 to index
      %get3A_631 = arith.constant 96 : index
      %get3A_632 = tpu.vector_load %arg7[%get3A_629, %get3A_630, %get3A_631] {strides = array<i32>} : memref<4x16x1024xf32, #tpu.memory_space<vmem>>, vector<1x1x16xf32>,
      %get3A_633 = vector.shape_cast %get3A_632 : vector<1x1x16xf32> to vector<16xf32>
      %add3A_634 = arith.addf %add3A_627, %get3A_633 : vector<16xf32>
      %get3A_635 = arith.constant 0 : i32
      %get3A_636 = arith.index_cast %get3A_635 : i32 to index
      %get3A_637 = arith.index_cast %scan3A_584 : i32 to index
      %get3A_638 = arith.constant 112 : index
      %get3A_639 = tpu.vector_load %arg7[%get3A_636, %get3A_637, %get3A_638] {strides = array<i32>} : memref<4x16x1024xf32, #tpu.memory_space<vmem>>, vector<1x1x16xf32>,
      %get3A_640 = vector.shape_cast %get3A_639 : vector<1x1x16xf32> to vector<16xf32>
      %add3A_641 = arith.addf %add3A_634, %get3A_640 : vector<16xf32>
      %get3A_642 = arith.constant 0 : i32
      %get3A_643 = arith.index_cast %get3A_642 : i32 to index
      %get3A_644 = arith.index_cast %scan3A_584 : i32 to index
      %get3A_645 = arith.constant 128 : index
      %get3A_646 = tpu.vector_load %arg7[%get3A_643, %get3A_644, %get3A_645] {strides = array<i32>} : memref<4x16x1024xf32, #tpu.memory_space<vmem>>, vector<1x1x16xf32>,
      %get3A_647 = vector.shape_cast %get3A_646 : vector<1x1x16xf32> to vector<16xf32>
      %add3A_648 = arith.addf %add3A_641, %get3A_647 : vector<16xf32>
      %get3A_649 = arith.constant 0 : i32
      %get3A_650 = arith.index_cast %get3A_649 : i32 to index
      %get3A_651 = arith.index_cast %scan3A_584 : i32 to index
      %get3A_652 = arith.constant 144 : index
      %get3A_653 = tpu.vector_load %arg7[%get3A_650, %get3A_651, %get3A_652] {strides = array<i32>} : memref<4x16x1024xf32, #tpu.memory_space<vmem>>, vector<1x1x16xf32>,
      %get3A_654 = vector.shape_cast %get3A_653 : vector<1x1x16xf32> to vector<16xf32>
      %add3A_655 = arith.addf %add3A_648, %get3A_654 : vector<16xf32>
      %get3A_656 = arith.constant 0 : i32
      %get3A_657 = arith.index_cast %get3A_656 : i32 to index
      %get3A_658 = arith.index_cast %scan3A_584 : i32 to index
      %get3A_659 = arith.constant 160 : index
      %get3A_660 = tpu.vector_load %arg7[%get3A_657, %get3A_658, %get3A_659] {strides = array<i32>} : memref<4x16x1024xf32, #tpu.memory_space<vmem>>, vector<1x1x16xf32>,
      %get3A_661 = vector.shape_cast %get3A_660 : vector<1x1x16xf32> to vector<16xf32>
      %add3A_662 = arith.addf %add3A_655, %get3A_661 : vector<16xf32>
      %get3A_663 = arith.constant 0 : i32
      %get3A_664 = arith.index_cast %get3A_663 : i32 to index
      %get3A_665 = arith.index_cast %scan3A_584 : i32 to index
      %get3A_666 = arith.constant 176 : index
      %get3A_667 = tpu.vector_load %arg7[%get3A_664, %get3A_665, %get3A_666] {strides = array<i32>} : memref<4x16x1024xf32, #tpu.memory_space<vmem>>, vector<1x1x16xf32>,
      %get3A_668 = vector.shape_cast %get3A_667 : vector<1x1x16xf32> to vector<16xf32>
      %add3A_669 = arith.addf %add3A_662, %get3A_668 : vector<16xf32>
      %get3A_670 = arith.constant 0 : i32
      %get3A_671 = arith.index_cast %get3A_670 : i32 to index
      %get3A_672 = arith.index_cast %scan3A_584 : i32 to index
      %get3A_673 = arith.constant 192 : index
      %get3A_674 = tpu.vector_load %arg7[%get3A_671, %get3A_672, %get3A_673] {strides = array<i32>} : memref<4x16x1024xf32, #tpu.memory_space<vmem>>, vector<1x1x16xf32>,
      %get3A_675 = vector.shape_cast %get3A_674 : vector<1x1x16xf32> to vector<16xf32>
      %add3A_676 = arith.addf %add3A_669, %get3A_675 : vector<16xf32>
      %get3A_677 = arith.constant 0 : i32
      %get3A_678 = arith.index_cast %get3A_677 : i32 to index
      %get3A_679 = arith.index_cast %scan3A_584 : i32 to index
      %get3A_680 = arith.constant 208 : index
      %get3A_681 = tpu.vector_load %arg7[%get3A_678, %get3A_679, %get3A_680] {strides = array<i32>} : memref<4x16x1024xf32, #tpu.memory_space<vmem>>, vector<1x1x16xf32>,
      %get3A_682 = vector.shape_cast %get3A_681 : vector<1x1x16xf32> to vector<16xf32>
      %add3A_683 = arith.addf %add3A_676, %get3A_682 : vector<16xf32>
      %get3A_684 = arith.constant 0 : i32
      %get3A_685 = arith.index_cast %get3A_684 : i32 to index
      %get3A_686 = arith.index_cast %scan3A_584 : i32 to index
      %get3A_687 = arith.constant 224 : index
      %get3A_688 = tpu.vector_load %arg7[%get3A_685, %get3A_686, %get3A_687] {strides = array<i32>} : memref<4x16x1024xf32, #tpu.memory_space<vmem>>, vector<1x1x16xf32>,
      %get3A_689 = vector.shape_cast %get3A_688 : vector<1x1x16xf32> to vector<16xf32>
      %add3A_690 = arith.addf %add3A_683, %get3A_689 : vector<16xf32>
      %get3A_691 = arith.constant 0 : i32
      %get3A_692 = arith.index_cast %get3A_691 : i32 to index
      %get3A_693 = arith.index_cast %scan3A_584 : i32 to index
      %get3A_694 = arith.constant 240 : index
      %get3A_695 = tpu.vector_load %arg7[%get3A_692, %get3A_693, %get3A_694] {strides = array<i32>} : memref<4x16x1024xf32, #tpu.memory_space<vmem>>, vector<1x1x16xf32>,
      %get3A_696 = vector.shape_cast %get3A_695 : vector<1x1x16xf32> to vector<16xf32>
      %add3A_697 = arith.addf %add3A_690, %get3A_696 : vector<16xf32>
      %get3A_698 = arith.constant 0 : i32
      %get3A_699 = arith.index_cast %get3A_698 : i32 to index
      %get3A_700 = arith.index_cast %scan3A_584 : i32 to index
      %get3A_701 = arith.constant 256 : index
      %get3A_702 = tpu.vector_load %arg7[%get3A_699, %get3A_700, %get3A_701] {strides = array<i32>} : memref<4x16x1024xf32, #tpu.memory_space<vmem>>, vector<1x1x16xf32>,
      %get3A_703 = vector.shape_cast %get3A_702 : vector<1x1x16xf32> to vector<16xf32>
      %add3A_704 = arith.addf %add3A_697, %get3A_703 : vector<16xf32>
      %get3A_705 = arith.constant 0 : i32
      %get3A_706 = arith.index_cast %get3A_705 : i32 to index
      %get3A_707 = arith.index_cast %scan3A_584 : i32 to index
      %get3A_708 = arith.constant 272 : index
      %get3A_709 = tpu.vector_load %arg7[%get3A_706, %get3A_707, %get3A_708] {strides = array<i32>} : memref<4x16x1024xf32, #tpu.memory_space<vmem>>, vector<1x1x16xf32>,
      %get3A_710 = vector.shape_cast %get3A_709 : vector<1x1x16xf32> to vector<16xf32>
      %add3A_711 = arith.addf %add3A_704, %get3A_710 : vector<16xf32>
      %get3A_712 = arith.constant 0 : i32
      %get3A_713 = arith.index_cast %get3A_712 : i32 to index
      %get3A_714 = arith.index_cast %scan3A_584 : i32 to index
      %get3A_715 = arith.constant 288 : index
      %get3A_716 = tpu.vector_load %arg7[%get3A_713, %get3A_714, %get3A_715] {strides = array<i32>} : memref<4x16x1024xf32, #tpu.memory_space<vmem>>, vector<1x1x16xf32>,
      %get3A_717 = vector.shape_cast %get3A_716 : vector<1x1x16xf32> to vector<16xf32>
      %add3A_718 = arith.addf %add3A_711, %get3A_717 : vector<16xf32>
      %get3A_719 = arith.constant 0 : i32
      %get3A_720 = arith.index_cast %get3A_719 : i32 to index
      %get3A_721 = arith.index_cast %scan3A_584 : i32 to index
      %get3A_722 = arith.constant 304 : index
      %get3A_723 = tpu.vector_load %arg7[%get3A_720, %get3A_721, %get3A_722] {strides = array<i32>} : memref<4x16x1024xf32, #tpu.memory_space<vmem>>, vector<1x1x16xf32>,
      %get3A_724 = vector.shape_cast %get3A_723 : vector<1x1x16xf32> to vector<16xf32>
      %add3A_725 = arith.addf %add3A_718, %get3A_724 : vector<16xf32>
      %get3A_726 = arith.constant 0 : i32
      %get3A_727 = arith.index_cast %get3A_726 : i32 to index
      %get3A_728 = arith.index_cast %scan3A_584 : i32 to index
      %get3A_729 = arith.constant 320 : index
      %get3A_730 = tpu.vector_load %arg7[%get3A_727, %get3A_728, %get3A_729] {strides = array<i32>} : memref<4x16x1024xf32, #tpu.memory_space<vmem>>, vector<1x1x16xf32>,
      %get3A_731 = vector.shape_cast %get3A_730 : vector<1x1x16xf32> to vector<16xf32>
      %add3A_732 = arith.addf %add3A_725, %get3A_731 : vector<16xf32>
      %get3A_733 = arith.constant 0 : i32
      %get3A_734 = arith.index_cast %get3A_733 : i32 to index
      %get3A_735 = arith.index_cast %scan3A_584 : i32 to index
      %get3A_736 = arith.constant 336 : index
      %get3A_737 = tpu.vector_load %arg7[%get3A_734, %get3A_735, %get3A_736] {strides = array<i32>} : memref<4x16x1024xf32, #tpu.memory_space<vmem>>, vector<1x1x16xf32>,
      %get3A_738 = vector.shape_cast %get3A_737 : vector<1x1x16xf32> to vector<16xf32>
      %add3A_739 = arith.addf %add3A_732, %get3A_738 : vector<16xf32>
      %get3A_740 = arith.constant 0 : i32
      %get3A_741 = arith.index_cast %get3A_740 : i32 to index
      %get3A_742 = arith.index_cast %scan3A_584 : i32 to index
      %get3A_743 = arith.constant 352 : index
      %get3A_744 = tpu.vector_load %arg7[%get3A_741, %get3A_742, %get3A_743] {strides = array<i32>} : memref<4x16x1024xf32, #tpu.memory_space<vmem>>, vector<1x1x16xf32>,
      %get3A_745 = vector.shape_cast %get3A_744 : vector<1x1x16xf32> to vector<16xf32>
      %add3A_746 = arith.addf %add3A_739, %get3A_745 : vector<16xf32>
      %get3A_747 = arith.constant 0 : i32
      %get3A_748 = arith.index_cast %get3A_747 : i32 to index
      %get3A_749 = arith.index_cast %scan3A_584 : i32 to index
      %get3A_750 = arith.constant 368 : index
      %get3A_751 = tpu.vector_load %arg7[%get3A_748, %get3A_749, %get3A_750] {strides = array<i32>} : memref<4x16x1024xf32, #tpu.memory_space<vmem>>, vector<1x1x16xf32>,
      %get3A_752 = vector.shape_cast %get3A_751 : vector<1x1x16xf32> to vector<16xf32>
      %add3A_753 = arith.addf %add3A_746, %get3A_752 : vector<16xf32>
      %get3A_754 = arith.constant 0 : i32
      %get3A_755 = arith.index_cast %get3A_754 : i32 to index
      %get3A_756 = arith.index_cast %scan3A_584 : i32 to index
      %get3A_757 = arith.constant 384 : index
      %get3A_758 = tpu.vector_load %arg7[%get3A_755, %get3A_756, %get3A_757] {strides = array<i32>} : memref<4x16x1024xf32, #tpu.memory_space<vmem>>, vector<1x1x16xf32>,
      %get3A_759 = vector.shape_cast %get3A_758 : vector<1x1x16xf32> to vector<16xf32>
      %add3A_760 = arith.addf %add3A_753, %get3A_759 : vector<16xf32>
      %get3A_761 = arith.constant 0 : i32
      %get3A_762 = arith.index_cast %get3A_761 : i32 to index
      %get3A_763 = arith.index_cast %scan3A_584 : i32 to index
      %get3A_764 = arith.constant 400 : index
      %get3A_765 = tpu.vector_load %arg7[%get3A_762, %get3A_763, %get3A_764] {strides = array<i32>} : memref<4x16x1024xf32, #tpu.memory_space<vmem>>, vector<1x1x16xf32>,
      %get3A_766 = vector.shape_cast %get3A_765 : vector<1x1x16xf32> to vector<16xf32>
      %add3A_767 = arith.addf %add3A_760, %get3A_766 : vector<16xf32>
      %get3A_768 = arith.constant 0 : i32
      %get3A_769 = arith.index_cast %get3A_768 : i32 to index
      %get3A_770 = arith.index_cast %scan3A_584 : i32 to index
      %get3A_771 = arith.constant 416 : index
      %get3A_772 = tpu.vector_load %arg7[%get3A_769, %get3A_770, %get3A_771] {strides = array<i32>} : memref<4x16x1024xf32, #tpu.memory_space<vmem>>, vector<1x1x16xf32>,
      %get3A_773 = vector.shape_cast %get3A_772 : vector<1x1x16xf32> to vector<16xf32>
      %add3A_774 = arith.addf %add3A_767, %get3A_773 : vector<16xf32>
      %get3A_775 = arith.constant 0 : i32
      %get3A_776 = arith.index_cast %get3A_775 : i32 to index
      %get3A_777 = arith.index_cast %scan3A_584 : i32 to index
      %get3A_778 = arith.constant 432 : index
      %get3A_779 = tpu.vector_load %arg7[%get3A_776, %get3A_777, %get3A_778] {strides = array<i32>} : memref<4x16x1024xf32, #tpu.memory_space<vmem>>, vector<1x1x16xf32>,
      %get3A_780 = vector.shape_cast %get3A_779 : vector<1x1x16xf32> to vector<16xf32>
      %add3A_781 = arith.addf %add3A_774, %get3A_780 : vector<16xf32>
      %get3A_782 = arith.constant 0 : i32
      %get3A_783 = arith.index_cast %get3A_782 : i32 to index
      %get3A_784 = arith.index_cast %scan3A_584 : i32 to index
      %get3A_785 = arith.constant 448 : index
      %get3A_786 = tpu.vector_load %arg7[%get3A_783, %get3A_784, %get3A_785] {strides = array<i32>} : memref<4x16x1024xf32, #tpu.memory_space<vmem>>, vector<1x1x16xf32>,
      %get3A_787 = vector.shape_cast %get3A_786 : vector<1x1x16xf32> to vector<16xf32>
      %add3A_788 = arith.addf %add3A_781, %get3A_787 : vector<16xf32>
      %get3A_789 = arith.constant 0 : i32
      %get3A_790 = arith.index_cast %get3A_789 : i32 to index
      %get3A_791 = arith.index_cast %scan3A_584 : i32 to index
      %get3A_792 = arith.constant 464 : index
      %get3A_793 = tpu.vector_load %arg7[%get3A_790, %get3A_791, %get3A_792] {strides = array<i32>} : memref<4x16x1024xf32, #tpu.memory_space<vmem>>, vector<1x1x16xf32>,
      %get3A_794 = vector.shape_cast %get3A_793 : vector<1x1x16xf32> to vector<16xf32>
      %add3A_795 = arith.addf %add3A_788, %get3A_794 : vector<16xf32>
      %get3A_796 = arith.constant 0 : i32
      %get3A_797 = arith.index_cast %get3A_796 : i32 to index
      %get3A_798 = arith.index_cast %scan3A_584 : i32 to index
      %get3A_799 = arith.constant 480 : index
      %get3A_800 = tpu.vector_load %arg7[%get3A_797, %get3A_798, %get3A_799] {strides = array<i32>} : memref<4x16x1024xf32, #tpu.memory_space<vmem>>, vector<1x1x16xf32>,
      %get3A_801 = vector.shape_cast %get3A_800 : vector<1x1x16xf32> to vector<16xf32>
      %add3A_802 = arith.addf %add3A_795, %get3A_801 : vector<16xf32>
      %get3A_803 = arith.constant 0 : i32
      %get3A_804 = arith.index_cast %get3A_803 : i32 to index
      %get3A_805 = arith.index_cast %scan3A_584 : i32 to index
      %get3A_806 = arith.constant 496 : index
      %get3A_807 = tpu.vector_load %arg7[%get3A_804, %get3A_805, %get3A_806] {strides = array<i32>} : memref<4x16x1024xf32, #tpu.memory_space<vmem>>, vector<1x1x16xf32>,
      %get3A_808 = vector.shape_cast %get3A_807 : vector<1x1x16xf32> to vector<16xf32>
      %add3A_809 = arith.addf %add3A_802, %get3A_808 : vector<16xf32>
      %get3A_810 = arith.constant 0 : i32
      %get3A_811 = arith.index_cast %get3A_810 : i32 to index
      %get3A_812 = arith.index_cast %scan3A_584 : i32 to index
      %get3A_813 = arith.constant 512 : index
      %get3A_814 = tpu.vector_load %arg7[%get3A_811, %get3A_812, %get3A_813] {strides = array<i32>} : memref<4x16x1024xf32, #tpu.memory_space<vmem>>, vector<1x1x16xf32>,
      %get3A_815 = vector.shape_cast %get3A_814 : vector<1x1x16xf32> to vector<16xf32>
      %add3A_816 = arith.addf %add3A_809, %get3A_815 : vector<16xf32>
      %get3A_817 = arith.constant 0 : i32
      %get3A_818 = arith.index_cast %get3A_817 : i32 to index
      %get3A_819 = arith.index_cast %scan3A_584 : i32 to index
      %get3A_820 = arith.constant 528 : index
      %get3A_821 = tpu.vector_load %arg7[%get3A_818, %get3A_819, %get3A_820] {strides = array<i32>} : memref<4x16x1024xf32, #tpu.memory_space<vmem>>, vector<1x1x16xf32>,
      %get3A_822 = vector.shape_cast %get3A_821 : vector<1x1x16xf32> to vector<16xf32>
      %add3A_823 = arith.addf %add3A_816, %get3A_822 : vector<16xf32>
      %get3A_824 = arith.constant 0 : i32
      %get3A_825 = arith.index_cast %get3A_824 : i32 to index
      %get3A_826 = arith.index_cast %scan3A_584 : i32 to index
      %get3A_827 = arith.constant 544 : index
      %get3A_828 = tpu.vector_load %arg7[%get3A_825, %get3A_826, %get3A_827] {strides = array<i32>} : memref<4x16x1024xf32, #tpu.memory_space<vmem>>, vector<1x1x16xf32>,
      %get3A_829 = vector.shape_cast %get3A_828 : vector<1x1x16xf32> to vector<16xf32>
      %add3A_830 = arith.addf %add3A_823, %get3A_829 : vector<16xf32>
      %get3A_831 = arith.constant 0 : i32
      %get3A_832 = arith.index_cast %get3A_831 : i32 to index
      %get3A_833 = arith.index_cast %scan3A_584 : i32 to index
      %get3A_834 = arith.constant 560 : index
      %get3A_835 = tpu.vector_load %arg7[%get3A_832, %get3A_833, %get3A_834] {strides = array<i32>} : memref<4x16x1024xf32, #tpu.memory_space<vmem>>, vector<1x1x16xf32>,
      %get3A_836 = vector.shape_cast %get3A_835 : vector<1x1x16xf32> to vector<16xf32>
      %add3A_837 = arith.addf %add3A_830, %get3A_836 : vector<16xf32>
      %get3A_838 = arith.constant 0 : i32
      %get3A_839 = arith.index_cast %get3A_838 : i32 to index
      %get3A_840 = arith.index_cast %scan3A_584 : i32 to index
      %get3A_841 = arith.constant 576 : index
      %get3A_842 = tpu.vector_load %arg7[%get3A_839, %get3A_840, %get3A_841] {strides = array<i32>} : memref<4x16x1024xf32, #tpu.memory_space<vmem>>, vector<1x1x16xf32>,
      %get3A_843 = vector.shape_cast %get3A_842 : vector<1x1x16xf32> to vector<16xf32>
      %add3A_844 = arith.addf %add3A_837, %get3A_843 : vector<16xf32>
      %get3A_845 = arith.constant 0 : i32
      %get3A_846 = arith.index_cast %get3A_845 : i32 to index
      %get3A_847 = arith.index_cast %scan3A_584 : i32 to index
      %get3A_848 = arith.constant 592 : index
      %get3A_849 = tpu.vector_load %arg7[%get3A_846, %get3A_847, %get3A_848] {strides = array<i32>} : memref<4x16x1024xf32, #tpu.memory_space<vmem>>, vector<1x1x16xf32>,
      %get3A_850 = vector.shape_cast %get3A_849 : vector<1x1x16xf32> to vector<16xf32>
      %add3A_851 = arith.addf %add3A_844, %get3A_850 : vector<16xf32>
      %get3A_852 = arith.constant 0 : i32
      %get3A_853 = arith.index_cast %get3A_852 : i32 to index
      %get3A_854 = arith.index_cast %scan3A_584 : i32 to index
      %get3A_855 = arith.constant 608 : index
      %get3A_856 = tpu.vector_load %arg7[%get3A_853, %get3A_854, %get3A_855] {strides = array<i32>} : memref<4x16x1024xf32, #tpu.memory_space<vmem>>, vector<1x1x16xf32>,
      %get3A_857 = vector.shape_cast %get3A_856 : vector<1x1x16xf32> to vector<16xf32>
      %add3A_858 = arith.addf %add3A_851, %get3A_857 : vector<16xf32>
      %get3A_859 = arith.constant 0 : i32
      %get3A_860 = arith.index_cast %get3A_859 : i32 to index
      %get3A_861 = arith.index_cast %scan3A_584 : i32 to index
      %get3A_862 = arith.constant 624 : index
      %get3A_863 = tpu.vector_load %arg7[%get3A_860, %get3A_861, %get3A_862] {strides = array<i32>} : memref<4x16x1024xf32, #tpu.memory_space<vmem>>, vector<1x1x16xf32>,
      %get3A_864 = vector.shape_cast %get3A_863 : vector<1x1x16xf32> to vector<16xf32>
      %add3A_865 = arith.addf %add3A_858, %get3A_864 : vector<16xf32>
      %get3A_866 = arith.constant 0 : i32
      %get3A_867 = arith.index_cast %get3A_866 : i32 to index
      %get3A_868 = arith.index_cast %scan3A_584 : i32 to index
      %get3A_869 = arith.constant 640 : index
      %get3A_870 = tpu.vector_load %arg7[%get3A_867, %get3A_868, %get3A_869] {strides = array<i32>} : memref<4x16x1024xf32, #tpu.memory_space<vmem>>, vector<1x1x16xf32>,
      %get3A_871 = vector.shape_cast %get3A_870 : vector<1x1x16xf32> to vector<16xf32>
      %add3A_872 = arith.addf %add3A_865, %get3A_871 : vector<16xf32>
      %get3A_873 = arith.constant 0 : i32
      %get3A_874 = arith.index_cast %get3A_873 : i32 to index
      %get3A_875 = arith.index_cast %scan3A_584 : i32 to index
      %get3A_876 = arith.constant 656 : index
      %get3A_877 = tpu.vector_load %arg7[%get3A_874, %get3A_875, %get3A_876] {strides = array<i32>} : memref<4x16x1024xf32, #tpu.memory_space<vmem>>, vector<1x1x16xf32>,
      %get3A_878 = vector.shape_cast %get3A_877 : vector<1x1x16xf32> to vector<16xf32>
      %add3A_879 = arith.addf %add3A_872, %get3A_878 : vector<16xf32>
      %get3A_880 = arith.constant 0 : i32
      %get3A_881 = arith.index_cast %get3A_880 : i32 to index
      %get3A_882 = arith.index_cast %scan3A_584 : i32 to index
      %get3A_883 = arith.constant 672 : index
      %get3A_884 = tpu.vector_load %arg7[%get3A_881, %get3A_882, %get3A_883] {strides = array<i32>} : memref<4x16x1024xf32, #tpu.memory_space<vmem>>, vector<1x1x16xf32>,
      %get3A_885 = vector.shape_cast %get3A_884 : vector<1x1x16xf32> to vector<16xf32>
      %add3A_886 = arith.addf %add3A_879, %get3A_885 : vector<16xf32>
      %get3A_887 = arith.constant 0 : i32
      %get3A_888 = arith.index_cast %get3A_887 : i32 to index
      %get3A_889 = arith.index_cast %scan3A_584 : i32 to index
      %get3A_890 = arith.constant 688 : index
      %get3A_891 = tpu.vector_load %arg7[%get3A_888, %get3A_889, %get3A_890] {strides = array<i32>} : memref<4x16x1024xf32, #tpu.memory_space<vmem>>, vector<1x1x16xf32>,
      %get3A_892 = vector.shape_cast %get3A_891 : vector<1x1x16xf32> to vector<16xf32>
      %add3A_893 = arith.addf %add3A_886, %get3A_892 : vector<16xf32>
      %get3A_894 = arith.constant 0 : i32
      %get3A_895 = arith.index_cast %get3A_894 : i32 to index
      %get3A_896 = arith.index_cast %scan3A_584 : i32 to index
      %get3A_897 = arith.constant 704 : index
      %get3A_898 = tpu.vector_load %arg7[%get3A_895, %get3A_896, %get3A_897] {strides = array<i32>} : memref<4x16x1024xf32, #tpu.memory_space<vmem>>, vector<1x1x16xf32>,
      %get3A_899 = vector.shape_cast %get3A_898 : vector<1x1x16xf32> to vector<16xf32>
      %add3A_900 = arith.addf %add3A_893, %get3A_899 : vector<16xf32>
      %get3A_901 = arith.constant 0 : i32
      %get3A_902 = arith.index_cast %get3A_901 : i32 to index
      %get3A_903 = arith.index_cast %scan3A_584 : i32 to index
      %get3A_904 = arith.constant 720 : index
      %get3A_905 = tpu.vector_load %arg7[%get3A_902, %get3A_903, %get3A_904] {strides = array<i32>} : memref<4x16x1024xf32, #tpu.memory_space<vmem>>, vector<1x1x16xf32>,
      %get3A_906 = vector.shape_cast %get3A_905 : vector<1x1x16xf32> to vector<16xf32>
      %add3A_907 = arith.addf %add3A_900, %get3A_906 : vector<16xf32>
      %get3A_908 = arith.constant 0 : i32
      %get3A_909 = arith.index_cast %get3A_908 : i32 to index
      %get3A_910 = arith.index_cast %scan3A_584 : i32 to index
      %get3A_911 = arith.constant 736 : index
      %get3A_912 = tpu.vector_load %arg7[%get3A_909, %get3A_910, %get3A_911] {strides = array<i32>} : memref<4x16x1024xf32, #tpu.memory_space<vmem>>, vector<1x1x16xf32>,
      %get3A_913 = vector.shape_cast %get3A_912 : vector<1x1x16xf32> to vector<16xf32>
      %add3A_914 = arith.addf %add3A_907, %get3A_913 : vector<16xf32>
      %get3A_915 = arith.constant 0 : i32
      %get3A_916 = arith.index_cast %get3A_915 : i32 to index
      %get3A_917 = arith.index_cast %scan3A_584 : i32 to index
      %get3A_918 = arith.constant 752 : index
      %get3A_919 = tpu.vector_load %arg7[%get3A_916, %get3A_917, %get3A_918] {strides = array<i32>} : memref<4x16x1024xf32, #tpu.memory_space<vmem>>, vector<1x1x16xf32>,
      %get3A_920 = vector.shape_cast %get3A_919 : vector<1x1x16xf32> to vector<16xf32>
      %add3A_921 = arith.addf %add3A_914, %get3A_920 : vector<16xf32>
      %get3A_922 = arith.constant 0 : i32
      %get3A_923 = arith.index_cast %get3A_922 : i32 to index
      %get3A_924 = arith.index_cast %scan3A_584 : i32 to index
      %get3A_925 = arith.constant 768 : index
      %get3A_926 = tpu.vector_load %arg7[%get3A_923, %get3A_924, %get3A_925] {strides = array<i32>} : memref<4x16x1024xf32, #tpu.memory_space<vmem>>, vector<1x1x16xf32>,
      %get3A_927 = vector.shape_cast %get3A_926 : vector<1x1x16xf32> to vector<16xf32>
      %add3A_928 = arith.addf %add3A_921, %get3A_927 : vector<16xf32>
      %get3A_929 = arith.constant 0 : i32
      %get3A_930 = arith.index_cast %get3A_929 : i32 to index
      %get3A_931 = arith.index_cast %scan3A_584 : i32 to index
      %get3A_932 = arith.constant 784 : index
      %get3A_933 = tpu.vector_load %arg7[%get3A_930, %get3A_931, %get3A_932] {strides = array<i32>} : memref<4x16x1024xf32, #tpu.memory_space<vmem>>, vector<1x1x16xf32>,
      %get3A_934 = vector.shape_cast %get3A_933 : vector<1x1x16xf32> to vector<16xf32>
      %add3A_935 = arith.addf %add3A_928, %get3A_934 : vector<16xf32>
      %get3A_936 = arith.constant 0 : i32
      %get3A_937 = arith.index_cast %get3A_936 : i32 to index
      %get3A_938 = arith.index_cast %scan3A_584 : i32 to index
      %get3A_939 = arith.constant 800 : index
      %get3A_940 = tpu.vector_load %arg7[%get3A_937, %get3A_938, %get3A_939] {strides = array<i32>} : memref<4x16x1024xf32, #tpu.memory_space<vmem>>, vector<1x1x16xf32>,
      %get3A_941 = vector.shape_cast %get3A_940 : vector<1x1x16xf32> to vector<16xf32>
      %add3A_942 = arith.addf %add3A_935, %get3A_941 : vector<16xf32>
      %get3A_943 = arith.constant 0 : i32
      %get3A_944 = arith.index_cast %get3A_943 : i32 to index
      %get3A_945 = arith.index_cast %scan3A_584 : i32 to index
      %get3A_946 = arith.constant 816 : index
      %get3A_947 = tpu.vector_load %arg7[%get3A_944, %get3A_945, %get3A_946] {strides = array<i32>} : memref<4x16x1024xf32, #tpu.memory_space<vmem>>, vector<1x1x16xf32>,
      %get3A_948 = vector.shape_cast %get3A_947 : vector<1x1x16xf32> to vector<16xf32>
      %add3A_949 = arith.addf %add3A_942, %get3A_948 : vector<16xf32>
      %get3A_950 = arith.constant 0 : i32
      %get3A_951 = arith.index_cast %get3A_950 : i32 to index
      %get3A_952 = arith.index_cast %scan3A_584 : i32 to index
      %get3A_953 = arith.constant 832 : index
      %get3A_954 = tpu.vector_load %arg7[%get3A_951, %get3A_952, %get3A_953] {strides = array<i32>} : memref<4x16x1024xf32, #tpu.memory_space<vmem>>, vector<1x1x16xf32>,
      %get3A_955 = vector.shape_cast %get3A_954 : vector<1x1x16xf32> to vector<16xf32>
      %add3A_956 = arith.addf %add3A_949, %get3A_955 : vector<16xf32>
      %get3A_957 = arith.constant 0 : i32
      %get3A_958 = arith.index_cast %get3A_957 : i32 to index
      %get3A_959 = arith.index_cast %scan3A_584 : i32 to index
      %get3A_960 = arith.constant 848 : index
      %get3A_961 = tpu.vector_load %arg7[%get3A_958, %get3A_959, %get3A_960] {strides = array<i32>} : memref<4x16x1024xf32, #tpu.memory_space<vmem>>, vector<1x1x16xf32>,
      %get3A_962 = vector.shape_cast %get3A_961 : vector<1x1x16xf32> to vector<16xf32>
      %add3A_963 = arith.addf %add3A_956, %get3A_962 : vector<16xf32>
      %get3A_964 = arith.constant 0 : i32
      %get3A_965 = arith.index_cast %get3A_964 : i32 to index
      %get3A_966 = arith.index_cast %scan3A_584 : i32 to index
      %get3A_967 = arith.constant 864 : index
      %get3A_968 = tpu.vector_load %arg7[%get3A_965, %get3A_966, %get3A_967] {strides = array<i32>} : memref<4x16x1024xf32, #tpu.memory_space<vmem>>, vector<1x1x16xf32>,
      %get3A_969 = vector.shape_cast %get3A_968 : vector<1x1x16xf32> to vector<16xf32>
      %add3A_970 = arith.addf %add3A_963, %get3A_969 : vector<16xf32>
      %get3A_971 = arith.constant 0 : i32
      %get3A_972 = arith.index_cast %get3A_971 : i32 to index
      %get3A_973 = arith.index_cast %scan3A_584 : i32 to index
      %get3A_974 = arith.constant 880 : index
      %get3A_975 = tpu.vector_load %arg7[%get3A_972, %get3A_973, %get3A_974] {strides = array<i32>} : memref<4x16x1024xf32, #tpu.memory_space<vmem>>, vector<1x1x16xf32>,
      %get3A_976 = vector.shape_cast %get3A_975 : vector<1x1x16xf32> to vector<16xf32>
      %add3A_977 = arith.addf %add3A_970, %get3A_976 : vector<16xf32>
      %get3A_978 = arith.constant 0 : i32
      %get3A_979 = arith.index_cast %get3A_978 : i32 to index
      %get3A_980 = arith.index_cast %scan3A_584 : i32 to index
      %get3A_981 = arith.constant 896 : index
      %get3A_982 = tpu.vector_load %arg7[%get3A_979, %get3A_980, %get3A_981] {strides = array<i32>} : memref<4x16x1024xf32, #tpu.memory_space<vmem>>, vector<1x1x16xf32>,
      %get3A_983 = vector.shape_cast %get3A_982 : vector<1x1x16xf32> to vector<16xf32>
      %add3A_984 = arith.addf %add3A_977, %get3A_983 : vector<16xf32>
      %get3A_985 = arith.constant 0 : i32
      %get3A_986 = arith.index_cast %get3A_985 : i32 to index
      %get3A_987 = arith.index_cast %scan3A_584 : i32 to index
      %get3A_988 = arith.constant 912 : index
      %get3A_989 = tpu.vector_load %arg7[%get3A_986, %get3A_987, %get3A_988] {strides = array<i32>} : memref<4x16x1024xf32, #tpu.memory_space<vmem>>, vector<1x1x16xf32>,
      %get3A_990 = vector.shape_cast %get3A_989 : vector<1x1x16xf32> to vector<16xf32>
      %add3A_991 = arith.addf %add3A_984, %get3A_990 : vector<16xf32>
      %get3A_992 = arith.constant 0 : i32
      %get3A_993 = arith.index_cast %get3A_992 : i32 to index
      %get3A_994 = arith.index_cast %scan3A_584 : i32 to index
      %get3A_995 = arith.constant 928 : index
      %get3A_996 = tpu.vector_load %arg7[%get3A_993, %get3A_994, %get3A_995] {strides = array<i32>} : memref<4x16x1024xf32, #tpu.memory_space<vmem>>, vector<1x1x16xf32>,
      %get3A_997 = vector.shape_cast %get3A_996 : vector<1x1x16xf32> to vector<16xf32>
      %add3A_998 = arith.addf %add3A_991, %get3A_997 : vector<16xf32>
      %get3A_999 = arith.constant 0 : i32
      %get3A_1000 = arith.index_cast %get3A_999 : i32 to index
      %get3A_1001 = arith.index_cast %scan3A_584 : i32 to index
      %get3A_1002 = arith.constant 944 : index
      %get3A_1003 = tpu.vector_load %arg7[%get3A_1000, %get3A_1001, %get3A_1002] {strides = array<i32>} : memref<4x16x1024xf32, #tpu.memory_space<vmem>>, vector<1x1x16xf32>,
      %get3A_1004 = vector.shape_cast %get3A_1003 : vector<1x1x16xf32> to vector<16xf32>
      %add3A_1005 = arith.addf %add3A_998, %get3A_1004 : vector<16xf32>
      %get3A_1006 = arith.constant 0 : i32
      %get3A_1007 = arith.index_cast %get3A_1006 : i32 to index
      %get3A_1008 = arith.index_cast %scan3A_584 : i32 to index
      %get3A_1009 = arith.constant 960 : index
      %get3A_1010 = tpu.vector_load %arg7[%get3A_1007, %get3A_1008, %get3A_1009] {strides = array<i32>} : memref<4x16x1024xf32, #tpu.memory_space<vmem>>, vector<1x1x16xf32>,
      %get3A_1011 = vector.shape_cast %get3A_1010 : vector<1x1x16xf32> to vector<16xf32>
      %add3A_1012 = arith.addf %add3A_1005, %get3A_1011 : vector<16xf32>
      %get3A_1013 = arith.constant 0 : i32
      %get3A_1014 = arith.index_cast %get3A_1013 : i32 to index
      %get3A_1015 = arith.index_cast %scan3A_584 : i32 to index
      %get3A_1016 = arith.constant 976 : index
      %get3A_1017 = tpu.vector_load %arg7[%get3A_1014, %get3A_1015, %get3A_1016] {strides = array<i32>} : memref<4x16x1024xf32, #tpu.memory_space<vmem>>, vector<1x1x16xf32>,
      %get3A_1018 = vector.shape_cast %get3A_1017 : vector<1x1x16xf32> to vector<16xf32>
      %add3A_1019 = arith.addf %add3A_1012, %get3A_1018 : vector<16xf32>
      %get3A_1020 = arith.constant 0 : i32
      %get3A_1021 = arith.index_cast %get3A_1020 : i32 to index
      %get3A_1022 = arith.index_cast %scan3A_584 : i32 to index
      %get3A_1023 = arith.constant 992 : index
      %get3A_1024 = tpu.vector_load %arg7[%get3A_1021, %get3A_1022, %get3A_1023] {strides = array<i32>} : memref<4x16x1024xf32, #tpu.memory_space<vmem>>, vector<1x1x16xf32>,
      %get3A_1025 = vector.shape_cast %get3A_1024 : vector<1x1x16xf32> to vector<16xf32>
      %add3A_1026 = arith.addf %add3A_1019, %get3A_1025 : vector<16xf32>
      %get3A_1027 = arith.constant 0 : i32
      %get3A_1028 = arith.index_cast %get3A_1027 : i32 to index
      %get3A_1029 = arith.index_cast %scan3A_584 : i32 to index
      %get3A_1030 = arith.constant 1008 : index
      %get3A_1031 = tpu.vector_load %arg7[%get3A_1028, %get3A_1029, %get3A_1030] {strides = array<i32>} : memref<4x16x1024xf32, #tpu.memory_space<vmem>>, vector<1x1x16xf32>,
      %get3A_1032 = vector.shape_cast %get3A_1031 : vector<1x1x16xf32> to vector<16xf32>
      %add3A_1033 = arith.addf %add3A_1026, %get3A_1032 : vector<16xf32>
      scf.yield %add3A_1033 : vector<16xf32>
    }
    %scan3A_82 = arith.constant 16 : i32
    %add3A_83 = arith.constant 0 : i32
    %add3A_84 = arith.addi %add3A_9, %add3A_83 : i32
    %multiple_of3A_85 = tpu.assume_multiple %add3A_84, 8 : i32
    %dma_wait3A_86 = arith.constant 1 : i32
    %dma_wait3A_87 = arith.constant 0 : i32
    %dma_wait3A_88 = arith.constant 0 : i32
    %dma_wait3A_89 = tpu.memref_slice %arg7[%dma_wait3A_86, %dma_wait3A_87, %dma_wait3A_88] : memref<4x16x1024xf32, #tpu.memory_space<vmem>> -> memref<1x16x1024xf32, #tpu.memory_space<vmem>>
    %dma_wait3A_90 = tpu.memref_squeeze %dma_wait3A_89 : memref<1x16x1024xf32, #tpu.memory_space<vmem>> -> memref<16x1024xf32, #tpu.memory_space<vmem>>
    %dma_wait3A_91 = arith.constant 0 : i32
    %dma_wait3A_92 = tpu.memref_slice %arg2[%multiple_of3A_85, %dma_wait3A_91] : memref<100000x1024xf32, #tpu.memory_space<hbm>> -> memref<16x1024xf32, #tpu.memory_space<hbm>>
    %dma_wait3A_93 = arith.constant 0 : i32
    %dma_wait3A_94 = arith.constant 0 : i32
    %dma_wait3A_95 = tpu.memref_slice %arg7[%dma_wait3A_86, %dma_wait3A_93, %dma_wait3A_94] : memref<4x16x1024xf32, #tpu.memory_space<vmem>> -> memref<1x16x1024xf32, #tpu.memory_space<vmem>>
    %dma_wait3A_96 = tpu.memref_squeeze %dma_wait3A_95 : memref<1x16x1024xf32, #tpu.memory_space<vmem>> -> memref<16x1024xf32, #tpu.memory_space<vmem>>
    %dma_wait3A_97 = arith.constant 0 : i32
    %dma_wait3A_98 = tpu.memref_slice %arg2[%multiple_of3A_85, %dma_wait3A_97] : memref<100000x1024xf32, #tpu.memory_space<hbm>> -> memref<16x1024xf32, #tpu.memory_space<hbm>>
    tpu.wait_dma2 semaphore(%arg10 : memref<!tpu.dma_semaphore, #tpu.memory_space<semaphore_mem>>) src(%dma_wait3A_98 : memref<16x1024xf32, #tpu.memory_space<hbm>>) dst(%dma_wait3A_96 : memref<16x1024xf32, #tpu.memory_space<vmem>>)
    %scan3A_99 = arith.constant 0 : i32
    %scan3A_100 = arith.constant 16 : i32
    %scan3A_101 = arith.addi %scan3A_99, %scan3A_100 : i32
    %scan3A_102 = arith.constant 1 : i32
    %scan3A_103 = scf.for %scan3A_584 = %scan3A_99 to %scan3A_101 step %scan3A_102 iter_args(%scan3A_585 = %scan3A_81) -> (vector<16xf32>)  : i32 {
      %get3A_586 = arith.constant 1 : i32
      %get3A_587 = arith.index_cast %get3A_586 : i32 to index
      %get3A_588 = arith.index_cast %scan3A_584 : i32 to index
      %get3A_589 = arith.constant 0 : index
      %get3A_590 = tpu.vector_load %arg7[%get3A_587, %get3A_588, %get3A_589] {strides = array<i32>} : memref<4x16x1024xf32, #tpu.memory_space<vmem>>, vector<1x1x16xf32>,
      %get3A_591 = vector.shape_cast %get3A_590 : vector<1x1x16xf32> to vector<16xf32>
      %add3A_592 = arith.addf %scan3A_585, %get3A_591 : vector<16xf32>
      %get3A_593 = arith.constant 1 : i32
      %get3A_594 = arith.index_cast %get3A_593 : i32 to index
      %get3A_595 = arith.index_cast %scan3A_584 : i32 to index
      %get3A_596 = arith.constant 16 : index
      %get3A_597 = tpu.vector_load %arg7[%get3A_594, %get3A_595, %get3A_596] {strides = array<i32>} : memref<4x16x1024xf32, #tpu.memory_space<vmem>>, vector<1x1x16xf32>,
      %get3A_598 = vector.shape_cast %get3A_597 : vector<1x1x16xf32> to vector<16xf32>
      %add3A_599 = arith.addf %add3A_592, %get3A_598 : vector<16xf32>
      %get3A_600 = arith.constant 1 : i32
      %get3A_601 = arith.index_cast %get3A_600 : i32 to index
      %get3A_602 = arith.index_cast %scan3A_584 : i32 to index
      %get3A_603 = arith.constant 32 : index
      %get3A_604 = tpu.vector_load %arg7[%get3A_601, %get3A_602, %get3A_603] {strides = array<i32>} : memref<4x16x1024xf32, #tpu.memory_space<vmem>>, vector<1x1x16xf32>,
      %get3A_605 = vector.shape_cast %get3A_604 : vector<1x1x16xf32> to vector<16xf32>
      %add3A_606 = arith.addf %add3A_599, %get3A_605 : vector<16xf32>
      %get3A_607 = arith.constant 1 : i32
      %get3A_608 = arith.index_cast %get3A_607 : i32 to index
      %get3A_609 = arith.index_cast %scan3A_584 : i32 to index
      %get3A_610 = arith.constant 48 : index
      %get3A_611 = tpu.vector_load %arg7[%get3A_608, %get3A_609, %get3A_610] {strides = array<i32>} : memref<4x16x1024xf32, #tpu.memory_space<vmem>>, vector<1x1x16xf32>,
      %get3A_612 = vector.shape_cast %get3A_611 : vector<1x1x16xf32> to vector<16xf32>
      %add3A_613 = arith.addf %add3A_606, %get3A_612 : vector<16xf32>
      %get3A_614 = arith.constant 1 : i32
      %get3A_615 = arith.index_cast %get3A_614 : i32 to index
      %get3A_616 = arith.index_cast %scan3A_584 : i32 to index
      %get3A_617 = arith.constant 64 : index
      %get3A_618 = tpu.vector_load %arg7[%get3A_615, %get3A_616, %get3A_617] {strides = array<i32>} : memref<4x16x1024xf32, #tpu.memory_space<vmem>>, vector<1x1x16xf32>,
      %get3A_619 = vector.shape_cast %get3A_618 : vector<1x1x16xf32> to vector<16xf32>
      %add3A_620 = arith.addf %add3A_613, %get3A_619 : vector<16xf32>
      %get3A_621 = arith.constant 1 : i32
      %get3A_622 = arith.index_cast %get3A_621 : i32 to index
      %get3A_623 = arith.index_cast %scan3A_584 : i32 to index
      %get3A_624 = arith.constant 80 : index
      %get3A_625 = tpu.vector_load %arg7[%get3A_622, %get3A_623, %get3A_624] {strides = array<i32>} : memref<4x16x1024xf32, #tpu.memory_space<vmem>>, vector<1x1x16xf32>,
      %get3A_626 = vector.shape_cast %get3A_625 : vector<1x1x16xf32> to vector<16xf32>
      %add3A_627 = arith.addf %add3A_620, %get3A_626 : vector<16xf32>
      %get3A_628 = arith.constant 1 : i32
      %get3A_629 = arith.index_cast %get3A_628 : i32 to index
      %get3A_630 = arith.index_cast %scan3A_584 : i32 to index
      %get3A_631 = arith.constant 96 : index
      %get3A_632 = tpu.vector_load %arg7[%get3A_629, %get3A_630, %get3A_631] {strides = array<i32>} : memref<4x16x1024xf32, #tpu.memory_space<vmem>>, vector<1x1x16xf32>,
      %get3A_633 = vector.shape_cast %get3A_632 : vector<1x1x16xf32> to vector<16xf32>
      %add3A_634 = arith.addf %add3A_627, %get3A_633 : vector<16xf32>
      %get3A_635 = arith.constant 1 : i32
      %get3A_636 = arith.index_cast %get3A_635 : i32 to index
      %get3A_637 = arith.index_cast %scan3A_584 : i32 to index
      %get3A_638 = arith.constant 112 : index
      %get3A_639 = tpu.vector_load %arg7[%get3A_636, %get3A_637, %get3A_638] {strides = array<i32>} : memref<4x16x1024xf32, #tpu.memory_space<vmem>>, vector<1x1x16xf32>,
      %get3A_640 = vector.shape_cast %get3A_639 : vector<1x1x16xf32> to vector<16xf32>
      %add3A_641 = arith.addf %add3A_634, %get3A_640 : vector<16xf32>
      %get3A_642 = arith.constant 1 : i32
      %get3A_643 = arith.index_cast %get3A_642 : i32 to index
      %get3A_644 = arith.index_cast %scan3A_584 : i32 to index
      %get3A_645 = arith.constant 128 : index
      %get3A_646 = tpu.vector_load %arg7[%get3A_643, %get3A_644, %get3A_645] {strides = array<i32>} : memref<4x16x1024xf32, #tpu.memory_space<vmem>>, vector<1x1x16xf32>,
      %get3A_647 = vector.shape_cast %get3A_646 : vector<1x1x16xf32> to vector<16xf32>
      %add3A_648 = arith.addf %add3A_641, %get3A_647 : vector<16xf32>
      %get3A_649 = arith.constant 1 : i32
      %get3A_650 = arith.index_cast %get3A_649 : i32 to index
      %get3A_651 = arith.index_cast %scan3A_584 : i32 to index
      %get3A_652 = arith.constant 144 : index
      %get3A_653 = tpu.vector_load %arg7[%get3A_650, %get3A_651, %get3A_652] {strides = array<i32>} : memref<4x16x1024xf32, #tpu.memory_space<vmem>>, vector<1x1x16xf32>,
      %get3A_654 = vector.shape_cast %get3A_653 : vector<1x1x16xf32> to vector<16xf32>
      %add3A_655 = arith.addf %add3A_648, %get3A_654 : vector<16xf32>
      %get3A_656 = arith.constant 1 : i32
      %get3A_657 = arith.index_cast %get3A_656 : i32 to index
      %get3A_658 = arith.index_cast %scan3A_584 : i32 to index
      %get3A_659 = arith.constant 160 : index
      %get3A_660 = tpu.vector_load %arg7[%get3A_657, %get3A_658, %get3A_659] {strides = array<i32>} : memref<4x16x1024xf32, #tpu.memory_space<vmem>>, vector<1x1x16xf32>,
      %get3A_661 = vector.shape_cast %get3A_660 : vector<1x1x16xf32> to vector<16xf32>
      %add3A_662 = arith.addf %add3A_655, %get3A_661 : vector<16xf32>
      %get3A_663 = arith.constant 1 : i32
      %get3A_664 = arith.index_cast %get3A_663 : i32 to index
      %get3A_665 = arith.index_cast %scan3A_584 : i32 to index
      %get3A_666 = arith.constant 176 : index
      %get3A_667 = tpu.vector_load %arg7[%get3A_664, %get3A_665, %get3A_666] {strides = array<i32>} : memref<4x16x1024xf32, #tpu.memory_space<vmem>>, vector<1x1x16xf32>,
      %get3A_668 = vector.shape_cast %get3A_667 : vector<1x1x16xf32> to vector<16xf32>
      %add3A_669 = arith.addf %add3A_662, %get3A_668 : vector<16xf32>
      %get3A_670 = arith.constant 1 : i32
      %get3A_671 = arith.index_cast %get3A_670 : i32 to index
      %get3A_672 = arith.index_cast %scan3A_584 : i32 to index
      %get3A_673 = arith.constant 192 : index
      %get3A_674 = tpu.vector_load %arg7[%get3A_671, %get3A_672, %get3A_673] {strides = array<i32>} : memref<4x16x1024xf32, #tpu.memory_space<vmem>>, vector<1x1x16xf32>,
      %get3A_675 = vector.shape_cast %get3A_674 : vector<1x1x16xf32> to vector<16xf32>
      %add3A_676 = arith.addf %add3A_669, %get3A_675 : vector<16xf32>
      %get3A_677 = arith.constant 1 : i32
      %get3A_678 = arith.index_cast %get3A_677 : i32 to index
      %get3A_679 = arith.index_cast %scan3A_584 : i32 to index
      %get3A_680 = arith.constant 208 : index
      %get3A_681 = tpu.vector_load %arg7[%get3A_678, %get3A_679, %get3A_680] {strides = array<i32>} : memref<4x16x1024xf32, #tpu.memory_space<vmem>>, vector<1x1x16xf32>,
      %get3A_682 = vector.shape_cast %get3A_681 : vector<1x1x16xf32> to vector<16xf32>
      %add3A_683 = arith.addf %add3A_676, %get3A_682 : vector<16xf32>
      %get3A_684 = arith.constant 1 : i32
      %get3A_685 = arith.index_cast %get3A_684 : i32 to index
      %get3A_686 = arith.index_cast %scan3A_584 : i32 to index
      %get3A_687 = arith.constant 224 : index
      %get3A_688 = tpu.vector_load %arg7[%get3A_685, %get3A_686, %get3A_687] {strides = array<i32>} : memref<4x16x1024xf32, #tpu.memory_space<vmem>>, vector<1x1x16xf32>,
      %get3A_689 = vector.shape_cast %get3A_688 : vector<1x1x16xf32> to vector<16xf32>
      %add3A_690 = arith.addf %add3A_683, %get3A_689 : vector<16xf32>
      %get3A_691 = arith.constant 1 : i32
      %get3A_692 = arith.index_cast %get3A_691 : i32 to index
      %get3A_693 = arith.index_cast %scan3A_584 : i32 to index
      %get3A_694 = arith.constant 240 : index
      %get3A_695 = tpu.vector_load %arg7[%get3A_692, %get3A_693, %get3A_694] {strides = array<i32>} : memref<4x16x1024xf32, #tpu.memory_space<vmem>>, vector<1x1x16xf32>,
      %get3A_696 = vector.shape_cast %get3A_695 : vector<1x1x16xf32> to vector<16xf32>
      %add3A_697 = arith.addf %add3A_690, %get3A_696 : vector<16xf32>
      %get3A_698 = arith.constant 1 : i32
      %get3A_699 = arith.index_cast %get3A_698 : i32 to index
      %get3A_700 = arith.index_cast %scan3A_584 : i32 to index
      %get3A_701 = arith.constant 256 : index
      %get3A_702 = tpu.vector_load %arg7[%get3A_699, %get3A_700, %get3A_701] {strides = array<i32>} : memref<4x16x1024xf32, #tpu.memory_space<vmem>>, vector<1x1x16xf32>,
      %get3A_703 = vector.shape_cast %get3A_702 : vector<1x1x16xf32> to vector<16xf32>
      %add3A_704 = arith.addf %add3A_697, %get3A_703 : vector<16xf32>
      %get3A_705 = arith.constant 1 : i32
      %get3A_706 = arith.index_cast %get3A_705 : i32 to index
      %get3A_707 = arith.index_cast %scan3A_584 : i32 to index
      %get3A_708 = arith.constant 272 : index
      %get3A_709 = tpu.vector_load %arg7[%get3A_706, %get3A_707, %get3A_708] {strides = array<i32>} : memref<4x16x1024xf32, #tpu.memory_space<vmem>>, vector<1x1x16xf32>,
      %get3A_710 = vector.shape_cast %get3A_709 : vector<1x1x16xf32> to vector<16xf32>
      %add3A_711 = arith.addf %add3A_704, %get3A_710 : vector<16xf32>
      %get3A_712 = arith.constant 1 : i32
      %get3A_713 = arith.index_cast %get3A_712 : i32 to index
      %get3A_714 = arith.index_cast %scan3A_584 : i32 to index
      %get3A_715 = arith.constant 288 : index
      %get3A_716 = tpu.vector_load %arg7[%get3A_713, %get3A_714, %get3A_715] {strides = array<i32>} : memref<4x16x1024xf32, #tpu.memory_space<vmem>>, vector<1x1x16xf32>,
      %get3A_717 = vector.shape_cast %get3A_716 : vector<1x1x16xf32> to vector<16xf32>
      %add3A_718 = arith.addf %add3A_711, %get3A_717 : vector<16xf32>
      %get3A_719 = arith.constant 1 : i32
      %get3A_720 = arith.index_cast %get3A_719 : i32 to index
      %get3A_721 = arith.index_cast %scan3A_584 : i32 to index
      %get3A_722 = arith.constant 304 : index
      %get3A_723 = tpu.vector_load %arg7[%get3A_720, %get3A_721, %get3A_722] {strides = array<i32>} : memref<4x16x1024xf32, #tpu.memory_space<vmem>>, vector<1x1x16xf32>,
      %get3A_724 = vector.shape_cast %get3A_723 : vector<1x1x16xf32> to vector<16xf32>
      %add3A_725 = arith.addf %add3A_718, %get3A_724 : vector<16xf32>
      %get3A_726 = arith.constant 1 : i32
      %get3A_727 = arith.index_cast %get3A_726 : i32 to index
      %get3A_728 = arith.index_cast %scan3A_584 : i32 to index
      %get3A_729 = arith.constant 320 : index
      %get3A_730 = tpu.vector_load %arg7[%get3A_727, %get3A_728, %get3A_729] {strides = array<i32>} : memref<4x16x1024xf32, #tpu.memory_space<vmem>>, vector<1x1x16xf32>,
      %get3A_731 = vector.shape_cast %get3A_730 : vector<1x1x16xf32> to vector<16xf32>
      %add3A_732 = arith.addf %add3A_725, %get3A_731 : vector<16xf32>
      %get3A_733 = arith.constant 1 : i32
      %get3A_734 = arith.index_cast %get3A_733 : i32 to index
      %get3A_735 = arith.index_cast %scan3A_584 : i32 to index
      %get3A_736 = arith.constant 336 : index
      %get3A_737 = tpu.vector_load %arg7[%get3A_734, %get3A_735, %get3A_736] {strides = array<i32>} : memref<4x16x1024xf32, #tpu.memory_space<vmem>>, vector<1x1x16xf32>,
      %get3A_738 = vector.shape_cast %get3A_737 : vector<1x1x16xf32> to vector<16xf32>
      %add3A_739 = arith.addf %add3A_732, %get3A_738 : vector<16xf32>
      %get3A_740 = arith.constant 1 : i32
      %get3A_741 = arith.index_cast %get3A_740 : i32 to index
      %get3A_742 = arith.index_cast %scan3A_584 : i32 to index
      %get3A_743 = arith.constant 352 : index
      %get3A_744 = tpu.vector_load %arg7[%get3A_741, %get3A_742, %get3A_743] {strides = array<i32>} : memref<4x16x1024xf32, #tpu.memory_space<vmem>>, vector<1x1x16xf32>,
      %get3A_745 = vector.shape_cast %get3A_744 : vector<1x1x16xf32> to vector<16xf32>
      %add3A_746 = arith.addf %add3A_739, %get3A_745 : vector<16xf32>
      %get3A_747 = arith.constant 1 : i32
      %get3A_748 = arith.index_cast %get3A_747 : i32 to index
      %get3A_749 = arith.index_cast %scan3A_584 : i32 to index
      %get3A_750 = arith.constant 368 : index
      %get3A_751 = tpu.vector_load %arg7[%get3A_748, %get3A_749, %get3A_750] {strides = array<i32>} : memref<4x16x1024xf32, #tpu.memory_space<vmem>>, vector<1x1x16xf32>,
      %get3A_752 = vector.shape_cast %get3A_751 : vector<1x1x16xf32> to vector<16xf32>
      %add3A_753 = arith.addf %add3A_746, %get3A_752 : vector<16xf32>
      %get3A_754 = arith.constant 1 : i32
      %get3A_755 = arith.index_cast %get3A_754 : i32 to index
      %get3A_756 = arith.index_cast %scan3A_584 : i32 to index
      %get3A_757 = arith.constant 384 : index
      %get3A_758 = tpu.vector_load %arg7[%get3A_755, %get3A_756, %get3A_757] {strides = array<i32>} : memref<4x16x1024xf32, #tpu.memory_space<vmem>>, vector<1x1x16xf32>,
      %get3A_759 = vector.shape_cast %get3A_758 : vector<1x1x16xf32> to vector<16xf32>
      %add3A_760 = arith.addf %add3A_753, %get3A_759 : vector<16xf32>
      %get3A_761 = arith.constant 1 : i32
      %get3A_762 = arith.index_cast %get3A_761 : i32 to index
      %get3A_763 = arith.index_cast %scan3A_584 : i32 to index
      %get3A_764 = arith.constant 400 : index
      %get3A_765 = tpu.vector_load %arg7[%get3A_762, %get3A_763, %get3A_764] {strides = array<i32>} : memref<4x16x1024xf32, #tpu.memory_space<vmem>>, vector<1x1x16xf32>,
      %get3A_766 = vector.shape_cast %get3A_765 : vector<1x1x16xf32> to vector<16xf32>
      %add3A_767 = arith.addf %add3A_760, %get3A_766 : vector<16xf32>
      %get3A_768 = arith.constant 1 : i32
      %get3A_769 = arith.index_cast %get3A_768 : i32 to index
      %get3A_770 = arith.index_cast %scan3A_584 : i32 to index
      %get3A_771 = arith.constant 416 : index
      %get3A_772 = tpu.vector_load %arg7[%get3A_769, %get3A_770, %get3A_771] {strides = array<i32>} : memref<4x16x1024xf32, #tpu.memory_space<vmem>>, vector<1x1x16xf32>,
      %get3A_773 = vector.shape_cast %get3A_772 : vector<1x1x16xf32> to vector<16xf32>
      %add3A_774 = arith.addf %add3A_767, %get3A_773 : vector<16xf32>
      %get3A_775 = arith.constant 1 : i32
      %get3A_776 = arith.index_cast %get3A_775 : i32 to index
      %get3A_777 = arith.index_cast %scan3A_584 : i32 to index
      %get3A_778 = arith.constant 432 : index
      %get3A_779 = tpu.vector_load %arg7[%get3A_776, %get3A_777, %get3A_778] {strides = array<i32>} : memref<4x16x1024xf32, #tpu.memory_space<vmem>>, vector<1x1x16xf32>,
      %get3A_780 = vector.shape_cast %get3A_779 : vector<1x1x16xf32> to vector<16xf32>
      %add3A_781 = arith.addf %add3A_774, %get3A_780 : vector<16xf32>
      %get3A_782 = arith.constant 1 : i32
      %get3A_783 = arith.index_cast %get3A_782 : i32 to index
      %get3A_784 = arith.index_cast %scan3A_584 : i32 to index
      %get3A_785 = arith.constant 448 : index
      %get3A_786 = tpu.vector_load %arg7[%get3A_783, %get3A_784, %get3A_785] {strides = array<i32>} : memref<4x16x1024xf32, #tpu.memory_space<vmem>>, vector<1x1x16xf32>,
      %get3A_787 = vector.shape_cast %get3A_786 : vector<1x1x16xf32> to vector<16xf32>
      %add3A_788 = arith.addf %add3A_781, %get3A_787 : vector<16xf32>
      %get3A_789 = arith.constant 1 : i32
      %get3A_790 = arith.index_cast %get3A_789 : i32 to index
      %get3A_791 = arith.index_cast %scan3A_584 : i32 to index
      %get3A_792 = arith.constant 464 : index
      %get3A_793 = tpu.vector_load %arg7[%get3A_790, %get3A_791, %get3A_792] {strides = array<i32>} : memref<4x16x1024xf32, #tpu.memory_space<vmem>>, vector<1x1x16xf32>,
      %get3A_794 = vector.shape_cast %get3A_793 : vector<1x1x16xf32> to vector<16xf32>
      %add3A_795 = arith.addf %add3A_788, %get3A_794 : vector<16xf32>
      %get3A_796 = arith.constant 1 : i32
      %get3A_797 = arith.index_cast %get3A_796 : i32 to index
      %get3A_798 = arith.index_cast %scan3A_584 : i32 to index
      %get3A_799 = arith.constant 480 : index
      %get3A_800 = tpu.vector_load %arg7[%get3A_797, %get3A_798, %get3A_799] {strides = array<i32>} : memref<4x16x1024xf32, #tpu.memory_space<vmem>>, vector<1x1x16xf32>,
      %get3A_801 = vector.shape_cast %get3A_800 : vector<1x1x16xf32> to vector<16xf32>
      %add3A_802 = arith.addf %add3A_795, %get3A_801 : vector<16xf32>
      %get3A_803 = arith.constant 1 : i32
      %get3A_804 = arith.index_cast %get3A_803 : i32 to index
      %get3A_805 = arith.index_cast %scan3A_584 : i32 to index
      %get3A_806 = arith.constant 496 : index
      %get3A_807 = tpu.vector_load %arg7[%get3A_804, %get3A_805, %get3A_806] {strides = array<i32>} : memref<4x16x1024xf32, #tpu.memory_space<vmem>>, vector<1x1x16xf32>,
      %get3A_808 = vector.shape_cast %get3A_807 : vector<1x1x16xf32> to vector<16xf32>
      %add3A_809 = arith.addf %add3A_802, %get3A_808 : vector<16xf32>
      %get3A_810 = arith.constant 1 : i32
      %get3A_811 = arith.index_cast %get3A_810 : i32 to index
      %get3A_812 = arith.index_cast %scan3A_584 : i32 to index
      %get3A_813 = arith.constant 512 : index
      %get3A_814 = tpu.vector_load %arg7[%get3A_811, %get3A_812, %get3A_813] {strides = array<i32>} : memref<4x16x1024xf32, #tpu.memory_space<vmem>>, vector<1x1x16xf32>,
      %get3A_815 = vector.shape_cast %get3A_814 : vector<1x1x16xf32> to vector<16xf32>
      %add3A_816 = arith.addf %add3A_809, %get3A_815 : vector<16xf32>
      %get3A_817 = arith.constant 1 : i32
      %get3A_818 = arith.index_cast %get3A_817 : i32 to index
      %get3A_819 = arith.index_cast %scan3A_584 : i32 to index
      %get3A_820 = arith.constant 528 : index
      %get3A_821 = tpu.vector_load %arg7[%get3A_818, %get3A_819, %get3A_820] {strides = array<i32>} : memref<4x16x1024xf32, #tpu.memory_space<vmem>>, vector<1x1x16xf32>,
      %get3A_822 = vector.shape_cast %get3A_821 : vector<1x1x16xf32> to vector<16xf32>
      %add3A_823 = arith.addf %add3A_816, %get3A_822 : vector<16xf32>
      %get3A_824 = arith.constant 1 : i32
      %get3A_825 = arith.index_cast %get3A_824 : i32 to index
      %get3A_826 = arith.index_cast %scan3A_584 : i32 to index
      %get3A_827 = arith.constant 544 : index
      %get3A_828 = tpu.vector_load %arg7[%get3A_825, %get3A_826, %get3A_827] {strides = array<i32>} : memref<4x16x1024xf32, #tpu.memory_space<vmem>>, vector<1x1x16xf32>,
      %get3A_829 = vector.shape_cast %get3A_828 : vector<1x1x16xf32> to vector<16xf32>
      %add3A_830 = arith.addf %add3A_823, %get3A_829 : vector<16xf32>
      %get3A_831 = arith.constant 1 : i32
      %get3A_832 = arith.index_cast %get3A_831 : i32 to index
      %get3A_833 = arith.index_cast %scan3A_584 : i32 to index
      %get3A_834 = arith.constant 560 : index
      %get3A_835 = tpu.vector_load %arg7[%get3A_832, %get3A_833, %get3A_834] {strides = array<i32>} : memref<4x16x1024xf32, #tpu.memory_space<vmem>>, vector<1x1x16xf32>,
      %get3A_836 = vector.shape_cast %get3A_835 : vector<1x1x16xf32> to vector<16xf32>
      %add3A_837 = arith.addf %add3A_830, %get3A_836 : vector<16xf32>
      %get3A_838 = arith.constant 1 : i32
      %get3A_839 = arith.index_cast %get3A_838 : i32 to index
      %get3A_840 = arith.index_cast %scan3A_584 : i32 to index
      %get3A_841 = arith.constant 576 : index
      %get3A_842 = tpu.vector_load %arg7[%get3A_839, %get3A_840, %get3A_841] {strides = array<i32>} : memref<4x16x1024xf32, #tpu.memory_space<vmem>>, vector<1x1x16xf32>,
      %get3A_843 = vector.shape_cast %get3A_842 : vector<1x1x16xf32> to vector<16xf32>
      %add3A_844 = arith.addf %add3A_837, %get3A_843 : vector<16xf32>
      %get3A_845 = arith.constant 1 : i32
      %get3A_846 = arith.index_cast %get3A_845 : i32 to index
      %get3A_847 = arith.index_cast %scan3A_584 : i32 to index
      %get3A_848 = arith.constant 592 : index
      %get3A_849 = tpu.vector_load %arg7[%get3A_846, %get3A_847, %get3A_848] {strides = array<i32>} : memref<4x16x1024xf32, #tpu.memory_space<vmem>>, vector<1x1x16xf32>,
      %get3A_850 = vector.shape_cast %get3A_849 : vector<1x1x16xf32> to vector<16xf32>
      %add3A_851 = arith.addf %add3A_844, %get3A_850 : vector<16xf32>
      %get3A_852 = arith.constant 1 : i32
      %get3A_853 = arith.index_cast %get3A_852 : i32 to index
      %get3A_854 = arith.index_cast %scan3A_584 : i32 to index
      %get3A_855 = arith.constant 608 : index
      %get3A_856 = tpu.vector_load %arg7[%get3A_853, %get3A_854, %get3A_855] {strides = array<i32>} : memref<4x16x1024xf32, #tpu.memory_space<vmem>>, vector<1x1x16xf32>,
      %get3A_857 = vector.shape_cast %get3A_856 : vector<1x1x16xf32> to vector<16xf32>
      %add3A_858 = arith.addf %add3A_851, %get3A_857 : vector<16xf32>
      %get3A_859 = arith.constant 1 : i32
      %get3A_860 = arith.index_cast %get3A_859 : i32 to index
      %get3A_861 = arith.index_cast %scan3A_584 : i32 to index
      %get3A_862 = arith.constant 624 : index
      %get3A_863 = tpu.vector_load %arg7[%get3A_860, %get3A_861, %get3A_862] {strides = array<i32>} : memref<4x16x1024xf32, #tpu.memory_space<vmem>>, vector<1x1x16xf32>,
      %get3A_864 = vector.shape_cast %get3A_863 : vector<1x1x16xf32> to vector<16xf32>
      %add3A_865 = arith.addf %add3A_858, %get3A_864 : vector<16xf32>
      %get3A_866 = arith.constant 1 : i32
      %get3A_867 = arith.index_cast %get3A_866 : i32 to index
      %get3A_868 = arith.index_cast %scan3A_584 : i32 to index
      %get3A_869 = arith.constant 640 : index
      %get3A_870 = tpu.vector_load %arg7[%get3A_867, %get3A_868, %get3A_869] {strides = array<i32>} : memref<4x16x1024xf32, #tpu.memory_space<vmem>>, vector<1x1x16xf32>,
      %get3A_871 = vector.shape_cast %get3A_870 : vector<1x1x16xf32> to vector<16xf32>
      %add3A_872 = arith.addf %add3A_865, %get3A_871 : vector<16xf32>
      %get3A_873 = arith.constant 1 : i32
      %get3A_874 = arith.index_cast %get3A_873 : i32 to index
      %get3A_875 = arith.index_cast %scan3A_584 : i32 to index
      %get3A_876 = arith.constant 656 : index
      %get3A_877 = tpu.vector_load %arg7[%get3A_874, %get3A_875, %get3A_876] {strides = array<i32>} : memref<4x16x1024xf32, #tpu.memory_space<vmem>>, vector<1x1x16xf32>,
      %get3A_878 = vector.shape_cast %get3A_877 : vector<1x1x16xf32> to vector<16xf32>
      %add3A_879 = arith.addf %add3A_872, %get3A_878 : vector<16xf32>
      %get3A_880 = arith.constant 1 : i32
      %get3A_881 = arith.index_cast %get3A_880 : i32 to index
      %get3A_882 = arith.index_cast %scan3A_584 : i32 to index
      %get3A_883 = arith.constant 672 : index
      %get3A_884 = tpu.vector_load %arg7[%get3A_881, %get3A_882, %get3A_883] {strides = array<i32>} : memref<4x16x1024xf32, #tpu.memory_space<vmem>>, vector<1x1x16xf32>,
      %get3A_885 = vector.shape_cast %get3A_884 : vector<1x1x16xf32> to vector<16xf32>
      %add3A_886 = arith.addf %add3A_879, %get3A_885 : vector<16xf32>
      %get3A_887 = arith.constant 1 : i32
      %get3A_888 = arith.index_cast %get3A_887 : i32 to index
      %get3A_889 = arith.index_cast %scan3A_584 : i32 to index
      %get3A_890 = arith.constant 688 : index
      %get3A_891 = tpu.vector_load %arg7[%get3A_888, %get3A_889, %get3A_890] {strides = array<i32>} : memref<4x16x1024xf32, #tpu.memory_space<vmem>>, vector<1x1x16xf32>,
      %get3A_892 = vector.shape_cast %get3A_891 : vector<1x1x16xf32> to vector<16xf32>
      %add3A_893 = arith.addf %add3A_886, %get3A_892 : vector<16xf32>
      %get3A_894 = arith.constant 1 : i32
      %get3A_895 = arith.index_cast %get3A_894 : i32 to index
      %get3A_896 = arith.index_cast %scan3A_584 : i32 to index
      %get3A_897 = arith.constant 704 : index
      %get3A_898 = tpu.vector_load %arg7[%get3A_895, %get3A_896, %get3A_897] {strides = array<i32>} : memref<4x16x1024xf32, #tpu.memory_space<vmem>>, vector<1x1x16xf32>,
      %get3A_899 = vector.shape_cast %get3A_898 : vector<1x1x16xf32> to vector<16xf32>
      %add3A_900 = arith.addf %add3A_893, %get3A_899 : vector<16xf32>
      %get3A_901 = arith.constant 1 : i32
      %get3A_902 = arith.index_cast %get3A_901 : i32 to index
      %get3A_903 = arith.index_cast %scan3A_584 : i32 to index
      %get3A_904 = arith.constant 720 : index
      %get3A_905 = tpu.vector_load %arg7[%get3A_902, %get3A_903, %get3A_904] {strides = array<i32>} : memref<4x16x1024xf32, #tpu.memory_space<vmem>>, vector<1x1x16xf32>,
      %get3A_906 = vector.shape_cast %get3A_905 : vector<1x1x16xf32> to vector<16xf32>
      %add3A_907 = arith.addf %add3A_900, %get3A_906 : vector<16xf32>
      %get3A_908 = arith.constant 1 : i32
      %get3A_909 = arith.index_cast %get3A_908 : i32 to index
      %get3A_910 = arith.index_cast %scan3A_584 : i32 to index
      %get3A_911 = arith.constant 736 : index
      %get3A_912 = tpu.vector_load %arg7[%get3A_909, %get3A_910, %get3A_911] {strides = array<i32>} : memref<4x16x1024xf32, #tpu.memory_space<vmem>>, vector<1x1x16xf32>,
      %get3A_913 = vector.shape_cast %get3A_912 : vector<1x1x16xf32> to vector<16xf32>
      %add3A_914 = arith.addf %add3A_907, %get3A_913 : vector<16xf32>
      %get3A_915 = arith.constant 1 : i32
      %get3A_916 = arith.index_cast %get3A_915 : i32 to index
      %get3A_917 = arith.index_cast %scan3A_584 : i32 to index
      %get3A_918 = arith.constant 752 : index
      %get3A_919 = tpu.vector_load %arg7[%get3A_916, %get3A_917, %get3A_918] {strides = array<i32>} : memref<4x16x1024xf32, #tpu.memory_space<vmem>>, vector<1x1x16xf32>,
      %get3A_920 = vector.shape_cast %get3A_919 : vector<1x1x16xf32> to vector<16xf32>
      %add3A_921 = arith.addf %add3A_914, %get3A_920 : vector<16xf32>
      %get3A_922 = arith.constant 1 : i32
      %get3A_923 = arith.index_cast %get3A_922 : i32 to index
      %get3A_924 = arith.index_cast %scan3A_584 : i32 to index
      %get3A_925 = arith.constant 768 : index
      %get3A_926 = tpu.vector_load %arg7[%get3A_923, %get3A_924, %get3A_925] {strides = array<i32>} : memref<4x16x1024xf32, #tpu.memory_space<vmem>>, vector<1x1x16xf32>,
      %get3A_927 = vector.shape_cast %get3A_926 : vector<1x1x16xf32> to vector<16xf32>
      %add3A_928 = arith.addf %add3A_921, %get3A_927 : vector<16xf32>
      %get3A_929 = arith.constant 1 : i32
      %get3A_930 = arith.index_cast %get3A_929 : i32 to index
      %get3A_931 = arith.index_cast %scan3A_584 : i32 to index
      %get3A_932 = arith.constant 784 : index
      %get3A_933 = tpu.vector_load %arg7[%get3A_930, %get3A_931, %get3A_932] {strides = array<i32>} : memref<4x16x1024xf32, #tpu.memory_space<vmem>>, vector<1x1x16xf32>,
      %get3A_934 = vector.shape_cast %get3A_933 : vector<1x1x16xf32> to vector<16xf32>
      %add3A_935 = arith.addf %add3A_928, %get3A_934 : vector<16xf32>
      %get3A_936 = arith.constant 1 : i32
      %get3A_937 = arith.index_cast %get3A_936 : i32 to index
      %get3A_938 = arith.index_cast %scan3A_584 : i32 to index
      %get3A_939 = arith.constant 800 : index
      %get3A_940 = tpu.vector_load %arg7[%get3A_937, %get3A_938, %get3A_939] {strides = array<i32>} : memref<4x16x1024xf32, #tpu.memory_space<vmem>>, vector<1x1x16xf32>,
      %get3A_941 = vector.shape_cast %get3A_940 : vector<1x1x16xf32> to vector<16xf32>
      %add3A_942 = arith.addf %add3A_935, %get3A_941 : vector<16xf32>
      %get3A_943 = arith.constant 1 : i32
      %get3A_944 = arith.index_cast %get3A_943 : i32 to index
      %get3A_945 = arith.index_cast %scan3A_584 : i32 to index
      %get3A_946 = arith.constant 816 : index
      %get3A_947 = tpu.vector_load %arg7[%get3A_944, %get3A_945, %get3A_946] {strides = array<i32>} : memref<4x16x1024xf32, #tpu.memory_space<vmem>>, vector<1x1x16xf32>,
      %get3A_948 = vector.shape_cast %get3A_947 : vector<1x1x16xf32> to vector<16xf32>
      %add3A_949 = arith.addf %add3A_942, %get3A_948 : vector<16xf32>
      %get3A_950 = arith.constant 1 : i32
      %get3A_951 = arith.index_cast %get3A_950 : i32 to index
      %get3A_952 = arith.index_cast %scan3A_584 : i32 to index
      %get3A_953 = arith.constant 832 : index
      %get3A_954 = tpu.vector_load %arg7[%get3A_951, %get3A_952, %get3A_953] {strides = array<i32>} : memref<4x16x1024xf32, #tpu.memory_space<vmem>>, vector<1x1x16xf32>,
      %get3A_955 = vector.shape_cast %get3A_954 : vector<1x1x16xf32> to vector<16xf32>
      %add3A_956 = arith.addf %add3A_949, %get3A_955 : vector<16xf32>
      %get3A_957 = arith.constant 1 : i32
      %get3A_958 = arith.index_cast %get3A_957 : i32 to index
      %get3A_959 = arith.index_cast %scan3A_584 : i32 to index
      %get3A_960 = arith.constant 848 : index
      %get3A_961 = tpu.vector_load %arg7[%get3A_958, %get3A_959, %get3A_960] {strides = array<i32>} : memref<4x16x1024xf32, #tpu.memory_space<vmem>>, vector<1x1x16xf32>,
      %get3A_962 = vector.shape_cast %get3A_961 : vector<1x1x16xf32> to vector<16xf32>
      %add3A_963 = arith.addf %add3A_956, %get3A_962 : vector<16xf32>
      %get3A_964 = arith.constant 1 : i32
      %get3A_965 = arith.index_cast %get3A_964 : i32 to index
      %get3A_966 = arith.index_cast %scan3A_584 : i32 to index
      %get3A_967 = arith.constant 864 : index
      %get3A_968 = tpu.vector_load %arg7[%get3A_965, %get3A_966, %get3A_967] {strides = array<i32>} : memref<4x16x1024xf32, #tpu.memory_space<vmem>>, vector<1x1x16xf32>,
      %get3A_969 = vector.shape_cast %get3A_968 : vector<1x1x16xf32> to vector<16xf32>
      %add3A_970 = arith.addf %add3A_963, %get3A_969 : vector<16xf32>
      %get3A_971 = arith.constant 1 : i32
      %get3A_972 = arith.index_cast %get3A_971 : i32 to index
      %get3A_973 = arith.index_cast %scan3A_584 : i32 to index
      %get3A_974 = arith.constant 880 : index
      %get3A_975 = tpu.vector_load %arg7[%get3A_972, %get3A_973, %get3A_974] {strides = array<i32>} : memref<4x16x1024xf32, #tpu.memory_space<vmem>>, vector<1x1x16xf32>,
      %get3A_976 = vector.shape_cast %get3A_975 : vector<1x1x16xf32> to vector<16xf32>
      %add3A_977 = arith.addf %add3A_970, %get3A_976 : vector<16xf32>
      %get3A_978 = arith.constant 1 : i32
      %get3A_979 = arith.index_cast %get3A_978 : i32 to index
      %get3A_980 = arith.index_cast %scan3A_584 : i32 to index
      %get3A_981 = arith.constant 896 : index
      %get3A_982 = tpu.vector_load %arg7[%get3A_979, %get3A_980, %get3A_981] {strides = array<i32>} : memref<4x16x1024xf32, #tpu.memory_space<vmem>>, vector<1x1x16xf32>,
      %get3A_983 = vector.shape_cast %get3A_982 : vector<1x1x16xf32> to vector<16xf32>
      %add3A_984 = arith.addf %add3A_977, %get3A_983 : vector<16xf32>
      %get3A_985 = arith.constant 1 : i32
      %get3A_986 = arith.index_cast %get3A_985 : i32 to index
      %get3A_987 = arith.index_cast %scan3A_584 : i32 to index
      %get3A_988 = arith.constant 912 : index
      %get3A_989 = tpu.vector_load %arg7[%get3A_986, %get3A_987, %get3A_988] {strides = array<i32>} : memref<4x16x1024xf32, #tpu.memory_space<vmem>>, vector<1x1x16xf32>,
      %get3A_990 = vector.shape_cast %get3A_989 : vector<1x1x16xf32> to vector<16xf32>
      %add3A_991 = arith.addf %add3A_984, %get3A_990 : vector<16xf32>
      %get3A_992 = arith.constant 1 : i32
      %get3A_993 = arith.index_cast %get3A_992 : i32 to index
      %get3A_994 = arith.index_cast %scan3A_584 : i32 to index
      %get3A_995 = arith.constant 928 : index
      %get3A_996 = tpu.vector_load %arg7[%get3A_993, %get3A_994, %get3A_995] {strides = array<i32>} : memref<4x16x1024xf32, #tpu.memory_space<vmem>>, vector<1x1x16xf32>,
      %get3A_997 = vector.shape_cast %get3A_996 : vector<1x1x16xf32> to vector<16xf32>
      %add3A_998 = arith.addf %add3A_991, %get3A_997 : vector<16xf32>
      %get3A_999 = arith.constant 1 : i32
      %get3A_1000 = arith.index_cast %get3A_999 : i32 to index
      %get3A_1001 = arith.index_cast %scan3A_584 : i32 to index
      %get3A_1002 = arith.constant 944 : index
      %get3A_1003 = tpu.vector_load %arg7[%get3A_1000, %get3A_1001, %get3A_1002] {strides = array<i32>} : memref<4x16x1024xf32, #tpu.memory_space<vmem>>, vector<1x1x16xf32>,
      %get3A_1004 = vector.shape_cast %get3A_1003 : vector<1x1x16xf32> to vector<16xf32>
      %add3A_1005 = arith.addf %add3A_998, %get3A_1004 : vector<16xf32>
      %get3A_1006 = arith.constant 1 : i32
      %get3A_1007 = arith.index_cast %get3A_1006 : i32 to index
      %get3A_1008 = arith.index_cast %scan3A_584 : i32 to index
      %get3A_1009 = arith.constant 960 : index
      %get3A_1010 = tpu.vector_load %arg7[%get3A_1007, %get3A_1008, %get3A_1009] {strides = array<i32>} : memref<4x16x1024xf32, #tpu.memory_space<vmem>>, vector<1x1x16xf32>,
      %get3A_1011 = vector.shape_cast %get3A_1010 : vector<1x1x16xf32> to vector<16xf32>
      %add3A_1012 = arith.addf %add3A_1005, %get3A_1011 : vector<16xf32>
      %get3A_1013 = arith.constant 1 : i32
      %get3A_1014 = arith.index_cast %get3A_1013 : i32 to index
      %get3A_1015 = arith.index_cast %scan3A_584 : i32 to index
      %get3A_1016 = arith.constant 976 : index
      %get3A_1017 = tpu.vector_load %arg7[%get3A_1014, %get3A_1015, %get3A_1016] {strides = array<i32>} : memref<4x16x1024xf32, #tpu.memory_space<vmem>>, vector<1x1x16xf32>,
      %get3A_1018 = vector.shape_cast %get3A_1017 : vector<1x1x16xf32> to vector<16xf32>
      %add3A_1019 = arith.addf %add3A_1012, %get3A_1018 : vector<16xf32>
      %get3A_1020 = arith.constant 1 : i32
      %get3A_1021 = arith.index_cast %get3A_1020 : i32 to index
      %get3A_1022 = arith.index_cast %scan3A_584 : i32 to index
      %get3A_1023 = arith.constant 992 : index
      %get3A_1024 = tpu.vector_load %arg7[%get3A_1021, %get3A_1022, %get3A_1023] {strides = array<i32>} : memref<4x16x1024xf32, #tpu.memory_space<vmem>>, vector<1x1x16xf32>,
      %get3A_1025 = vector.shape_cast %get3A_1024 : vector<1x1x16xf32> to vector<16xf32>
      %add3A_1026 = arith.addf %add3A_1019, %get3A_1025 : vector<16xf32>
      %get3A_1027 = arith.constant 1 : i32
      %get3A_1028 = arith.index_cast %get3A_1027 : i32 to index
      %get3A_1029 = arith.index_cast %scan3A_584 : i32 to index
      %get3A_1030 = arith.constant 1008 : index
      %get3A_1031 = tpu.vector_load %arg7[%get3A_1028, %get3A_1029, %get3A_1030] {strides = array<i32>} : memref<4x16x1024xf32, #tpu.memory_space<vmem>>, vector<1x1x16xf32>,
      %get3A_1032 = vector.shape_cast %get3A_1031 : vector<1x1x16xf32> to vector<16xf32>
      %add3A_1033 = arith.addf %add3A_1026, %get3A_1032 : vector<16xf32>
      scf.yield %add3A_1033 : vector<16xf32>
    }
    %scan3A_104 = arith.constant 16 : i32
    %add3A_105 = arith.constant 0 : i32
    %add3A_106 = arith.addi %add3A_9, %add3A_105 : i32
    %multiple_of3A_107 = tpu.assume_multiple %add3A_106, 8 : i32
    %dma_wait3A_108 = arith.constant 2 : i32
    %dma_wait3A_109 = arith.constant 0 : i32
    %dma_wait3A_110 = arith.constant 0 : i32
    %dma_wait3A_111 = tpu.memref_slice %arg7[%dma_wait3A_108, %dma_wait3A_109, %dma_wait3A_110] : memref<4x16x1024xf32, #tpu.memory_space<vmem>> -> memref<1x16x1024xf32, #tpu.memory_space<vmem>>
    %dma_wait3A_112 = tpu.memref_squeeze %dma_wait3A_111 : memref<1x16x1024xf32, #tpu.memory_space<vmem>> -> memref<16x1024xf32, #tpu.memory_space<vmem>>
    %dma_wait3A_113 = arith.constant 0 : i32
    %dma_wait3A_114 = tpu.memref_slice %arg2[%multiple_of3A_107, %dma_wait3A_113] : memref<100000x1024xf32, #tpu.memory_space<hbm>> -> memref<16x1024xf32, #tpu.memory_space<hbm>>
    %dma_wait3A_115 = arith.constant 0 : i32
    %dma_wait3A_116 = arith.constant 0 : i32
    %dma_wait3A_117 = tpu.memref_slice %arg7[%dma_wait3A_108, %dma_wait3A_115, %dma_wait3A_116] : memref<4x16x1024xf32, #tpu.memory_space<vmem>> -> memref<1x16x1024xf32, #tpu.memory_space<vmem>>
    %dma_wait3A_118 = tpu.memref_squeeze %dma_wait3A_117 : memref<1x16x1024xf32, #tpu.memory_space<vmem>> -> memref<16x1024xf32, #tpu.memory_space<vmem>>
    %dma_wait3A_119 = arith.constant 0 : i32
    %dma_wait3A_120 = tpu.memref_slice %arg2[%multiple_of3A_107, %dma_wait3A_119] : memref<100000x1024xf32, #tpu.memory_space<hbm>> -> memref<16x1024xf32, #tpu.memory_space<hbm>>
    tpu.wait_dma2 semaphore(%arg10 : memref<!tpu.dma_semaphore, #tpu.memory_space<semaphore_mem>>) src(%dma_wait3A_120 : memref<16x1024xf32, #tpu.memory_space<hbm>>) dst(%dma_wait3A_118 : memref<16x1024xf32, #tpu.memory_space<vmem>>)
    %scan3A_121 = arith.constant 0 : i32
    %scan3A_122 = arith.constant 16 : i32
    %scan3A_123 = arith.addi %scan3A_121, %scan3A_122 : i32
    %scan3A_124 = arith.constant 1 : i32
    %scan3A_125 = scf.for %scan3A_584 = %scan3A_121 to %scan3A_123 step %scan3A_124 iter_args(%scan3A_585 = %scan3A_103) -> (vector<16xf32>)  : i32 {
      %get3A_586 = arith.constant 2 : i32
      %get3A_587 = arith.index_cast %get3A_586 : i32 to index
      %get3A_588 = arith.index_cast %scan3A_584 : i32 to index
      %get3A_589 = arith.constant 0 : index
      %get3A_590 = tpu.vector_load %arg7[%get3A_587, %get3A_588, %get3A_589] {strides = array<i32>} : memref<4x16x1024xf32, #tpu.memory_space<vmem>>, vector<1x1x16xf32>,
      %get3A_591 = vector.shape_cast %get3A_590 : vector<1x1x16xf32> to vector<16xf32>
      %add3A_592 = arith.addf %scan3A_585, %get3A_591 : vector<16xf32>
      %get3A_593 = arith.constant 2 : i32
      %get3A_594 = arith.index_cast %get3A_593 : i32 to index
      %get3A_595 = arith.index_cast %scan3A_584 : i32 to index
      %get3A_596 = arith.constant 16 : index
      %get3A_597 = tpu.vector_load %arg7[%get3A_594, %get3A_595, %get3A_596] {strides = array<i32>} : memref<4x16x1024xf32, #tpu.memory_space<vmem>>, vector<1x1x16xf32>,
      %get3A_598 = vector.shape_cast %get3A_597 : vector<1x1x16xf32> to vector<16xf32>
      %add3A_599 = arith.addf %add3A_592, %get3A_598 : vector<16xf32>
      %get3A_600 = arith.constant 2 : i32
      %get3A_601 = arith.index_cast %get3A_600 : i32 to index
      %get3A_602 = arith.index_cast %scan3A_584 : i32 to index
      %get3A_603 = arith.constant 32 : index
      %get3A_604 = tpu.vector_load %arg7[%get3A_601, %get3A_602, %get3A_603] {strides = array<i32>} : memref<4x16x1024xf32, #tpu.memory_space<vmem>>, vector<1x1x16xf32>,
      %get3A_605 = vector.shape_cast %get3A_604 : vector<1x1x16xf32> to vector<16xf32>
      %add3A_606 = arith.addf %add3A_599, %get3A_605 : vector<16xf32>
      %get3A_607 = arith.constant 2 : i32
      %get3A_608 = arith.index_cast %get3A_607 : i32 to index
      %get3A_609 = arith.index_cast %scan3A_584 : i32 to index
      %get3A_610 = arith.constant 48 : index
      %get3A_611 = tpu.vector_load %arg7[%get3A_608, %get3A_609, %get3A_610] {strides = array<i32>} : memref<4x16x1024xf32, #tpu.memory_space<vmem>>, vector<1x1x16xf32>,
      %get3A_612 = vector.shape_cast %get3A_611 : vector<1x1x16xf32> to vector<16xf32>
      %add3A_613 = arith.addf %add3A_606, %get3A_612 : vector<16xf32>
      %get3A_614 = arith.constant 2 : i32
      %get3A_615 = arith.index_cast %get3A_614 : i32 to index
      %get3A_616 = arith.index_cast %scan3A_584 : i32 to index
      %get3A_617 = arith.constant 64 : index
      %get3A_618 = tpu.vector_load %arg7[%get3A_615, %get3A_616, %get3A_617] {strides = array<i32>} : memref<4x16x1024xf32, #tpu.memory_space<vmem>>, vector<1x1x16xf32>,
      %get3A_619 = vector.shape_cast %get3A_618 : vector<1x1x16xf32> to vector<16xf32>
      %add3A_620 = arith.addf %add3A_613, %get3A_619 : vector<16xf32>
      %get3A_621 = arith.constant 2 : i32
      %get3A_622 = arith.index_cast %get3A_621 : i32 to index
      %get3A_623 = arith.index_cast %scan3A_584 : i32 to index
      %get3A_624 = arith.constant 80 : index
      %get3A_625 = tpu.vector_load %arg7[%get3A_622, %get3A_623, %get3A_624] {strides = array<i32>} : memref<4x16x1024xf32, #tpu.memory_space<vmem>>, vector<1x1x16xf32>,
      %get3A_626 = vector.shape_cast %get3A_625 : vector<1x1x16xf32> to vector<16xf32>
      %add3A_627 = arith.addf %add3A_620, %get3A_626 : vector<16xf32>
      %get3A_628 = arith.constant 2 : i32
      %get3A_629 = arith.index_cast %get3A_628 : i32 to index
      %get3A_630 = arith.index_cast %scan3A_584 : i32 to index
      %get3A_631 = arith.constant 96 : index
      %get3A_632 = tpu.vector_load %arg7[%get3A_629, %get3A_630, %get3A_631] {strides = array<i32>} : memref<4x16x1024xf32, #tpu.memory_space<vmem>>, vector<1x1x16xf32>,
      %get3A_633 = vector.shape_cast %get3A_632 : vector<1x1x16xf32> to vector<16xf32>
      %add3A_634 = arith.addf %add3A_627, %get3A_633 : vector<16xf32>
      %get3A_635 = arith.constant 2 : i32
      %get3A_636 = arith.index_cast %get3A_635 : i32 to index
      %get3A_637 = arith.index_cast %scan3A_584 : i32 to index
      %get3A_638 = arith.constant 112 : index
      %get3A_639 = tpu.vector_load %arg7[%get3A_636, %get3A_637, %get3A_638] {strides = array<i32>} : memref<4x16x1024xf32, #tpu.memory_space<vmem>>, vector<1x1x16xf32>,
      %get3A_640 = vector.shape_cast %get3A_639 : vector<1x1x16xf32> to vector<16xf32>
      %add3A_641 = arith.addf %add3A_634, %get3A_640 : vector<16xf32>
      %get3A_642 = arith.constant 2 : i32
      %get3A_643 = arith.index_cast %get3A_642 : i32 to index
      %get3A_644 = arith.index_cast %scan3A_584 : i32 to index
      %get3A_645 = arith.constant 128 : index
      %get3A_646 = tpu.vector_load %arg7[%get3A_643, %get3A_644, %get3A_645] {strides = array<i32>} : memref<4x16x1024xf32, #tpu.memory_space<vmem>>, vector<1x1x16xf32>,
      %get3A_647 = vector.shape_cast %get3A_646 : vector<1x1x16xf32> to vector<16xf32>
      %add3A_648 = arith.addf %add3A_641, %get3A_647 : vector<16xf32>
      %get3A_649 = arith.constant 2 : i32
      %get3A_650 = arith.index_cast %get3A_649 : i32 to index
      %get3A_651 = arith.index_cast %scan3A_584 : i32 to index
      %get3A_652 = arith.constant 144 : index
      %get3A_653 = tpu.vector_load %arg7[%get3A_650, %get3A_651, %get3A_652] {strides = array<i32>} : memref<4x16x1024xf32, #tpu.memory_space<vmem>>, vector<1x1x16xf32>,
      %get3A_654 = vector.shape_cast %get3A_653 : vector<1x1x16xf32> to vector<16xf32>
      %add3A_655 = arith.addf %add3A_648, %get3A_654 : vector<16xf32>
      %get3A_656 = arith.constant 2 : i32
      %get3A_657 = arith.index_cast %get3A_656 : i32 to index
      %get3A_658 = arith.index_cast %scan3A_584 : i32 to index
      %get3A_659 = arith.constant 160 : index
      %get3A_660 = tpu.vector_load %arg7[%get3A_657, %get3A_658, %get3A_659] {strides = array<i32>} : memref<4x16x1024xf32, #tpu.memory_space<vmem>>, vector<1x1x16xf32>,
      %get3A_661 = vector.shape_cast %get3A_660 : vector<1x1x16xf32> to vector<16xf32>
      %add3A_662 = arith.addf %add3A_655, %get3A_661 : vector<16xf32>
      %get3A_663 = arith.constant 2 : i32
      %get3A_664 = arith.index_cast %get3A_663 : i32 to index
      %get3A_665 = arith.index_cast %scan3A_584 : i32 to index
      %get3A_666 = arith.constant 176 : index
      %get3A_667 = tpu.vector_load %arg7[%get3A_664, %get3A_665, %get3A_666] {strides = array<i32>} : memref<4x16x1024xf32, #tpu.memory_space<vmem>>, vector<1x1x16xf32>,
      %get3A_668 = vector.shape_cast %get3A_667 : vector<1x1x16xf32> to vector<16xf32>
      %add3A_669 = arith.addf %add3A_662, %get3A_668 : vector<16xf32>
      %get3A_670 = arith.constant 2 : i32
      %get3A_671 = arith.index_cast %get3A_670 : i32 to index
      %get3A_672 = arith.index_cast %scan3A_584 : i32 to index
      %get3A_673 = arith.constant 192 : index
      %get3A_674 = tpu.vector_load %arg7[%get3A_671, %get3A_672, %get3A_673] {strides = array<i32>} : memref<4x16x1024xf32, #tpu.memory_space<vmem>>, vector<1x1x16xf32>,
      %get3A_675 = vector.shape_cast %get3A_674 : vector<1x1x16xf32> to vector<16xf32>
      %add3A_676 = arith.addf %add3A_669, %get3A_675 : vector<16xf32>
      %get3A_677 = arith.constant 2 : i32
      %get3A_678 = arith.index_cast %get3A_677 : i32 to index
      %get3A_679 = arith.index_cast %scan3A_584 : i32 to index
      %get3A_680 = arith.constant 208 : index
      %get3A_681 = tpu.vector_load %arg7[%get3A_678, %get3A_679, %get3A_680] {strides = array<i32>} : memref<4x16x1024xf32, #tpu.memory_space<vmem>>, vector<1x1x16xf32>,
      %get3A_682 = vector.shape_cast %get3A_681 : vector<1x1x16xf32> to vector<16xf32>
      %add3A_683 = arith.addf %add3A_676, %get3A_682 : vector<16xf32>
      %get3A_684 = arith.constant 2 : i32
      %get3A_685 = arith.index_cast %get3A_684 : i32 to index
      %get3A_686 = arith.index_cast %scan3A_584 : i32 to index
      %get3A_687 = arith.constant 224 : index
      %get3A_688 = tpu.vector_load %arg7[%get3A_685, %get3A_686, %get3A_687] {strides = array<i32>} : memref<4x16x1024xf32, #tpu.memory_space<vmem>>, vector<1x1x16xf32>,
      %get3A_689 = vector.shape_cast %get3A_688 : vector<1x1x16xf32> to vector<16xf32>
      %add3A_690 = arith.addf %add3A_683, %get3A_689 : vector<16xf32>
      %get3A_691 = arith.constant 2 : i32
      %get3A_692 = arith.index_cast %get3A_691 : i32 to index
      %get3A_693 = arith.index_cast %scan3A_584 : i32 to index
      %get3A_694 = arith.constant 240 : index
      %get3A_695 = tpu.vector_load %arg7[%get3A_692, %get3A_693, %get3A_694] {strides = array<i32>} : memref<4x16x1024xf32, #tpu.memory_space<vmem>>, vector<1x1x16xf32>,
      %get3A_696 = vector.shape_cast %get3A_695 : vector<1x1x16xf32> to vector<16xf32>
      %add3A_697 = arith.addf %add3A_690, %get3A_696 : vector<16xf32>
      %get3A_698 = arith.constant 2 : i32
      %get3A_699 = arith.index_cast %get3A_698 : i32 to index
      %get3A_700 = arith.index_cast %scan3A_584 : i32 to index
      %get3A_701 = arith.constant 256 : index
      %get3A_702 = tpu.vector_load %arg7[%get3A_699, %get3A_700, %get3A_701] {strides = array<i32>} : memref<4x16x1024xf32, #tpu.memory_space<vmem>>, vector<1x1x16xf32>,
      %get3A_703 = vector.shape_cast %get3A_702 : vector<1x1x16xf32> to vector<16xf32>
      %add3A_704 = arith.addf %add3A_697, %get3A_703 : vector<16xf32>
      %get3A_705 = arith.constant 2 : i32
      %get3A_706 = arith.index_cast %get3A_705 : i32 to index
      %get3A_707 = arith.index_cast %scan3A_584 : i32 to index
      %get3A_708 = arith.constant 272 : index
      %get3A_709 = tpu.vector_load %arg7[%get3A_706, %get3A_707, %get3A_708] {strides = array<i32>} : memref<4x16x1024xf32, #tpu.memory_space<vmem>>, vector<1x1x16xf32>,
      %get3A_710 = vector.shape_cast %get3A_709 : vector<1x1x16xf32> to vector<16xf32>
      %add3A_711 = arith.addf %add3A_704, %get3A_710 : vector<16xf32>
      %get3A_712 = arith.constant 2 : i32
      %get3A_713 = arith.index_cast %get3A_712 : i32 to index
      %get3A_714 = arith.index_cast %scan3A_584 : i32 to index
      %get3A_715 = arith.constant 288 : index
      %get3A_716 = tpu.vector_load %arg7[%get3A_713, %get3A_714, %get3A_715] {strides = array<i32>} : memref<4x16x1024xf32, #tpu.memory_space<vmem>>, vector<1x1x16xf32>,
      %get3A_717 = vector.shape_cast %get3A_716 : vector<1x1x16xf32> to vector<16xf32>
      %add3A_718 = arith.addf %add3A_711, %get3A_717 : vector<16xf32>
      %get3A_719 = arith.constant 2 : i32
      %get3A_720 = arith.index_cast %get3A_719 : i32 to index
      %get3A_721 = arith.index_cast %scan3A_584 : i32 to index
      %get3A_722 = arith.constant 304 : index
      %get3A_723 = tpu.vector_load %arg7[%get3A_720, %get3A_721, %get3A_722] {strides = array<i32>} : memref<4x16x1024xf32, #tpu.memory_space<vmem>>, vector<1x1x16xf32>,
      %get3A_724 = vector.shape_cast %get3A_723 : vector<1x1x16xf32> to vector<16xf32>
      %add3A_725 = arith.addf %add3A_718, %get3A_724 : vector<16xf32>
      %get3A_726 = arith.constant 2 : i32
      %get3A_727 = arith.index_cast %get3A_726 : i32 to index
      %get3A_728 = arith.index_cast %scan3A_584 : i32 to index
      %get3A_729 = arith.constant 320 : index
      %get3A_730 = tpu.vector_load %arg7[%get3A_727, %get3A_728, %get3A_729] {strides = array<i32>} : memref<4x16x1024xf32, #tpu.memory_space<vmem>>, vector<1x1x16xf32>,
      %get3A_731 = vector.shape_cast %get3A_730 : vector<1x1x16xf32> to vector<16xf32>
      %add3A_732 = arith.addf %add3A_725, %get3A_731 : vector<16xf32>
      %get3A_733 = arith.constant 2 : i32
      %get3A_734 = arith.index_cast %get3A_733 : i32 to index
      %get3A_735 = arith.index_cast %scan3A_584 : i32 to index
      %get3A_736 = arith.constant 336 : index
      %get3A_737 = tpu.vector_load %arg7[%get3A_734, %get3A_735, %get3A_736] {strides = array<i32>} : memref<4x16x1024xf32, #tpu.memory_space<vmem>>, vector<1x1x16xf32>,
      %get3A_738 = vector.shape_cast %get3A_737 : vector<1x1x16xf32> to vector<16xf32>
      %add3A_739 = arith.addf %add3A_732, %get3A_738 : vector<16xf32>
      %get3A_740 = arith.constant 2 : i32
      %get3A_741 = arith.index_cast %get3A_740 : i32 to index
      %get3A_742 = arith.index_cast %scan3A_584 : i32 to index
      %get3A_743 = arith.constant 352 : index
      %get3A_744 = tpu.vector_load %arg7[%get3A_741, %get3A_742, %get3A_743] {strides = array<i32>} : memref<4x16x1024xf32, #tpu.memory_space<vmem>>, vector<1x1x16xf32>,
      %get3A_745 = vector.shape_cast %get3A_744 : vector<1x1x16xf32> to vector<16xf32>
      %add3A_746 = arith.addf %add3A_739, %get3A_745 : vector<16xf32>
      %get3A_747 = arith.constant 2 : i32
      %get3A_748 = arith.index_cast %get3A_747 : i32 to index
      %get3A_749 = arith.index_cast %scan3A_584 : i32 to index
      %get3A_750 = arith.constant 368 : index
      %get3A_751 = tpu.vector_load %arg7[%get3A_748, %get3A_749, %get3A_750] {strides = array<i32>} : memref<4x16x1024xf32, #tpu.memory_space<vmem>>, vector<1x1x16xf32>,
      %get3A_752 = vector.shape_cast %get3A_751 : vector<1x1x16xf32> to vector<16xf32>
      %add3A_753 = arith.addf %add3A_746, %get3A_752 : vector<16xf32>
      %get3A_754 = arith.constant 2 : i32
      %get3A_755 = arith.index_cast %get3A_754 : i32 to index
      %get3A_756 = arith.index_cast %scan3A_584 : i32 to index
      %get3A_757 = arith.constant 384 : index
      %get3A_758 = tpu.vector_load %arg7[%get3A_755, %get3A_756, %get3A_757] {strides = array<i32>} : memref<4x16x1024xf32, #tpu.memory_space<vmem>>, vector<1x1x16xf32>,
      %get3A_759 = vector.shape_cast %get3A_758 : vector<1x1x16xf32> to vector<16xf32>
      %add3A_760 = arith.addf %add3A_753, %get3A_759 : vector<16xf32>
      %get3A_761 = arith.constant 2 : i32
      %get3A_762 = arith.index_cast %get3A_761 : i32 to index
      %get3A_763 = arith.index_cast %scan3A_584 : i32 to index
      %get3A_764 = arith.constant 400 : index
      %get3A_765 = tpu.vector_load %arg7[%get3A_762, %get3A_763, %get3A_764] {strides = array<i32>} : memref<4x16x1024xf32, #tpu.memory_space<vmem>>, vector<1x1x16xf32>,
      %get3A_766 = vector.shape_cast %get3A_765 : vector<1x1x16xf32> to vector<16xf32>
      %add3A_767 = arith.addf %add3A_760, %get3A_766 : vector<16xf32>
      %get3A_768 = arith.constant 2 : i32
      %get3A_769 = arith.index_cast %get3A_768 : i32 to index
      %get3A_770 = arith.index_cast %scan3A_584 : i32 to index
      %get3A_771 = arith.constant 416 : index
      %get3A_772 = tpu.vector_load %arg7[%get3A_769, %get3A_770, %get3A_771] {strides = array<i32>} : memref<4x16x1024xf32, #tpu.memory_space<vmem>>, vector<1x1x16xf32>,
      %get3A_773 = vector.shape_cast %get3A_772 : vector<1x1x16xf32> to vector<16xf32>
      %add3A_774 = arith.addf %add3A_767, %get3A_773 : vector<16xf32>
      %get3A_775 = arith.constant 2 : i32
      %get3A_776 = arith.index_cast %get3A_775 : i32 to index
      %get3A_777 = arith.index_cast %scan3A_584 : i32 to index
      %get3A_778 = arith.constant 432 : index
      %get3A_779 = tpu.vector_load %arg7[%get3A_776, %get3A_777, %get3A_778] {strides = array<i32>} : memref<4x16x1024xf32, #tpu.memory_space<vmem>>, vector<1x1x16xf32>,
      %get3A_780 = vector.shape_cast %get3A_779 : vector<1x1x16xf32> to vector<16xf32>
      %add3A_781 = arith.addf %add3A_774, %get3A_780 : vector<16xf32>
      %get3A_782 = arith.constant 2 : i32
      %get3A_783 = arith.index_cast %get3A_782 : i32 to index
      %get3A_784 = arith.index_cast %scan3A_584 : i32 to index
      %get3A_785 = arith.constant 448 : index
      %get3A_786 = tpu.vector_load %arg7[%get3A_783, %get3A_784, %get3A_785] {strides = array<i32>} : memref<4x16x1024xf32, #tpu.memory_space<vmem>>, vector<1x1x16xf32>,
      %get3A_787 = vector.shape_cast %get3A_786 : vector<1x1x16xf32> to vector<16xf32>
      %add3A_788 = arith.addf %add3A_781, %get3A_787 : vector<16xf32>
      %get3A_789 = arith.constant 2 : i32
      %get3A_790 = arith.index_cast %get3A_789 : i32 to index
      %get3A_791 = arith.index_cast %scan3A_584 : i32 to index
      %get3A_792 = arith.constant 464 : index
      %get3A_793 = tpu.vector_load %arg7[%get3A_790, %get3A_791, %get3A_792] {strides = array<i32>} : memref<4x16x1024xf32, #tpu.memory_space<vmem>>, vector<1x1x16xf32>,
      %get3A_794 = vector.shape_cast %get3A_793 : vector<1x1x16xf32> to vector<16xf32>
      %add3A_795 = arith.addf %add3A_788, %get3A_794 : vector<16xf32>
      %get3A_796 = arith.constant 2 : i32
      %get3A_797 = arith.index_cast %get3A_796 : i32 to index
      %get3A_798 = arith.index_cast %scan3A_584 : i32 to index
      %get3A_799 = arith.constant 480 : index
      %get3A_800 = tpu.vector_load %arg7[%get3A_797, %get3A_798, %get3A_799] {strides = array<i32>} : memref<4x16x1024xf32, #tpu.memory_space<vmem>>, vector<1x1x16xf32>,
      %get3A_801 = vector.shape_cast %get3A_800 : vector<1x1x16xf32> to vector<16xf32>
      %add3A_802 = arith.addf %add3A_795, %get3A_801 : vector<16xf32>
      %get3A_803 = arith.constant 2 : i32
      %get3A_804 = arith.index_cast %get3A_803 : i32 to index
      %get3A_805 = arith.index_cast %scan3A_584 : i32 to index
      %get3A_806 = arith.constant 496 : index
      %get3A_807 = tpu.vector_load %arg7[%get3A_804, %get3A_805, %get3A_806] {strides = array<i32>} : memref<4x16x1024xf32, #tpu.memory_space<vmem>>, vector<1x1x16xf32>,
      %get3A_808 = vector.shape_cast %get3A_807 : vector<1x1x16xf32> to vector<16xf32>
      %add3A_809 = arith.addf %add3A_802, %get3A_808 : vector<16xf32>
      %get3A_810 = arith.constant 2 : i32
      %get3A_811 = arith.index_cast %get3A_810 : i32 to index
      %get3A_812 = arith.index_cast %scan3A_584 : i32 to index
      %get3A_813 = arith.constant 512 : index
      %get3A_814 = tpu.vector_load %arg7[%get3A_811, %get3A_812, %get3A_813] {strides = array<i32>} : memref<4x16x1024xf32, #tpu.memory_space<vmem>>, vector<1x1x16xf32>,
      %get3A_815 = vector.shape_cast %get3A_814 : vector<1x1x16xf32> to vector<16xf32>
      %add3A_816 = arith.addf %add3A_809, %get3A_815 : vector<16xf32>
      %get3A_817 = arith.constant 2 : i32
      %get3A_818 = arith.index_cast %get3A_817 : i32 to index
      %get3A_819 = arith.index_cast %scan3A_584 : i32 to index
      %get3A_820 = arith.constant 528 : index
      %get3A_821 = tpu.vector_load %arg7[%get3A_818, %get3A_819, %get3A_820] {strides = array<i32>} : memref<4x16x1024xf32, #tpu.memory_space<vmem>>, vector<1x1x16xf32>,
      %get3A_822 = vector.shape_cast %get3A_821 : vector<1x1x16xf32> to vector<16xf32>
      %add3A_823 = arith.addf %add3A_816, %get3A_822 : vector<16xf32>
      %get3A_824 = arith.constant 2 : i32
      %get3A_825 = arith.index_cast %get3A_824 : i32 to index
      %get3A_826 = arith.index_cast %scan3A_584 : i32 to index
      %get3A_827 = arith.constant 544 : index
      %get3A_828 = tpu.vector_load %arg7[%get3A_825, %get3A_826, %get3A_827] {strides = array<i32>} : memref<4x16x1024xf32, #tpu.memory_space<vmem>>, vector<1x1x16xf32>,
      %get3A_829 = vector.shape_cast %get3A_828 : vector<1x1x16xf32> to vector<16xf32>
      %add3A_830 = arith.addf %add3A_823, %get3A_829 : vector<16xf32>
      %get3A_831 = arith.constant 2 : i32
      %get3A_832 = arith.index_cast %get3A_831 : i32 to index
      %get3A_833 = arith.index_cast %scan3A_584 : i32 to index
      %get3A_834 = arith.constant 560 : index
      %get3A_835 = tpu.vector_load %arg7[%get3A_832, %get3A_833, %get3A_834] {strides = array<i32>} : memref<4x16x1024xf32, #tpu.memory_space<vmem>>, vector<1x1x16xf32>,
      %get3A_836 = vector.shape_cast %get3A_835 : vector<1x1x16xf32> to vector<16xf32>
      %add3A_837 = arith.addf %add3A_830, %get3A_836 : vector<16xf32>
      %get3A_838 = arith.constant 2 : i32
      %get3A_839 = arith.index_cast %get3A_838 : i32 to index
      %get3A_840 = arith.index_cast %scan3A_584 : i32 to index
      %get3A_841 = arith.constant 576 : index
      %get3A_842 = tpu.vector_load %arg7[%get3A_839, %get3A_840, %get3A_841] {strides = array<i32>} : memref<4x16x1024xf32, #tpu.memory_space<vmem>>, vector<1x1x16xf32>,
      %get3A_843 = vector.shape_cast %get3A_842 : vector<1x1x16xf32> to vector<16xf32>
      %add3A_844 = arith.addf %add3A_837, %get3A_843 : vector<16xf32>
      %get3A_845 = arith.constant 2 : i32
      %get3A_846 = arith.index_cast %get3A_845 : i32 to index
      %get3A_847 = arith.index_cast %scan3A_584 : i32 to index
      %get3A_848 = arith.constant 592 : index
      %get3A_849 = tpu.vector_load %arg7[%get3A_846, %get3A_847, %get3A_848] {strides = array<i32>} : memref<4x16x1024xf32, #tpu.memory_space<vmem>>, vector<1x1x16xf32>,
      %get3A_850 = vector.shape_cast %get3A_849 : vector<1x1x16xf32> to vector<16xf32>
      %add3A_851 = arith.addf %add3A_844, %get3A_850 : vector<16xf32>
      %get3A_852 = arith.constant 2 : i32
      %get3A_853 = arith.index_cast %get3A_852 : i32 to index
      %get3A_854 = arith.index_cast %scan3A_584 : i32 to index
      %get3A_855 = arith.constant 608 : index
      %get3A_856 = tpu.vector_load %arg7[%get3A_853, %get3A_854, %get3A_855] {strides = array<i32>} : memref<4x16x1024xf32, #tpu.memory_space<vmem>>, vector<1x1x16xf32>,
      %get3A_857 = vector.shape_cast %get3A_856 : vector<1x1x16xf32> to vector<16xf32>
      %add3A_858 = arith.addf %add3A_851, %get3A_857 : vector<16xf32>
      %get3A_859 = arith.constant 2 : i32
      %get3A_860 = arith.index_cast %get3A_859 : i32 to index
      %get3A_861 = arith.index_cast %scan3A_584 : i32 to index
      %get3A_862 = arith.constant 624 : index
      %get3A_863 = tpu.vector_load %arg7[%get3A_860, %get3A_861, %get3A_862] {strides = array<i32>} : memref<4x16x1024xf32, #tpu.memory_space<vmem>>, vector<1x1x16xf32>,
      %get3A_864 = vector.shape_cast %get3A_863 : vector<1x1x16xf32> to vector<16xf32>
      %add3A_865 = arith.addf %add3A_858, %get3A_864 : vector<16xf32>
      %get3A_866 = arith.constant 2 : i32
      %get3A_867 = arith.index_cast %get3A_866 : i32 to index
      %get3A_868 = arith.index_cast %scan3A_584 : i32 to index
      %get3A_869 = arith.constant 640 : index
      %get3A_870 = tpu.vector_load %arg7[%get3A_867, %get3A_868, %get3A_869] {strides = array<i32>} : memref<4x16x1024xf32, #tpu.memory_space<vmem>>, vector<1x1x16xf32>,
      %get3A_871 = vector.shape_cast %get3A_870 : vector<1x1x16xf32> to vector<16xf32>
      %add3A_872 = arith.addf %add3A_865, %get3A_871 : vector<16xf32>
      %get3A_873 = arith.constant 2 : i32
      %get3A_874 = arith.index_cast %get3A_873 : i32 to index
      %get3A_875 = arith.index_cast %scan3A_584 : i32 to index
      %get3A_876 = arith.constant 656 : index
      %get3A_877 = tpu.vector_load %arg7[%get3A_874, %get3A_875, %get3A_876] {strides = array<i32>} : memref<4x16x1024xf32, #tpu.memory_space<vmem>>, vector<1x1x16xf32>,
      %get3A_878 = vector.shape_cast %get3A_877 : vector<1x1x16xf32> to vector<16xf32>
      %add3A_879 = arith.addf %add3A_872, %get3A_878 : vector<16xf32>
      %get3A_880 = arith.constant 2 : i32
      %get3A_881 = arith.index_cast %get3A_880 : i32 to index
      %get3A_882 = arith.index_cast %scan3A_584 : i32 to index
      %get3A_883 = arith.constant 672 : index
      %get3A_884 = tpu.vector_load %arg7[%get3A_881, %get3A_882, %get3A_883] {strides = array<i32>} : memref<4x16x1024xf32, #tpu.memory_space<vmem>>, vector<1x1x16xf32>,
      %get3A_885 = vector.shape_cast %get3A_884 : vector<1x1x16xf32> to vector<16xf32>
      %add3A_886 = arith.addf %add3A_879, %get3A_885 : vector<16xf32>
      %get3A_887 = arith.constant 2 : i32
      %get3A_888 = arith.index_cast %get3A_887 : i32 to index
      %get3A_889 = arith.index_cast %scan3A_584 : i32 to index
      %get3A_890 = arith.constant 688 : index
      %get3A_891 = tpu.vector_load %arg7[%get3A_888, %get3A_889, %get3A_890] {strides = array<i32>} : memref<4x16x1024xf32, #tpu.memory_space<vmem>>, vector<1x1x16xf32>,
      %get3A_892 = vector.shape_cast %get3A_891 : vector<1x1x16xf32> to vector<16xf32>
      %add3A_893 = arith.addf %add3A_886, %get3A_892 : vector<16xf32>
      %get3A_894 = arith.constant 2 : i32
      %get3A_895 = arith.index_cast %get3A_894 : i32 to index
      %get3A_896 = arith.index_cast %scan3A_584 : i32 to index
      %get3A_897 = arith.constant 704 : index
      %get3A_898 = tpu.vector_load %arg7[%get3A_895, %get3A_896, %get3A_897] {strides = array<i32>} : memref<4x16x1024xf32, #tpu.memory_space<vmem>>, vector<1x1x16xf32>,
      %get3A_899 = vector.shape_cast %get3A_898 : vector<1x1x16xf32> to vector<16xf32>
      %add3A_900 = arith.addf %add3A_893, %get3A_899 : vector<16xf32>
      %get3A_901 = arith.constant 2 : i32
      %get3A_902 = arith.index_cast %get3A_901 : i32 to index
      %get3A_903 = arith.index_cast %scan3A_584 : i32 to index
      %get3A_904 = arith.constant 720 : index
      %get3A_905 = tpu.vector_load %arg7[%get3A_902, %get3A_903, %get3A_904] {strides = array<i32>} : memref<4x16x1024xf32, #tpu.memory_space<vmem>>, vector<1x1x16xf32>,
      %get3A_906 = vector.shape_cast %get3A_905 : vector<1x1x16xf32> to vector<16xf32>
      %add3A_907 = arith.addf %add3A_900, %get3A_906 : vector<16xf32>
      %get3A_908 = arith.constant 2 : i32
      %get3A_909 = arith.index_cast %get3A_908 : i32 to index
      %get3A_910 = arith.index_cast %scan3A_584 : i32 to index
      %get3A_911 = arith.constant 736 : index
      %get3A_912 = tpu.vector_load %arg7[%get3A_909, %get3A_910, %get3A_911] {strides = array<i32>} : memref<4x16x1024xf32, #tpu.memory_space<vmem>>, vector<1x1x16xf32>,
      %get3A_913 = vector.shape_cast %get3A_912 : vector<1x1x16xf32> to vector<16xf32>
      %add3A_914 = arith.addf %add3A_907, %get3A_913 : vector<16xf32>
      %get3A_915 = arith.constant 2 : i32
      %get3A_916 = arith.index_cast %get3A_915 : i32 to index
      %get3A_917 = arith.index_cast %scan3A_584 : i32 to index
      %get3A_918 = arith.constant 752 : index
      %get3A_919 = tpu.vector_load %arg7[%get3A_916, %get3A_917, %get3A_918] {strides = array<i32>} : memref<4x16x1024xf32, #tpu.memory_space<vmem>>, vector<1x1x16xf32>,
      %get3A_920 = vector.shape_cast %get3A_919 : vector<1x1x16xf32> to vector<16xf32>
      %add3A_921 = arith.addf %add3A_914, %get3A_920 : vector<16xf32>
      %get3A_922 = arith.constant 2 : i32
      %get3A_923 = arith.index_cast %get3A_922 : i32 to index
      %get3A_924 = arith.index_cast %scan3A_584 : i32 to index
      %get3A_925 = arith.constant 768 : index
      %get3A_926 = tpu.vector_load %arg7[%get3A_923, %get3A_924, %get3A_925] {strides = array<i32>} : memref<4x16x1024xf32, #tpu.memory_space<vmem>>, vector<1x1x16xf32>,
      %get3A_927 = vector.shape_cast %get3A_926 : vector<1x1x16xf32> to vector<16xf32>
      %add3A_928 = arith.addf %add3A_921, %get3A_927 : vector<16xf32>
      %get3A_929 = arith.constant 2 : i32
      %get3A_930 = arith.index_cast %get3A_929 : i32 to index
      %get3A_931 = arith.index_cast %scan3A_584 : i32 to index
      %get3A_932 = arith.constant 784 : index
      %get3A_933 = tpu.vector_load %arg7[%get3A_930, %get3A_931, %get3A_932] {strides = array<i32>} : memref<4x16x1024xf32, #tpu.memory_space<vmem>>, vector<1x1x16xf32>,
      %get3A_934 = vector.shape_cast %get3A_933 : vector<1x1x16xf32> to vector<16xf32>
      %add3A_935 = arith.addf %add3A_928, %get3A_934 : vector<16xf32>
      %get3A_936 = arith.constant 2 : i32
      %get3A_937 = arith.index_cast %get3A_936 : i32 to index
      %get3A_938 = arith.index_cast %scan3A_584 : i32 to index
      %get3A_939 = arith.constant 800 : index
      %get3A_940 = tpu.vector_load %arg7[%get3A_937, %get3A_938, %get3A_939] {strides = array<i32>} : memref<4x16x1024xf32, #tpu.memory_space<vmem>>, vector<1x1x16xf32>,
      %get3A_941 = vector.shape_cast %get3A_940 : vector<1x1x16xf32> to vector<16xf32>
      %add3A_942 = arith.addf %add3A_935, %get3A_941 : vector<16xf32>
      %get3A_943 = arith.constant 2 : i32
      %get3A_944 = arith.index_cast %get3A_943 : i32 to index
      %get3A_945 = arith.index_cast %scan3A_584 : i32 to index
      %get3A_946 = arith.constant 816 : index
      %get3A_947 = tpu.vector_load %arg7[%get3A_944, %get3A_945, %get3A_946] {strides = array<i32>} : memref<4x16x1024xf32, #tpu.memory_space<vmem>>, vector<1x1x16xf32>,
      %get3A_948 = vector.shape_cast %get3A_947 : vector<1x1x16xf32> to vector<16xf32>
      %add3A_949 = arith.addf %add3A_942, %get3A_948 : vector<16xf32>
      %get3A_950 = arith.constant 2 : i32
      %get3A_951 = arith.index_cast %get3A_950 : i32 to index
      %get3A_952 = arith.index_cast %scan3A_584 : i32 to index
      %get3A_953 = arith.constant 832 : index
      %get3A_954 = tpu.vector_load %arg7[%get3A_951, %get3A_952, %get3A_953] {strides = array<i32>} : memref<4x16x1024xf32, #tpu.memory_space<vmem>>, vector<1x1x16xf32>,
      %get3A_955 = vector.shape_cast %get3A_954 : vector<1x1x16xf32> to vector<16xf32>
      %add3A_956 = arith.addf %add3A_949, %get3A_955 : vector<16xf32>
      %get3A_957 = arith.constant 2 : i32
      %get3A_958 = arith.index_cast %get3A_957 : i32 to index
      %get3A_959 = arith.index_cast %scan3A_584 : i32 to index
      %get3A_960 = arith.constant 848 : index
      %get3A_961 = tpu.vector_load %arg7[%get3A_958, %get3A_959, %get3A_960] {strides = array<i32>} : memref<4x16x1024xf32, #tpu.memory_space<vmem>>, vector<1x1x16xf32>,
      %get3A_962 = vector.shape_cast %get3A_961 : vector<1x1x16xf32> to vector<16xf32>
      %add3A_963 = arith.addf %add3A_956, %get3A_962 : vector<16xf32>
      %get3A_964 = arith.constant 2 : i32
      %get3A_965 = arith.index_cast %get3A_964 : i32 to index
      %get3A_966 = arith.index_cast %scan3A_584 : i32 to index
      %get3A_967 = arith.constant 864 : index
      %get3A_968 = tpu.vector_load %arg7[%get3A_965, %get3A_966, %get3A_967] {strides = array<i32>} : memref<4x16x1024xf32, #tpu.memory_space<vmem>>, vector<1x1x16xf32>,
      %get3A_969 = vector.shape_cast %get3A_968 : vector<1x1x16xf32> to vector<16xf32>
      %add3A_970 = arith.addf %add3A_963, %get3A_969 : vector<16xf32>
      %get3A_971 = arith.constant 2 : i32
      %get3A_972 = arith.index_cast %get3A_971 : i32 to index
      %get3A_973 = arith.index_cast %scan3A_584 : i32 to index
      %get3A_974 = arith.constant 880 : index
      %get3A_975 = tpu.vector_load %arg7[%get3A_972, %get3A_973, %get3A_974] {strides = array<i32>} : memref<4x16x1024xf32, #tpu.memory_space<vmem>>, vector<1x1x16xf32>,
      %get3A_976 = vector.shape_cast %get3A_975 : vector<1x1x16xf32> to vector<16xf32>
      %add3A_977 = arith.addf %add3A_970, %get3A_976 : vector<16xf32>
      %get3A_978 = arith.constant 2 : i32
      %get3A_979 = arith.index_cast %get3A_978 : i32 to index
      %get3A_980 = arith.index_cast %scan3A_584 : i32 to index
      %get3A_981 = arith.constant 896 : index
      %get3A_982 = tpu.vector_load %arg7[%get3A_979, %get3A_980, %get3A_981] {strides = array<i32>} : memref<4x16x1024xf32, #tpu.memory_space<vmem>>, vector<1x1x16xf32>,
      %get3A_983 = vector.shape_cast %get3A_982 : vector<1x1x16xf32> to vector<16xf32>
      %add3A_984 = arith.addf %add3A_977, %get3A_983 : vector<16xf32>
      %get3A_985 = arith.constant 2 : i32
      %get3A_986 = arith.index_cast %get3A_985 : i32 to index
      %get3A_987 = arith.index_cast %scan3A_584 : i32 to index
      %get3A_988 = arith.constant 912 : index
      %get3A_989 = tpu.vector_load %arg7[%get3A_986, %get3A_987, %get3A_988] {strides = array<i32>} : memref<4x16x1024xf32, #tpu.memory_space<vmem>>, vector<1x1x16xf32>,
      %get3A_990 = vector.shape_cast %get3A_989 : vector<1x1x16xf32> to vector<16xf32>
      %add3A_991 = arith.addf %add3A_984, %get3A_990 : vector<16xf32>
      %get3A_992 = arith.constant 2 : i32
      %get3A_993 = arith.index_cast %get3A_992 : i32 to index
      %get3A_994 = arith.index_cast %scan3A_584 : i32 to index
      %get3A_995 = arith.constant 928 : index
      %get3A_996 = tpu.vector_load %arg7[%get3A_993, %get3A_994, %get3A_995] {strides = array<i32>} : memref<4x16x1024xf32, #tpu.memory_space<vmem>>, vector<1x1x16xf32>,
      %get3A_997 = vector.shape_cast %get3A_996 : vector<1x1x16xf32> to vector<16xf32>
      %add3A_998 = arith.addf %add3A_991, %get3A_997 : vector<16xf32>
      %get3A_999 = arith.constant 2 : i32
      %get3A_1000 = arith.index_cast %get3A_999 : i32 to index
      %get3A_1001 = arith.index_cast %scan3A_584 : i32 to index
      %get3A_1002 = arith.constant 944 : index
      %get3A_1003 = tpu.vector_load %arg7[%get3A_1000, %get3A_1001, %get3A_1002] {strides = array<i32>} : memref<4x16x1024xf32, #tpu.memory_space<vmem>>, vector<1x1x16xf32>,
      %get3A_1004 = vector.shape_cast %get3A_1003 : vector<1x1x16xf32> to vector<16xf32>
      %add3A_1005 = arith.addf %add3A_998, %get3A_1004 : vector<16xf32>
      %get3A_1006 = arith.constant 2 : i32
      %get3A_1007 = arith.index_cast %get3A_1006 : i32 to index
      %get3A_1008 = arith.index_cast %scan3A_584 : i32 to index
      %get3A_1009 = arith.constant 960 : index
      %get3A_1010 = tpu.vector_load %arg7[%get3A_1007, %get3A_1008, %get3A_1009] {strides = array<i32>} : memref<4x16x1024xf32, #tpu.memory_space<vmem>>, vector<1x1x16xf32>,
      %get3A_1011 = vector.shape_cast %get3A_1010 : vector<1x1x16xf32> to vector<16xf32>
      %add3A_1012 = arith.addf %add3A_1005, %get3A_1011 : vector<16xf32>
      %get3A_1013 = arith.constant 2 : i32
      %get3A_1014 = arith.index_cast %get3A_1013 : i32 to index
      %get3A_1015 = arith.index_cast %scan3A_584 : i32 to index
      %get3A_1016 = arith.constant 976 : index
      %get3A_1017 = tpu.vector_load %arg7[%get3A_1014, %get3A_1015, %get3A_1016] {strides = array<i32>} : memref<4x16x1024xf32, #tpu.memory_space<vmem>>, vector<1x1x16xf32>,
      %get3A_1018 = vector.shape_cast %get3A_1017 : vector<1x1x16xf32> to vector<16xf32>
      %add3A_1019 = arith.addf %add3A_1012, %get3A_1018 : vector<16xf32>
      %get3A_1020 = arith.constant 2 : i32
      %get3A_1021 = arith.index_cast %get3A_1020 : i32 to index
      %get3A_1022 = arith.index_cast %scan3A_584 : i32 to index
      %get3A_1023 = arith.constant 992 : index
      %get3A_1024 = tpu.vector_load %arg7[%get3A_1021, %get3A_1022, %get3A_1023] {strides = array<i32>} : memref<4x16x1024xf32, #tpu.memory_space<vmem>>, vector<1x1x16xf32>,
      %get3A_1025 = vector.shape_cast %get3A_1024 : vector<1x1x16xf32> to vector<16xf32>
      %add3A_1026 = arith.addf %add3A_1019, %get3A_1025 : vector<16xf32>
      %get3A_1027 = arith.constant 2 : i32
      %get3A_1028 = arith.index_cast %get3A_1027 : i32 to index
      %get3A_1029 = arith.index_cast %scan3A_584 : i32 to index
      %get3A_1030 = arith.constant 1008 : index
      %get3A_1031 = tpu.vector_load %arg7[%get3A_1028, %get3A_1029, %get3A_1030] {strides = array<i32>} : memref<4x16x1024xf32, #tpu.memory_space<vmem>>, vector<1x1x16xf32>,
      %get3A_1032 = vector.shape_cast %get3A_1031 : vector<1x1x16xf32> to vector<16xf32>
      %add3A_1033 = arith.addf %add3A_1026, %get3A_1032 : vector<16xf32>
      scf.yield %add3A_1033 : vector<16xf32>
    }
    %scan3A_126 = arith.constant 16 : i32
    %dma_wait3A_127 = arith.constant 0 : i32
    %dma_wait3A_128 = arith.constant 0 : i32
    %dma_wait3A_129 = tpu.memref_slice %arg2[%dma_wait3A_127, %dma_wait3A_128] : memref<100000x1024xf32, #tpu.memory_space<hbm>> -> memref<100000x1024xf32, #tpu.memory_space<hbm>>
    tpu.wait_indirect_dma semaphore(%arg9 : memref<!tpu.dma_semaphore, #tpu.memory_space<semaphore_mem>>) src(%dma_wait3A_129 : memref<100000x1024xf32, #tpu.memory_space<hbm>>) dst(%arg6 : memref<32x1024xf32, #tpu.memory_space<vmem>>)
    %add3A_130 = arith.constant 0 : i32
    %add3A_131 = arith.addi %mul3A_3, %add3A_130 : i32
    %get3A = arith.constant 0 : i32
    %get3A_132 = arith.index_cast %get3A : i32 to index
    %get3A_133 = arith.index_cast %add3A_131 : i32 to index
    %get3A_134 = tpu.vector_load %arg6[%get3A_132, %get3A_133] {strides = array<i32>} : memref<32x1024xf32, #tpu.memory_space<vmem>>, vector<1x16xf32>,
    %get3A_135 = vector.shape_cast %get3A_134 : vector<1x16xf32> to vector<16xf32>
    %eq3A = arith.constant 0 : i32
    %eq3A_136 = vector.broadcast %eq3A : i32 to vector<16xi32>
    %eq3A_137 = arith.cmpi eq, %iota3A, %eq3A_136 : vector<16xi32>
    %jit3A = arith.constant 0.000000e+00 : f32
    %broadcast_in_dim3A_138 = vector.broadcast %jit3A : f32 to vector<16xf32>
    %select_n3A = arith.select %eq3A_137, %get3A_135, %broadcast_in_dim3A_138 : vector<16xi1>, vector<16xf32>
    %add3A_139 = arith.addf %broadcast_in_dim3A_1, %select_n3A : vector<16xf32>
    %add3A_140 = arith.constant 0 : i32
    %add3A_141 = arith.addi %mul3A_3, %add3A_140 : i32
    %get3A_142 = arith.constant 1 : i32
    %get3A_143 = arith.index_cast %get3A_142 : i32 to index
    %get3A_144 = arith.index_cast %add3A_141 : i32 to index
    %get3A_145 = tpu.vector_load %arg6[%get3A_143, %get3A_144] {strides = array<i32>} : memref<32x1024xf32, #tpu.memory_space<vmem>>, vector<1x16xf32>,
    %get3A_146 = vector.shape_cast %get3A_145 : vector<1x16xf32> to vector<16xf32>
    %eq3A_147 = arith.constant 1 : i32
    %eq3A_148 = vector.broadcast %eq3A_147 : i32 to vector<16xi32>
    %eq3A_149 = arith.cmpi eq, %iota3A, %eq3A_148 : vector<16xi32>
    %jit3A_150 = arith.constant 0.000000e+00 : f32
    %broadcast_in_dim3A_151 = vector.broadcast %jit3A_150 : f32 to vector<16xf32>
    %select_n3A_152 = arith.select %eq3A_149, %get3A_146, %broadcast_in_dim3A_151 : vector<16xi1>, vector<16xf32>
    %add3A_153 = arith.addf %add3A_139, %select_n3A_152 : vector<16xf32>
    %add3A_154 = arith.constant 0 : i32
    %add3A_155 = arith.addi %mul3A_3, %add3A_154 : i32
    %get3A_156 = arith.constant 2 : i32
    %get3A_157 = arith.index_cast %get3A_156 : i32 to index
    %get3A_158 = arith.index_cast %add3A_155 : i32 to index
    %get3A_159 = tpu.vector_load %arg6[%get3A_157, %get3A_158] {strides = array<i32>} : memref<32x1024xf32, #tpu.memory_space<vmem>>, vector<1x16xf32>,
    %get3A_160 = vector.shape_cast %get3A_159 : vector<1x16xf32> to vector<16xf32>
    %eq3A_161 = arith.constant 2 : i32
    %eq3A_162 = vector.broadcast %eq3A_161 : i32 to vector<16xi32>
    %eq3A_163 = arith.cmpi eq, %iota3A, %eq3A_162 : vector<16xi32>
    %jit3A_164 = arith.constant 0.000000e+00 : f32
    %broadcast_in_dim3A_165 = vector.broadcast %jit3A_164 : f32 to vector<16xf32>
    %select_n3A_166 = arith.select %eq3A_163, %get3A_160, %broadcast_in_dim3A_165 : vector<16xi1>, vector<16xf32>
    %add3A_167 = arith.addf %add3A_153, %select_n3A_166 : vector<16xf32>
    %add3A_168 = arith.constant 0 : i32
    %add3A_169 = arith.addi %mul3A_3, %add3A_168 : i32
    %get3A_170 = arith.constant 3 : i32
    %get3A_171 = arith.index_cast %get3A_170 : i32 to index
    %get3A_172 = arith.index_cast %add3A_169 : i32 to index
    %get3A_173 = tpu.vector_load %arg6[%get3A_171, %get3A_172] {strides = array<i32>} : memref<32x1024xf32, #tpu.memory_space<vmem>>, vector<1x16xf32>,
    %get3A_174 = vector.shape_cast %get3A_173 : vector<1x16xf32> to vector<16xf32>
    %eq3A_175 = arith.constant 3 : i32
    %eq3A_176 = vector.broadcast %eq3A_175 : i32 to vector<16xi32>
    %eq3A_177 = arith.cmpi eq, %iota3A, %eq3A_176 : vector<16xi32>
    %jit3A_178 = arith.constant 0.000000e+00 : f32
    %broadcast_in_dim3A_179 = vector.broadcast %jit3A_178 : f32 to vector<16xf32>
    %select_n3A_180 = arith.select %eq3A_177, %get3A_174, %broadcast_in_dim3A_179 : vector<16xi1>, vector<16xf32>
    %add3A_181 = arith.addf %add3A_167, %select_n3A_180 : vector<16xf32>
    %add3A_182 = arith.constant 0 : i32
    %add3A_183 = arith.addi %mul3A_3, %add3A_182 : i32
    %get3A_184 = arith.constant 4 : i32
    %get3A_185 = arith.index_cast %get3A_184 : i32 to index
    %get3A_186 = arith.index_cast %add3A_183 : i32 to index
    %get3A_187 = tpu.vector_load %arg6[%get3A_185, %get3A_186] {strides = array<i32>} : memref<32x1024xf32, #tpu.memory_space<vmem>>, vector<1x16xf32>,
    %get3A_188 = vector.shape_cast %get3A_187 : vector<1x16xf32> to vector<16xf32>
    %eq3A_189 = arith.constant 4 : i32
    %eq3A_190 = vector.broadcast %eq3A_189 : i32 to vector<16xi32>
    %eq3A_191 = arith.cmpi eq, %iota3A, %eq3A_190 : vector<16xi32>
    %jit3A_192 = arith.constant 0.000000e+00 : f32
    %broadcast_in_dim3A_193 = vector.broadcast %jit3A_192 : f32 to vector<16xf32>
    %select_n3A_194 = arith.select %eq3A_191, %get3A_188, %broadcast_in_dim3A_193 : vector<16xi1>, vector<16xf32>
    %add3A_195 = arith.addf %add3A_181, %select_n3A_194 : vector<16xf32>
    %add3A_196 = arith.constant 0 : i32
    %add3A_197 = arith.addi %mul3A_3, %add3A_196 : i32
    %get3A_198 = arith.constant 5 : i32
    %get3A_199 = arith.index_cast %get3A_198 : i32 to index
    %get3A_200 = arith.index_cast %add3A_197 : i32 to index
    %get3A_201 = tpu.vector_load %arg6[%get3A_199, %get3A_200] {strides = array<i32>} : memref<32x1024xf32, #tpu.memory_space<vmem>>, vector<1x16xf32>,
    %get3A_202 = vector.shape_cast %get3A_201 : vector<1x16xf32> to vector<16xf32>
    %eq3A_203 = arith.constant 5 : i32
    %eq3A_204 = vector.broadcast %eq3A_203 : i32 to vector<16xi32>
    %eq3A_205 = arith.cmpi eq, %iota3A, %eq3A_204 : vector<16xi32>
    %jit3A_206 = arith.constant 0.000000e+00 : f32
    %broadcast_in_dim3A_207 = vector.broadcast %jit3A_206 : f32 to vector<16xf32>
    %select_n3A_208 = arith.select %eq3A_205, %get3A_202, %broadcast_in_dim3A_207 : vector<16xi1>, vector<16xf32>
    %add3A_209 = arith.addf %add3A_195, %select_n3A_208 : vector<16xf32>
    %add3A_210 = arith.constant 0 : i32
    %add3A_211 = arith.addi %mul3A_3, %add3A_210 : i32
    %get3A_212 = arith.constant 6 : i32
    %get3A_213 = arith.index_cast %get3A_212 : i32 to index
    %get3A_214 = arith.index_cast %add3A_211 : i32 to index
    %get3A_215 = tpu.vector_load %arg6[%get3A_213, %get3A_214] {strides = array<i32>} : memref<32x1024xf32, #tpu.memory_space<vmem>>, vector<1x16xf32>,
    %get3A_216 = vector.shape_cast %get3A_215 : vector<1x16xf32> to vector<16xf32>
    %eq3A_217 = arith.constant 6 : i32
    %eq3A_218 = vector.broadcast %eq3A_217 : i32 to vector<16xi32>
    %eq3A_219 = arith.cmpi eq, %iota3A, %eq3A_218 : vector<16xi32>
    %jit3A_220 = arith.constant 0.000000e+00 : f32
    %broadcast_in_dim3A_221 = vector.broadcast %jit3A_220 : f32 to vector<16xf32>
    %select_n3A_222 = arith.select %eq3A_219, %get3A_216, %broadcast_in_dim3A_221 : vector<16xi1>, vector<16xf32>
    %add3A_223 = arith.addf %add3A_209, %select_n3A_222 : vector<16xf32>
    %add3A_224 = arith.constant 0 : i32
    %add3A_225 = arith.addi %mul3A_3, %add3A_224 : i32
    %get3A_226 = arith.constant 7 : i32
    %get3A_227 = arith.index_cast %get3A_226 : i32 to index
    %get3A_228 = arith.index_cast %add3A_225 : i32 to index
    %get3A_229 = tpu.vector_load %arg6[%get3A_227, %get3A_228] {strides = array<i32>} : memref<32x1024xf32, #tpu.memory_space<vmem>>, vector<1x16xf32>,
    %get3A_230 = vector.shape_cast %get3A_229 : vector<1x16xf32> to vector<16xf32>
    %eq3A_231 = arith.constant 7 : i32
    %eq3A_232 = vector.broadcast %eq3A_231 : i32 to vector<16xi32>
    %eq3A_233 = arith.cmpi eq, %iota3A, %eq3A_232 : vector<16xi32>
    %jit3A_234 = arith.constant 0.000000e+00 : f32
    %broadcast_in_dim3A_235 = vector.broadcast %jit3A_234 : f32 to vector<16xf32>
    %select_n3A_236 = arith.select %eq3A_233, %get3A_230, %broadcast_in_dim3A_235 : vector<16xi1>, vector<16xf32>
    %add3A_237 = arith.addf %add3A_223, %select_n3A_236 : vector<16xf32>
    %add3A_238 = arith.constant 0 : i32
    %add3A_239 = arith.addi %mul3A_3, %add3A_238 : i32
    %get3A_240 = arith.constant 8 : i32
    %get3A_241 = arith.index_cast %get3A_240 : i32 to index
    %get3A_242 = arith.index_cast %add3A_239 : i32 to index
    %get3A_243 = tpu.vector_load %arg6[%get3A_241, %get3A_242] {strides = array<i32>} : memref<32x1024xf32, #tpu.memory_space<vmem>>, vector<1x16xf32>,
    %get3A_244 = vector.shape_cast %get3A_243 : vector<1x16xf32> to vector<16xf32>
    %eq3A_245 = arith.constant 8 : i32
    %eq3A_246 = vector.broadcast %eq3A_245 : i32 to vector<16xi32>
    %eq3A_247 = arith.cmpi eq, %iota3A, %eq3A_246 : vector<16xi32>
    %jit3A_248 = arith.constant 0.000000e+00 : f32
    %broadcast_in_dim3A_249 = vector.broadcast %jit3A_248 : f32 to vector<16xf32>
    %select_n3A_250 = arith.select %eq3A_247, %get3A_244, %broadcast_in_dim3A_249 : vector<16xi1>, vector<16xf32>
    %add3A_251 = arith.addf %add3A_237, %select_n3A_250 : vector<16xf32>
    %add3A_252 = arith.constant 0 : i32
    %add3A_253 = arith.addi %mul3A_3, %add3A_252 : i32
    %get3A_254 = arith.constant 9 : i32
    %get3A_255 = arith.index_cast %get3A_254 : i32 to index
    %get3A_256 = arith.index_cast %add3A_253 : i32 to index
    %get3A_257 = tpu.vector_load %arg6[%get3A_255, %get3A_256] {strides = array<i32>} : memref<32x1024xf32, #tpu.memory_space<vmem>>, vector<1x16xf32>,
    %get3A_258 = vector.shape_cast %get3A_257 : vector<1x16xf32> to vector<16xf32>
    %eq3A_259 = arith.constant 9 : i32
    %eq3A_260 = vector.broadcast %eq3A_259 : i32 to vector<16xi32>
    %eq3A_261 = arith.cmpi eq, %iota3A, %eq3A_260 : vector<16xi32>
    %jit3A_262 = arith.constant 0.000000e+00 : f32
    %broadcast_in_dim3A_263 = vector.broadcast %jit3A_262 : f32 to vector<16xf32>
    %select_n3A_264 = arith.select %eq3A_261, %get3A_258, %broadcast_in_dim3A_263 : vector<16xi1>, vector<16xf32>
    %add3A_265 = arith.addf %add3A_251, %select_n3A_264 : vector<16xf32>
    %add3A_266 = arith.constant 0 : i32
    %add3A_267 = arith.addi %mul3A_3, %add3A_266 : i32
    %get3A_268 = arith.constant 10 : i32
    %get3A_269 = arith.index_cast %get3A_268 : i32 to index
    %get3A_270 = arith.index_cast %add3A_267 : i32 to index
    %get3A_271 = tpu.vector_load %arg6[%get3A_269, %get3A_270] {strides = array<i32>} : memref<32x1024xf32, #tpu.memory_space<vmem>>, vector<1x16xf32>,
    %get3A_272 = vector.shape_cast %get3A_271 : vector<1x16xf32> to vector<16xf32>
    %eq3A_273 = arith.constant 10 : i32
    %eq3A_274 = vector.broadcast %eq3A_273 : i32 to vector<16xi32>
    %eq3A_275 = arith.cmpi eq, %iota3A, %eq3A_274 : vector<16xi32>
    %jit3A_276 = arith.constant 0.000000e+00 : f32
    %broadcast_in_dim3A_277 = vector.broadcast %jit3A_276 : f32 to vector<16xf32>
    %select_n3A_278 = arith.select %eq3A_275, %get3A_272, %broadcast_in_dim3A_277 : vector<16xi1>, vector<16xf32>
    %add3A_279 = arith.addf %add3A_265, %select_n3A_278 : vector<16xf32>
    %add3A_280 = arith.constant 0 : i32
    %add3A_281 = arith.addi %mul3A_3, %add3A_280 : i32
    %get3A_282 = arith.constant 11 : i32
    %get3A_283 = arith.index_cast %get3A_282 : i32 to index
    %get3A_284 = arith.index_cast %add3A_281 : i32 to index
    %get3A_285 = tpu.vector_load %arg6[%get3A_283, %get3A_284] {strides = array<i32>} : memref<32x1024xf32, #tpu.memory_space<vmem>>, vector<1x16xf32>,
    %get3A_286 = vector.shape_cast %get3A_285 : vector<1x16xf32> to vector<16xf32>
    %eq3A_287 = arith.constant 11 : i32
    %eq3A_288 = vector.broadcast %eq3A_287 : i32 to vector<16xi32>
    %eq3A_289 = arith.cmpi eq, %iota3A, %eq3A_288 : vector<16xi32>
    %jit3A_290 = arith.constant 0.000000e+00 : f32
    %broadcast_in_dim3A_291 = vector.broadcast %jit3A_290 : f32 to vector<16xf32>
    %select_n3A_292 = arith.select %eq3A_289, %get3A_286, %broadcast_in_dim3A_291 : vector<16xi1>, vector<16xf32>
    %add3A_293 = arith.addf %add3A_279, %select_n3A_292 : vector<16xf32>
    %add3A_294 = arith.constant 0 : i32
    %add3A_295 = arith.addi %mul3A_3, %add3A_294 : i32
    %get3A_296 = arith.constant 12 : i32
    %get3A_297 = arith.index_cast %get3A_296 : i32 to index
    %get3A_298 = arith.index_cast %add3A_295 : i32 to index
    %get3A_299 = tpu.vector_load %arg6[%get3A_297, %get3A_298] {strides = array<i32>} : memref<32x1024xf32, #tpu.memory_space<vmem>>, vector<1x16xf32>,
    %get3A_300 = vector.shape_cast %get3A_299 : vector<1x16xf32> to vector<16xf32>
    %eq3A_301 = arith.constant 12 : i32
    %eq3A_302 = vector.broadcast %eq3A_301 : i32 to vector<16xi32>
    %eq3A_303 = arith.cmpi eq, %iota3A, %eq3A_302 : vector<16xi32>
    %jit3A_304 = arith.constant 0.000000e+00 : f32
    %broadcast_in_dim3A_305 = vector.broadcast %jit3A_304 : f32 to vector<16xf32>
    %select_n3A_306 = arith.select %eq3A_303, %get3A_300, %broadcast_in_dim3A_305 : vector<16xi1>, vector<16xf32>
    %add3A_307 = arith.addf %add3A_293, %select_n3A_306 : vector<16xf32>
    %add3A_308 = arith.constant 0 : i32
    %add3A_309 = arith.addi %mul3A_3, %add3A_308 : i32
    %get3A_310 = arith.constant 13 : i32
    %get3A_311 = arith.index_cast %get3A_310 : i32 to index
    %get3A_312 = arith.index_cast %add3A_309 : i32 to index
    %get3A_313 = tpu.vector_load %arg6[%get3A_311, %get3A_312] {strides = array<i32>} : memref<32x1024xf32, #tpu.memory_space<vmem>>, vector<1x16xf32>,
    %get3A_314 = vector.shape_cast %get3A_313 : vector<1x16xf32> to vector<16xf32>
    %eq3A_315 = arith.constant 13 : i32
    %eq3A_316 = vector.broadcast %eq3A_315 : i32 to vector<16xi32>
    %eq3A_317 = arith.cmpi eq, %iota3A, %eq3A_316 : vector<16xi32>
    %jit3A_318 = arith.constant 0.000000e+00 : f32
    %broadcast_in_dim3A_319 = vector.broadcast %jit3A_318 : f32 to vector<16xf32>
    %select_n3A_320 = arith.select %eq3A_317, %get3A_314, %broadcast_in_dim3A_319 : vector<16xi1>, vector<16xf32>
    %add3A_321 = arith.addf %add3A_307, %select_n3A_320 : vector<16xf32>
    %add3A_322 = arith.constant 0 : i32
    %add3A_323 = arith.addi %mul3A_3, %add3A_322 : i32
    %get3A_324 = arith.constant 14 : i32
    %get3A_325 = arith.index_cast %get3A_324 : i32 to index
    %get3A_326 = arith.index_cast %add3A_323 : i32 to index
    %get3A_327 = tpu.vector_load %arg6[%get3A_325, %get3A_326] {strides = array<i32>} : memref<32x1024xf32, #tpu.memory_space<vmem>>, vector<1x16xf32>,
    %get3A_328 = vector.shape_cast %get3A_327 : vector<1x16xf32> to vector<16xf32>
    %eq3A_329 = arith.constant 14 : i32
    %eq3A_330 = vector.broadcast %eq3A_329 : i32 to vector<16xi32>
    %eq3A_331 = arith.cmpi eq, %iota3A, %eq3A_330 : vector<16xi32>
    %jit3A_332 = arith.constant 0.000000e+00 : f32
    %broadcast_in_dim3A_333 = vector.broadcast %jit3A_332 : f32 to vector<16xf32>
    %select_n3A_334 = arith.select %eq3A_331, %get3A_328, %broadcast_in_dim3A_333 : vector<16xi1>, vector<16xf32>
    %add3A_335 = arith.addf %add3A_321, %select_n3A_334 : vector<16xf32>
    %add3A_336 = arith.constant 0 : i32
    %add3A_337 = arith.addi %mul3A_3, %add3A_336 : i32
    %get3A_338 = arith.constant 15 : i32
    %get3A_339 = arith.index_cast %get3A_338 : i32 to index
    %get3A_340 = arith.index_cast %add3A_337 : i32 to index
    %get3A_341 = tpu.vector_load %arg6[%get3A_339, %get3A_340] {strides = array<i32>} : memref<32x1024xf32, #tpu.memory_space<vmem>>, vector<1x16xf32>,
    %get3A_342 = vector.shape_cast %get3A_341 : vector<1x16xf32> to vector<16xf32>
    %eq3A_343 = arith.constant 15 : i32
    %eq3A_344 = vector.broadcast %eq3A_343 : i32 to vector<16xi32>
    %eq3A_345 = arith.cmpi eq, %iota3A, %eq3A_344 : vector<16xi32>
    %jit3A_346 = arith.constant 0.000000e+00 : f32
    %broadcast_in_dim3A_347 = vector.broadcast %jit3A_346 : f32 to vector<16xf32>
    %select_n3A_348 = arith.select %eq3A_345, %get3A_342, %broadcast_in_dim3A_347 : vector<16xi1>, vector<16xf32>
    %add3A_349 = arith.addf %add3A_335, %select_n3A_348 : vector<16xf32>
    %add3A_350 = arith.constant 16 : i32
    %add3A_351 = arith.addi %mul3A_3, %add3A_350 : i32
    %get3A_352 = arith.constant 16 : i32
    %get3A_353 = arith.index_cast %get3A_352 : i32 to index
    %get3A_354 = arith.index_cast %add3A_351 : i32 to index
    %get3A_355 = tpu.vector_load %arg6[%get3A_353, %get3A_354] {strides = array<i32>} : memref<32x1024xf32, #tpu.memory_space<vmem>>, vector<1x16xf32>,
    %get3A_356 = vector.shape_cast %get3A_355 : vector<1x16xf32> to vector<16xf32>
    %eq3A_357 = arith.constant 0 : i32
    %eq3A_358 = vector.broadcast %eq3A_357 : i32 to vector<16xi32>
    %eq3A_359 = arith.cmpi eq, %iota3A, %eq3A_358 : vector<16xi32>
    %jit3A_360 = arith.constant 0.000000e+00 : f32
    %broadcast_in_dim3A_361 = vector.broadcast %jit3A_360 : f32 to vector<16xf32>
    %select_n3A_362 = arith.select %eq3A_359, %get3A_356, %broadcast_in_dim3A_361 : vector<16xi1>, vector<16xf32>
    %add3A_363 = arith.addf %add3A_349, %select_n3A_362 : vector<16xf32>
    %add3A_364 = arith.constant 16 : i32
    %add3A_365 = arith.addi %mul3A_3, %add3A_364 : i32
    %get3A_366 = arith.constant 17 : i32
    %get3A_367 = arith.index_cast %get3A_366 : i32 to index
    %get3A_368 = arith.index_cast %add3A_365 : i32 to index
    %get3A_369 = tpu.vector_load %arg6[%get3A_367, %get3A_368] {strides = array<i32>} : memref<32x1024xf32, #tpu.memory_space<vmem>>, vector<1x16xf32>,
    %get3A_370 = vector.shape_cast %get3A_369 : vector<1x16xf32> to vector<16xf32>
    %eq3A_371 = arith.constant 1 : i32
    %eq3A_372 = vector.broadcast %eq3A_371 : i32 to vector<16xi32>
    %eq3A_373 = arith.cmpi eq, %iota3A, %eq3A_372 : vector<16xi32>
    %jit3A_374 = arith.constant 0.000000e+00 : f32
    %broadcast_in_dim3A_375 = vector.broadcast %jit3A_374 : f32 to vector<16xf32>
    %select_n3A_376 = arith.select %eq3A_373, %get3A_370, %broadcast_in_dim3A_375 : vector<16xi1>, vector<16xf32>
    %add3A_377 = arith.addf %add3A_363, %select_n3A_376 : vector<16xf32>
    %add3A_378 = arith.constant 16 : i32
    %add3A_379 = arith.addi %mul3A_3, %add3A_378 : i32
    %get3A_380 = arith.constant 18 : i32
    %get3A_381 = arith.index_cast %get3A_380 : i32 to index
    %get3A_382 = arith.index_cast %add3A_379 : i32 to index
    %get3A_383 = tpu.vector_load %arg6[%get3A_381, %get3A_382] {strides = array<i32>} : memref<32x1024xf32, #tpu.memory_space<vmem>>, vector<1x16xf32>,
    %get3A_384 = vector.shape_cast %get3A_383 : vector<1x16xf32> to vector<16xf32>
    %eq3A_385 = arith.constant 2 : i32
    %eq3A_386 = vector.broadcast %eq3A_385 : i32 to vector<16xi32>
    %eq3A_387 = arith.cmpi eq, %iota3A, %eq3A_386 : vector<16xi32>
    %jit3A_388 = arith.constant 0.000000e+00 : f32
    %broadcast_in_dim3A_389 = vector.broadcast %jit3A_388 : f32 to vector<16xf32>
    %select_n3A_390 = arith.select %eq3A_387, %get3A_384, %broadcast_in_dim3A_389 : vector<16xi1>, vector<16xf32>
    %add3A_391 = arith.addf %add3A_377, %select_n3A_390 : vector<16xf32>
    %add3A_392 = arith.constant 16 : i32
    %add3A_393 = arith.addi %mul3A_3, %add3A_392 : i32
    %get3A_394 = arith.constant 19 : i32
    %get3A_395 = arith.index_cast %get3A_394 : i32 to index
    %get3A_396 = arith.index_cast %add3A_393 : i32 to index
    %get3A_397 = tpu.vector_load %arg6[%get3A_395, %get3A_396] {strides = array<i32>} : memref<32x1024xf32, #tpu.memory_space<vmem>>, vector<1x16xf32>,
    %get3A_398 = vector.shape_cast %get3A_397 : vector<1x16xf32> to vector<16xf32>
    %eq3A_399 = arith.constant 3 : i32
    %eq3A_400 = vector.broadcast %eq3A_399 : i32 to vector<16xi32>
    %eq3A_401 = arith.cmpi eq, %iota3A, %eq3A_400 : vector<16xi32>
    %jit3A_402 = arith.constant 0.000000e+00 : f32
    %broadcast_in_dim3A_403 = vector.broadcast %jit3A_402 : f32 to vector<16xf32>
    %select_n3A_404 = arith.select %eq3A_401, %get3A_398, %broadcast_in_dim3A_403 : vector<16xi1>, vector<16xf32>
    %add3A_405 = arith.addf %add3A_391, %select_n3A_404 : vector<16xf32>
    %add3A_406 = arith.constant 16 : i32
    %add3A_407 = arith.addi %mul3A_3, %add3A_406 : i32
    %get3A_408 = arith.constant 20 : i32
    %get3A_409 = arith.index_cast %get3A_408 : i32 to index
    %get3A_410 = arith.index_cast %add3A_407 : i32 to index
    %get3A_411 = tpu.vector_load %arg6[%get3A_409, %get3A_410] {strides = array<i32>} : memref<32x1024xf32, #tpu.memory_space<vmem>>, vector<1x16xf32>,
    %get3A_412 = vector.shape_cast %get3A_411 : vector<1x16xf32> to vector<16xf32>
    %eq3A_413 = arith.constant 4 : i32
    %eq3A_414 = vector.broadcast %eq3A_413 : i32 to vector<16xi32>
    %eq3A_415 = arith.cmpi eq, %iota3A, %eq3A_414 : vector<16xi32>
    %jit3A_416 = arith.constant 0.000000e+00 : f32
    %broadcast_in_dim3A_417 = vector.broadcast %jit3A_416 : f32 to vector<16xf32>
    %select_n3A_418 = arith.select %eq3A_415, %get3A_412, %broadcast_in_dim3A_417 : vector<16xi1>, vector<16xf32>
    %add3A_419 = arith.addf %add3A_405, %select_n3A_418 : vector<16xf32>
    %add3A_420 = arith.constant 16 : i32
    %add3A_421 = arith.addi %mul3A_3, %add3A_420 : i32
    %get3A_422 = arith.constant 21 : i32
    %get3A_423 = arith.index_cast %get3A_422 : i32 to index
    %get3A_424 = arith.index_cast %add3A_421 : i32 to index
    %get3A_425 = tpu.vector_load %arg6[%get3A_423, %get3A_424] {strides = array<i32>} : memref<32x1024xf32, #tpu.memory_space<vmem>>, vector<1x16xf32>,
    %get3A_426 = vector.shape_cast %get3A_425 : vector<1x16xf32> to vector<16xf32>
    %eq3A_427 = arith.constant 5 : i32
    %eq3A_428 = vector.broadcast %eq3A_427 : i32 to vector<16xi32>
    %eq3A_429 = arith.cmpi eq, %iota3A, %eq3A_428 : vector<16xi32>
    %jit3A_430 = arith.constant 0.000000e+00 : f32
    %broadcast_in_dim3A_431 = vector.broadcast %jit3A_430 : f32 to vector<16xf32>
    %select_n3A_432 = arith.select %eq3A_429, %get3A_426, %broadcast_in_dim3A_431 : vector<16xi1>, vector<16xf32>
    %add3A_433 = arith.addf %add3A_419, %select_n3A_432 : vector<16xf32>
    %add3A_434 = arith.constant 16 : i32
    %add3A_435 = arith.addi %mul3A_3, %add3A_434 : i32
    %get3A_436 = arith.constant 22 : i32
    %get3A_437 = arith.index_cast %get3A_436 : i32 to index
    %get3A_438 = arith.index_cast %add3A_435 : i32 to index
    %get3A_439 = tpu.vector_load %arg6[%get3A_437, %get3A_438] {strides = array<i32>} : memref<32x1024xf32, #tpu.memory_space<vmem>>, vector<1x16xf32>,
    %get3A_440 = vector.shape_cast %get3A_439 : vector<1x16xf32> to vector<16xf32>
    %eq3A_441 = arith.constant 6 : i32
    %eq3A_442 = vector.broadcast %eq3A_441 : i32 to vector<16xi32>
    %eq3A_443 = arith.cmpi eq, %iota3A, %eq3A_442 : vector<16xi32>
    %jit3A_444 = arith.constant 0.000000e+00 : f32
    %broadcast_in_dim3A_445 = vector.broadcast %jit3A_444 : f32 to vector<16xf32>
    %select_n3A_446 = arith.select %eq3A_443, %get3A_440, %broadcast_in_dim3A_445 : vector<16xi1>, vector<16xf32>
    %add3A_447 = arith.addf %add3A_433, %select_n3A_446 : vector<16xf32>
    %add3A_448 = arith.constant 16 : i32
    %add3A_449 = arith.addi %mul3A_3, %add3A_448 : i32
    %get3A_450 = arith.constant 23 : i32
    %get3A_451 = arith.index_cast %get3A_450 : i32 to index
    %get3A_452 = arith.index_cast %add3A_449 : i32 to index
    %get3A_453 = tpu.vector_load %arg6[%get3A_451, %get3A_452] {strides = array<i32>} : memref<32x1024xf32, #tpu.memory_space<vmem>>, vector<1x16xf32>,
    %get3A_454 = vector.shape_cast %get3A_453 : vector<1x16xf32> to vector<16xf32>
    %eq3A_455 = arith.constant 7 : i32
    %eq3A_456 = vector.broadcast %eq3A_455 : i32 to vector<16xi32>
    %eq3A_457 = arith.cmpi eq, %iota3A, %eq3A_456 : vector<16xi32>
    %jit3A_458 = arith.constant 0.000000e+00 : f32
    %broadcast_in_dim3A_459 = vector.broadcast %jit3A_458 : f32 to vector<16xf32>
    %select_n3A_460 = arith.select %eq3A_457, %get3A_454, %broadcast_in_dim3A_459 : vector<16xi1>, vector<16xf32>
    %add3A_461 = arith.addf %add3A_447, %select_n3A_460 : vector<16xf32>
    %add3A_462 = arith.constant 16 : i32
    %add3A_463 = arith.addi %mul3A_3, %add3A_462 : i32
    %get3A_464 = arith.constant 24 : i32
    %get3A_465 = arith.index_cast %get3A_464 : i32 to index
    %get3A_466 = arith.index_cast %add3A_463 : i32 to index
    %get3A_467 = tpu.vector_load %arg6[%get3A_465, %get3A_466] {strides = array<i32>} : memref<32x1024xf32, #tpu.memory_space<vmem>>, vector<1x16xf32>,
    %get3A_468 = vector.shape_cast %get3A_467 : vector<1x16xf32> to vector<16xf32>
    %eq3A_469 = arith.constant 8 : i32
    %eq3A_470 = vector.broadcast %eq3A_469 : i32 to vector<16xi32>
    %eq3A_471 = arith.cmpi eq, %iota3A, %eq3A_470 : vector<16xi32>
    %jit3A_472 = arith.constant 0.000000e+00 : f32
    %broadcast_in_dim3A_473 = vector.broadcast %jit3A_472 : f32 to vector<16xf32>
    %select_n3A_474 = arith.select %eq3A_471, %get3A_468, %broadcast_in_dim3A_473 : vector<16xi1>, vector<16xf32>
    %add3A_475 = arith.addf %add3A_461, %select_n3A_474 : vector<16xf32>
    %add3A_476 = arith.constant 16 : i32
    %add3A_477 = arith.addi %mul3A_3, %add3A_476 : i32
    %get3A_478 = arith.constant 25 : i32
    %get3A_479 = arith.index_cast %get3A_478 : i32 to index
    %get3A_480 = arith.index_cast %add3A_477 : i32 to index
    %get3A_481 = tpu.vector_load %arg6[%get3A_479, %get3A_480] {strides = array<i32>} : memref<32x1024xf32, #tpu.memory_space<vmem>>, vector<1x16xf32>,
    %get3A_482 = vector.shape_cast %get3A_481 : vector<1x16xf32> to vector<16xf32>
    %eq3A_483 = arith.constant 9 : i32
    %eq3A_484 = vector.broadcast %eq3A_483 : i32 to vector<16xi32>
    %eq3A_485 = arith.cmpi eq, %iota3A, %eq3A_484 : vector<16xi32>
    %jit3A_486 = arith.constant 0.000000e+00 : f32
    %broadcast_in_dim3A_487 = vector.broadcast %jit3A_486 : f32 to vector<16xf32>
    %select_n3A_488 = arith.select %eq3A_485, %get3A_482, %broadcast_in_dim3A_487 : vector<16xi1>, vector<16xf32>
    %add3A_489 = arith.addf %add3A_475, %select_n3A_488 : vector<16xf32>
    %add3A_490 = arith.constant 16 : i32
    %add3A_491 = arith.addi %mul3A_3, %add3A_490 : i32
    %get3A_492 = arith.constant 26 : i32
    %get3A_493 = arith.index_cast %get3A_492 : i32 to index
    %get3A_494 = arith.index_cast %add3A_491 : i32 to index
    %get3A_495 = tpu.vector_load %arg6[%get3A_493, %get3A_494] {strides = array<i32>} : memref<32x1024xf32, #tpu.memory_space<vmem>>, vector<1x16xf32>,
    %get3A_496 = vector.shape_cast %get3A_495 : vector<1x16xf32> to vector<16xf32>
    %eq3A_497 = arith.constant 10 : i32
    %eq3A_498 = vector.broadcast %eq3A_497 : i32 to vector<16xi32>
    %eq3A_499 = arith.cmpi eq, %iota3A, %eq3A_498 : vector<16xi32>
    %jit3A_500 = arith.constant 0.000000e+00 : f32
    %broadcast_in_dim3A_501 = vector.broadcast %jit3A_500 : f32 to vector<16xf32>
    %select_n3A_502 = arith.select %eq3A_499, %get3A_496, %broadcast_in_dim3A_501 : vector<16xi1>, vector<16xf32>
    %add3A_503 = arith.addf %add3A_489, %select_n3A_502 : vector<16xf32>
    %add3A_504 = arith.constant 16 : i32
    %add3A_505 = arith.addi %mul3A_3, %add3A_504 : i32
    %get3A_506 = arith.constant 27 : i32
    %get3A_507 = arith.index_cast %get3A_506 : i32 to index
    %get3A_508 = arith.index_cast %add3A_505 : i32 to index
    %get3A_509 = tpu.vector_load %arg6[%get3A_507, %get3A_508] {strides = array<i32>} : memref<32x1024xf32, #tpu.memory_space<vmem>>, vector<1x16xf32>,
    %get3A_510 = vector.shape_cast %get3A_509 : vector<1x16xf32> to vector<16xf32>
    %eq3A_511 = arith.constant 11 : i32
    %eq3A_512 = vector.broadcast %eq3A_511 : i32 to vector<16xi32>
    %eq3A_513 = arith.cmpi eq, %iota3A, %eq3A_512 : vector<16xi32>
    %jit3A_514 = arith.constant 0.000000e+00 : f32
    %broadcast_in_dim3A_515 = vector.broadcast %jit3A_514 : f32 to vector<16xf32>
    %select_n3A_516 = arith.select %eq3A_513, %get3A_510, %broadcast_in_dim3A_515 : vector<16xi1>, vector<16xf32>
    %add3A_517 = arith.addf %add3A_503, %select_n3A_516 : vector<16xf32>
    %add3A_518 = arith.constant 16 : i32
    %add3A_519 = arith.addi %mul3A_3, %add3A_518 : i32
    %get3A_520 = arith.constant 28 : i32
    %get3A_521 = arith.index_cast %get3A_520 : i32 to index
    %get3A_522 = arith.index_cast %add3A_519 : i32 to index
    %get3A_523 = tpu.vector_load %arg6[%get3A_521, %get3A_522] {strides = array<i32>} : memref<32x1024xf32, #tpu.memory_space<vmem>>, vector<1x16xf32>,
    %get3A_524 = vector.shape_cast %get3A_523 : vector<1x16xf32> to vector<16xf32>
    %eq3A_525 = arith.constant 12 : i32
    %eq3A_526 = vector.broadcast %eq3A_525 : i32 to vector<16xi32>
    %eq3A_527 = arith.cmpi eq, %iota3A, %eq3A_526 : vector<16xi32>
    %jit3A_528 = arith.constant 0.000000e+00 : f32
    %broadcast_in_dim3A_529 = vector.broadcast %jit3A_528 : f32 to vector<16xf32>
    %select_n3A_530 = arith.select %eq3A_527, %get3A_524, %broadcast_in_dim3A_529 : vector<16xi1>, vector<16xf32>
    %add3A_531 = arith.addf %add3A_517, %select_n3A_530 : vector<16xf32>
    %add3A_532 = arith.constant 16 : i32
    %add3A_533 = arith.addi %mul3A_3, %add3A_532 : i32
    %get3A_534 = arith.constant 29 : i32
    %get3A_535 = arith.index_cast %get3A_534 : i32 to index
    %get3A_536 = arith.index_cast %add3A_533 : i32 to index
    %get3A_537 = tpu.vector_load %arg6[%get3A_535, %get3A_536] {strides = array<i32>} : memref<32x1024xf32, #tpu.memory_space<vmem>>, vector<1x16xf32>,
    %get3A_538 = vector.shape_cast %get3A_537 : vector<1x16xf32> to vector<16xf32>
    %eq3A_539 = arith.constant 13 : i32
    %eq3A_540 = vector.broadcast %eq3A_539 : i32 to vector<16xi32>
    %eq3A_541 = arith.cmpi eq, %iota3A, %eq3A_540 : vector<16xi32>
    %jit3A_542 = arith.constant 0.000000e+00 : f32
    %broadcast_in_dim3A_543 = vector.broadcast %jit3A_542 : f32 to vector<16xf32>
    %select_n3A_544 = arith.select %eq3A_541, %get3A_538, %broadcast_in_dim3A_543 : vector<16xi1>, vector<16xf32>
    %add3A_545 = arith.addf %add3A_531, %select_n3A_544 : vector<16xf32>
    %add3A_546 = arith.constant 16 : i32
    %add3A_547 = arith.addi %mul3A_3, %add3A_546 : i32
    %get3A_548 = arith.constant 30 : i32
    %get3A_549 = arith.index_cast %get3A_548 : i32 to index
    %get3A_550 = arith.index_cast %add3A_547 : i32 to index
    %get3A_551 = tpu.vector_load %arg6[%get3A_549, %get3A_550] {strides = array<i32>} : memref<32x1024xf32, #tpu.memory_space<vmem>>, vector<1x16xf32>,
    %get3A_552 = vector.shape_cast %get3A_551 : vector<1x16xf32> to vector<16xf32>
    %eq3A_553 = arith.constant 14 : i32
    %eq3A_554 = vector.broadcast %eq3A_553 : i32 to vector<16xi32>
    %eq3A_555 = arith.cmpi eq, %iota3A, %eq3A_554 : vector<16xi32>
    %jit3A_556 = arith.constant 0.000000e+00 : f32
    %broadcast_in_dim3A_557 = vector.broadcast %jit3A_556 : f32 to vector<16xf32>
    %select_n3A_558 = arith.select %eq3A_555, %get3A_552, %broadcast_in_dim3A_557 : vector<16xi1>, vector<16xf32>
    %add3A_559 = arith.addf %add3A_545, %select_n3A_558 : vector<16xf32>
    %add3A_560 = arith.constant 16 : i32
    %add3A_561 = arith.addi %mul3A_3, %add3A_560 : i32
    %get3A_562 = arith.constant 31 : i32
    %get3A_563 = arith.index_cast %get3A_562 : i32 to index
    %get3A_564 = arith.index_cast %add3A_561 : i32 to index
    %get3A_565 = tpu.vector_load %arg6[%get3A_563, %get3A_564] {strides = array<i32>} : memref<32x1024xf32, #tpu.memory_space<vmem>>, vector<1x16xf32>,
    %get3A_566 = vector.shape_cast %get3A_565 : vector<1x16xf32> to vector<16xf32>
    %eq3A_567 = arith.constant 15 : i32
    %eq3A_568 = vector.broadcast %eq3A_567 : i32 to vector<16xi32>
    %eq3A_569 = arith.cmpi eq, %iota3A, %eq3A_568 : vector<16xi32>
    %jit3A_570 = arith.constant 0.000000e+00 : f32
    %broadcast_in_dim3A_571 = vector.broadcast %jit3A_570 : f32 to vector<16xf32>
    %select_n3A_572 = arith.select %eq3A_569, %get3A_566, %broadcast_in_dim3A_571 : vector<16xi1>, vector<16xf32>
    %add3A_573 = arith.addf %add3A_559, %select_n3A_572 : vector<16xf32>
    %mul3A_574 = arith.constant 1.000010e-06 : f32
    %mul3A_575 = vector.broadcast %mul3A_574 : f32 to vector<16xf32>
    %mul3A_576 = arith.mulf %scan3A_125, %mul3A_575 : vector<16xf32>
    %mul3A_577 = arith.constant 8.999990e-01 : f32
    %mul3A_578 = vector.broadcast %mul3A_577 : f32 to vector<16xf32>
    %mul3A_579 = arith.mulf %add3A_573, %mul3A_578 : vector<16xf32>
    %add3A_580 = arith.addf %mul3A_576, %mul3A_579 : vector<16xf32>
    %swap3A = arith.constant 0 : index
    %swap3A_581 = tpu.vector_load %arg8[%swap3A] {strides = array<i32>} : memref<16xf32, #tpu.memory_space<vmem>>, vector<16xf32>,
    %swap3A_582 = vector.shape_cast %swap3A_581 : vector<16xf32> to vector<16xf32>
    %swap3A_583 = vector.shape_cast %add3A_580 : vector<16xf32> to vector<16xf32>
    tpu.vector_store %arg8[%swap3A], %swap3A_583 {strides = array<i32>} : memref<16xf32, #tpu.memory_space<vmem>>, vector<16xf32>,
    "tpu.region"() ({
      %run_scoped3A = tpu.sem_alloc : memref<!tpu.dma_semaphore, #tpu.memory_space<semaphore_mem>>
      %dma_start3A_584 = arith.constant 0 : i32
      %dma_start3A_585 = tpu.memref_slice %arg4[%add3A, %dma_start3A_584] : memref<32x16xf32, #tpu.memory_space<hbm>> -> memref<1x16xf32, #tpu.memory_space<hbm>>
      %dma_start3A_586 = tpu.memref_squeeze %dma_start3A_585 : memref<1x16xf32, #tpu.memory_space<hbm>> -> memref<16xf32, #tpu.memory_space<hbm>>
      %dma_start3A_587 = arith.constant 0 : i32
      %dma_start3A_588 = tpu.memref_slice %arg4[%add3A, %dma_start3A_587] : memref<32x16xf32, #tpu.memory_space<hbm>> -> memref<1x16xf32, #tpu.memory_space<hbm>>
      %dma_start3A_589 = tpu.memref_squeeze %dma_start3A_588 : memref<1x16xf32, #tpu.memory_space<hbm>> -> memref<16xf32, #tpu.memory_space<hbm>>
      tpu.enqueue_dma source(%arg8 : memref<16xf32, #tpu.memory_space<vmem>>) target(%dma_start3A_589 : memref<16xf32, #tpu.memory_space<hbm>>) target_semaphore(%run_scoped3A : memref<!tpu.dma_semaphore, #tpu.memory_space<semaphore_mem>>)
      %dma_wait3A_590 = arith.constant 0 : i32
      %dma_wait3A_591 = tpu.memref_slice %arg4[%add3A, %dma_wait3A_590] : memref<32x16xf32, #tpu.memory_space<hbm>> -> memref<1x16xf32, #tpu.memory_space<hbm>>
      %dma_wait3A_592 = tpu.memref_squeeze %dma_wait3A_591 : memref<1x16xf32, #tpu.memory_space<hbm>> -> memref<16xf32, #tpu.memory_space<hbm>>
      %dma_wait3A_593 = arith.constant 0 : i32
      %dma_wait3A_594 = tpu.memref_slice %arg4[%add3A, %dma_wait3A_593] : memref<32x16xf32, #tpu.memory_space<hbm>> -> memref<1x16xf32, #tpu.memory_space<hbm>>
      %dma_wait3A_595 = tpu.memref_squeeze %dma_wait3A_594 : memref<1x16xf32, #tpu.memory_space<hbm>> -> memref<16xf32, #tpu.memory_space<hbm>>
      tpu.wait_dma2 semaphore(%run_scoped3A : memref<!tpu.dma_semaphore, #tpu.memory_space<semaphore_mem>>) src(%arg8 : memref<16xf32, #tpu.memory_space<vmem>>) dst(%dma_wait3A_595 : memref<16xf32, #tpu.memory_space<hbm>>)
      tpu.yield
    }) : () -> ()
    return
  }
}

module attributes {stable_mosaic.version = 14 : i64} {
  func.func @combine_body(%arg0: memref<1x1xf32, #tpu.memory_space<smem>>, %arg1: memref<32x16xf32, #tpu.memory_space<vmem>>, %arg2: memref<1x1xf32, #tpu.memory_space<smem>>) attributes {dimension_semantics = [], scalar_prefetch = 0 : i64, scratch_operands = 0 : i64, tpu.core_type = #tpu.core_type<tc>} {
    %get3A = arith.constant 0 : index
    %get3A_0 = arith.constant 0 : index
    %get3A_1 = memref.load %arg0[%get3A, %get3A_0] : memref<1x1xf32, #tpu.memory_space<smem>>
    %get3A_2 = arith.constant 0 : index
    %get3A_3 = arith.constant 0 : index
    %get3A_4 = vector.load %arg1[%get3A_2, %get3A_3] : memref<32x16xf32, #tpu.memory_space<vmem>>, vector<32x16xf32>
    %reduce_sum3A = vector.shape_cast %get3A_4 : vector<32x16xf32> to vector<1x32x16xf32>
    %reduce_sum3A_5 = arith.constant dense<0.000000e+00> : vector<1xf32>
    %reduce_sum3A_6 = vector.multi_reduction <add>, %reduce_sum3A, %reduce_sum3A_5 [1, 2] : vector<1x32x16xf32> to vector<1xf32>
    %reduce_sum3A_7 = vector.shape_cast %reduce_sum3A_6 : vector<1xf32> to vector<1x1x1xf32>
    %reduce_sum3A_8 = vector.extract %reduce_sum3A_7[0, 0, 0] : f32 from vector<1x1x1xf32>
    %sub3A = arith.subf %get3A_1, %reduce_sum3A_8 : f32
    %swap3A = arith.constant 0 : index
    %swap3A_9 = arith.constant 0 : index
    %swap3A_10 = memref.load %arg2[%swap3A, %swap3A_9] : memref<1x1xf32, #tpu.memory_space<smem>>
    memref.store %sub3A, %arg2[%swap3A, %swap3A_9] : memref<1x1xf32, #tpu.memory_space<smem>>
    return
  }
}

module attributes {stable_mosaic.version = 14 : i64} {
  func.func @tc_body(%arg0: i32, %arg1: memref<80x1024xf32, #tpu.memory_space<vmem>>, %arg2: memref<80x1024xf32, #tpu.memory_space<vmem>>, %arg3: memref<80x1024xf32, #tpu.memory_space<vmem>>, %arg4: memref<80x1024xf32, #tpu.memory_space<vmem>>, %arg5: memref<80x1024xf32, #tpu.memory_space<vmem>>, %arg6: memref<80x1024xf32, #tpu.memory_space<vmem>>, %arg7: memref<1x1xf32, #tpu.memory_space<smem>>) attributes {dimension_semantics = [#tpu.dimension_semantics<arbitrary>], iteration_bounds = array<i64: 107>, scalar_prefetch = 0 : i64, scratch_operands = 0 : i64, tpu.core_type = #tpu.core_type<tc>, window_params = [{transform_indices = @transform_0, window_bounds = array<i64: 80, 1024>}, {transform_indices = @transform_1, window_bounds = array<i64: 80, 1024>}, {transform_indices = @transform_2, window_bounds = array<i64: 80, 1024>}, {transform_indices = @transform_3, window_bounds = array<i64: 80, 1024>}, {transform_indices = @transform_4, window_bounds = array<i64: 80, 1024>}, {transform_indices = @transform_5, window_bounds = array<i64: 80, 1024>}, {transform_indices = @transform_6, window_bounds = array<i64: 1, 1>}]} {
    %eq3A = arith.constant 0 : i32
    %eq3A_0 = arith.cmpi eq, %arg0, %eq3A : i32
    %convert_element_type3A = arith.extui %eq3A_0 : i1 to i32
    %cond3A = arith.constant 0 : i32
    %cond3A_1 = arith.cmpi ne, %convert_element_type3A, %cond3A : i32
    scf.if %cond3A_1 {
      %swap3A_38 = arith.constant 0.000000e+00 : f32
      %swap3A_39 = arith.constant 0 : index
      %swap3A_40 = arith.constant 0 : index
      %swap3A_41 = memref.load %arg7[%swap3A_39, %swap3A_40] : memref<1x1xf32, #tpu.memory_space<smem>>
      memref.store %swap3A_38, %arg7[%swap3A_39, %swap3A_40] : memref<1x1xf32, #tpu.memory_space<smem>>
    } else {
    }
    %get3A = arith.constant 0 : index
    %get3A_2 = arith.constant 0 : index
    %get3A_3 = vector.load %arg1[%get3A, %get3A_2] : memref<80x1024xf32, #tpu.memory_space<vmem>>, vector<80x1024xf32>
    %get3A_4 = arith.constant 0 : index
    %get3A_5 = arith.constant 0 : index
    %get3A_6 = vector.load %arg2[%get3A_4, %get3A_5] : memref<80x1024xf32, #tpu.memory_space<vmem>>, vector<80x1024xf32>
    %add3A = arith.addf %get3A_3, %get3A_6 : vector<80x1024xf32>
    %get3A_7 = arith.constant 0 : index
    %get3A_8 = arith.constant 0 : index
    %get3A_9 = vector.load %arg3[%get3A_7, %get3A_8] : memref<80x1024xf32, #tpu.memory_space<vmem>>, vector<80x1024xf32>
    %add3A_10 = arith.addf %add3A, %get3A_9 : vector<80x1024xf32>
    %get3A_11 = arith.constant 0 : index
    %get3A_12 = arith.constant 0 : index
    %get3A_13 = vector.load %arg4[%get3A_11, %get3A_12] : memref<80x1024xf32, #tpu.memory_space<vmem>>, vector<80x1024xf32>
    %add3A_14 = arith.addf %add3A_10, %get3A_13 : vector<80x1024xf32>
    %get3A_15 = arith.constant 0 : index
    %get3A_16 = arith.constant 0 : index
    %get3A_17 = vector.load %arg5[%get3A_15, %get3A_16] : memref<80x1024xf32, #tpu.memory_space<vmem>>, vector<80x1024xf32>
    %add3A_18 = arith.addf %add3A_14, %get3A_17 : vector<80x1024xf32>
    %get3A_19 = arith.constant 0 : index
    %get3A_20 = arith.constant 0 : index
    %get3A_21 = vector.load %arg6[%get3A_19, %get3A_20] : memref<80x1024xf32, #tpu.memory_space<vmem>>, vector<80x1024xf32>
    %add3A_22 = arith.addf %add3A_18, %get3A_21 : vector<80x1024xf32>
    %get3A_23 = arith.constant 0 : index
    %get3A_24 = arith.constant 0 : index
    %get3A_25 = memref.load %arg7[%get3A_23, %get3A_24] : memref<1x1xf32, #tpu.memory_space<smem>>
    %reduce_sum3A = vector.shape_cast %add3A_22 : vector<80x1024xf32> to vector<1x80x1024xf32>
    %reduce_sum3A_26 = arith.constant dense<0.000000e+00> : vector<1xf32>
    %reduce_sum3A_27 = vector.multi_reduction <add>, %reduce_sum3A, %reduce_sum3A_26 [1, 2] : vector<1x80x1024xf32> to vector<1xf32>
    %reduce_sum3A_28 = vector.shape_cast %reduce_sum3A_27 : vector<1xf32> to vector<1x1x1xf32>
    %reduce_sum3A_29 = vector.extract %reduce_sum3A_28[0, 0, 0] : f32 from vector<1x1x1xf32>
    %add3A_30 = arith.addf %get3A_25, %reduce_sum3A_29 : f32
    %swap3A = arith.constant 0 : index
    %swap3A_31 = arith.constant 0 : index
    %swap3A_32 = memref.load %arg7[%swap3A, %swap3A_31] : memref<1x1xf32, #tpu.memory_space<smem>>
    memref.store %add3A_30, %arg7[%swap3A, %swap3A_31] : memref<1x1xf32, #tpu.memory_space<smem>>
    %eq3A_33 = arith.constant 106 : i32
    %eq3A_34 = arith.cmpi eq, %arg0, %eq3A_33 : i32
    %convert_element_type3A_35 = arith.extui %eq3A_34 : i1 to i32
    %cond3A_36 = arith.constant 0 : i32
    %cond3A_37 = arith.cmpi ne, %convert_element_type3A_35, %cond3A_36 : i32
    scf.if %cond3A_37 {
      %get3A_38 = arith.constant 0 : index
      %get3A_39 = arith.constant 0 : index
      %get3A_40 = memref.load %arg7[%get3A_38, %get3A_39] : memref<1x1xf32, #tpu.memory_space<smem>>
      %mul3A = arith.constant 1.000010e-06 : f32
      %mul3A_41 = arith.mulf %mul3A, %get3A_40 : f32
      %sub3A = arith.constant -1511.8075 : f32
      %sub3A_42 = arith.subf %sub3A, %mul3A_41 : f32
      %swap3A_43 = arith.constant 0 : index
      %swap3A_44 = arith.constant 0 : index
      %swap3A_45 = memref.load %arg7[%swap3A_43, %swap3A_44] : memref<1x1xf32, #tpu.memory_space<smem>>
      memref.store %sub3A_42, %arg7[%swap3A_43, %swap3A_44] : memref<1x1xf32, #tpu.memory_space<smem>>
    } else {
    }
    return
  }
  func.func @transform_0(%arg0: i32) -> (i32, i32) {
    %mul3A = arith.constant 6 : i32
    %mul3A_0 = arith.muli %mul3A, %arg0 : i32
    %add3A = arith.constant 0 : i32
    %add3A_1 = arith.addi %mul3A_0, %add3A : i32
    %c0_i32 = arith.constant 0 : i32
    %c0_i32_2 = arith.constant 0 : i32
    return %add3A_1, %c0_i32 : i32, i32
  }
  func.func @transform_1(%arg0: i32) -> (i32, i32) {
    %mul3A = arith.constant 6 : i32
    %mul3A_0 = arith.muli %mul3A, %arg0 : i32
    %add3A = arith.constant 1 : i32
    %add3A_1 = arith.addi %mul3A_0, %add3A : i32
    %c0_i32 = arith.constant 0 : i32
    %c0_i32_2 = arith.constant 0 : i32
    return %add3A_1, %c0_i32 : i32, i32
  }
  func.func @transform_2(%arg0: i32) -> (i32, i32) {
    %mul3A = arith.constant 6 : i32
    %mul3A_0 = arith.muli %mul3A, %arg0 : i32
    %add3A = arith.constant 2 : i32
    %add3A_1 = arith.addi %mul3A_0, %add3A : i32
    %c0_i32 = arith.constant 0 : i32
    %c0_i32_2 = arith.constant 0 : i32
    return %add3A_1, %c0_i32 : i32, i32
  }
  func.func @transform_3(%arg0: i32) -> (i32, i32) {
    %mul3A = arith.constant 6 : i32
    %mul3A_0 = arith.muli %mul3A, %arg0 : i32
    %add3A = arith.constant 3 : i32
    %add3A_1 = arith.addi %mul3A_0, %add3A : i32
    %c0_i32 = arith.constant 0 : i32
    %c0_i32_2 = arith.constant 0 : i32
    return %add3A_1, %c0_i32 : i32, i32
  }
  func.func @transform_4(%arg0: i32) -> (i32, i32) {
    %mul3A = arith.constant 6 : i32
    %mul3A_0 = arith.muli %mul3A, %arg0 : i32
    %add3A = arith.constant 4 : i32
    %add3A_1 = arith.addi %mul3A_0, %add3A : i32
    %c0_i32 = arith.constant 0 : i32
    %c0_i32_2 = arith.constant 0 : i32
    return %add3A_1, %c0_i32 : i32, i32
  }
  func.func @transform_5(%arg0: i32) -> (i32, i32) {
    %mul3A = arith.constant 6 : i32
    %mul3A_0 = arith.muli %mul3A, %arg0 : i32
    %add3A = arith.constant 5 : i32
    %add3A_1 = arith.addi %mul3A_0, %add3A : i32
    %c0_i32 = arith.constant 0 : i32
    %c0_i32_2 = arith.constant 0 : i32
    return %add3A_1, %c0_i32 : i32, i32
  }
  func.func @transform_6(%arg0: i32) -> (i32, i32) {
    %c0_i32 = arith.constant 0 : i32
    %c0_i32_0 = arith.constant 0 : i32
    %c0_i32_1 = arith.constant 0 : i32
    return %c0_i32, %c0_i32_0 : i32, i32
  }
}

</mosaic_0001>

<sc_bundles>
// kernel: kernel.5.cloned.1.call-start
scs
__scs_entry_jumppad:
0x0: {  	(pc) =	sbr.rel $0x88, $3  }
0x1: {  	(tag) =	ssettag $0x0;
	lr =	simm.s32 $0x1  }
0x2: {  	[smem:$0x3F9F] =	sst lr;
	_ =	strace $0xD0000000  }
0x3: {  	_ = 	snop  }
0x4: {  	_ = 	snop  }
0x5: {  	_ = 	snop  }
0x6: {  	_ = 	snop  }
0x7: {  	_ = 	snop  }
__scs_overlays_trampoline_lowered:
0x8: {  	[smem:$0x3FAE] =	sst s0  }
0x9: {  	[smem:$0x3FAF] =	sst s1  }
0xa: {  	[smem:$0x3FB0] =	sst s2  }
0xb: {  	[smem:$0x3FB1] =	sst s3  }
0xc: {  	[smem:$0x3FB2] =	sst s4  }
0xd: {  	[smem:$0x3FB3] =	sst s5  }
0xe: {  	[smem:$0x3FB4] =	sst s6  }
0xf: {  	[smem:$0x3FB5] =	sst s7  }
0x10: {  	[smem:$0x3FB6] =	sst s8  }
0x11: {  	[smem:$0x3FB7] =	sst s9;
	s0 =	simm.s32 @!p0 $0x0  }
0x12: {  	s1 =	sld [smem:$0x3F9D];
	s0 =	simm.s32 @p0 $0x1  }
0x13: {  	[smem:$0x3FB8] =	sst s0;
	s0 =	simm.s32 @!p1 $0x0  }
0x14: {  	s2 =	sld [smem:$0x3F9C];
	s0 =	simm.s32 @p1 $0x1  }
0x15: {  	[smem:$0x3FB9] =	sst s0;
	s0 =	simm.s32 @!p2 $0x0  }
0x16: {  	s3 =	sld [smem:$0x3FDB];
	s0 =	simm.s32 @p2 $0x1  }
0x17: {  	s4 =	simm.s32 $0x1BF5;
	[smem:$0x3FBB] =	sst s0  }
0x18: {  	s0 =	sld [smem:$0x3F9E];
	_ =	swait.ge [sflag:s4], $0x0  }
0x19: {  	s7 =	sld [smem:$0x3F9F]  }
0x1a: {  	s8 =	sadd.s32 $0xFFFFE003, lr  }
0x1b: {  	s9 =	sadd.s32 $0xFFFFFEF7, lr;
	s5 =	simm.s32 $0xFFFFFFFF;
	p2 =	slt.u32 s8, $0xFFFFF086  }
0x1c: {  	p1 =	slt.u32 s9, $0xF7A;
	s5 =	simm.s32 @!p2 $0x0  }
0x1d: {  	s5 =	simm.s32 @p1 $0x1;
	p0 =	seq.s32 s7, s2  }
0x1e: {  	s7 =	smul.u32 @!p0 $0xF7A, s2;
	p2 =	seq.s32 @!p0 s5, $0x0  }
0x1f: {  	s9 =	smul.u32 $0xF7A, s1;
	s8 =	simm.s32 @!p0 $0x1BF5;
	p2 =	por !p2, p0  }
0x20: {  	[sflag:s8] =	ssyncset.s32 @!p0 $0xFFFFF086;
	s6 =	sadd.s32 @!p0 s3, s7;
	s7 =	simm.s32 @!p0 $0x108  }
0x21: {  	s3 =	sadd.s32 s3, s9;
	s6 =	sadd.s32 @!p0 $0x88, s6;
	s7 =	simm.s32 @p2 $0x1082  }
0x22: {  	[simem:s7], [sflag:s8] =	dma.local @!p0 [hbm:s6], $0xF7A  }
0x23: {  	s9 =	sor.u32 $0xD0000000, s2;
	s6 =	simm.s32 $0x108;
	_ =	swait.ge @!p0 [sflag:s8], $0x0  }
0x24: {  	s3 =	sadd.s32 $0x88, s3;
	s6 =	simm.s32 @!p1 $0x1082;
	[sflag:s4] =	ssyncset.s32 $0xFFFFF086  }
0x25: {  	[simem:s6], [sflag:s4] =	dma.local [hbm:s3], $0xF7A  }
0x26: {  	[smem:$0x3F9F] =	sst s1;
	(tag) =	ssettag s2;
	_ =	strace s9  }
0x27: {  	s1 =	sld [smem:$0x3FAF]  }
0x28: {  	s2 =	sld [smem:$0x3FB0]  }
0x29: {  	s4 =	sld [smem:$0x3FB2]  }
0x2a: {  	p0 =	seq.s32 s5, $0x0;
	s5 =	sld [smem:$0x3FB3]  }
0x2b: {  	s6 =	sld [smem:$0x3FB4]  }
0x2c: {  	s7 =	sld [smem:$0x3FB5]  }
0x2d: {  	s3 =	simm.s32 $0x108;
	s8 =	sld [smem:$0x3FB6]  }
0x2e: {  	s3 =	simm.s32 @!p0 $0x1082;
	s9 =	sld [smem:$0x3FB7]  }
0x2f: {  	lr =	sadd.s32 s0, s3;
	s0 =	sld [smem:$0x3FAE]  }
0x30: {  	s3 =	sld [smem:$0x3FB1]  }
0x31: {  	[smem:$0x3FBA] =	sst s10  }
0x32: {  	s10 =	sld [smem:$0x3FB8];
	_ =	sdelay $0x3  }
0x33: {  	p0 =	seq.s32 s10, $0x1;
	s10 =	sld [smem:$0x3FBA];
	_ =	sdelay $0x3  }
0x34: {  	[smem:$0x3FBA] =	sst s10  }
0x35: {  	s10 =	sld [smem:$0x3FB9];
	_ =	sdelay $0x3  }
0x36: {  	p1 =	seq.s32 s10, $0x1;
	s10 =	sld [smem:$0x3FBA];
	_ =	sdelay $0x3  }
0x37: {  	[smem:$0x3FBA] =	sst s10  }
0x38: {  	s10 =	sld [smem:$0x3FBB]  }
0x39: {  	_ = 	snop;
	(pc) =	sbr.ind lr, $3  }
0x3a: {  	_ = 	snop  }
0x3b: {  	_ = 	snop  }
0x3c: {  	p2 =	seq.s32 s10, $0x1;
	s10 =	sld [smem:$0x3FBA]  }
0x3d: {  	_ =	shalt  }
0x3e: {  	_ =	shalt  }
0x3f: {  	_ =	shalt  }
0x40: {  	_ =	shalt  }
0x41: {  	_ =	shalt  }
0x42: {  	_ =	shalt  }
0x43: {  	_ =	shalt  }
0x44: {  	_ =	shalt  }
0x45: {  	_ =	shalt  }
0x46: {  	_ =	shalt  }
0x47: {  	_ =	shalt  }
0x48: {  	_ =	shalt  }
0x49: {  	_ =	shalt  }
0x4a: {  	_ =	shalt  }
0x4b: {  	_ =	shalt  }
0x4c: {  	_ =	shalt  }
0x4d: {  	_ =	shalt  }
0x4e: {  	_ =	shalt  }
0x4f: {  	_ =	shalt  }
0x50: {  	_ =	shalt  }
0x51: {  	_ =	shalt  }
0x52: {  	_ =	shalt  }
0x53: {  	_ =	shalt  }
0x54: {  	_ =	shalt  }
0x55: {  	_ =	shalt  }
0x56: {  	_ =	shalt  }
0x57: {  	_ =	shalt  }
0x58: {  	_ =	shalt  }
0x59: {  	_ =	shalt  }
0x5a: {  	_ =	shalt  }
0x5b: {  	_ =	shalt  }
0x5c: {  	_ =	shalt  }
0x5d: {  	_ =	shalt  }
0x5e: {  	_ =	shalt  }
0x5f: {  	_ =	shalt  }
0x60: {  	_ =	shalt  }
0x61: {  	_ =	shalt  }
0x62: {  	_ =	shalt  }
0x63: {  	_ =	shalt  }
0x64: {  	_ =	shalt  }
0x65: {  	_ =	shalt  }
0x66: {  	_ =	shalt  }
0x67: {  	_ =	shalt  }
0x68: {  	_ =	shalt  }
0x69: {  	_ =	shalt  }
0x6a: {  	_ =	shalt  }
0x6b: {  	_ =	shalt  }
0x6c: {  	_ =	shalt  }
0x6d: {  	_ =	shalt  }
0x6e: {  	_ =	shalt  }
0x6f: {  	_ =	shalt  }
0x70: {  	_ =	shalt  }
0x71: {  	_ =	shalt  }
0x72: {  	_ =	shalt  }
0x73: {  	_ =	shalt  }
0x74: {  	_ =	shalt  }
0x75: {  	_ =	shalt  }
0x76: {  	_ =	shalt  }
0x77: {  	_ =	shalt  }
0x78: {  	_ =	shalt  }
0x79: {  	_ =	shalt  }
0x7a: {  	_ =	shalt  }
0x7b: {  	_ =	shalt  }
0x7c: {  	_ =	shalt  }
0x7d: {  	_ =	shalt  }
0x7e: {  	_ =	shalt  }
0x7f: {  	_ =	shalt  }
0x80: {  	_ =	shalt  }
0x81: {  	_ =	shalt  }
0x82: {  	_ =	shalt  }
0x83: {  	_ =	shalt  }
0x84: {  	_ =	shalt  }
0x85: {  	_ =	shalt  }
0x86: {  	_ =	shalt  }
0x87: {  	_ =	shalt  }
.Lfunc_end0:
.L_simem_size_0:
called_computation_lowered:
.L_overlay_start_0:
0x88: {  	s2 =	sld [smem:$0x3FD9]  }
0x89: {  	s3 =	sld [smem:$0x3FFE];
	_ =	sdelay $0x1  }
0x8a: {  	s1 =	srdreg.scid  }
0x8b: {  	s0 =	sand.u32 $0x1, s1  }
0x8c: {  	s17 =	sshll.u32 s0, $0xA;
	s2 =	sadd.s32 s3, s2  }
0x8d: {  	s2 =	sadd.s32 s2, s17  }
0x8e: {  	[smem:$0x3FC6] =	sst s2  }
0x8f: {  	_ = 	snop  }
0x90: {  	s2 =	sld [smem:$0x3FC9]  }
0x91: {  	s18 =	sld [smem:$0x3FC8];
	(tm) =	ssettm $0x1  }
0x92: {  	s4 =	sld [smem:$0x3FFB];
	_ =	sdelay $0x3  }
0x93: {  	_ =	strace s4  }
0x94: {  	s4 =	sld [smem:$0x3FFC];
	_ =	sdelay $0x3  }
0x95: {  	_ =	strace s4  }
0x96: {  	s4 =	sld [smem:$0x3FFD];
	_ =	sdelay $0x3  }
0x97: {  	_ =	strace s4  }
0x98: {  	_ =	strace $0x8FFFFFFF  }
0x99: {  	s19 =	sld [smem:$0x3FDB];
	_ =	sdelay $0x1  }
0x9a: {  	s5 =	simm.s32 $_scs_section_size  }
0x9b: {  	s6 =	simm.s32 $_size__tile_overlayer_lowered;
	s7 =	simm.s32 $_tile_overlayer_lowered  }
0x9c: {  	s22 =	simm.s32 $0x1BFF;
	s21 =	sshll.u32 s7, $0x1;
	s4 =	sadd.s32 s5, s19  }
0x9d: {  	s8 =	simm.s32 $0x0;
	s20 =	sshll.u32 s6, $0x1;
	s6 =	sadd.s32 s21, s4  }
0x9e: {  	[timem:s8], [sflag:s22] =	dma.local [hbm:s6], s20  }
0x9f: {  	_ =	swait.ge [sflag:s22], s20  }
0xa0: {  	s5 =	ssub.s32 $0x0, s20;
	[sflag:s22] =	ssyncset.done $0x0  }
0xa1: {  	[sflag:s22] =	ssyncadd.s32 s5;
	_ =	sdelay $0x1  }
0xa2: {  	s23 =	simm.s32 $0x1B8B  }
0xa3: {  	_ =	swait.ge [sflag:s23], $0x1  }
0xa4: {  	[sflag:s23] =	ssyncset.done $0x0  }
0xa5: {  	s25 =	simm.s32 $0x1B8E;
	s24 =	sld [smem:$0x3FFE];
	[sflag:s23] =	ssyncadd.s32 $0xFFFFFFFF  }
0xa6: {  	s26 =	simm.s32 $execute0_lowered;
	[smem:$0x3FD2] =	sst s25  }
0xa7: {  	s6 =	sshll.u32 s26, $0x1;
	_ =	strace $0x80000046;
	[dreg:$0x1] =	wrdreg $0xFFFFFFFF  }
0xa8: {  	s28 =	simm.s32 $_size_execute0_lowered;
	s4 =	sadd.s32 s4, s6;
	[dreg:$0x0] =	wrdreg $0x0  }
0xa9: {  	s6 =	sshll.u32 s28, $0x1;
	[dreg:$0x2] =	wrdreg s4  }
0xaa: {  	[dreg:$0x3] =	wrdreg s6  }
0xab: {  	[dreg:$0x4] =	wrdreg $0xC0  }
0xac: {  	_ =	task [dreg:s8], $0x5FFFF  }
0xad: {  	[dreg:$0x1] =	wrdreg $0xFFFFFFFF  }
0xae: {  	[dreg:$0x0] =	wrdreg $0x60  }
0xaf: {  	[dreg:$0x2] =	wrdreg s2  }
0xb0: {  	[dreg:$0x3] =	wrdreg s18  }
0xb1: {  	[dreg:$0x4] =	wrdreg s24  }
0xb2: {  	[dreg:$0x5] =	wrdreg $0x9  }
0xb3: {  	_ =	task.clear_ibuf [dreg:s8], $0x6FFFF;
	_ =	strace $0x90000046  }
0xb4: {  	s29 =	simm.s32 $0x9;
	_ =	strace $0x80000048  }
0xb5: {  	_ =	swait.ge [sflag:s29], $0x1  }
0xb6: {  	[sflag:s29] =	ssyncadd.s32 $0xFFFFFFFF  }
0xb7: {  	_ =	strace $0x90000048  }
0xb8: {  	_ =	sfence  }
0xb9: {  	s30 =	sld [smem:$0x0];
	_ =	sdelay $0x2  }
0xba: {  	s31 =	sshll.u32 s1, $0xD;
	s1 =	sshrl.u32 s1, $0x2  }
0xbb: {  	s3 =	sand.u32 $0x4000, s31;
	s1 =	sadd.s32 s1, s30  }
0xbc: {  	s0 =	sor.u32 s3, s0;
	s1 =	sshll.u32 s1, $0x11  }
0xbd: {  	s0 =	sor.u32 s1, s0  }
0xbe: {  	s0 =	sadd.s32 $0x8F2B, s0  }
0xbf: {  	[sflag:s0] =	ssyncadd.remote.s32 $0x1  }
0xc0: {  	_ =	sfence.sel $0xFFFF  }
0xc1: {  	[dreg:$0x0] =	wrdreg $0xFFFFFFFF;
	(pc) =	sbr.abs _section_cstart, $3  }
0xc2: {  	[dreg:$0x1] =	wrdreg $0xFFFFFFFF  }
0xc3: {  	_ =	task.clear_ibuf [dreg:s8], $0x2FFFF;
	_ =	strace $0x9FFFFFFF  }
0xc4: {  	(tm) =	ssettm $0x7FFFFFFF  }
0xc5: {  	_ =	shalt  }
tec
execute0_lowered:
.L_overlay_start_1:
0x0: {  	(tag) =	ssettag $0x1  }
0x1: {  	s2 =	rddreg [dreg:$0x0]  }
0x2: {  	s0 =	rddreg [dreg:$0x1]  }
0x3: {  	s3 =	srdreg.scid;
	s5 =	stileid.u32  }
0x4: {  	s1 =	rddreg [dreg:$0x2];
	s4 =	sand.u32 $0x1, s3;
	s5 =	sshll.u32 s5, $0x1  }
0x5: {  	s28 =	simm.s32 $0x14080;
	s3 =	simm.s32 $0x0;
	s8 =	sor.u32 s4, s5  }
0x6: {  	s29 =	simm.s32 $0x1;
	[smem:$0x7FF] =	sst s3;
	s5 =	sshll.u32 s8, $0x4  }
0x7: {  	_ =	strace $0x80000047;
	s9 =	sshll.u32 s8, $0x5;
	s17 =	sshll.u32 s8, $0x2  }
0x8: {  	s18 =	smul.u32 $0x2F800, s8;
	s21 =	sshll.u32 s8, $0x8;
	s1 =	sadd.s32 s5, s1  }
0x9: {  	s0 =	sadd.s32 s0, s17;
	s22 =	sand.u32 $0x60, s9;
	s9 =	sor.u32 s9, s21  }
0xa: {  	[dreg:$0x4] =	wrdreg s0;
	s0 =	sadd.s32 s2, s18;
	s1 =	sadd.s32 $0x600, s1  }
0xb: {  	s15 =	sand.u32 $0x1C60, s9;
	s0 =	sadd.s32 $0x645000, s0;
	[dreg:$0xf] =	wrdreg s1  }
0xc: {  	s30 =	simm.s32 $0x0;
	s23 =	sor.u32 $0x2080, s15;
	[dreg:$0x5] =	wrdreg s0  }
0xd: {  	s7 =	sadd.s32 $0x300, s2;
	s24 =	sor.u32 $0x2100, s15;
	[dreg:$0xa] =	wrdreg s23  }
0xe: {  	s4 =	ssub.s32 $0x2, s4;
	s25 =	sor.u32 $0x2180, s15;
	[dreg:$0xb] =	wrdreg s24  }
0xf: {  	s6 =	sshrl.u32 s4, $0x1;
	s26 =	sor.u32 $0x2200, s15;
	[dreg:$0xc] =	wrdreg s25  }
0x10: {  	s10 =	smul.u32 $0x17C000, s8;
	s31 =	sor.u32 $0x2280, s15;
	[dreg:$0xd] =	wrdreg s26  }
0x11: {  	s14 =	smul.u32 $0x5F0, s8;
	s9 =	sor.u32 $0x2300, s15;
	[dreg:$0xe] =	wrdreg s31  }
0x12: {  	s10 =	sshrl.u32 s10, $0x3;
	s17 =	sor.u32 $0x4090, s15;
	[dreg:$0x11] =	wrdreg s9  }
0x13: {  	s10 =	sadd.s32 s2, s10;
	s18 =	sor.u32 $0x4110, s15;
	[dreg:$0x13] =	wrdreg s17  }
0x14: {  	s4 =	ssub.s32 s4, s6;
	s19 =	sadd.s32 $0x645800, s10;
	[dreg:$0x14] =	wrdreg s18  }
0x15: {  	s5 =	sadd.s32 $0x100, s2;
	s20 =	sadd.s32 $0x646000, s10;
	[dreg:$0x6] =	wrdreg s19  }
0x16: {  	s6 =	sadd.s32 $0x200, s2;
	s10 =	sor.u32 $0x2380, s15;
	[dreg:$0x7] =	wrdreg s20  }
0x17: {  	s0 =	sor.u32 s21, s22;
	s21 =	sor.u32 $0x4290, s15;
	[dreg:$0x12] =	wrdreg s10  }
0x18: {  	s11 =	sadd.s32 $0xC8D0, s14;
	s22 =	sor.u32 $0x4310, s15;
	[dreg:$0x17] =	wrdreg s21  }
0x19: {  	s12 =	sadd.s32 $0xC8E0, s14;
	s23 =	sor.u32 $0x4390, s15;
	[dreg:$0x18] =	wrdreg s22  }
0x1a: {  	v2 =	vlaneseq.u32;
	s13 =	sadd.s32 $0xC8F0, s14;
	s24 =	sor.u32 $0x6090, s15;
	[dreg:$0x19] =	wrdreg s23  }
0x1b: {  	vm0 =	vmmov $0xffff;
	v3 =	vimm.s32 $0x0;
	vm1 =	vmmov $0x1;
	s14 =	sadd.s32 $0xC900, s14;
	s25 =	sor.u32 $0x6110, s15;
	[dreg:$0x1a] =	wrdreg s24  }
0x1c: {  	vm3 =	vcmask $0x308;
	vm4 =	vcmask $0x70C;
	vm5 =	vcmask $0xB10;
	s16 =	sor.u32 $0x80, s15;
	s26 =	sor.u32 $0x6190, s15;
	[dreg:$0x1b] =	wrdreg s25  }
0x1d: {  	vm6 =	vcmask $0xF14;
	vm7 =	vcmask $0x1318;
	vm8 =	vcmask $0x171C;
	s31 =	sor.u32 $0x6210, s15;
	s8 =	sor.u32 $0x300, s0;
	[dreg:$0x1c] =	wrdreg s26  }
0x1e: {  	vm9 =	vcmask $0x1B20;
	vm10 =	vcmask $0x1F24;
	v3 =	vsel vm0, $0xFFFFFFFF, v3;
	s0 =	sor.u32 $0x380, s0;
	s19 =	sor.u32 $0x4190, s15;
	[dreg:$0x1d] =	wrdreg s31  }
0x1f: {  	vm11 =	vcmask $0x2328;
	vm12 =	vcmask $0x272C;
	[tilespmem:$0x1FFD0] =	vst v3;
	v3 =	vimm.s32 $0x0;
	s20 =	sor.u32 $0x4210, s15;
	s21 =	sor.u32 $0x6390, s15;
	[dreg:$0x8] =	wrdreg s8  }
0x20: {  	vm13 =	vcmask $0x2B30;
	vm14 =	vcmask $0x2F34;
	v3 =	vsel vm1, $0xFFFFFFFF, v3;
	s22 =	simm.s32 $0x3;
	s23 =	simm.s32 $0x8080;
	[dreg:$0x9] =	wrdreg s0  }
0x21: {  	vm15 =	vcmask $0x3338;
	vm0 =	vmmov $0x7fff;
	[tilespmem:$0x1FFE0] =	vst v3;
	v3 =	vimm.s32 $0x0;
	s24 =	simm.s32 $0xC080;
	s25 =	simm.s32 $0x10080;
	[dreg:$0x15] =	wrdreg s19  }
0x22: {  	v1 =	vshrl.u32 v2, $0x3;
	v0 =	vand.u32 $0x7, v2;
	v3 =	vsel vm0, $0xFFFFFFFF, v3;
	s26 =	simm.s32 $0x2;
	s8 =	smax.u32 s4, $0x1;
	[dreg:$0x16] =	wrdreg s20  }
0x23: {  	v2 =	vor.u32 $0x8, v2;
	v1 =	vmul.u32 $0x8, v1;
	vm1 =	vcmask $0x373C;
	[tilespmem:$0x1FFF0] =	vst v3;
	s19 =	sor.u32 $0x6290, s15;
	s20 =	sor.u32 $0x6310, s15;
	[dreg:$0x10] =	wrdreg s8  }
.LBB2_1:
0x24: {  	s0 =	rddreg [dreg:$0x4]  }
0x25: {  	[tilespmem:s3], [sflag:$0x3] =	stream.linear.gather [hbm4b:s0+s3], $0x20, $0x38;
	[tilespmem:$0x18100] =	vst v63  }
0x26: {  	_ =	swait.ge [sflag:s22], $0x20  }
0x27: {  	[sflag:s22] =	ssyncset.done $0x0  }
0x28: {  	[sflag:s22] =	ssyncadd.s32 $0xFFFFFFE0  }
0x29: {  	v3 =	vld [tilespmem:$0x0];
	_ =	sdelay $0x4  }
0x2a: {  	v4 =	vshll.u32 v3, $0x3  }
0x2b: {  	v3 =	vand.u32 $0x7, v3;
	v4 =	vand.u32 $0xFFFFFFC0, v4  }
0x2c: {  	v3 =	vor.u32 v3, v4  }
0x2d: {  	v4 =	vperm.xlane v3, v0  }
0x2e: {  	v5 =	vld [tilespmem:$0x1FFD0]  }
0x2f: {  	v4 =	vadd.s32 v1, v4;
	_ =	sdelay $0x3  }
0x30: {  	s8 =	simm.s32 $0x80;
	vm0 =	vnez.u8 v5  }
0x31: {  	[tilespmem:s8], [sflag:$0x1] =	stream.indirect_vreg.gather [hbm4b:s2+s3], $0x80, v4, vm0, $0xb8;
	[tilespmem:$0x18100] =	vst v63  }
0x32: {  	s9 =	simm.s32 $0x880;
	v3 =	vperm.xlane v3, v2  }
0x33: {  	[tilespmem:s9], [sflag:$0x1] =	stream.indirect_vreg.gather [hbm4b:s5+s3], $0x80, v4, vm0, $0xb8;
	[tilespmem:$0x18100] =	vst v63  }
0x34: {  	s10 =	simm.s32 $0x1080;
	v3 =	vadd.s32 v1, v3  }
0x35: {  	[tilespmem:s10], [sflag:$0x1] =	stream.indirect_vreg.gather [hbm4b:s6+s3], $0x80, v4, vm0, $0xb8;
	[tilespmem:$0x18100] =	vst v63  }
0x36: {  	s17 =	simm.s32 $0x1880  }
0x37: {  	[tilespmem:s17], [sflag:$0x1] =	stream.indirect_vreg.gather [hbm4b:s7+s3], $0x80, v4, vm0, $0xb8;
	[tilespmem:$0x18100] =	vst v63  }
0x38: {  	s18 =	simm.s32 $0x2080  }
0x39: {  	[tilespmem:s18], [sflag:$0x1] =	stream.indirect_vreg.gather [hbm4b:s2+s3], $0x80, v3, vm0, $0xb8;
	[tilespmem:$0x18100] =	vst v63  }
0x3a: {  	s1 =	simm.s32 $0x2880  }
0x3b: {  	[tilespmem:s1], [sflag:$0x1] =	stream.indirect_vreg.gather [hbm4b:s5+s3], $0x80, v3, vm0, $0xb8;
	[tilespmem:$0x18100] =	vst v63  }
0x3c: {  	s4 =	simm.s32 $0x3080  }
0x3d: {  	[tilespmem:s4], [sflag:$0x1] =	stream.indirect_vreg.gather [hbm4b:s6+s3], $0x80, v3, vm0, $0xb8;
	[tilespmem:$0x18100] =	vst v63  }
0x3e: {  	s8 =	simm.s32 $0x3880  }
0x3f: {  	[tilespmem:s8], [sflag:$0x1] =	stream.indirect_vreg.gather [hbm4b:s7+s3], $0x80, v3, vm0, $0xb8;
	[tilespmem:$0x18100] =	vst v63  }
0x40: {  	v3 =	vld [tilespmem:$0x10];
	_ =	sdelay $0x4  }
0x41: {  	v4 =	vshll.u32 v3, $0x3  }
0x42: {  	v3 =	vand.u32 $0x7, v3;
	v4 =	vand.u32 $0xFFFFFFC0, v4  }
0x43: {  	v3 =	vor.u32 v3, v4  }
0x44: {  	v4 =	vperm.xlane v3, v0;
	_ =	sdelay $0x1  }
0x45: {  	v4 =	vadd.s32 v1, v4;
	_ =	sdelay $0x3  }
0x46: {  	s9 =	simm.s32 $0x4080  }
0x47: {  	[tilespmem:s9], [sflag:$0x1] =	stream.indirect_vreg.gather [hbm4b:s2+s3], $0x80, v4, vm0, $0xb8;
	[tilespmem:$0x18100] =	vst v63  }
0x48: {  	s10 =	simm.s32 $0x4880;
	v3 =	vperm.xlane v3, v2  }
0x49: {  	[tilespmem:s10], [sflag:$0x1] =	stream.indirect_vreg.gather [hbm4b:s5+s3], $0x80, v4, vm0, $0xb8;
	[tilespmem:$0x18100] =	vst v63  }
0x4a: {  	s17 =	simm.s32 $0x5080;
	v3 =	vadd.s32 v1, v3  }
0x4b: {  	[tilespmem:s17], [sflag:$0x1] =	stream.indirect_vreg.gather [hbm4b:s6+s3], $0x80, v4, vm0, $0xb8;
	[tilespmem:$0x18100] =	vst v63  }
0x4c: {  	s18 =	simm.s32 $0x5880  }
0x4d: {  	[tilespmem:s18], [sflag:$0x1] =	stream.indirect_vreg.gather [hbm4b:s7+s3], $0x80, v4, vm0, $0xb8;
	[tilespmem:$0x18100] =	vst v63  }
0x4e: {  	s1 =	simm.s32 $0x6080  }
0x4f: {  	[tilespmem:s1], [sflag:$0x1] =	stream.indirect_vreg.gather [hbm4b:s2+s3], $0x80, v3, vm0, $0xb8;
	[tilespmem:$0x18100] =	vst v63  }
0x50: {  	s4 =	simm.s32 $0x6880  }
0x51: {  	[tilespmem:s4], [sflag:$0x1] =	stream.indirect_vreg.gather [hbm4b:s5+s3], $0x80, v3, vm0, $0xb8;
	[tilespmem:$0x18100] =	vst v63  }
0x52: {  	s8 =	simm.s32 $0x7080  }
0x53: {  	[tilespmem:s8], [sflag:$0x1] =	stream.indirect_vreg.gather [hbm4b:s6+s3], $0x80, v3, vm0, $0xb8;
	[tilespmem:$0x18100] =	vst v63  }
0x54: {  	s9 =	simm.s32 $0x7880  }
0x55: {  	[tilespmem:s9], [sflag:$0x1] =	stream.indirect_vreg.gather [hbm4b:s7+s3], $0x80, v3, vm0, $0xb8;
	[tilespmem:$0x18100] =	vst v63  }
0x56: {  	s10 =	rddreg [dreg:$0x5]  }
0x57: {  	[tilespmem:s23], [sflag:$0x2] =	stream.linear.gather [hbm4b:s10+s3], $0x4000, $0x38;
	[tilespmem:$0x18100] =	vst v63  }
0x58: {  	s17 =	rddreg [dreg:$0x6]  }
0x59: {  	[tilespmem:s24], [sflag:$0x2] =	stream.linear.gather [hbm4b:s17+s3], $0x4000, $0x38;
	[tilespmem:$0x18100] =	vst v63  }
0x5a: {  	s31 =	simm.s32 $0x0;
	s18 =	rddreg [dreg:$0x7]  }
0x5b: {  	v3 =	vimm.f32 $0.0e+00;
	[tilespmem:s25], [sflag:$0x2] =	stream.linear.gather [hbm4b:s18+s3], $0x4000, $0x38;
	[tilespmem:$0x18100] =	vst v63  }
.LBB2_2:
0x5c: {  	s0 =	sshll.u32 s31, $0x6  }
0x5d: {  	_ =	swait.ge [sflag:s26], $0x4000;
	s1 =	sadd.s32 s0, s11  }
0x5e: {  	s17 =	simm.s32 $0x0;
	[sflag:s26] =	ssyncset.done $0x0;
	s1 =	sshll.u32 s1, $0x7  }
0x5f: {  	[sflag:s26] =	ssyncadd.s32 $0xFFFFC000;
	s4 =	sadd.s32 s2, s1;
	s1 =	simm.s32 $0x0  }
0x60: {  	[tilespmem:s28], [sflag:$0x2] =	stream.linear.gather [hbm4b:s4+s1], $0x4000, $0x38;
	[tilespmem:$0x18100] =	vst v63  }
0x61: {  	s4 =	sand.u32 $0x2000, s17;
	s8 =	sand.u32 $0x380, s1  }
0x62: {  	s4 =	sor.u32 s8, s4  }
0x63: {  	v4 =	vld [tilespmem:s4+$0x8080];
	_ =	sdelay $0x1  }
0x64: {  	v5 =	vld [tilespmem:s4+$0x8090];
	_ =	sdelay $0x1  }
0x65: {  	v6 =	vld [tilespmem:s4+$0x80A0]  }
0x66: {  	v3 =	vadd.f32 v4, v3  }
0x67: {  	v4 =	vld [tilespmem:s4+$0x80B0]  }
0x68: {  	v3 =	vadd.f32 v5, v3  }
0x69: {  	v5 =	vld [tilespmem:s4+$0x80C0]  }
0x6a: {  	v3 =	vadd.f32 v6, v3  }
0x6b: {  	v6 =	vld [tilespmem:s4+$0x80D0]  }
0x6c: {  	v3 =	vadd.f32 v4, v3  }
0x6d: {  	v4 =	vld [tilespmem:s4+$0x80E0]  }
0x6e: {  	v3 =	vadd.f32 v5, v3  }
0x6f: {  	v5 =	vld [tilespmem:s4+$0x80F0]  }
0x70: {  	v3 =	vadd.f32 v6, v3  }
0x71: {  	v6 =	vld [tilespmem:s4+$0x8480]  }
0x72: {  	v3 =	vadd.f32 v4, v3  }
0x73: {  	v4 =	vld [tilespmem:s4+$0x8490]  }
0x74: {  	v3 =	vadd.f32 v5, v3  }
0x75: {  	v5 =	vld [tilespmem:s4+$0x84A0]  }
0x76: {  	v3 =	vadd.f32 v6, v3  }
0x77: {  	v6 =	vld [tilespmem:s4+$0x84B0]  }
0x78: {  	v3 =	vadd.f32 v4, v3  }
0x79: {  	v4 =	vld [tilespmem:s4+$0x84C0]  }
0x7a: {  	v3 =	vadd.f32 v5, v3  }
0x7b: {  	v5 =	vld [tilespmem:s4+$0x84D0]  }
0x7c: {  	v3 =	vadd.f32 v6, v3  }
0x7d: {  	v6 =	vld [tilespmem:s4+$0x84E0]  }
0x7e: {  	v3 =	vadd.f32 v4, v3  }
0x7f: {  	v4 =	vld [tilespmem:s4+$0x84F0]  }
0x80: {  	v3 =	vadd.f32 v5, v3  }
0x81: {  	v5 =	vld [tilespmem:s4+$0x8880]  }
0x82: {  	v3 =	vadd.f32 v6, v3  }
0x83: {  	v6 =	vld [tilespmem:s4+$0x8890]  }
0x84: {  	v3 =	vadd.f32 v4, v3  }
0x85: {  	v4 =	vld [tilespmem:s4+$0x88A0]  }
0x86: {  	v3 =	vadd.f32 v5, v3  }
0x87: {  	v5 =	vld [tilespmem:s4+$0x88B0]  }
0x88: {  	v3 =	vadd.f32 v6, v3  }
0x89: {  	v6 =	vld [tilespmem:s4+$0x88C0]  }
0x8a: {  	v3 =	vadd.f32 v4, v3  }
0x8b: {  	v4 =	vld [tilespmem:s4+$0x88D0]  }
0x8c: {  	v3 =	vadd.f32 v5, v3  }
0x8d: {  	v5 =	vld [tilespmem:s4+$0x88E0]  }
0x8e: {  	v3 =	vadd.f32 v6, v3  }
0x8f: {  	v6 =	vld [tilespmem:s4+$0x88F0]  }
0x90: {  	v3 =	vadd.f32 v4, v3  }
0x91: {  	v4 =	vld [tilespmem:s4+$0x8C80]  }
0x92: {  	v3 =	vadd.f32 v5, v3  }
0x93: {  	v5 =	vld [tilespmem:s4+$0x8C90]  }
0x94: {  	v3 =	vadd.f32 v6, v3  }
0x95: {  	v6 =	vld [tilespmem:s4+$0x8CA0]  }
0x96: {  	v3 =	vadd.f32 v4, v3  }
0x97: {  	v4 =	vld [tilespmem:s4+$0x8CB0]  }
0x98: {  	v3 =	vadd.f32 v5, v3  }
0x99: {  	v5 =	vld [tilespmem:s4+$0x8CC0]  }
0x9a: {  	v3 =	vadd.f32 v6, v3  }
0x9b: {  	v6 =	vld [tilespmem:s4+$0x8CD0]  }
0x9c: {  	v3 =	vadd.f32 v4, v3  }
0x9d: {  	v4 =	vld [tilespmem:s4+$0x8CE0]  }
0x9e: {  	v3 =	vadd.f32 v5, v3  }
0x9f: {  	v5 =	vld [tilespmem:s4+$0x8CF0]  }
0xa0: {  	v3 =	vadd.f32 v6, v3  }
0xa1: {  	v6 =	vld [tilespmem:s4+$0x9080]  }
0xa2: {  	v3 =	vadd.f32 v4, v3  }
0xa3: {  	v4 =	vld [tilespmem:s4+$0x9090]  }
0xa4: {  	v3 =	vadd.f32 v5, v3  }
0xa5: {  	v5 =	vld [tilespmem:s4+$0x90A0]  }
0xa6: {  	v3 =	vadd.f32 v6, v3  }
0xa7: {  	v6 =	vld [tilespmem:s4+$0x90B0]  }
0xa8: {  	v3 =	vadd.f32 v4, v3  }
0xa9: {  	v4 =	vld [tilespmem:s4+$0x90C0]  }
0xaa: {  	v3 =	vadd.f32 v5, v3  }
0xab: {  	v5 =	vld [tilespmem:s4+$0x90D0]  }
0xac: {  	v3 =	vadd.f32 v6, v3  }
0xad: {  	v6 =	vld [tilespmem:s4+$0x90E0]  }
0xae: {  	v3 =	vadd.f32 v4, v3  }
0xaf: {  	v4 =	vld [tilespmem:s4+$0x90F0]  }
0xb0: {  	v3 =	vadd.f32 v5, v3  }
0xb1: {  	v5 =	vld [tilespmem:s4+$0x9480]  }
0xb2: {  	v3 =	vadd.f32 v6, v3  }
0xb3: {  	v6 =	vld [tilespmem:s4+$0x9490]  }
0xb4: {  	v3 =	vadd.f32 v4, v3  }
0xb5: {  	v4 =	vld [tilespmem:s4+$0x94A0]  }
0xb6: {  	v3 =	vadd.f32 v5, v3  }
0xb7: {  	v5 =	vld [tilespmem:s4+$0x94B0]  }
0xb8: {  	v3 =	vadd.f32 v6, v3  }
0xb9: {  	v6 =	vld [tilespmem:s4+$0x94C0]  }
0xba: {  	v3 =	vadd.f32 v4, v3  }
0xbb: {  	v4 =	vld [tilespmem:s4+$0x94D0]  }
0xbc: {  	v3 =	vadd.f32 v5, v3  }
0xbd: {  	v5 =	vld [tilespmem:s4+$0x94E0]  }
0xbe: {  	v3 =	vadd.f32 v6, v3  }
0xbf: {  	v6 =	vld [tilespmem:s4+$0x94F0]  }
0xc0: {  	v3 =	vadd.f32 v4, v3  }
0xc1: {  	v4 =	vld [tilespmem:s4+$0x9880]  }
0xc2: {  	v3 =	vadd.f32 v5, v3  }
0xc3: {  	v5 =	vld [tilespmem:s4+$0x9890]  }
0xc4: {  	v3 =	vadd.f32 v6, v3  }
0xc5: {  	v6 =	vld [tilespmem:s4+$0x98A0]  }
0xc6: {  	v3 =	vadd.f32 v4, v3  }
0xc7: {  	v4 =	vld [tilespmem:s4+$0x98B0]  }
0xc8: {  	v3 =	vadd.f32 v5, v3  }
0xc9: {  	v5 =	vld [tilespmem:s4+$0x98C0]  }
0xca: {  	v3 =	vadd.f32 v6, v3  }
0xcb: {  	v6 =	vld [tilespmem:s4+$0x98D0]  }
0xcc: {  	v3 =	vadd.f32 v4, v3  }
0xcd: {  	s18 =	sand.u32 $0x7, s1;
	v4 =	vld [tilespmem:s4+$0x98E0]  }
0xce: {  	s8 =	sshll.u32 s18, $0x7;
	v3 =	vadd.f32 v5, v3  }
0xcf: {  	s18 =	sadd.s32 $0x0, s8;
	v5 =	vld [tilespmem:s4+$0x98F0]  }
0xd0: {  	s8 =	sor.u32 $0x1C00, s18;
	v3 =	vadd.f32 v6, v3  }
0xd1: {  	v6 =	vld [tilespmem:s8+$0x8080]  }
0xd2: {  	s9 =	sor.u32 $0x1C10, s18;
	v3 =	vadd.f32 v4, v3  }
0xd3: {  	v4 =	vld [tilespmem:s9+$0x8080]  }
0xd4: {  	s10 =	sor.u32 $0x1C20, s18;
	v3 =	vadd.f32 v5, v3  }
0xd5: {  	v5 =	vld [tilespmem:s10+$0x8080]  }
0xd6: {  	s17 =	sor.u32 $0x1C30, s18;
	v3 =	vadd.f32 v6, v3  }
0xd7: {  	v6 =	vld [tilespmem:s17+$0x8080]  }
0xd8: {  	v3 =	vadd.f32 v4, v3  }
0xd9: {  	s8 =	sor.u32 $0x1C40, s18  }
0xda: {  	v7 =	vld [tilespmem:s8+$0x8080];
	v3 =	vadd.f32 v5, v3  }
0xdb: {  	s9 =	sor.u32 $0x1C50, s18  }
0xdc: {  	v5 =	vadd.f32 v6, v3;
	v3 =	vld [tilespmem:s9+$0x8080]  }
0xdd: {  	s10 =	sor.u32 $0x1C60, s18  }
0xde: {  	s4 =	simm.s32 $0x0;
	s8 =	simm.s32 $0x80;
	s18 =	sor.u32 $0x1C70, s18;
	v4 =	vld [tilespmem:s10+$0x8080]  }
0xdf: {  	s17 =	simm.s32 $0x400;
	s10 =	simm.s32 $0x100;
	s9 =	simm.s32 $0xFFFFC400;
	v5 =	vadd.f32 v7, v5  }
.LBB2_3:
0xe0: {  	p0 =	sne.s32 s10, $0x780;
	s17 =	sand.u32 $0x2000, s17;
	s8 =	sand.u32 $0x380, s8;
	v6 =	vld [tilespmem:s18+$0x8080]  }
0xe1: {  	s17 =	sor.u32 s8, s17;
	v3 =	vadd.f32 v3, v5;
	s8 =	smov.u32 s10  }
0xe2: {  	v5 =	vld [tilespmem:s17+$0x8080]  }
0xe3: {  	v3 =	vadd.f32 v4, v3  }
0xe4: {  	v4 =	vld [tilespmem:s17+$0x8090]  }
0xe5: {  	v3 =	vadd.f32 v6, v3  }
0xe6: {  	v6 =	vld [tilespmem:s17+$0x80A0]  }
0xe7: {  	v3 =	vadd.f32 v5, v3  }
0xe8: {  	v5 =	vld [tilespmem:s17+$0x80B0]  }
0xe9: {  	v3 =	vadd.f32 v4, v3  }
0xea: {  	v4 =	vld [tilespmem:s17+$0x80C0]  }
0xeb: {  	v3 =	vadd.f32 v6, v3  }
0xec: {  	v6 =	vld [tilespmem:s17+$0x80D0]  }
0xed: {  	v3 =	vadd.f32 v5, v3  }
0xee: {  	v5 =	vld [tilespmem:s17+$0x80E0]  }
0xef: {  	v3 =	vadd.f32 v4, v3  }
0xf0: {  	v4 =	vld [tilespmem:s17+$0x80F0]  }
0xf1: {  	v3 =	vadd.f32 v6, v3  }
0xf2: {  	v6 =	vld [tilespmem:s17+$0x8480]  }
0xf3: {  	v3 =	vadd.f32 v5, v3  }
0xf4: {  	v5 =	vld [tilespmem:s17+$0x8490]  }
0xf5: {  	v3 =	vadd.f32 v4, v3  }
0xf6: {  	v4 =	vld [tilespmem:s17+$0x84A0]  }
0xf7: {  	v3 =	vadd.f32 v6, v3  }
0xf8: {  	v6 =	vld [tilespmem:s17+$0x84B0]  }
0xf9: {  	v3 =	vadd.f32 v5, v3  }
0xfa: {  	v5 =	vld [tilespmem:s17+$0x84C0]  }
0xfb: {  	v3 =	vadd.f32 v4, v3  }
0xfc: {  	v4 =	vld [tilespmem:s17+$0x84D0]  }
0xfd: {  	v3 =	vadd.f32 v6, v3  }
0xfe: {  	v6 =	vld [tilespmem:s17+$0x84E0]  }
0xff: {  	v3 =	vadd.f32 v5, v3  }
0x100: {  	v5 =	vld [tilespmem:s17+$0x84F0]  }
0x101: {  	v3 =	vadd.f32 v4, v3  }
0x102: {  	v4 =	vld [tilespmem:s17+$0x8880]  }
0x103: {  	v3 =	vadd.f32 v6, v3  }
0x104: {  	v6 =	vld [tilespmem:s17+$0x8890]  }
0x105: {  	v3 =	vadd.f32 v5, v3  }
0x106: {  	v5 =	vld [tilespmem:s17+$0x88A0]  }
0x107: {  	v3 =	vadd.f32 v4, v3  }
0x108: {  	v4 =	vld [tilespmem:s17+$0x88B0]  }
0x109: {  	v3 =	vadd.f32 v6, v3  }
0x10a: {  	v6 =	vld [tilespmem:s17+$0x88C0]  }
0x10b: {  	v3 =	vadd.f32 v5, v3  }
0x10c: {  	v5 =	vld [tilespmem:s17+$0x88D0]  }
0x10d: {  	v3 =	vadd.f32 v4, v3  }
0x10e: {  	v4 =	vld [tilespmem:s17+$0x88E0]  }
0x10f: {  	v3 =	vadd.f32 v6, v3  }
0x110: {  	v6 =	vld [tilespmem:s17+$0x88F0]  }
0x111: {  	v3 =	vadd.f32 v5, v3  }
0x112: {  	v5 =	vld [tilespmem:s17+$0x8C80]  }
0x113: {  	v3 =	vadd.f32 v4, v3  }
0x114: {  	v4 =	vld [tilespmem:s17+$0x8C90]  }
0x115: {  	v3 =	vadd.f32 v6, v3  }
0x116: {  	v6 =	vld [tilespmem:s17+$0x8CA0]  }
0x117: {  	v3 =	vadd.f32 v5, v3  }
0x118: {  	v5 =	vld [tilespmem:s17+$0x8CB0]  }
0x119: {  	v3 =	vadd.f32 v4, v3  }
0x11a: {  	v4 =	vld [tilespmem:s17+$0x8CC0]  }
0x11b: {  	v3 =	vadd.f32 v6, v3  }
0x11c: {  	v6 =	vld [tilespmem:s17+$0x8CD0]  }
0x11d: {  	v3 =	vadd.f32 v5, v3  }
0x11e: {  	v5 =	vld [tilespmem:s17+$0x8CE0]  }
0x11f: {  	v3 =	vadd.f32 v4, v3  }
0x120: {  	v4 =	vld [tilespmem:s17+$0x8CF0]  }
0x121: {  	v3 =	vadd.f32 v6, v3  }
0x122: {  	v6 =	vld [tilespmem:s17+$0x9080]  }
0x123: {  	v3 =	vadd.f32 v5, v3  }
0x124: {  	v5 =	vld [tilespmem:s17+$0x9090]  }
0x125: {  	v3 =	vadd.f32 v4, v3  }
0x126: {  	v4 =	vld [tilespmem:s17+$0x90A0]  }
0x127: {  	v3 =	vadd.f32 v6, v3  }
0x128: {  	v6 =	vld [tilespmem:s17+$0x90B0]  }
0x129: {  	v3 =	vadd.f32 v5, v3  }
0x12a: {  	v5 =	vld [tilespmem:s17+$0x90C0]  }
0x12b: {  	v3 =	vadd.f32 v4, v3  }
0x12c: {  	v4 =	vld [tilespmem:s17+$0x90D0]  }
0x12d: {  	v3 =	vadd.f32 v6, v3  }
0x12e: {  	v6 =	vld [tilespmem:s17+$0x90E0]  }
0x12f: {  	v3 =	vadd.f32 v5, v3  }
0x130: {  	v5 =	vld [tilespmem:s17+$0x90F0]  }
0x131: {  	v3 =	vadd.f32 v4, v3  }
0x132: {  	v4 =	vld [tilespmem:s17+$0x9480]  }
0x133: {  	v3 =	vadd.f32 v6, v3  }
0x134: {  	v6 =	vld [tilespmem:s17+$0x9490]  }
0x135: {  	v3 =	vadd.f32 v5, v3  }
0x136: {  	v5 =	vld [tilespmem:s17+$0x94A0]  }
0x137: {  	v3 =	vadd.f32 v4, v3  }
0x138: {  	v4 =	vld [tilespmem:s17+$0x94B0]  }
0x139: {  	v3 =	vadd.f32 v6, v3  }
0x13a: {  	v6 =	vld [tilespmem:s17+$0x94C0]  }
0x13b: {  	v3 =	vadd.f32 v5, v3  }
0x13c: {  	v5 =	vld [tilespmem:s17+$0x94D0]  }
0x13d: {  	v3 =	vadd.f32 v4, v3  }
0x13e: {  	v4 =	vld [tilespmem:s17+$0x94E0]  }
0x13f: {  	v3 =	vadd.f32 v6, v3  }
0x140: {  	v6 =	vld [tilespmem:s17+$0x94F0]  }
0x141: {  	v3 =	vadd.f32 v5, v3  }
0x142: {  	v5 =	vld [tilespmem:s17+$0x9880]  }
0x143: {  	v3 =	vadd.f32 v4, v3  }
0x144: {  	v4 =	vld [tilespmem:s17+$0x9890]  }
0x145: {  	v3 =	vadd.f32 v6, v3  }
0x146: {  	v6 =	vld [tilespmem:s17+$0x98A0]  }
0x147: {  	v3 =	vadd.f32 v5, v3  }
0x148: {  	v5 =	vld [tilespmem:s17+$0x98B0]  }
0x149: {  	v3 =	vadd.f32 v4, v3  }
0x14a: {  	v4 =	vld [tilespmem:s17+$0x98C0]  }
0x14b: {  	v3 =	vadd.f32 v6, v3  }
0x14c: {  	v6 =	vld [tilespmem:s17+$0x98D0]  }
0x14d: {  	s1 =	sadd.s32 $0x1, s1;
	v3 =	vadd.f32 v5, v3  }
0x14e: {  	s18 =	sand.u32 $0x7, s1;
	v5 =	vld [tilespmem:s17+$0x98E0]  }
0x14f: {  	s4 =	sadd.s32 $0x400, s4;
	s18 =	sshll.u32 s18, $0x7;
	v3 =	vadd.f32 v4, v3  }
0x150: {  	s18 =	sadd.s32 s18, s4;
	v4 =	vld [tilespmem:s17+$0x98F0]  }
0x151: {  	s17 =	sor.u32 $0x1C00, s18;
	v3 =	vadd.f32 v6, v3  }
0x152: {  	v6 =	vld [tilespmem:s17+$0x8080]  }
0x153: {  	s17 =	sor.u32 $0x1C10, s18;
	v3 =	vadd.f32 v5, v3  }
0x154: {  	v5 =	vld [tilespmem:s17+$0x8080]  }
0x155: {  	s17 =	sor.u32 $0x1C20, s18;
	v3 =	vadd.f32 v4, v3  }
0x156: {  	v4 =	vld [tilespmem:s17+$0x8080]  }
0x157: {  	s17 =	sor.u32 $0x1C30, s18;
	v3 =	vadd.f32 v6, v3  }
0x158: {  	v6 =	vld [tilespmem:s17+$0x8080]  }
0x159: {  	s17 =	sor.u32 $0x1C40, s18;
	v3 =	vadd.f32 v5, v3  }
0x15a: {  	v5 =	vld [tilespmem:s17+$0x8080]  }
.Ltmp0:
0x15b: {  	s17 =	sor.u32 $0x1C50, s18;
	v4 =	vadd.f32 v4, v3;
	(pc) =	sbr.rel @p0 .LBB2_3-.Ltmp0, $4  }
0x15c: {  	v3 =	vld [tilespmem:s17+$0x8080]  }
0x15d: {  	s17 =	sor.u32 $0x1C60, s18;
	v6 =	vadd.f32 v6, v4  }
0x15e: {  	s9 =	sadd.s32 $0x400, s9;
	v4 =	vld [tilespmem:s17+$0x8080]  }
0x15f: {  	s10 =	sadd.s32 $0x80, s10;
	s18 =	sor.u32 $0x1C70, s18;
	s17 =	sadd.s32 $0x4000, s9;
	v5 =	vadd.f32 v5, v6  }
0x160: {  	s9 =	sand.u32 $0x2000, s17;
	s8 =	sand.u32 $0x380, s8;
	v6 =	vld [tilespmem:s18+$0x8080]  }
0x161: {  	s8 =	sor.u32 s8, s9;
	v3 =	vadd.f32 v3, v5  }
0x162: {  	v5 =	vld [tilespmem:s8+$0x8080]  }
0x163: {  	v3 =	vadd.f32 v4, v3  }
0x164: {  	v4 =	vld [tilespmem:s8+$0x8090]  }
0x165: {  	v3 =	vadd.f32 v6, v3  }
0x166: {  	v6 =	vld [tilespmem:s8+$0x80A0]  }
0x167: {  	v3 =	vadd.f32 v5, v3  }
0x168: {  	v5 =	vld [tilespmem:s8+$0x80B0]  }
0x169: {  	v3 =	vadd.f32 v4, v3  }
0x16a: {  	v4 =	vld [tilespmem:s8+$0x80C0]  }
0x16b: {  	v3 =	vadd.f32 v6, v3  }
0x16c: {  	v6 =	vld [tilespmem:s8+$0x80D0]  }
0x16d: {  	v3 =	vadd.f32 v5, v3  }
0x16e: {  	v5 =	vld [tilespmem:s8+$0x80E0]  }
0x16f: {  	v3 =	vadd.f32 v4, v3  }
0x170: {  	v4 =	vld [tilespmem:s8+$0x80F0]  }
0x171: {  	v3 =	vadd.f32 v6, v3  }
0x172: {  	v6 =	vld [tilespmem:s8+$0x8480]  }
0x173: {  	v3 =	vadd.f32 v5, v3  }
0x174: {  	v5 =	vld [tilespmem:s8+$0x8490]  }
0x175: {  	v3 =	vadd.f32 v4, v3  }
0x176: {  	v4 =	vld [tilespmem:s8+$0x84A0]  }
0x177: {  	v3 =	vadd.f32 v6, v3  }
0x178: {  	v6 =	vld [tilespmem:s8+$0x84B0]  }
0x179: {  	v3 =	vadd.f32 v5, v3  }
0x17a: {  	v5 =	vld [tilespmem:s8+$0x84C0]  }
0x17b: {  	v3 =	vadd.f32 v4, v3  }
0x17c: {  	v4 =	vld [tilespmem:s8+$0x84D0]  }
0x17d: {  	v3 =	vadd.f32 v6, v3  }
0x17e: {  	v6 =	vld [tilespmem:s8+$0x84E0]  }
0x17f: {  	v3 =	vadd.f32 v5, v3  }
0x180: {  	v5 =	vld [tilespmem:s8+$0x84F0]  }
0x181: {  	v3 =	vadd.f32 v4, v3  }
0x182: {  	v4 =	vld [tilespmem:s8+$0x8880]  }
0x183: {  	v3 =	vadd.f32 v6, v3  }
0x184: {  	v6 =	vld [tilespmem:s8+$0x8890]  }
0x185: {  	v3 =	vadd.f32 v5, v3  }
0x186: {  	v5 =	vld [tilespmem:s8+$0x88A0]  }
0x187: {  	v3 =	vadd.f32 v4, v3  }
0x188: {  	v4 =	vld [tilespmem:s8+$0x88B0]  }
0x189: {  	v3 =	vadd.f32 v6, v3  }
0x18a: {  	v6 =	vld [tilespmem:s8+$0x88C0]  }
0x18b: {  	v3 =	vadd.f32 v5, v3  }
0x18c: {  	v5 =	vld [tilespmem:s8+$0x88D0]  }
0x18d: {  	v3 =	vadd.f32 v4, v3  }
0x18e: {  	v4 =	vld [tilespmem:s8+$0x88E0]  }
0x18f: {  	v3 =	vadd.f32 v6, v3  }
0x190: {  	v6 =	vld [tilespmem:s8+$0x88F0]  }
0x191: {  	v3 =	vadd.f32 v5, v3  }
0x192: {  	v5 =	vld [tilespmem:s8+$0x8C80]  }
0x193: {  	v3 =	vadd.f32 v4, v3  }
0x194: {  	v4 =	vld [tilespmem:s8+$0x8C90]  }
0x195: {  	v3 =	vadd.f32 v6, v3  }
0x196: {  	v6 =	vld [tilespmem:s8+$0x8CA0]  }
0x197: {  	v3 =	vadd.f32 v5, v3  }
0x198: {  	v5 =	vld [tilespmem:s8+$0x8CB0]  }
0x199: {  	v3 =	vadd.f32 v4, v3  }
0x19a: {  	v4 =	vld [tilespmem:s8+$0x8CC0]  }
0x19b: {  	v3 =	vadd.f32 v6, v3  }
0x19c: {  	v6 =	vld [tilespmem:s8+$0x8CD0]  }
0x19d: {  	v3 =	vadd.f32 v5, v3  }
0x19e: {  	v5 =	vld [tilespmem:s8+$0x8CE0]  }
0x19f: {  	v3 =	vadd.f32 v4, v3  }
0x1a0: {  	v4 =	vld [tilespmem:s8+$0x8CF0]  }
0x1a1: {  	v3 =	vadd.f32 v6, v3  }
0x1a2: {  	v6 =	vld [tilespmem:s8+$0x9080]  }
0x1a3: {  	v3 =	vadd.f32 v5, v3  }
0x1a4: {  	v5 =	vld [tilespmem:s8+$0x9090]  }
0x1a5: {  	v3 =	vadd.f32 v4, v3  }
0x1a6: {  	v4 =	vld [tilespmem:s8+$0x90A0]  }
0x1a7: {  	v3 =	vadd.f32 v6, v3  }
0x1a8: {  	v6 =	vld [tilespmem:s8+$0x90B0]  }
0x1a9: {  	v3 =	vadd.f32 v5, v3  }
0x1aa: {  	v5 =	vld [tilespmem:s8+$0x90C0]  }
0x1ab: {  	v3 =	vadd.f32 v4, v3  }
0x1ac: {  	v4 =	vld [tilespmem:s8+$0x90D0]  }
0x1ad: {  	v3 =	vadd.f32 v6, v3  }
0x1ae: {  	v6 =	vld [tilespmem:s8+$0x90E0]  }
0x1af: {  	v3 =	vadd.f32 v5, v3  }
0x1b0: {  	v5 =	vld [tilespmem:s8+$0x90F0]  }
0x1b1: {  	v3 =	vadd.f32 v4, v3  }
0x1b2: {  	v4 =	vld [tilespmem:s8+$0x9480]  }
0x1b3: {  	v3 =	vadd.f32 v6, v3  }
0x1b4: {  	v6 =	vld [tilespmem:s8+$0x9490]  }
0x1b5: {  	v3 =	vadd.f32 v5, v3  }
0x1b6: {  	v5 =	vld [tilespmem:s8+$0x94A0]  }
0x1b7: {  	v3 =	vadd.f32 v4, v3  }
0x1b8: {  	v4 =	vld [tilespmem:s8+$0x94B0]  }
0x1b9: {  	v3 =	vadd.f32 v6, v3  }
0x1ba: {  	v6 =	vld [tilespmem:s8+$0x94C0]  }
0x1bb: {  	v3 =	vadd.f32 v5, v3  }
0x1bc: {  	v5 =	vld [tilespmem:s8+$0x94D0]  }
0x1bd: {  	v3 =	vadd.f32 v4, v3  }
0x1be: {  	v4 =	vld [tilespmem:s8+$0x94E0]  }
0x1bf: {  	v3 =	vadd.f32 v6, v3  }
0x1c0: {  	v6 =	vld [tilespmem:s8+$0x94F0]  }
0x1c1: {  	v3 =	vadd.f32 v5, v3  }
0x1c2: {  	v5 =	vld [tilespmem:s8+$0x9880]  }
0x1c3: {  	v3 =	vadd.f32 v4, v3  }
0x1c4: {  	v4 =	vld [tilespmem:s8+$0x9890]  }
0x1c5: {  	v3 =	vadd.f32 v6, v3  }
0x1c6: {  	v6 =	vld [tilespmem:s8+$0x98A0]  }
0x1c7: {  	v3 =	vadd.f32 v5, v3  }
0x1c8: {  	v5 =	vld [tilespmem:s8+$0x98B0]  }
0x1c9: {  	v3 =	vadd.f32 v4, v3  }
0x1ca: {  	v4 =	vld [tilespmem:s8+$0x98C0]  }
0x1cb: {  	v3 =	vadd.f32 v6, v3  }
0x1cc: {  	v6 =	vld [tilespmem:s8+$0x98D0]  }
0x1cd: {  	s1 =	sadd.s32 $0x1, s1;
	v3 =	vadd.f32 v5, v3  }
0x1ce: {  	s1 =	sand.u32 $0x7, s1;
	v5 =	vld [tilespmem:s8+$0x98E0]  }
0x1cf: {  	s4 =	sadd.s32 $0x400, s4;
	s1 =	sshll.u32 s1, $0x7;
	v3 =	vadd.f32 v4, v3  }
0x1d0: {  	s1 =	sadd.s32 s1, s4;
	v4 =	vld [tilespmem:s8+$0x98F0]  }
0x1d1: {  	s4 =	sor.u32 $0x1C00, s1;
	v3 =	vadd.f32 v6, v3  }
0x1d2: {  	v6 =	vld [tilespmem:s4+$0x8080]  }
0x1d3: {  	s8 =	sor.u32 $0x1C10, s1;
	v3 =	vadd.f32 v5, v3  }
0x1d4: {  	v5 =	vld [tilespmem:s8+$0x8080]  }
0x1d5: {  	s9 =	sor.u32 $0x1C20, s1;
	v3 =	vadd.f32 v4, v3  }
0x1d6: {  	v4 =	vld [tilespmem:s9+$0x8080]  }
0x1d7: {  	s10 =	sor.u32 $0x1C30, s1;
	v3 =	vadd.f32 v6, v3  }
0x1d8: {  	v6 =	vld [tilespmem:s10+$0x8080]  }
0x1d9: {  	s17 =	sor.u32 $0x1C40, s1;
	v3 =	vadd.f32 v5, v3  }
0x1da: {  	v7 =	vld [tilespmem:s17+$0x8080];
	s8 =	sor.u32 $0x1C60, s1  }
0x1db: {  	s18 =	sor.u32 $0x1C50, s1;
	v8 =	vld [tilespmem:s8+$0x8080];
	v3 =	vadd.f32 v4, v3  }
0x1dc: {  	s1 =	sor.u32 $0x1C70, s1;
	s9 =	sadd.s32 s0, s12;
	v5 =	vld [tilespmem:s18+$0x8080]  }
0x1dd: {  	v4 =	vld [tilespmem:s1+$0x8080];
	_ =	swait.ge [sflag:s26], $0x4000;
	s1 =	sshll.u32 s9, $0x7;
	v3 =	vadd.f32 v6, v3  }
0x1de: {  	[sflag:s26] =	ssyncset.done $0x0;
	s10 =	sadd.s32 s2, s1;
	s1 =	simm.s32 $0x0  }
0x1df: {  	[sflag:s26] =	ssyncadd.s32 $0xFFFFC000;
	s17 =	sand.u32 $0x2000, s1;
	s18 =	sand.u32 $0x380, s1;
	v3 =	vadd.f32 v7, v3  }
0x1e0: {  	[tilespmem:s23], [sflag:$0x2] =	stream.linear.gather [hbm4b:s10+s1], $0x4000, $0x38;
	[tilespmem:$0x18100] =	vst v63  }
0x1e1: {  	s4 =	sor.u32 s18, s17;
	v3 =	vadd.f32 v5, v3  }
0x1e2: {  	v5 =	vld [tilespmem:s4+$0xC080]  }
0x1e3: {  	v3 =	vadd.f32 v8, v3  }
0x1e4: {  	v6 =	vld [tilespmem:s4+$0xC090]  }
0x1e5: {  	v3 =	vadd.f32 v4, v3  }
0x1e6: {  	v4 =	vld [tilespmem:s4+$0xC0A0]  }
0x1e7: {  	v3 =	vadd.f32 v5, v3  }
0x1e8: {  	v5 =	vld [tilespmem:s4+$0xC0B0]  }
0x1e9: {  	v3 =	vadd.f32 v6, v3  }
0x1ea: {  	v6 =	vld [tilespmem:s4+$0xC0C0]  }
0x1eb: {  	v3 =	vadd.f32 v4, v3  }
0x1ec: {  	v4 =	vld [tilespmem:s4+$0xC0D0]  }
0x1ed: {  	v3 =	vadd.f32 v5, v3  }
0x1ee: {  	v5 =	vld [tilespmem:s4+$0xC0E0]  }
0x1ef: {  	s9 =	sand.u32 $0xFFFFE000, s1;
	v3 =	vadd.f32 v6, v3  }
0x1f0: {  	s8 =	sadd.s32 $0x0, s9;
	v6 =	vld [tilespmem:s4+$0xC0F0]  }
0x1f1: {  	s10 =	sor.u32 $0x4400, s8;
	v3 =	vadd.f32 v4, v3  }
0x1f2: {  	v4 =	vld [tilespmem:s10+$0x8080]  }
0x1f3: {  	v3 =	vadd.f32 v5, v3  }
0x1f4: {  	v5 =	vld [tilespmem:s10+$0x8090]  }
0x1f5: {  	v3 =	vadd.f32 v6, v3  }
0x1f6: {  	v6 =	vld [tilespmem:s10+$0x80A0]  }
0x1f7: {  	v3 =	vadd.f32 v4, v3  }
0x1f8: {  	v4 =	vld [tilespmem:s10+$0x80B0]  }
0x1f9: {  	v3 =	vadd.f32 v5, v3  }
0x1fa: {  	v5 =	vld [tilespmem:s10+$0x80C0]  }
0x1fb: {  	v3 =	vadd.f32 v6, v3  }
0x1fc: {  	v6 =	vld [tilespmem:s10+$0x80D0]  }
0x1fd: {  	v3 =	vadd.f32 v4, v3  }
0x1fe: {  	v4 =	vld [tilespmem:s10+$0x80E0]  }
0x1ff: {  	v3 =	vadd.f32 v5, v3  }
0x200: {  	v5 =	vld [tilespmem:s10+$0x80F0]  }
0x201: {  	v3 =	vadd.f32 v6, v3  }
0x202: {  	v6 =	vld [tilespmem:s4+$0xC880]  }
0x203: {  	v3 =	vadd.f32 v4, v3  }
0x204: {  	v4 =	vld [tilespmem:s4+$0xC890]  }
0x205: {  	v3 =	vadd.f32 v5, v3  }
0x206: {  	v5 =	vld [tilespmem:s4+$0xC8A0]  }
0x207: {  	v3 =	vadd.f32 v6, v3  }
0x208: {  	v6 =	vld [tilespmem:s4+$0xC8B0]  }
0x209: {  	v3 =	vadd.f32 v4, v3  }
0x20a: {  	v4 =	vld [tilespmem:s4+$0xC8C0]  }
0x20b: {  	v3 =	vadd.f32 v5, v3  }
0x20c: {  	v5 =	vld [tilespmem:s4+$0xC8D0]  }
0x20d: {  	v3 =	vadd.f32 v6, v3  }
0x20e: {  	v6 =	vld [tilespmem:s4+$0xC8E0]  }
0x20f: {  	v3 =	vadd.f32 v4, v3  }
0x210: {  	v4 =	vld [tilespmem:s4+$0xC8F0]  }
0x211: {  	s17 =	sor.u32 $0x4C00, s8;
	v3 =	vadd.f32 v5, v3  }
0x212: {  	v5 =	vld [tilespmem:s17+$0x8080]  }
0x213: {  	v3 =	vadd.f32 v6, v3  }
0x214: {  	v6 =	vld [tilespmem:s17+$0x8090]  }
0x215: {  	v3 =	vadd.f32 v4, v3  }
0x216: {  	v4 =	vld [tilespmem:s17+$0x80A0]  }
0x217: {  	v3 =	vadd.f32 v5, v3  }
0x218: {  	v5 =	vld [tilespmem:s17+$0x80B0]  }
0x219: {  	v3 =	vadd.f32 v6, v3  }
0x21a: {  	v6 =	vld [tilespmem:s17+$0x80C0]  }
0x21b: {  	v3 =	vadd.f32 v4, v3  }
0x21c: {  	v4 =	vld [tilespmem:s17+$0x80D0]  }
0x21d: {  	v3 =	vadd.f32 v5, v3  }
0x21e: {  	v5 =	vld [tilespmem:s17+$0x80E0]  }
0x21f: {  	v3 =	vadd.f32 v6, v3  }
0x220: {  	v6 =	vld [tilespmem:s17+$0x80F0]  }
0x221: {  	v3 =	vadd.f32 v4, v3  }
0x222: {  	v4 =	vld [tilespmem:s4+$0xD080]  }
0x223: {  	v3 =	vadd.f32 v5, v3  }
0x224: {  	v5 =	vld [tilespmem:s4+$0xD090]  }
0x225: {  	v3 =	vadd.f32 v6, v3  }
0x226: {  	v6 =	vld [tilespmem:s4+$0xD0A0]  }
0x227: {  	v3 =	vadd.f32 v4, v3  }
0x228: {  	v4 =	vld [tilespmem:s4+$0xD0B0]  }
0x229: {  	v3 =	vadd.f32 v5, v3  }
0x22a: {  	v5 =	vld [tilespmem:s4+$0xD0C0]  }
0x22b: {  	v3 =	vadd.f32 v6, v3  }
0x22c: {  	v6 =	vld [tilespmem:s4+$0xD0D0]  }
0x22d: {  	v3 =	vadd.f32 v4, v3  }
0x22e: {  	v4 =	vld [tilespmem:s4+$0xD0E0]  }
0x22f: {  	v3 =	vadd.f32 v5, v3  }
0x230: {  	v5 =	vld [tilespmem:s4+$0xD0F0]  }
0x231: {  	s8 =	sor.u32 $0x5400, s8;
	v3 =	vadd.f32 v6, v3  }
0x232: {  	v6 =	vld [tilespmem:s8+$0x8080]  }
0x233: {  	v3 =	vadd.f32 v4, v3  }
0x234: {  	v4 =	vld [tilespmem:s8+$0x8090]  }
0x235: {  	v3 =	vadd.f32 v5, v3  }
0x236: {  	v5 =	vld [tilespmem:s8+$0x80A0]  }
0x237: {  	v3 =	vadd.f32 v6, v3  }
0x238: {  	v6 =	vld [tilespmem:s8+$0x80B0]  }
0x239: {  	v3 =	vadd.f32 v4, v3  }
0x23a: {  	v4 =	vld [tilespmem:s8+$0x80C0]  }
0x23b: {  	v3 =	vadd.f32 v5, v3  }
0x23c: {  	v5 =	vld [tilespmem:s8+$0x80D0]  }
0x23d: {  	v3 =	vadd.f32 v6, v3  }
0x23e: {  	v6 =	vld [tilespmem:s8+$0x80E0]  }
0x23f: {  	v3 =	vadd.f32 v4, v3  }
0x240: {  	v4 =	vld [tilespmem:s8+$0x80F0]  }
0x241: {  	v3 =	vadd.f32 v5, v3  }
0x242: {  	v5 =	vld [tilespmem:s4+$0xD880]  }
0x243: {  	v3 =	vadd.f32 v6, v3  }
0x244: {  	v6 =	vld [tilespmem:s4+$0xD890]  }
0x245: {  	v3 =	vadd.f32 v4, v3  }
0x246: {  	v4 =	vld [tilespmem:s4+$0xD8A0]  }
0x247: {  	v3 =	vadd.f32 v5, v3  }
0x248: {  	v5 =	vld [tilespmem:s4+$0xD8B0]  }
0x249: {  	v3 =	vadd.f32 v6, v3  }
0x24a: {  	v6 =	vld [tilespmem:s4+$0xD8C0]  }
0x24b: {  	v3 =	vadd.f32 v4, v3  }
0x24c: {  	v4 =	vld [tilespmem:s4+$0xD8D0]  }
0x24d: {  	v3 =	vadd.f32 v5, v3  }
0x24e: {  	v5 =	vld [tilespmem:s4+$0xD8E0]  }
0x24f: {  	v3 =	vadd.f32 v6, v3  }
0x250: {  	s1 =	sor.u32 s1, s1;
	v6 =	vld [tilespmem:s4+$0xD8F0]  }
0x251: {  	s18 =	sor.u32 $0x5C00, s1;
	v3 =	vadd.f32 v4, v3  }
0x252: {  	v4 =	vld [tilespmem:s18+$0x8080]  }
0x253: {  	v3 =	vadd.f32 v5, v3  }
0x254: {  	v5 =	vld [tilespmem:s18+$0x8090]  }
0x255: {  	v3 =	vadd.f32 v6, v3  }
0x256: {  	v6 =	vld [tilespmem:s18+$0x80A0]  }
0x257: {  	v3 =	vadd.f32 v4, v3  }
0x258: {  	v4 =	vld [tilespmem:s18+$0x80B0]  }
0x259: {  	v3 =	vadd.f32 v5, v3  }
0x25a: {  	v5 =	vld [tilespmem:s18+$0x80C0]  }
0x25b: {  	v6 =	vadd.f32 v6, v3  }
0x25c: {  	v3 =	vld [tilespmem:s18+$0x80D0]  }
0x25d: {  	v6 =	vadd.f32 v4, v6  }
0x25e: {  	v4 =	vld [tilespmem:s18+$0x80E0]  }
0x25f: {  	s1 =	simm.s32 $0x400;
	s4 =	simm.s32 $0x80;
	v6 =	vadd.f32 v5, v6  }
0x260: {  	s9 =	sand.u32 $0x2000, s1;
	s8 =	simm.s32 $0x800;
	s10 =	sand.u32 $0x380, s4;
	v5 =	vld [tilespmem:s18+$0x80F0]  }
.LBB2_5:
0x261: {  	p0 =	sne.s32 s8, $0x3C00;
	s9 =	sor.u32 s10, s9;
	v3 =	vadd.f32 v3, v6  }
0x262: {  	v6 =	vld [tilespmem:s9+$0xC080]  }
0x263: {  	v3 =	vadd.f32 v4, v3  }
0x264: {  	v4 =	vld [tilespmem:s9+$0xC090]  }
0x265: {  	v3 =	vadd.f32 v5, v3  }
0x266: {  	v5 =	vld [tilespmem:s9+$0xC0A0]  }
0x267: {  	v3 =	vadd.f32 v6, v3  }
0x268: {  	v6 =	vld [tilespmem:s9+$0xC0B0]  }
0x269: {  	v3 =	vadd.f32 v4, v3  }
0x26a: {  	v4 =	vld [tilespmem:s9+$0xC0C0]  }
0x26b: {  	v3 =	vadd.f32 v5, v3  }
0x26c: {  	v5 =	vld [tilespmem:s9+$0xC0D0]  }
0x26d: {  	v3 =	vadd.f32 v6, v3  }
0x26e: {  	v6 =	vld [tilespmem:s9+$0xC0E0]  }
0x26f: {  	s10 =	sand.u32 $0xFFFFE000, s1;
	v3 =	vadd.f32 v4, v3  }
0x270: {  	s10 =	sadd.s32 s10, s4;
	v4 =	vld [tilespmem:s9+$0xC0F0]  }
0x271: {  	s17 =	sor.u32 $0x4400, s10;
	v3 =	vadd.f32 v5, v3  }
0x272: {  	v5 =	vld [tilespmem:s17+$0x8080]  }
0x273: {  	v3 =	vadd.f32 v6, v3  }
0x274: {  	v6 =	vld [tilespmem:s17+$0x8090]  }
0x275: {  	v3 =	vadd.f32 v4, v3  }
0x276: {  	v4 =	vld [tilespmem:s17+$0x80A0]  }
0x277: {  	v3 =	vadd.f32 v5, v3  }
0x278: {  	v5 =	vld [tilespmem:s17+$0x80B0]  }
0x279: {  	v3 =	vadd.f32 v6, v3  }
0x27a: {  	v6 =	vld [tilespmem:s17+$0x80C0]  }
0x27b: {  	v3 =	vadd.f32 v4, v3  }
0x27c: {  	v4 =	vld [tilespmem:s17+$0x80D0]  }
0x27d: {  	v3 =	vadd.f32 v5, v3  }
0x27e: {  	v5 =	vld [tilespmem:s17+$0x80E0]  }
0x27f: {  	v3 =	vadd.f32 v6, v3  }
0x280: {  	v6 =	vld [tilespmem:s17+$0x80F0]  }
0x281: {  	v3 =	vadd.f32 v4, v3  }
0x282: {  	v4 =	vld [tilespmem:s9+$0xC880]  }
0x283: {  	v3 =	vadd.f32 v5, v3  }
0x284: {  	v5 =	vld [tilespmem:s9+$0xC890]  }
0x285: {  	v3 =	vadd.f32 v6, v3  }
0x286: {  	v6 =	vld [tilespmem:s9+$0xC8A0]  }
0x287: {  	v3 =	vadd.f32 v4, v3  }
0x288: {  	v4 =	vld [tilespmem:s9+$0xC8B0]  }
0x289: {  	v3 =	vadd.f32 v5, v3  }
0x28a: {  	v5 =	vld [tilespmem:s9+$0xC8C0]  }
0x28b: {  	v3 =	vadd.f32 v6, v3  }
0x28c: {  	v6 =	vld [tilespmem:s9+$0xC8D0]  }
0x28d: {  	v3 =	vadd.f32 v4, v3  }
0x28e: {  	v4 =	vld [tilespmem:s9+$0xC8E0]  }
0x28f: {  	v3 =	vadd.f32 v5, v3  }
0x290: {  	v5 =	vld [tilespmem:s9+$0xC8F0]  }
0x291: {  	s17 =	sor.u32 $0x4C00, s10;
	v3 =	vadd.f32 v6, v3  }
0x292: {  	v6 =	vld [tilespmem:s17+$0x8080]  }
0x293: {  	v3 =	vadd.f32 v4, v3  }
0x294: {  	v4 =	vld [tilespmem:s17+$0x8090]  }
0x295: {  	v3 =	vadd.f32 v5, v3  }
0x296: {  	v5 =	vld [tilespmem:s17+$0x80A0]  }
0x297: {  	v3 =	vadd.f32 v6, v3  }
0x298: {  	v6 =	vld [tilespmem:s17+$0x80B0]  }
0x299: {  	v3 =	vadd.f32 v4, v3  }
0x29a: {  	v4 =	vld [tilespmem:s17+$0x80C0]  }
0x29b: {  	v3 =	vadd.f32 v5, v3  }
0x29c: {  	v5 =	vld [tilespmem:s17+$0x80D0]  }
0x29d: {  	v3 =	vadd.f32 v6, v3  }
0x29e: {  	v6 =	vld [tilespmem:s17+$0x80E0]  }
0x29f: {  	v3 =	vadd.f32 v4, v3  }
0x2a0: {  	v4 =	vld [tilespmem:s17+$0x80F0]  }
0x2a1: {  	v3 =	vadd.f32 v5, v3  }
0x2a2: {  	v5 =	vld [tilespmem:s9+$0xD080]  }
0x2a3: {  	v3 =	vadd.f32 v6, v3  }
0x2a4: {  	v6 =	vld [tilespmem:s9+$0xD090]  }
0x2a5: {  	v3 =	vadd.f32 v4, v3  }
0x2a6: {  	v4 =	vld [tilespmem:s9+$0xD0A0]  }
0x2a7: {  	v3 =	vadd.f32 v5, v3  }
0x2a8: {  	v5 =	vld [tilespmem:s9+$0xD0B0]  }
0x2a9: {  	v3 =	vadd.f32 v6, v3  }
0x2aa: {  	v6 =	vld [tilespmem:s9+$0xD0C0]  }
0x2ab: {  	v3 =	vadd.f32 v4, v3  }
0x2ac: {  	v4 =	vld [tilespmem:s9+$0xD0D0]  }
0x2ad: {  	v3 =	vadd.f32 v5, v3  }
0x2ae: {  	v5 =	vld [tilespmem:s9+$0xD0E0]  }
0x2af: {  	v3 =	vadd.f32 v6, v3  }
0x2b0: {  	v6 =	vld [tilespmem:s9+$0xD0F0]  }
0x2b1: {  	s10 =	sor.u32 $0x5400, s10;
	v3 =	vadd.f32 v4, v3  }
0x2b2: {  	v4 =	vld [tilespmem:s10+$0x8080]  }
0x2b3: {  	v3 =	vadd.f32 v5, v3  }
0x2b4: {  	v5 =	vld [tilespmem:s10+$0x8090]  }
0x2b5: {  	v3 =	vadd.f32 v6, v3  }
0x2b6: {  	v6 =	vld [tilespmem:s10+$0x80A0]  }
0x2b7: {  	v3 =	vadd.f32 v4, v3  }
0x2b8: {  	v4 =	vld [tilespmem:s10+$0x80B0]  }
0x2b9: {  	v3 =	vadd.f32 v5, v3  }
0x2ba: {  	v5 =	vld [tilespmem:s10+$0x80C0]  }
0x2bb: {  	v3 =	vadd.f32 v6, v3  }
0x2bc: {  	v6 =	vld [tilespmem:s10+$0x80D0]  }
0x2bd: {  	v3 =	vadd.f32 v4, v3  }
0x2be: {  	v4 =	vld [tilespmem:s10+$0x80E0]  }
0x2bf: {  	v3 =	vadd.f32 v5, v3  }
0x2c0: {  	v5 =	vld [tilespmem:s10+$0x80F0]  }
0x2c1: {  	v3 =	vadd.f32 v6, v3  }
0x2c2: {  	v6 =	vld [tilespmem:s9+$0xD880]  }
0x2c3: {  	v3 =	vadd.f32 v4, v3  }
0x2c4: {  	v4 =	vld [tilespmem:s9+$0xD890]  }
0x2c5: {  	v3 =	vadd.f32 v5, v3  }
0x2c6: {  	v5 =	vld [tilespmem:s9+$0xD8A0]  }
0x2c7: {  	v3 =	vadd.f32 v6, v3  }
0x2c8: {  	v6 =	vld [tilespmem:s9+$0xD8B0]  }
0x2c9: {  	v3 =	vadd.f32 v4, v3  }
0x2ca: {  	v4 =	vld [tilespmem:s9+$0xD8C0]  }
0x2cb: {  	v3 =	vadd.f32 v5, v3  }
0x2cc: {  	v5 =	vld [tilespmem:s9+$0xD8D0]  }
0x2cd: {  	v3 =	vadd.f32 v6, v3  }
0x2ce: {  	v6 =	vld [tilespmem:s9+$0xD8E0]  }
0x2cf: {  	v3 =	vadd.f32 v4, v3  }
0x2d0: {  	v4 =	vld [tilespmem:s9+$0xD8F0];
	s9 =	sor.u32 s1, s4;
	s1 =	smov.u32 s8  }
0x2d1: {  	v3 =	vadd.f32 v5, v3;
	s17 =	sor.u32 $0x5C00, s9  }
0x2d2: {  	v5 =	vld [tilespmem:s17+$0x8080]  }
0x2d3: {  	v3 =	vadd.f32 v6, v3  }
0x2d4: {  	v6 =	vld [tilespmem:s17+$0x8090]  }
0x2d5: {  	v3 =	vadd.f32 v4, v3  }
0x2d6: {  	v4 =	vld [tilespmem:s17+$0x80A0]  }
0x2d7: {  	v3 =	vadd.f32 v5, v3  }
0x2d8: {  	v5 =	vld [tilespmem:s17+$0x80B0]  }
0x2d9: {  	v3 =	vadd.f32 v6, v3  }
0x2da: {  	v6 =	vld [tilespmem:s17+$0x80C0]  }
0x2db: {  	v4 =	vadd.f32 v4, v3  }
.Ltmp1:
0x2dc: {  	v3 =	vld [tilespmem:s17+$0x80D0];
	(pc) =	sbr.rel @p0 .LBB2_5-.Ltmp1, $4  }
0x2dd: {  	v5 =	vadd.f32 v5, v4  }
0x2de: {  	v4 =	vld [tilespmem:s17+$0x80E0]  }
0x2df: {  	s4 =	sadd.s32 $0x80, s4;
	v6 =	vadd.f32 v6, v5  }
0x2e0: {  	s8 =	sadd.s32 $0x400, s8;
	s9 =	sand.u32 $0x2000, s1;
	s10 =	sand.u32 $0x380, s4;
	v5 =	vld [tilespmem:s17+$0x80F0]  }
0x2e1: {  	s8 =	sor.u32 s10, s9;
	v3 =	vadd.f32 v3, v6  }
0x2e2: {  	v6 =	vld [tilespmem:s8+$0xC080]  }
0x2e3: {  	v3 =	vadd.f32 v4, v3  }
0x2e4: {  	v4 =	vld [tilespmem:s8+$0xC090]  }
0x2e5: {  	v3 =	vadd.f32 v5, v3  }
0x2e6: {  	v5 =	vld [tilespmem:s8+$0xC0A0]  }
0x2e7: {  	v3 =	vadd.f32 v6, v3  }
0x2e8: {  	v6 =	vld [tilespmem:s8+$0xC0B0]  }
0x2e9: {  	v3 =	vadd.f32 v4, v3  }
0x2ea: {  	v4 =	vld [tilespmem:s8+$0xC0C0]  }
0x2eb: {  	v3 =	vadd.f32 v5, v3  }
0x2ec: {  	v5 =	vld [tilespmem:s8+$0xC0D0]  }
0x2ed: {  	v3 =	vadd.f32 v6, v3  }
0x2ee: {  	v6 =	vld [tilespmem:s8+$0xC0E0]  }
0x2ef: {  	s10 =	sand.u32 $0xFFFFE000, s1;
	v3 =	vadd.f32 v4, v3  }
0x2f0: {  	s9 =	sadd.s32 s10, s4;
	v4 =	vld [tilespmem:s8+$0xC0F0]  }
0x2f1: {  	s17 =	sor.u32 $0x4400, s9;
	v3 =	vadd.f32 v5, v3  }
0x2f2: {  	v5 =	vld [tilespmem:s17+$0x8080]  }
0x2f3: {  	v3 =	vadd.f32 v6, v3  }
0x2f4: {  	v6 =	vld [tilespmem:s17+$0x8090]  }
0x2f5: {  	v3 =	vadd.f32 v4, v3  }
0x2f6: {  	v4 =	vld [tilespmem:s17+$0x80A0]  }
0x2f7: {  	v3 =	vadd.f32 v5, v3  }
0x2f8: {  	v5 =	vld [tilespmem:s17+$0x80B0]  }
0x2f9: {  	v3 =	vadd.f32 v6, v3  }
0x2fa: {  	v6 =	vld [tilespmem:s17+$0x80C0]  }
0x2fb: {  	v3 =	vadd.f32 v4, v3  }
0x2fc: {  	v4 =	vld [tilespmem:s17+$0x80D0]  }
0x2fd: {  	v3 =	vadd.f32 v5, v3  }
0x2fe: {  	v5 =	vld [tilespmem:s17+$0x80E0]  }
0x2ff: {  	v3 =	vadd.f32 v6, v3  }
0x300: {  	v6 =	vld [tilespmem:s17+$0x80F0]  }
0x301: {  	v3 =	vadd.f32 v4, v3  }
0x302: {  	v4 =	vld [tilespmem:s8+$0xC880]  }
0x303: {  	v3 =	vadd.f32 v5, v3  }
0x304: {  	v5 =	vld [tilespmem:s8+$0xC890]  }
0x305: {  	v3 =	vadd.f32 v6, v3  }
0x306: {  	v6 =	vld [tilespmem:s8+$0xC8A0]  }
0x307: {  	v3 =	vadd.f32 v4, v3  }
0x308: {  	v4 =	vld [tilespmem:s8+$0xC8B0]  }
0x309: {  	v3 =	vadd.f32 v5, v3  }
0x30a: {  	v5 =	vld [tilespmem:s8+$0xC8C0]  }
0x30b: {  	v3 =	vadd.f32 v6, v3  }
0x30c: {  	v6 =	vld [tilespmem:s8+$0xC8D0]  }
0x30d: {  	v3 =	vadd.f32 v4, v3  }
0x30e: {  	v4 =	vld [tilespmem:s8+$0xC8E0]  }
0x30f: {  	v3 =	vadd.f32 v5, v3  }
0x310: {  	v5 =	vld [tilespmem:s8+$0xC8F0]  }
0x311: {  	s18 =	sor.u32 $0x4C00, s9;
	v3 =	vadd.f32 v6, v3  }
0x312: {  	v6 =	vld [tilespmem:s18+$0x8080]  }
0x313: {  	v3 =	vadd.f32 v4, v3  }
0x314: {  	v4 =	vld [tilespmem:s18+$0x8090]  }
0x315: {  	v3 =	vadd.f32 v5, v3  }
0x316: {  	v5 =	vld [tilespmem:s18+$0x80A0]  }
0x317: {  	v3 =	vadd.f32 v6, v3  }
0x318: {  	v6 =	vld [tilespmem:s18+$0x80B0]  }
0x319: {  	v3 =	vadd.f32 v4, v3  }
0x31a: {  	v4 =	vld [tilespmem:s18+$0x80C0]  }
0x31b: {  	v3 =	vadd.f32 v5, v3  }
0x31c: {  	v5 =	vld [tilespmem:s18+$0x80D0]  }
0x31d: {  	v3 =	vadd.f32 v6, v3  }
0x31e: {  	v6 =	vld [tilespmem:s18+$0x80E0]  }
0x31f: {  	v3 =	vadd.f32 v4, v3  }
0x320: {  	v4 =	vld [tilespmem:s18+$0x80F0]  }
0x321: {  	v3 =	vadd.f32 v5, v3  }
0x322: {  	v5 =	vld [tilespmem:s8+$0xD080]  }
0x323: {  	v3 =	vadd.f32 v6, v3  }
0x324: {  	v6 =	vld [tilespmem:s8+$0xD090]  }
0x325: {  	v3 =	vadd.f32 v4, v3  }
0x326: {  	v4 =	vld [tilespmem:s8+$0xD0A0]  }
0x327: {  	v3 =	vadd.f32 v5, v3  }
0x328: {  	v5 =	vld [tilespmem:s8+$0xD0B0]  }
0x329: {  	v3 =	vadd.f32 v6, v3  }
0x32a: {  	v6 =	vld [tilespmem:s8+$0xD0C0]  }
0x32b: {  	v3 =	vadd.f32 v4, v3  }
0x32c: {  	v4 =	vld [tilespmem:s8+$0xD0D0]  }
0x32d: {  	v3 =	vadd.f32 v5, v3  }
0x32e: {  	v5 =	vld [tilespmem:s8+$0xD0E0]  }
0x32f: {  	v3 =	vadd.f32 v6, v3  }
0x330: {  	v6 =	vld [tilespmem:s8+$0xD0F0]  }
0x331: {  	s9 =	sor.u32 $0x5400, s9;
	v3 =	vadd.f32 v4, v3  }
0x332: {  	v4 =	vld [tilespmem:s9+$0x8080]  }
0x333: {  	v3 =	vadd.f32 v5, v3  }
0x334: {  	v5 =	vld [tilespmem:s9+$0x8090]  }
0x335: {  	v3 =	vadd.f32 v6, v3  }
0x336: {  	v6 =	vld [tilespmem:s9+$0x80A0]  }
0x337: {  	v3 =	vadd.f32 v4, v3  }
0x338: {  	v4 =	vld [tilespmem:s9+$0x80B0]  }
0x339: {  	v3 =	vadd.f32 v5, v3  }
0x33a: {  	v5 =	vld [tilespmem:s9+$0x80C0]  }
0x33b: {  	v3 =	vadd.f32 v6, v3  }
0x33c: {  	v6 =	vld [tilespmem:s9+$0x80D0]  }
0x33d: {  	v3 =	vadd.f32 v4, v3  }
0x33e: {  	v4 =	vld [tilespmem:s9+$0x80E0]  }
0x33f: {  	v3 =	vadd.f32 v5, v3  }
0x340: {  	v5 =	vld [tilespmem:s9+$0x80F0]  }
0x341: {  	v3 =	vadd.f32 v6, v3  }
0x342: {  	v6 =	vld [tilespmem:s8+$0xD880]  }
0x343: {  	v3 =	vadd.f32 v4, v3  }
0x344: {  	v4 =	vld [tilespmem:s8+$0xD890]  }
0x345: {  	v3 =	vadd.f32 v5, v3  }
0x346: {  	v5 =	vld [tilespmem:s8+$0xD8A0]  }
0x347: {  	v3 =	vadd.f32 v6, v3  }
0x348: {  	v6 =	vld [tilespmem:s8+$0xD8B0]  }
0x349: {  	v3 =	vadd.f32 v4, v3  }
0x34a: {  	v4 =	vld [tilespmem:s8+$0xD8C0]  }
0x34b: {  	v3 =	vadd.f32 v5, v3  }
0x34c: {  	v5 =	vld [tilespmem:s8+$0xD8D0]  }
0x34d: {  	v3 =	vadd.f32 v6, v3  }
0x34e: {  	v6 =	vld [tilespmem:s8+$0xD8E0]  }
0x34f: {  	v3 =	vadd.f32 v4, v3  }
0x350: {  	s10 =	sor.u32 s1, s4;
	v4 =	vld [tilespmem:s8+$0xD8F0]  }
0x351: {  	s1 =	sor.u32 $0x5C00, s10;
	v3 =	vadd.f32 v5, v3  }
0x352: {  	v5 =	vld [tilespmem:s1+$0x8080]  }
0x353: {  	v3 =	vadd.f32 v6, v3  }
0x354: {  	v6 =	vld [tilespmem:s1+$0x8090]  }
0x355: {  	v3 =	vadd.f32 v4, v3  }
0x356: {  	v4 =	vld [tilespmem:s1+$0x80A0]  }
0x357: {  	v3 =	vadd.f32 v5, v3  }
0x358: {  	v7 =	vld [tilespmem:s1+$0x80B0]  }
0x359: {  	v8 =	vld [tilespmem:s1+$0x80D0];
	v3 =	vadd.f32 v6, v3  }
0x35a: {  	v5 =	vld [tilespmem:s1+$0x80C0]  }
0x35b: {  	v9 =	vld [tilespmem:s1+$0x80F0];
	s17 =	sadd.s32 s0, s13;
	v3 =	vadd.f32 v4, v3  }
0x35c: {  	v6 =	vld [tilespmem:s1+$0x80E0];
	_ =	swait.ge [sflag:s26], $0x4000;
	s1 =	sshll.u32 s17, $0x7  }
0x35d: {  	[sflag:s26] =	ssyncset.done $0x0;
	s18 =	sadd.s32 s2, s1;
	s1 =	simm.s32 $0x0;
	v3 =	vadd.f32 v7, v3  }
0x35e: {  	[sflag:s26] =	ssyncadd.s32 $0xFFFFC000;
	s8 =	sand.u32 $0x2000, s1;
	s9 =	sand.u32 $0x380, s1  }
0x35f: {  	[tilespmem:s24], [sflag:$0x2] =	stream.linear.gather [hbm4b:s18+s1], $0x4000, $0x38;
	v3 =	vadd.f32 v5, v3;
	[tilespmem:$0x18100] =	vst v63  }
0x360: {  	s4 =	sor.u32 s9, s8  }
0x361: {  	s4 =	sadd.s32 $0x8080, s4;
	v3 =	vadd.f32 v8, v3  }
0x362: {  	v4 =	vld [tilespmem:s4+$0x8000]  }
0x363: {  	v3 =	vadd.f32 v6, v3  }
0x364: {  	v5 =	vld [tilespmem:s4+$0x8010]  }
0x365: {  	v3 =	vadd.f32 v9, v3  }
0x366: {  	v6 =	vld [tilespmem:s4+$0x8020]  }
0x367: {  	v3 =	vadd.f32 v4, v3  }
0x368: {  	v4 =	vld [tilespmem:s4+$0x8030]  }
0x369: {  	v3 =	vadd.f32 v5, v3  }
0x36a: {  	v5 =	vld [tilespmem:s4+$0x8040]  }
0x36b: {  	v3 =	vadd.f32 v6, v3  }
0x36c: {  	v6 =	vld [tilespmem:s4+$0x8050]  }
0x36d: {  	v3 =	vadd.f32 v4, v3  }
0x36e: {  	v4 =	vld [tilespmem:s4+$0x8060]  }
0x36f: {  	s10 =	sand.u32 $0xFFFFE000, s1;
	v3 =	vadd.f32 v5, v3  }
0x370: {  	s8 =	sadd.s32 $0x0, s10;
	v5 =	vld [tilespmem:s4+$0x8070]  }
0x371: {  	s17 =	sor.u32 $0x8400, s8;
	v3 =	vadd.f32 v6, v3  }
0x372: {  	v6 =	vld [tilespmem:s17+$0x8080]  }
0x373: {  	v3 =	vadd.f32 v4, v3  }
0x374: {  	v4 =	vld [tilespmem:s17+$0x8090]  }
0x375: {  	v3 =	vadd.f32 v5, v3  }
0x376: {  	v5 =	vld [tilespmem:s17+$0x80A0]  }
0x377: {  	v3 =	vadd.f32 v6, v3  }
0x378: {  	v6 =	vld [tilespmem:s17+$0x80B0]  }
0x379: {  	v3 =	vadd.f32 v4, v3  }
0x37a: {  	v4 =	vld [tilespmem:s17+$0x80C0]  }
0x37b: {  	v3 =	vadd.f32 v5, v3  }
0x37c: {  	v5 =	vld [tilespmem:s17+$0x80D0]  }
0x37d: {  	v3 =	vadd.f32 v6, v3  }
0x37e: {  	v6 =	vld [tilespmem:s17+$0x80E0]  }
0x37f: {  	v3 =	vadd.f32 v4, v3  }
0x380: {  	v4 =	vld [tilespmem:s17+$0x80F0]  }
0x381: {  	v3 =	vadd.f32 v5, v3  }
0x382: {  	v5 =	vld [tilespmem:s4+$0x8800]  }
0x383: {  	v3 =	vadd.f32 v6, v3  }
0x384: {  	v6 =	vld [tilespmem:s4+$0x8810]  }
0x385: {  	v3 =	vadd.f32 v4, v3  }
0x386: {  	v4 =	vld [tilespmem:s4+$0x8820]  }
0x387: {  	v3 =	vadd.f32 v5, v3  }
0x388: {  	v5 =	vld [tilespmem:s4+$0x8830]  }
0x389: {  	v3 =	vadd.f32 v6, v3  }
0x38a: {  	v6 =	vld [tilespmem:s4+$0x8840]  }
0x38b: {  	v3 =	vadd.f32 v4, v3  }
0x38c: {  	v4 =	vld [tilespmem:s4+$0x8850]  }
0x38d: {  	v3 =	vadd.f32 v5, v3  }
0x38e: {  	v5 =	vld [tilespmem:s4+$0x8860]  }
0x38f: {  	v3 =	vadd.f32 v6, v3  }
0x390: {  	v6 =	vld [tilespmem:s4+$0x8870]  }
0x391: {  	s18 =	sor.u32 $0x8C00, s8;
	v3 =	vadd.f32 v4, v3  }
0x392: {  	v4 =	vld [tilespmem:s18+$0x8080]  }
0x393: {  	v3 =	vadd.f32 v5, v3  }
0x394: {  	v5 =	vld [tilespmem:s18+$0x8090]  }
0x395: {  	v3 =	vadd.f32 v6, v3  }
0x396: {  	v6 =	vld [tilespmem:s18+$0x80A0]  }
0x397: {  	v3 =	vadd.f32 v4, v3  }
0x398: {  	v4 =	vld [tilespmem:s18+$0x80B0]  }
0x399: {  	v3 =	vadd.f32 v5, v3  }
0x39a: {  	v5 =	vld [tilespmem:s18+$0x80C0]  }
0x39b: {  	v3 =	vadd.f32 v6, v3  }
0x39c: {  	v6 =	vld [tilespmem:s18+$0x80D0]  }
0x39d: {  	v3 =	vadd.f32 v4, v3  }
0x39e: {  	v4 =	vld [tilespmem:s18+$0x80E0]  }
0x39f: {  	v3 =	vadd.f32 v5, v3  }
0x3a0: {  	v5 =	vld [tilespmem:s18+$0x80F0]  }
0x3a1: {  	v3 =	vadd.f32 v6, v3  }
0x3a2: {  	v6 =	vld [tilespmem:s4+$0x9000]  }
0x3a3: {  	v3 =	vadd.f32 v4, v3  }
0x3a4: {  	v4 =	vld [tilespmem:s4+$0x9010]  }
0x3a5: {  	v3 =	vadd.f32 v5, v3  }
0x3a6: {  	v5 =	vld [tilespmem:s4+$0x9020]  }
0x3a7: {  	v3 =	vadd.f32 v6, v3  }
0x3a8: {  	v6 =	vld [tilespmem:s4+$0x9030]  }
0x3a9: {  	v3 =	vadd.f32 v4, v3  }
0x3aa: {  	v4 =	vld [tilespmem:s4+$0x9040]  }
0x3ab: {  	v3 =	vadd.f32 v5, v3  }
0x3ac: {  	v5 =	vld [tilespmem:s4+$0x9050]  }
0x3ad: {  	v3 =	vadd.f32 v6, v3  }
0x3ae: {  	v6 =	vld [tilespmem:s4+$0x9060]  }
0x3af: {  	v3 =	vadd.f32 v4, v3  }
0x3b0: {  	v4 =	vld [tilespmem:s4+$0x9070]  }
0x3b1: {  	s8 =	sor.u32 $0x9400, s8;
	v3 =	vadd.f32 v5, v3  }
0x3b2: {  	v5 =	vld [tilespmem:s8+$0x8080]  }
0x3b3: {  	v3 =	vadd.f32 v6, v3  }
0x3b4: {  	v6 =	vld [tilespmem:s8+$0x8090]  }
0x3b5: {  	v3 =	vadd.f32 v4, v3  }
0x3b6: {  	v4 =	vld [tilespmem:s8+$0x80A0]  }
0x3b7: {  	v3 =	vadd.f32 v5, v3  }
0x3b8: {  	v5 =	vld [tilespmem:s8+$0x80B0]  }
0x3b9: {  	v3 =	vadd.f32 v6, v3  }
0x3ba: {  	v6 =	vld [tilespmem:s8+$0x80C0]  }
0x3bb: {  	v3 =	vadd.f32 v4, v3  }
0x3bc: {  	v4 =	vld [tilespmem:s8+$0x80D0]  }
0x3bd: {  	v3 =	vadd.f32 v5, v3  }
0x3be: {  	v5 =	vld [tilespmem:s8+$0x80E0]  }
0x3bf: {  	v3 =	vadd.f32 v6, v3  }
0x3c0: {  	v6 =	vld [tilespmem:s8+$0x80F0]  }
0x3c1: {  	v3 =	vadd.f32 v4, v3  }
0x3c2: {  	v4 =	vld [tilespmem:s4+$0x9800]  }
0x3c3: {  	v3 =	vadd.f32 v5, v3  }
0x3c4: {  	v5 =	vld [tilespmem:s4+$0x9810]  }
0x3c5: {  	v3 =	vadd.f32 v6, v3  }
0x3c6: {  	v6 =	vld [tilespmem:s4+$0x9820]  }
0x3c7: {  	v3 =	vadd.f32 v4, v3  }
0x3c8: {  	v4 =	vld [tilespmem:s4+$0x9830]  }
0x3c9: {  	v3 =	vadd.f32 v5, v3  }
0x3ca: {  	v5 =	vld [tilespmem:s4+$0x9840]  }
0x3cb: {  	v3 =	vadd.f32 v6, v3  }
0x3cc: {  	v6 =	vld [tilespmem:s4+$0x9850]  }
0x3cd: {  	v3 =	vadd.f32 v4, v3  }
0x3ce: {  	v4 =	vld [tilespmem:s4+$0x9860]  }
0x3cf: {  	v3 =	vadd.f32 v5, v3  }
0x3d0: {  	s1 =	sor.u32 s1, s1;
	v5 =	vld [tilespmem:s4+$0x9870]  }
0x3d1: {  	s9 =	sor.u32 $0x9C00, s1;
	v3 =	vadd.f32 v6, v3  }
0x3d2: {  	v6 =	vld [tilespmem:s9+$0x8080]  }
0x3d3: {  	v3 =	vadd.f32 v4, v3  }
0x3d4: {  	v4 =	vld [tilespmem:s9+$0x8090]  }
0x3d5: {  	v3 =	vadd.f32 v5, v3  }
0x3d6: {  	v5 =	vld [tilespmem:s9+$0x80A0]  }
0x3d7: {  	v3 =	vadd.f32 v6, v3  }
0x3d8: {  	v6 =	vld [tilespmem:s9+$0x80B0]  }
0x3d9: {  	v3 =	vadd.f32 v4, v3;
	_ =	sdelay $0x1  }
0x3da: {  	v7 =	vld [tilespmem:s9+$0x80C0];
	v3 =	vadd.f32 v5, v3;
	_ =	sdelay $0x1  }
0x3db: {  	v5 =	vadd.f32 v6, v3;
	v3 =	vld [tilespmem:s9+$0x80D0];
	_ =	sdelay $0x1  }
0x3dc: {  	s1 =	simm.s32 $0x400;
	s4 =	simm.s32 $0x80;
	v4 =	vld [tilespmem:s9+$0x80E0]  }
0x3dd: {  	s10 =	sand.u32 $0x2000, s1;
	s8 =	simm.s32 $0x800;
	s17 =	sand.u32 $0x380, s4;
	v5 =	vadd.f32 v7, v5  }
.LBB2_7:
0x3de: {  	p0 =	sne.s32 s8, $0x3C00;
	s10 =	sor.u32 s17, s10;
	v6 =	vld [tilespmem:s9+$0x80F0]  }
0x3df: {  	s9 =	sadd.s32 $0x8080, s10;
	v3 =	vadd.f32 v3, v5  }
0x3e0: {  	v5 =	vld [tilespmem:s9+$0x8000]  }
0x3e1: {  	v3 =	vadd.f32 v4, v3  }
0x3e2: {  	v4 =	vld [tilespmem:s9+$0x8010]  }
0x3e3: {  	v3 =	vadd.f32 v6, v3  }
0x3e4: {  	v6 =	vld [tilespmem:s9+$0x8020]  }
0x3e5: {  	v3 =	vadd.f32 v5, v3  }
0x3e6: {  	v5 =	vld [tilespmem:s9+$0x8030]  }
0x3e7: {  	v3 =	vadd.f32 v4, v3  }
0x3e8: {  	v4 =	vld [tilespmem:s9+$0x8040]  }
0x3e9: {  	v3 =	vadd.f32 v6, v3  }
0x3ea: {  	v6 =	vld [tilespmem:s9+$0x8050]  }
0x3eb: {  	v3 =	vadd.f32 v5, v3  }
0x3ec: {  	v5 =	vld [tilespmem:s9+$0x8060]  }
0x3ed: {  	s10 =	sand.u32 $0xFFFFE000, s1;
	v3 =	vadd.f32 v4, v3  }
0x3ee: {  	s10 =	sadd.s32 s10, s4;
	v4 =	vld [tilespmem:s9+$0x8070]  }
0x3ef: {  	s17 =	sor.u32 $0x8400, s10;
	v3 =	vadd.f32 v6, v3  }
0x3f0: {  	v6 =	vld [tilespmem:s17+$0x8080]  }
0x3f1: {  	v3 =	vadd.f32 v5, v3  }
0x3f2: {  	v5 =	vld [tilespmem:s17+$0x8090]  }
0x3f3: {  	v3 =	vadd.f32 v4, v3  }
0x3f4: {  	v4 =	vld [tilespmem:s17+$0x80A0]  }
0x3f5: {  	v3 =	vadd.f32 v6, v3  }
0x3f6: {  	v6 =	vld [tilespmem:s17+$0x80B0]  }
0x3f7: {  	v3 =	vadd.f32 v5, v3  }
0x3f8: {  	v5 =	vld [tilespmem:s17+$0x80C0]  }
0x3f9: {  	v3 =	vadd.f32 v4, v3  }
0x3fa: {  	v4 =	vld [tilespmem:s17+$0x80D0]  }
0x3fb: {  	v3 =	vadd.f32 v6, v3  }
0x3fc: {  	v6 =	vld [tilespmem:s17+$0x80E0]  }
0x3fd: {  	v3 =	vadd.f32 v5, v3  }
0x3fe: {  	v5 =	vld [tilespmem:s17+$0x80F0]  }
0x3ff: {  	v3 =	vadd.f32 v4, v3  }
0x400: {  	v4 =	vld [tilespmem:s9+$0x8800]  }
0x401: {  	v3 =	vadd.f32 v6, v3  }
0x402: {  	v6 =	vld [tilespmem:s9+$0x8810]  }
0x403: {  	v3 =	vadd.f32 v5, v3  }
0x404: {  	v5 =	vld [tilespmem:s9+$0x8820]  }
0x405: {  	v3 =	vadd.f32 v4, v3  }
0x406: {  	v4 =	vld [tilespmem:s9+$0x8830]  }
0x407: {  	v3 =	vadd.f32 v6, v3  }
0x408: {  	v6 =	vld [tilespmem:s9+$0x8840]  }
0x409: {  	v3 =	vadd.f32 v5, v3  }
0x40a: {  	v5 =	vld [tilespmem:s9+$0x8850]  }
0x40b: {  	v3 =	vadd.f32 v4, v3  }
0x40c: {  	v4 =	vld [tilespmem:s9+$0x8860]  }
0x40d: {  	v3 =	vadd.f32 v6, v3  }
0x40e: {  	v6 =	vld [tilespmem:s9+$0x8870]  }
0x40f: {  	s17 =	sor.u32 $0x8C00, s10;
	v3 =	vadd.f32 v5, v3  }
0x410: {  	v5 =	vld [tilespmem:s17+$0x8080]  }
0x411: {  	v3 =	vadd.f32 v4, v3  }
0x412: {  	v4 =	vld [tilespmem:s17+$0x8090]  }
0x413: {  	v3 =	vadd.f32 v6, v3  }
0x414: {  	v6 =	vld [tilespmem:s17+$0x80A0]  }
0x415: {  	v3 =	vadd.f32 v5, v3  }
0x416: {  	v5 =	vld [tilespmem:s17+$0x80B0]  }
0x417: {  	v3 =	vadd.f32 v4, v3  }
0x418: {  	v4 =	vld [tilespmem:s17+$0x80C0]  }
0x419: {  	v3 =	vadd.f32 v6, v3  }
0x41a: {  	v6 =	vld [tilespmem:s17+$0x80D0]  }
0x41b: {  	v3 =	vadd.f32 v5, v3  }
0x41c: {  	v5 =	vld [tilespmem:s17+$0x80E0]  }
0x41d: {  	v3 =	vadd.f32 v4, v3  }
0x41e: {  	v4 =	vld [tilespmem:s17+$0x80F0]  }
0x41f: {  	v3 =	vadd.f32 v6, v3  }
0x420: {  	v6 =	vld [tilespmem:s9+$0x9000]  }
0x421: {  	v3 =	vadd.f32 v5, v3  }
0x422: {  	v5 =	vld [tilespmem:s9+$0x9010]  }
0x423: {  	v3 =	vadd.f32 v4, v3  }
0x424: {  	v4 =	vld [tilespmem:s9+$0x9020]  }
0x425: {  	v3 =	vadd.f32 v6, v3  }
0x426: {  	v6 =	vld [tilespmem:s9+$0x9030]  }
0x427: {  	v3 =	vadd.f32 v5, v3  }
0x428: {  	v5 =	vld [tilespmem:s9+$0x9040]  }
0x429: {  	v3 =	vadd.f32 v4, v3  }
0x42a: {  	v4 =	vld [tilespmem:s9+$0x9050]  }
0x42b: {  	v3 =	vadd.f32 v6, v3  }
0x42c: {  	v6 =	vld [tilespmem:s9+$0x9060]  }
0x42d: {  	v3 =	vadd.f32 v5, v3  }
0x42e: {  	v5 =	vld [tilespmem:s9+$0x9070]  }
0x42f: {  	s10 =	sor.u32 $0x9400, s10;
	v3 =	vadd.f32 v4, v3  }
0x430: {  	v4 =	vld [tilespmem:s10+$0x8080]  }
0x431: {  	v3 =	vadd.f32 v6, v3  }
0x432: {  	v6 =	vld [tilespmem:s10+$0x8090]  }
0x433: {  	v3 =	vadd.f32 v5, v3  }
0x434: {  	v5 =	vld [tilespmem:s10+$0x80A0]  }
0x435: {  	v3 =	vadd.f32 v4, v3  }
0x436: {  	v4 =	vld [tilespmem:s10+$0x80B0]  }
0x437: {  	v3 =	vadd.f32 v6, v3  }
0x438: {  	v6 =	vld [tilespmem:s10+$0x80C0]  }
0x439: {  	v3 =	vadd.f32 v5, v3  }
0x43a: {  	v5 =	vld [tilespmem:s10+$0x80D0]  }
0x43b: {  	v3 =	vadd.f32 v4, v3  }
0x43c: {  	v4 =	vld [tilespmem:s10+$0x80E0]  }
0x43d: {  	v3 =	vadd.f32 v6, v3  }
0x43e: {  	v6 =	vld [tilespmem:s10+$0x80F0]  }
0x43f: {  	v3 =	vadd.f32 v5, v3  }
0x440: {  	v5 =	vld [tilespmem:s9+$0x9800]  }
0x441: {  	v3 =	vadd.f32 v4, v3  }
0x442: {  	v4 =	vld [tilespmem:s9+$0x9810]  }
0x443: {  	v3 =	vadd.f32 v6, v3  }
0x444: {  	v6 =	vld [tilespmem:s9+$0x9820]  }
0x445: {  	v3 =	vadd.f32 v5, v3  }
0x446: {  	v5 =	vld [tilespmem:s9+$0x9830]  }
0x447: {  	v3 =	vadd.f32 v4, v3  }
0x448: {  	v4 =	vld [tilespmem:s9+$0x9840]  }
0x449: {  	v3 =	vadd.f32 v6, v3  }
0x44a: {  	v6 =	vld [tilespmem:s9+$0x9850]  }
0x44b: {  	v3 =	vadd.f32 v5, v3  }
0x44c: {  	v5 =	vld [tilespmem:s9+$0x9860]  }
0x44d: {  	v3 =	vadd.f32 v4, v3  }
0x44e: {  	v4 =	vld [tilespmem:s9+$0x9870];
	s9 =	sor.u32 s1, s4;
	s1 =	smov.u32 s8  }
0x44f: {  	v3 =	vadd.f32 v6, v3;
	s9 =	sor.u32 $0x9C00, s9  }
0x450: {  	v6 =	vld [tilespmem:s9+$0x8080]  }
0x451: {  	v3 =	vadd.f32 v5, v3  }
0x452: {  	v5 =	vld [tilespmem:s9+$0x8090]  }
0x453: {  	v3 =	vadd.f32 v4, v3  }
0x454: {  	v4 =	vld [tilespmem:s9+$0x80A0]  }
0x455: {  	v3 =	vadd.f32 v6, v3  }
0x456: {  	v6 =	vld [tilespmem:s9+$0x80B0]  }
0x457: {  	v3 =	vadd.f32 v5, v3  }
0x458: {  	v5 =	vld [tilespmem:s9+$0x80C0]  }
.Ltmp2:
0x459: {  	v4 =	vadd.f32 v4, v3;
	(pc) =	sbr.rel @p0 .LBB2_7-.Ltmp2, $4  }
0x45a: {  	v3 =	vld [tilespmem:s9+$0x80D0]  }
0x45b: {  	v6 =	vadd.f32 v6, v4  }
0x45c: {  	s4 =	sadd.s32 $0x80, s4;
	v4 =	vld [tilespmem:s9+$0x80E0]  }
0x45d: {  	s8 =	sadd.s32 $0x400, s8;
	s10 =	sand.u32 $0x2000, s1;
	s17 =	sand.u32 $0x380, s4;
	v5 =	vadd.f32 v5, v6  }
0x45e: {  	s8 =	sor.u32 s17, s10;
	v6 =	vld [tilespmem:s9+$0x80F0]  }
0x45f: {  	s8 =	sadd.s32 $0x8080, s8;
	v3 =	vadd.f32 v3, v5  }
0x460: {  	v5 =	vld [tilespmem:s8+$0x8000]  }
0x461: {  	v3 =	vadd.f32 v4, v3  }
0x462: {  	v4 =	vld [tilespmem:s8+$0x8010]  }
0x463: {  	v3 =	vadd.f32 v6, v3  }
0x464: {  	v6 =	vld [tilespmem:s8+$0x8020]  }
0x465: {  	v3 =	vadd.f32 v5, v3  }
0x466: {  	v5 =	vld [tilespmem:s8+$0x8030]  }
0x467: {  	v3 =	vadd.f32 v4, v3  }
0x468: {  	v4 =	vld [tilespmem:s8+$0x8040]  }
0x469: {  	v3 =	vadd.f32 v6, v3  }
0x46a: {  	v6 =	vld [tilespmem:s8+$0x8050]  }
0x46b: {  	v3 =	vadd.f32 v5, v3  }
0x46c: {  	v5 =	vld [tilespmem:s8+$0x8060]  }
0x46d: {  	s17 =	sand.u32 $0xFFFFE000, s1;
	v3 =	vadd.f32 v4, v3  }
0x46e: {  	s9 =	sadd.s32 s17, s4;
	v4 =	vld [tilespmem:s8+$0x8070]  }
0x46f: {  	s18 =	sor.u32 $0x8400, s9;
	v3 =	vadd.f32 v6, v3  }
0x470: {  	v6 =	vld [tilespmem:s18+$0x8080]  }
0x471: {  	v3 =	vadd.f32 v5, v3  }
0x472: {  	v5 =	vld [tilespmem:s18+$0x8090]  }
0x473: {  	v3 =	vadd.f32 v4, v3  }
0x474: {  	v4 =	vld [tilespmem:s18+$0x80A0]  }
0x475: {  	v3 =	vadd.f32 v6, v3  }
0x476: {  	v6 =	vld [tilespmem:s18+$0x80B0]  }
0x477: {  	v3 =	vadd.f32 v5, v3  }
0x478: {  	v5 =	vld [tilespmem:s18+$0x80C0]  }
0x479: {  	v3 =	vadd.f32 v4, v3  }
0x47a: {  	v4 =	vld [tilespmem:s18+$0x80D0]  }
0x47b: {  	v3 =	vadd.f32 v6, v3  }
0x47c: {  	v6 =	vld [tilespmem:s18+$0x80E0]  }
0x47d: {  	v3 =	vadd.f32 v5, v3  }
0x47e: {  	v5 =	vld [tilespmem:s18+$0x80F0]  }
0x47f: {  	v3 =	vadd.f32 v4, v3  }
0x480: {  	v4 =	vld [tilespmem:s8+$0x8800]  }
0x481: {  	v3 =	vadd.f32 v6, v3  }
0x482: {  	v6 =	vld [tilespmem:s8+$0x8810]  }
0x483: {  	v3 =	vadd.f32 v5, v3  }
0x484: {  	v5 =	vld [tilespmem:s8+$0x8820]  }
0x485: {  	v3 =	vadd.f32 v4, v3  }
0x486: {  	v4 =	vld [tilespmem:s8+$0x8830]  }
0x487: {  	v3 =	vadd.f32 v6, v3  }
0x488: {  	v6 =	vld [tilespmem:s8+$0x8840]  }
0x489: {  	v3 =	vadd.f32 v5, v3  }
0x48a: {  	v5 =	vld [tilespmem:s8+$0x8850]  }
0x48b: {  	v3 =	vadd.f32 v4, v3  }
0x48c: {  	v4 =	vld [tilespmem:s8+$0x8860]  }
0x48d: {  	v3 =	vadd.f32 v6, v3  }
0x48e: {  	v6 =	vld [tilespmem:s8+$0x8870]  }
0x48f: {  	s17 =	sor.u32 $0x8C00, s9;
	v3 =	vadd.f32 v5, v3  }
0x490: {  	v5 =	vld [tilespmem:s17+$0x8080]  }
0x491: {  	v3 =	vadd.f32 v4, v3  }
0x492: {  	v4 =	vld [tilespmem:s17+$0x8090]  }
0x493: {  	v3 =	vadd.f32 v6, v3  }
0x494: {  	v6 =	vld [tilespmem:s17+$0x80A0]  }
0x495: {  	v3 =	vadd.f32 v5, v3  }
0x496: {  	v5 =	vld [tilespmem:s17+$0x80B0]  }
0x497: {  	v3 =	vadd.f32 v4, v3  }
0x498: {  	v4 =	vld [tilespmem:s17+$0x80C0]  }
0x499: {  	v3 =	vadd.f32 v6, v3  }
0x49a: {  	v6 =	vld [tilespmem:s17+$0x80D0]  }
0x49b: {  	v3 =	vadd.f32 v5, v3  }
0x49c: {  	v5 =	vld [tilespmem:s17+$0x80E0]  }
0x49d: {  	v3 =	vadd.f32 v4, v3  }
0x49e: {  	v4 =	vld [tilespmem:s17+$0x80F0]  }
0x49f: {  	v3 =	vadd.f32 v6, v3  }
0x4a0: {  	v6 =	vld [tilespmem:s8+$0x9000]  }
0x4a1: {  	v3 =	vadd.f32 v5, v3  }
0x4a2: {  	v5 =	vld [tilespmem:s8+$0x9010]  }
0x4a3: {  	v3 =	vadd.f32 v4, v3  }
0x4a4: {  	v4 =	vld [tilespmem:s8+$0x9020]  }
0x4a5: {  	v3 =	vadd.f32 v6, v3  }
0x4a6: {  	v6 =	vld [tilespmem:s8+$0x9030]  }
0x4a7: {  	v3 =	vadd.f32 v5, v3  }
0x4a8: {  	v5 =	vld [tilespmem:s8+$0x9040]  }
0x4a9: {  	v3 =	vadd.f32 v4, v3  }
0x4aa: {  	v4 =	vld [tilespmem:s8+$0x9050]  }
0x4ab: {  	v3 =	vadd.f32 v6, v3  }
0x4ac: {  	v6 =	vld [tilespmem:s8+$0x9060]  }
0x4ad: {  	v3 =	vadd.f32 v5, v3  }
0x4ae: {  	v5 =	vld [tilespmem:s8+$0x9070]  }
0x4af: {  	s9 =	sor.u32 $0x9400, s9;
	v3 =	vadd.f32 v4, v3  }
0x4b0: {  	v4 =	vld [tilespmem:s9+$0x8080]  }
0x4b1: {  	v3 =	vadd.f32 v6, v3  }
0x4b2: {  	v6 =	vld [tilespmem:s9+$0x8090]  }
0x4b3: {  	v3 =	vadd.f32 v5, v3  }
0x4b4: {  	v5 =	vld [tilespmem:s9+$0x80A0]  }
0x4b5: {  	v3 =	vadd.f32 v4, v3  }
0x4b6: {  	v4 =	vld [tilespmem:s9+$0x80B0]  }
0x4b7: {  	v3 =	vadd.f32 v6, v3  }
0x4b8: {  	v6 =	vld [tilespmem:s9+$0x80C0]  }
0x4b9: {  	v3 =	vadd.f32 v5, v3  }
0x4ba: {  	v5 =	vld [tilespmem:s9+$0x80D0]  }
0x4bb: {  	v3 =	vadd.f32 v4, v3  }
0x4bc: {  	v4 =	vld [tilespmem:s9+$0x80E0]  }
0x4bd: {  	v3 =	vadd.f32 v6, v3  }
0x4be: {  	v6 =	vld [tilespmem:s9+$0x80F0]  }
0x4bf: {  	v3 =	vadd.f32 v5, v3  }
0x4c0: {  	v5 =	vld [tilespmem:s8+$0x9800]  }
0x4c1: {  	v3 =	vadd.f32 v4, v3  }
0x4c2: {  	v4 =	vld [tilespmem:s8+$0x9810]  }
0x4c3: {  	v3 =	vadd.f32 v6, v3  }
0x4c4: {  	v6 =	vld [tilespmem:s8+$0x9820]  }
0x4c5: {  	v3 =	vadd.f32 v5, v3  }
0x4c6: {  	v5 =	vld [tilespmem:s8+$0x9830]  }
0x4c7: {  	v3 =	vadd.f32 v4, v3  }
0x4c8: {  	v4 =	vld [tilespmem:s8+$0x9840]  }
0x4c9: {  	v3 =	vadd.f32 v6, v3  }
0x4ca: {  	v6 =	vld [tilespmem:s8+$0x9850]  }
0x4cb: {  	v3 =	vadd.f32 v5, v3  }
0x4cc: {  	v5 =	vld [tilespmem:s8+$0x9860]  }
0x4cd: {  	v3 =	vadd.f32 v4, v3  }
0x4ce: {  	s18 =	sor.u32 s1, s4;
	v4 =	vld [tilespmem:s8+$0x9870]  }
0x4cf: {  	s1 =	sor.u32 $0x9C00, s18;
	v3 =	vadd.f32 v6, v3  }
0x4d0: {  	v6 =	vld [tilespmem:s1+$0x8080]  }
0x4d1: {  	v3 =	vadd.f32 v5, v3  }
0x4d2: {  	v5 =	vld [tilespmem:s1+$0x8090]  }
0x4d3: {  	v3 =	vadd.f32 v4, v3  }
0x4d4: {  	v4 =	vld [tilespmem:s1+$0x80A0]  }
0x4d5: {  	v3 =	vadd.f32 v6, v3  }
0x4d6: {  	v7 =	vld [tilespmem:s1+$0x80B0]  }
0x4d7: {  	v3 =	vadd.f32 v5, v3  }
0x4d8: {  	v6 =	vld [tilespmem:s1+$0x80C0]  }
0x4d9: {  	s0 =	sadd.s32 s0, s14;
	v3 =	vadd.f32 v4, v3  }
0x4da: {  	s0 =	sshll.u32 s0, $0x7;
	v8 =	vld [tilespmem:s1+$0x80D0]  }
0x4db: {  	s4 =	sadd.s32 s2, s0;
	s0 =	simm.s32 $0x0;
	v9 =	vld [tilespmem:s1+$0x80F0];
	v3 =	vadd.f32 v7, v3  }
0x4dc: {  	s9 =	sand.u32 $0x380, s0;
	s8 =	sand.u32 $0x2000, s0;
	v5 =	vld [tilespmem:s1+$0x80E0];
	_ =	swait.ge [sflag:s26], $0x4000  }
0x4dd: {  	s1 =	sor.u32 s9, s8;
	[sflag:s26] =	ssyncset.done $0x0;
	v3 =	vadd.f32 v6, v3  }
0x4de: {  	s1 =	sadd.s32 $0x8080, s1;
	[sflag:s26] =	ssyncadd.s32 $0xFFFFC000  }
0x4df: {  	[tilespmem:s25], [sflag:$0x2] =	stream.linear.gather [hbm4b:s4+s0], $0x4000, $0x38;
	v3 =	vadd.f32 v8, v3;
	[tilespmem:$0x18100] =	vst v63  }
0x4e0: {  	v4 =	vld [tilespmem:s1+$0xC000]  }
0x4e1: {  	v3 =	vadd.f32 v5, v3  }
0x4e2: {  	v5 =	vld [tilespmem:s1+$0xC010]  }
0x4e3: {  	v3 =	vadd.f32 v9, v3  }
0x4e4: {  	v6 =	vld [tilespmem:s1+$0xC020]  }
0x4e5: {  	v3 =	vadd.f32 v4, v3  }
0x4e6: {  	v4 =	vld [tilespmem:s1+$0xC030]  }
0x4e7: {  	v3 =	vadd.f32 v5, v3  }
0x4e8: {  	v5 =	vld [tilespmem:s1+$0xC040]  }
0x4e9: {  	v3 =	vadd.f32 v6, v3  }
0x4ea: {  	v6 =	vld [tilespmem:s1+$0xC050]  }
0x4eb: {  	v3 =	vadd.f32 v4, v3  }
0x4ec: {  	v4 =	vld [tilespmem:s1+$0xC060]  }
0x4ed: {  	s10 =	sand.u32 $0xFFFFE000, s0;
	v3 =	vadd.f32 v5, v3  }
0x4ee: {  	s4 =	sadd.s32 $0x0, s10;
	v5 =	vld [tilespmem:s1+$0xC070]  }
0x4ef: {  	s17 =	sor.u32 $0xC400, s4;
	v3 =	vadd.f32 v6, v3  }
0x4f0: {  	v6 =	vld [tilespmem:s17+$0x8080]  }
0x4f1: {  	v3 =	vadd.f32 v4, v3  }
0x4f2: {  	v4 =	vld [tilespmem:s17+$0x8090]  }
0x4f3: {  	v3 =	vadd.f32 v5, v3  }
0x4f4: {  	v5 =	vld [tilespmem:s17+$0x80A0]  }
0x4f5: {  	v3 =	vadd.f32 v6, v3  }
0x4f6: {  	v6 =	vld [tilespmem:s17+$0x80B0]  }
0x4f7: {  	v3 =	vadd.f32 v4, v3  }
0x4f8: {  	v4 =	vld [tilespmem:s17+$0x80C0]  }
0x4f9: {  	v3 =	vadd.f32 v5, v3  }
0x4fa: {  	v5 =	vld [tilespmem:s17+$0x80D0]  }
0x4fb: {  	v3 =	vadd.f32 v6, v3  }
0x4fc: {  	v6 =	vld [tilespmem:s17+$0x80E0]  }
0x4fd: {  	v3 =	vadd.f32 v4, v3  }
0x4fe: {  	v4 =	vld [tilespmem:s17+$0x80F0]  }
0x4ff: {  	v3 =	vadd.f32 v5, v3  }
0x500: {  	v5 =	vld [tilespmem:s1+$0xC800]  }
0x501: {  	v3 =	vadd.f32 v6, v3  }
0x502: {  	v6 =	vld [tilespmem:s1+$0xC810]  }
0x503: {  	v3 =	vadd.f32 v4, v3  }
0x504: {  	v4 =	vld [tilespmem:s1+$0xC820]  }
0x505: {  	v3 =	vadd.f32 v5, v3  }
0x506: {  	v5 =	vld [tilespmem:s1+$0xC830]  }
0x507: {  	v3 =	vadd.f32 v6, v3  }
0x508: {  	v6 =	vld [tilespmem:s1+$0xC840]  }
0x509: {  	v3 =	vadd.f32 v4, v3  }
0x50a: {  	v4 =	vld [tilespmem:s1+$0xC850]  }
0x50b: {  	v3 =	vadd.f32 v5, v3  }
0x50c: {  	v5 =	vld [tilespmem:s1+$0xC860]  }
0x50d: {  	v3 =	vadd.f32 v6, v3  }
0x50e: {  	v6 =	vld [tilespmem:s1+$0xC870]  }
0x50f: {  	s18 =	sor.u32 $0xCC00, s4;
	v3 =	vadd.f32 v4, v3  }
0x510: {  	v4 =	vld [tilespmem:s18+$0x8080]  }
0x511: {  	v3 =	vadd.f32 v5, v3  }
0x512: {  	v5 =	vld [tilespmem:s18+$0x8090]  }
0x513: {  	v3 =	vadd.f32 v6, v3  }
0x514: {  	v6 =	vld [tilespmem:s18+$0x80A0]  }
0x515: {  	v3 =	vadd.f32 v4, v3  }
0x516: {  	v4 =	vld [tilespmem:s18+$0x80B0]  }
0x517: {  	v3 =	vadd.f32 v5, v3  }
0x518: {  	v5 =	vld [tilespmem:s18+$0x80C0]  }
0x519: {  	v3 =	vadd.f32 v6, v3  }
0x51a: {  	v6 =	vld [tilespmem:s18+$0x80D0]  }
0x51b: {  	v3 =	vadd.f32 v4, v3  }
0x51c: {  	v4 =	vld [tilespmem:s18+$0x80E0]  }
0x51d: {  	v3 =	vadd.f32 v5, v3  }
0x51e: {  	v5 =	vld [tilespmem:s18+$0x80F0]  }
0x51f: {  	v3 =	vadd.f32 v6, v3  }
0x520: {  	v6 =	vld [tilespmem:s1+$0xD000]  }
0x521: {  	v3 =	vadd.f32 v4, v3  }
0x522: {  	v4 =	vld [tilespmem:s1+$0xD010]  }
0x523: {  	v3 =	vadd.f32 v5, v3  }
0x524: {  	v5 =	vld [tilespmem:s1+$0xD020]  }
0x525: {  	v3 =	vadd.f32 v6, v3  }
0x526: {  	v6 =	vld [tilespmem:s1+$0xD030]  }
0x527: {  	v3 =	vadd.f32 v4, v3  }
0x528: {  	v4 =	vld [tilespmem:s1+$0xD040]  }
0x529: {  	v3 =	vadd.f32 v5, v3  }
0x52a: {  	v5 =	vld [tilespmem:s1+$0xD050]  }
0x52b: {  	v3 =	vadd.f32 v6, v3  }
0x52c: {  	v6 =	vld [tilespmem:s1+$0xD060]  }
0x52d: {  	v3 =	vadd.f32 v4, v3  }
0x52e: {  	v4 =	vld [tilespmem:s1+$0xD070]  }
0x52f: {  	s4 =	sor.u32 $0xD400, s4;
	v3 =	vadd.f32 v5, v3  }
0x530: {  	v5 =	vld [tilespmem:s4+$0x8080]  }
0x531: {  	v3 =	vadd.f32 v6, v3  }
0x532: {  	v6 =	vld [tilespmem:s4+$0x8090]  }
0x533: {  	v3 =	vadd.f32 v4, v3  }
0x534: {  	v4 =	vld [tilespmem:s4+$0x80A0]  }
0x535: {  	v3 =	vadd.f32 v5, v3  }
0x536: {  	v5 =	vld [tilespmem:s4+$0x80B0]  }
0x537: {  	v3 =	vadd.f32 v6, v3  }
0x538: {  	v6 =	vld [tilespmem:s4+$0x80C0]  }
0x539: {  	v3 =	vadd.f32 v4, v3  }
0x53a: {  	v4 =	vld [tilespmem:s4+$0x80D0]  }
0x53b: {  	v3 =	vadd.f32 v5, v3  }
0x53c: {  	v5 =	vld [tilespmem:s4+$0x80E0]  }
0x53d: {  	v3 =	vadd.f32 v6, v3  }
0x53e: {  	v6 =	vld [tilespmem:s4+$0x80F0]  }
0x53f: {  	v3 =	vadd.f32 v4, v3  }
0x540: {  	v4 =	vld [tilespmem:s1+$0xD800]  }
0x541: {  	v3 =	vadd.f32 v5, v3  }
0x542: {  	v5 =	vld [tilespmem:s1+$0xD810]  }
0x543: {  	v3 =	vadd.f32 v6, v3  }
0x544: {  	v6 =	vld [tilespmem:s1+$0xD820]  }
0x545: {  	v3 =	vadd.f32 v4, v3  }
0x546: {  	v4 =	vld [tilespmem:s1+$0xD830]  }
0x547: {  	v3 =	vadd.f32 v5, v3  }
0x548: {  	v5 =	vld [tilespmem:s1+$0xD840]  }
0x549: {  	v3 =	vadd.f32 v6, v3  }
0x54a: {  	v6 =	vld [tilespmem:s1+$0xD850]  }
0x54b: {  	v3 =	vadd.f32 v4, v3  }
0x54c: {  	v4 =	vld [tilespmem:s1+$0xD860]  }
0x54d: {  	v3 =	vadd.f32 v5, v3  }
0x54e: {  	s0 =	sor.u32 s0, s0;
	v5 =	vld [tilespmem:s1+$0xD870]  }
0x54f: {  	s8 =	sor.u32 $0xDC00, s0;
	v3 =	vadd.f32 v6, v3  }
0x550: {  	v6 =	vld [tilespmem:s8+$0x8080]  }
0x551: {  	v3 =	vadd.f32 v4, v3  }
0x552: {  	v4 =	vld [tilespmem:s8+$0x8090]  }
0x553: {  	v3 =	vadd.f32 v5, v3  }
0x554: {  	v5 =	vld [tilespmem:s8+$0x80A0]  }
0x555: {  	v3 =	vadd.f32 v6, v3  }
0x556: {  	v6 =	vld [tilespmem:s8+$0x80B0]  }
0x557: {  	v3 =	vadd.f32 v4, v3;
	_ =	sdelay $0x1  }
0x558: {  	v7 =	vld [tilespmem:s8+$0x80C0];
	v3 =	vadd.f32 v5, v3;
	_ =	sdelay $0x1  }
0x559: {  	v5 =	vadd.f32 v6, v3;
	v3 =	vld [tilespmem:s8+$0x80D0];
	_ =	sdelay $0x1  }
0x55a: {  	s0 =	simm.s32 $0x400;
	s1 =	simm.s32 $0x80;
	v4 =	vld [tilespmem:s8+$0x80E0]  }
0x55b: {  	s9 =	sand.u32 $0x2000, s0;
	s4 =	simm.s32 $0x800;
	s10 =	sand.u32 $0x380, s1;
	v5 =	vadd.f32 v7, v5  }
.LBB2_9:
0x55c: {  	p0 =	sne.s32 s4, $0x3C00;
	s9 =	sor.u32 s10, s9;
	v6 =	vld [tilespmem:s8+$0x80F0]  }
0x55d: {  	s8 =	sadd.s32 $0x8080, s9;
	v3 =	vadd.f32 v3, v5  }
0x55e: {  	v5 =	vld [tilespmem:s8+$0xC000]  }
0x55f: {  	v3 =	vadd.f32 v4, v3  }
0x560: {  	v4 =	vld [tilespmem:s8+$0xC010]  }
0x561: {  	v3 =	vadd.f32 v6, v3  }
0x562: {  	v6 =	vld [tilespmem:s8+$0xC020]  }
0x563: {  	v3 =	vadd.f32 v5, v3  }
0x564: {  	v5 =	vld [tilespmem:s8+$0xC030]  }
0x565: {  	v3 =	vadd.f32 v4, v3  }
0x566: {  	v4 =	vld [tilespmem:s8+$0xC040]  }
0x567: {  	v3 =	vadd.f32 v6, v3  }
0x568: {  	v6 =	vld [tilespmem:s8+$0xC050]  }
0x569: {  	v3 =	vadd.f32 v5, v3  }
0x56a: {  	v5 =	vld [tilespmem:s8+$0xC060]  }
0x56b: {  	s9 =	sand.u32 $0xFFFFE000, s0;
	v3 =	vadd.f32 v4, v3  }
0x56c: {  	s9 =	sadd.s32 s9, s1;
	v4 =	vld [tilespmem:s8+$0xC070]  }
0x56d: {  	s10 =	sor.u32 $0xC400, s9;
	v3 =	vadd.f32 v6, v3  }
0x56e: {  	v6 =	vld [tilespmem:s10+$0x8080]  }
0x56f: {  	v3 =	vadd.f32 v5, v3  }
0x570: {  	v5 =	vld [tilespmem:s10+$0x8090]  }
0x571: {  	v3 =	vadd.f32 v4, v3  }
0x572: {  	v4 =	vld [tilespmem:s10+$0x80A0]  }
0x573: {  	v3 =	vadd.f32 v6, v3  }
0x574: {  	v6 =	vld [tilespmem:s10+$0x80B0]  }
0x575: {  	v3 =	vadd.f32 v5, v3  }
0x576: {  	v5 =	vld [tilespmem:s10+$0x80C0]  }
0x577: {  	v3 =	vadd.f32 v4, v3  }
0x578: {  	v4 =	vld [tilespmem:s10+$0x80D0]  }
0x579: {  	v3 =	vadd.f32 v6, v3  }
0x57a: {  	v6 =	vld [tilespmem:s10+$0x80E0]  }
0x57b: {  	v3 =	vadd.f32 v5, v3  }
0x57c: {  	v5 =	vld [tilespmem:s10+$0x80F0]  }
0x57d: {  	v3 =	vadd.f32 v4, v3  }
0x57e: {  	v4 =	vld [tilespmem:s8+$0xC800]  }
0x57f: {  	v3 =	vadd.f32 v6, v3  }
0x580: {  	v6 =	vld [tilespmem:s8+$0xC810]  }
0x581: {  	v3 =	vadd.f32 v5, v3  }
0x582: {  	v5 =	vld [tilespmem:s8+$0xC820]  }
0x583: {  	v3 =	vadd.f32 v4, v3  }
0x584: {  	v4 =	vld [tilespmem:s8+$0xC830]  }
0x585: {  	v3 =	vadd.f32 v6, v3  }
0x586: {  	v6 =	vld [tilespmem:s8+$0xC840]  }
0x587: {  	v3 =	vadd.f32 v5, v3  }
0x588: {  	v5 =	vld [tilespmem:s8+$0xC850]  }
0x589: {  	v3 =	vadd.f32 v4, v3  }
0x58a: {  	v4 =	vld [tilespmem:s8+$0xC860]  }
0x58b: {  	v3 =	vadd.f32 v6, v3  }
0x58c: {  	v6 =	vld [tilespmem:s8+$0xC870]  }
0x58d: {  	s10 =	sor.u32 $0xCC00, s9;
	v3 =	vadd.f32 v5, v3  }
0x58e: {  	v5 =	vld [tilespmem:s10+$0x8080]  }
0x58f: {  	v3 =	vadd.f32 v4, v3  }
0x590: {  	v4 =	vld [tilespmem:s10+$0x8090]  }
0x591: {  	v3 =	vadd.f32 v6, v3  }
0x592: {  	v6 =	vld [tilespmem:s10+$0x80A0]  }
0x593: {  	v3 =	vadd.f32 v5, v3  }
0x594: {  	v5 =	vld [tilespmem:s10+$0x80B0]  }
0x595: {  	v3 =	vadd.f32 v4, v3  }
0x596: {  	v4 =	vld [tilespmem:s10+$0x80C0]  }
0x597: {  	v3 =	vadd.f32 v6, v3  }
0x598: {  	v6 =	vld [tilespmem:s10+$0x80D0]  }
0x599: {  	v3 =	vadd.f32 v5, v3  }
0x59a: {  	v5 =	vld [tilespmem:s10+$0x80E0]  }
0x59b: {  	v3 =	vadd.f32 v4, v3  }
0x59c: {  	v4 =	vld [tilespmem:s10+$0x80F0]  }
0x59d: {  	v3 =	vadd.f32 v6, v3  }
0x59e: {  	v6 =	vld [tilespmem:s8+$0xD000]  }
0x59f: {  	v3 =	vadd.f32 v5, v3  }
0x5a0: {  	v5 =	vld [tilespmem:s8+$0xD010]  }
0x5a1: {  	v3 =	vadd.f32 v4, v3  }
0x5a2: {  	v4 =	vld [tilespmem:s8+$0xD020]  }
0x5a3: {  	v3 =	vadd.f32 v6, v3  }
0x5a4: {  	v6 =	vld [tilespmem:s8+$0xD030]  }
0x5a5: {  	v3 =	vadd.f32 v5, v3  }
0x5a6: {  	v5 =	vld [tilespmem:s8+$0xD040]  }
0x5a7: {  	v3 =	vadd.f32 v4, v3  }
0x5a8: {  	v4 =	vld [tilespmem:s8+$0xD050]  }
0x5a9: {  	v3 =	vadd.f32 v6, v3  }
0x5aa: {  	v6 =	vld [tilespmem:s8+$0xD060]  }
0x5ab: {  	v3 =	vadd.f32 v5, v3  }
0x5ac: {  	v5 =	vld [tilespmem:s8+$0xD070]  }
0x5ad: {  	s9 =	sor.u32 $0xD400, s9;
	v3 =	vadd.f32 v4, v3  }
0x5ae: {  	v4 =	vld [tilespmem:s9+$0x8080]  }
0x5af: {  	v3 =	vadd.f32 v6, v3  }
0x5b0: {  	v6 =	vld [tilespmem:s9+$0x8090]  }
0x5b1: {  	v3 =	vadd.f32 v5, v3  }
0x5b2: {  	v5 =	vld [tilespmem:s9+$0x80A0]  }
0x5b3: {  	v3 =	vadd.f32 v4, v3  }
0x5b4: {  	v4 =	vld [tilespmem:s9+$0x80B0]  }
0x5b5: {  	v3 =	vadd.f32 v6, v3  }
0x5b6: {  	v6 =	vld [tilespmem:s9+$0x80C0]  }
0x5b7: {  	v3 =	vadd.f32 v5, v3  }
0x5b8: {  	v5 =	vld [tilespmem:s9+$0x80D0]  }
0x5b9: {  	v3 =	vadd.f32 v4, v3  }
0x5ba: {  	v4 =	vld [tilespmem:s9+$0x80E0]  }
0x5bb: {  	v3 =	vadd.f32 v6, v3  }
0x5bc: {  	v6 =	vld [tilespmem:s9+$0x80F0]  }
0x5bd: {  	v3 =	vadd.f32 v5, v3  }
0x5be: {  	v5 =	vld [tilespmem:s8+$0xD800]  }
0x5bf: {  	v3 =	vadd.f32 v4, v3  }
0x5c0: {  	v4 =	vld [tilespmem:s8+$0xD810]  }
0x5c1: {  	v3 =	vadd.f32 v6, v3  }
0x5c2: {  	v6 =	vld [tilespmem:s8+$0xD820]  }
0x5c3: {  	v3 =	vadd.f32 v5, v3  }
0x5c4: {  	v5 =	vld [tilespmem:s8+$0xD830]  }
0x5c5: {  	v3 =	vadd.f32 v4, v3  }
0x5c6: {  	v4 =	vld [tilespmem:s8+$0xD840]  }
0x5c7: {  	v3 =	vadd.f32 v6, v3  }
0x5c8: {  	v6 =	vld [tilespmem:s8+$0xD850]  }
0x5c9: {  	v3 =	vadd.f32 v5, v3  }
0x5ca: {  	v5 =	vld [tilespmem:s8+$0xD860]  }
0x5cb: {  	v3 =	vadd.f32 v4, v3  }
0x5cc: {  	v4 =	vld [tilespmem:s8+$0xD870];
	s8 =	sor.u32 s0, s1;
	s0 =	smov.u32 s4  }
0x5cd: {  	v3 =	vadd.f32 v6, v3;
	s8 =	sor.u32 $0xDC00, s8  }
0x5ce: {  	v6 =	vld [tilespmem:s8+$0x8080]  }
0x5cf: {  	v3 =	vadd.f32 v5, v3  }
0x5d0: {  	v5 =	vld [tilespmem:s8+$0x8090]  }
0x5d1: {  	v3 =	vadd.f32 v4, v3  }
0x5d2: {  	v4 =	vld [tilespmem:s8+$0x80A0]  }
0x5d3: {  	v3 =	vadd.f32 v6, v3  }
0x5d4: {  	v6 =	vld [tilespmem:s8+$0x80B0]  }
0x5d5: {  	v3 =	vadd.f32 v5, v3  }
0x5d6: {  	v5 =	vld [tilespmem:s8+$0x80C0]  }
.Ltmp3:
0x5d7: {  	v4 =	vadd.f32 v4, v3;
	(pc) =	sbr.rel @p0 .LBB2_9-.Ltmp3, $4  }
0x5d8: {  	v3 =	vld [tilespmem:s8+$0x80D0]  }
0x5d9: {  	v6 =	vadd.f32 v6, v4  }
0x5da: {  	s1 =	sadd.s32 $0x80, s1;
	v4 =	vld [tilespmem:s8+$0x80E0]  }
0x5db: {  	s4 =	sadd.s32 $0x400, s4;
	s9 =	sand.u32 $0x2000, s0;
	s10 =	sand.u32 $0x380, s1;
	v5 =	vadd.f32 v5, v6  }
0x5dc: {  	s4 =	sor.u32 s10, s9;
	v6 =	vld [tilespmem:s8+$0x80F0]  }
0x5dd: {  	s4 =	sadd.s32 $0x8080, s4;
	v3 =	vadd.f32 v3, v5  }
0x5de: {  	v5 =	vld [tilespmem:s4+$0xC000]  }
0x5df: {  	v3 =	vadd.f32 v4, v3  }
0x5e0: {  	v4 =	vld [tilespmem:s4+$0xC010]  }
0x5e1: {  	v3 =	vadd.f32 v6, v3  }
0x5e2: {  	v43 =	vld [tilespmem:s4+$0xC020]  }
0x5e3: {  	v3 =	vadd.f32 v5, v3  }
0x5e4: {  	v5 =	vld [tilespmem:s4+$0xC030]  }
0x5e5: {  	v3 =	vadd.f32 v4, v3  }
0x5e6: {  	v4 =	vld [tilespmem:s4+$0xC040]  }
0x5e7: {  	v3 =	vadd.f32 v43, v3  }
0x5e8: {  	v44 =	vld [tilespmem:s4+$0xC050]  }
0x5e9: {  	v3 =	vadd.f32 v5, v3  }
0x5ea: {  	v5 =	vld [tilespmem:s4+$0xC060]  }
0x5eb: {  	s9 =	sand.u32 $0xFFFFE000, s0;
	v3 =	vadd.f32 v4, v3  }
0x5ec: {  	s8 =	sadd.s32 s9, s1;
	v4 =	vld [tilespmem:s4+$0xC070]  }
0x5ed: {  	s10 =	sor.u32 $0xC400, s8;
	v3 =	vadd.f32 v44, v3  }
0x5ee: {  	v45 =	vld [tilespmem:s10+$0x8080]  }
0x5ef: {  	v3 =	vadd.f32 v5, v3  }
0x5f0: {  	v5 =	vld [tilespmem:s10+$0x8090]  }
0x5f1: {  	v3 =	vadd.f32 v4, v3  }
0x5f2: {  	v4 =	vld [tilespmem:s10+$0x80A0]  }
0x5f3: {  	v3 =	vadd.f32 v45, v3  }
0x5f4: {  	v46 =	vld [tilespmem:s10+$0x80B0]  }
0x5f5: {  	v3 =	vadd.f32 v5, v3  }
0x5f6: {  	v5 =	vld [tilespmem:s10+$0x80C0]  }
0x5f7: {  	v3 =	vadd.f32 v4, v3  }
0x5f8: {  	v4 =	vld [tilespmem:s10+$0x80D0]  }
0x5f9: {  	v3 =	vadd.f32 v46, v3  }
0x5fa: {  	v47 =	vld [tilespmem:s10+$0x80E0]  }
0x5fb: {  	v3 =	vadd.f32 v5, v3  }
0x5fc: {  	v5 =	vld [tilespmem:s10+$0x80F0]  }
0x5fd: {  	v3 =	vadd.f32 v4, v3  }
0x5fe: {  	v4 =	vld [tilespmem:s4+$0xC800]  }
0x5ff: {  	v3 =	vadd.f32 v47, v3  }
0x600: {  	v48 =	vld [tilespmem:s4+$0xC810]  }
0x601: {  	v3 =	vadd.f32 v5, v3  }
0x602: {  	v5 =	vld [tilespmem:s4+$0xC820]  }
0x603: {  	v3 =	vadd.f32 v4, v3  }
0x604: {  	v4 =	vld [tilespmem:s4+$0xC830]  }
0x605: {  	v3 =	vadd.f32 v48, v3  }
0x606: {  	v49 =	vld [tilespmem:s4+$0xC840]  }
0x607: {  	v3 =	vadd.f32 v5, v3  }
0x608: {  	v5 =	vld [tilespmem:s4+$0xC850]  }
0x609: {  	v3 =	vadd.f32 v4, v3  }
0x60a: {  	v4 =	vld [tilespmem:s4+$0xC860]  }
0x60b: {  	v3 =	vadd.f32 v49, v3  }
0x60c: {  	v50 =	vld [tilespmem:s4+$0xC870]  }
0x60d: {  	s17 =	sor.u32 $0xCC00, s8;
	v3 =	vadd.f32 v5, v3  }
0x60e: {  	v5 =	vld [tilespmem:s17+$0x8080]  }
0x60f: {  	v3 =	vadd.f32 v4, v3  }
0x610: {  	v4 =	vld [tilespmem:s17+$0x8090]  }
0x611: {  	v3 =	vadd.f32 v50, v3  }
0x612: {  	v51 =	vld [tilespmem:s17+$0x80A0]  }
0x613: {  	v3 =	vadd.f32 v5, v3  }
0x614: {  	v5 =	vld [tilespmem:s17+$0x80B0]  }
0x615: {  	v3 =	vadd.f32 v4, v3  }
0x616: {  	v4 =	vld [tilespmem:s17+$0x80C0]  }
0x617: {  	v3 =	vadd.f32 v51, v3  }
0x618: {  	v52 =	vld [tilespmem:s17+$0x80D0]  }
0x619: {  	v3 =	vadd.f32 v5, v3  }
0x61a: {  	v5 =	vld [tilespmem:s17+$0x80E0]  }
0x61b: {  	v3 =	vadd.f32 v4, v3  }
0x61c: {  	v4 =	vld [tilespmem:s17+$0x80F0]  }
0x61d: {  	v3 =	vadd.f32 v52, v3  }
0x61e: {  	v53 =	vld [tilespmem:s4+$0xD000]  }
0x61f: {  	v3 =	vadd.f32 v5, v3  }
0x620: {  	v5 =	vld [tilespmem:s4+$0xD010]  }
0x621: {  	v3 =	vadd.f32 v4, v3  }
0x622: {  	v4 =	vld [tilespmem:s4+$0xD020]  }
0x623: {  	v3 =	vadd.f32 v53, v3  }
0x624: {  	v54 =	vld [tilespmem:s4+$0xD030]  }
0x625: {  	v3 =	vadd.f32 v5, v3  }
0x626: {  	v5 =	vld [tilespmem:s4+$0xD040]  }
0x627: {  	v3 =	vadd.f32 v4, v3  }
0x628: {  	v4 =	vld [tilespmem:s4+$0xD050]  }
0x629: {  	v3 =	vadd.f32 v54, v3  }
0x62a: {  	v55 =	vld [tilespmem:s4+$0xD060]  }
0x62b: {  	v3 =	vadd.f32 v5, v3  }
0x62c: {  	v5 =	vld [tilespmem:s4+$0xD070]  }
0x62d: {  	s8 =	sor.u32 $0xD400, s8;
	v3 =	vadd.f32 v4, v3  }
0x62e: {  	v4 =	vld [tilespmem:s8+$0x8080]  }
0x62f: {  	v3 =	vadd.f32 v55, v3  }
0x630: {  	v56 =	vld [tilespmem:s8+$0x8090]  }
0x631: {  	v3 =	vadd.f32 v5, v3  }
0x632: {  	v5 =	vld [tilespmem:s8+$0x80A0]  }
0x633: {  	v3 =	vadd.f32 v4, v3  }
0x634: {  	v4 =	vld [tilespmem:s8+$0x80B0]  }
0x635: {  	v3 =	vadd.f32 v56, v3  }
0x636: {  	v57 =	vld [tilespmem:s8+$0x80C0]  }
0x637: {  	v3 =	vadd.f32 v5, v3  }
0x638: {  	v5 =	vld [tilespmem:s8+$0x80D0]  }
0x639: {  	v3 =	vadd.f32 v4, v3  }
0x63a: {  	v4 =	vld [tilespmem:s8+$0x80E0]  }
0x63b: {  	v3 =	vadd.f32 v57, v3  }
0x63c: {  	v58 =	vld [tilespmem:s8+$0x80F0]  }
0x63d: {  	v3 =	vadd.f32 v5, v3  }
0x63e: {  	v5 =	vld [tilespmem:s4+$0xD800]  }
0x63f: {  	v3 =	vadd.f32 v4, v3  }
0x640: {  	v4 =	vld [tilespmem:s4+$0xD810]  }
0x641: {  	v3 =	vadd.f32 v58, v3  }
0x642: {  	v59 =	vld [tilespmem:s4+$0xD820]  }
0x643: {  	v3 =	vadd.f32 v5, v3  }
0x644: {  	v5 =	vld [tilespmem:s4+$0xD830]  }
0x645: {  	v3 =	vadd.f32 v4, v3  }
0x646: {  	v4 =	vld [tilespmem:s4+$0xD840]  }
0x647: {  	v3 =	vadd.f32 v59, v3  }
0x648: {  	v60 =	vld [tilespmem:s4+$0xD850]  }
0x649: {  	v3 =	vadd.f32 v5, v3  }
0x64a: {  	v5 =	vld [tilespmem:s4+$0xD860]  }
0x64b: {  	v3 =	vadd.f32 v4, v3  }
0x64c: {  	s18 =	sor.u32 s0, s1;
	v4 =	vld [tilespmem:s4+$0xD870]  }
0x64d: {  	s0 =	sor.u32 $0xDC00, s18;
	v3 =	vadd.f32 v60, v3  }
0x64e: {  	v61 =	vld [tilespmem:s0+$0x8080]  }
0x64f: {  	v3 =	vadd.f32 v5, v3  }
0x650: {  	v5 =	vld [tilespmem:s0+$0x8090]  }
0x651: {  	v3 =	vadd.f32 v4, v3  }
0x652: {  	v4 =	vld [tilespmem:s0+$0x80A0]  }
0x653: {  	v3 =	vadd.f32 v61, v3  }
0x654: {  	v62 =	vld [tilespmem:s0+$0x80B0]  }
0x655: {  	v3 =	vadd.f32 v5, v3  }
0x656: {  	v5 =	vld [tilespmem:s0+$0x80C0]  }
0x657: {  	v3 =	vadd.f32 v4, v3  }
0x658: {  	v4 =	vld [tilespmem:s0+$0x80D0]  }
0x659: {  	v3 =	vadd.f32 v62, v3  }
0x65a: {  	v63 =	vld [tilespmem:s0+$0x80E0]  }
0x65b: {  	s31 =	sadd.s32 $0x1, s31;
	v3 =	vadd.f32 v5, v3  }
0x65c: {  	p0 =	sne.s32 s31, $0x17;
	v5 =	vld [tilespmem:s0+$0x80F0]  }
.Ltmp4:
0x65d: {  	v3 =	vadd.f32 v4, v3;
	(pc) =	sbr.rel @p0 .LBB2_2-.Ltmp4, $3  }
0x65e: {  	_ = 	snop  }
0x65f: {  	v3 =	vadd.f32 v63, v3;
	_ =	sdelay $0x1  }
0x660: {  	v3 =	vadd.f32 v5, v3  }
0x661: {  	_ =	swait.ge [sflag:s26], $0x4000;
	s0 =	simm.s32 $0x0;
	s1 =	simm.s32 $0x0  }
0x662: {  	[sflag:s26] =	ssyncset.done $0x0;
	s1 =	sand.u32 $0x2000, s1;
	s4 =	sand.u32 $0x380, s0  }
0x663: {  	[sflag:s26] =	ssyncadd.s32 $0xFFFFC000;
	s1 =	sor.u32 s4, s1  }
0x664: {  	v4 =	vld [tilespmem:s1+$0x8080];
	_ =	sdelay $0x1  }
0x665: {  	v5 =	vld [tilespmem:s1+$0x8090];
	_ =	sdelay $0x1  }
0x666: {  	v6 =	vld [tilespmem:s1+$0x80A0]  }
0x667: {  	v3 =	vadd.f32 v4, v3  }
0x668: {  	v4 =	vld [tilespmem:s1+$0x80B0]  }
0x669: {  	v3 =	vadd.f32 v5, v3  }
0x66a: {  	v5 =	vld [tilespmem:s1+$0x80C0]  }
0x66b: {  	v3 =	vadd.f32 v6, v3  }
0x66c: {  	v6 =	vld [tilespmem:s1+$0x80D0]  }
0x66d: {  	v3 =	vadd.f32 v4, v3  }
0x66e: {  	v4 =	vld [tilespmem:s1+$0x80E0]  }
0x66f: {  	v3 =	vadd.f32 v5, v3  }
0x670: {  	v5 =	vld [tilespmem:s1+$0x80F0]  }
0x671: {  	v3 =	vadd.f32 v6, v3  }
0x672: {  	v6 =	vld [tilespmem:s1+$0x8480]  }
0x673: {  	v3 =	vadd.f32 v4, v3  }
0x674: {  	v4 =	vld [tilespmem:s1+$0x8490]  }
0x675: {  	v3 =	vadd.f32 v5, v3  }
0x676: {  	v5 =	vld [tilespmem:s1+$0x84A0]  }
0x677: {  	v3 =	vadd.f32 v6, v3  }
0x678: {  	v6 =	vld [tilespmem:s1+$0x84B0]  }
0x679: {  	v3 =	vadd.f32 v4, v3  }
0x67a: {  	v4 =	vld [tilespmem:s1+$0x84C0]  }
0x67b: {  	v3 =	vadd.f32 v5, v3  }
0x67c: {  	v5 =	vld [tilespmem:s1+$0x84D0]  }
0x67d: {  	v3 =	vadd.f32 v6, v3  }
0x67e: {  	v6 =	vld [tilespmem:s1+$0x84E0]  }
0x67f: {  	v3 =	vadd.f32 v4, v3  }
0x680: {  	v4 =	vld [tilespmem:s1+$0x84F0]  }
0x681: {  	v3 =	vadd.f32 v5, v3  }
0x682: {  	v5 =	vld [tilespmem:s1+$0x8880]  }
0x683: {  	v3 =	vadd.f32 v6, v3  }
0x684: {  	v6 =	vld [tilespmem:s1+$0x8890]  }
0x685: {  	v3 =	vadd.f32 v4, v3  }
0x686: {  	v4 =	vld [tilespmem:s1+$0x88A0]  }
0x687: {  	v3 =	vadd.f32 v5, v3  }
0x688: {  	v5 =	vld [tilespmem:s1+$0x88B0]  }
0x689: {  	v3 =	vadd.f32 v6, v3  }
0x68a: {  	v6 =	vld [tilespmem:s1+$0x88C0]  }
0x68b: {  	v3 =	vadd.f32 v4, v3  }
0x68c: {  	v4 =	vld [tilespmem:s1+$0x88D0]  }
0x68d: {  	v3 =	vadd.f32 v5, v3  }
0x68e: {  	v5 =	vld [tilespmem:s1+$0x88E0]  }
0x68f: {  	v3 =	vadd.f32 v6, v3  }
0x690: {  	v6 =	vld [tilespmem:s1+$0x88F0]  }
0x691: {  	v3 =	vadd.f32 v4, v3  }
0x692: {  	v4 =	vld [tilespmem:s1+$0x8C80]  }
0x693: {  	v3 =	vadd.f32 v5, v3  }
0x694: {  	v5 =	vld [tilespmem:s1+$0x8C90]  }
0x695: {  	v3 =	vadd.f32 v6, v3  }
0x696: {  	v6 =	vld [tilespmem:s1+$0x8CA0]  }
0x697: {  	v3 =	vadd.f32 v4, v3  }
0x698: {  	v4 =	vld [tilespmem:s1+$0x8CB0]  }
0x699: {  	v3 =	vadd.f32 v5, v3  }
0x69a: {  	v5 =	vld [tilespmem:s1+$0x8CC0]  }
0x69b: {  	v3 =	vadd.f32 v6, v3  }
0x69c: {  	v6 =	vld [tilespmem:s1+$0x8CD0]  }
0x69d: {  	v3 =	vadd.f32 v4, v3  }
0x69e: {  	v4 =	vld [tilespmem:s1+$0x8CE0]  }
0x69f: {  	v3 =	vadd.f32 v5, v3  }
0x6a0: {  	v5 =	vld [tilespmem:s1+$0x8CF0]  }
0x6a1: {  	v3 =	vadd.f32 v6, v3  }
0x6a2: {  	v6 =	vld [tilespmem:s1+$0x9080]  }
0x6a3: {  	v3 =	vadd.f32 v4, v3  }
0x6a4: {  	v4 =	vld [tilespmem:s1+$0x9090]  }
0x6a5: {  	v3 =	vadd.f32 v5, v3  }
0x6a6: {  	v5 =	vld [tilespmem:s1+$0x90A0]  }
0x6a7: {  	v3 =	vadd.f32 v6, v3  }
0x6a8: {  	v6 =	vld [tilespmem:s1+$0x90B0]  }
0x6a9: {  	v3 =	vadd.f32 v4, v3  }
0x6aa: {  	v4 =	vld [tilespmem:s1+$0x90C0]  }
0x6ab: {  	v3 =	vadd.f32 v5, v3  }
0x6ac: {  	v5 =	vld [tilespmem:s1+$0x90D0]  }
0x6ad: {  	v3 =	vadd.f32 v6, v3  }
0x6ae: {  	v6 =	vld [tilespmem:s1+$0x90E0]  }
0x6af: {  	v3 =	vadd.f32 v4, v3  }
0x6b0: {  	v4 =	vld [tilespmem:s1+$0x90F0]  }
0x6b1: {  	v3 =	vadd.f32 v5, v3  }
0x6b2: {  	v5 =	vld [tilespmem:s1+$0x9480]  }
0x6b3: {  	v3 =	vadd.f32 v6, v3  }
0x6b4: {  	v6 =	vld [tilespmem:s1+$0x9490]  }
0x6b5: {  	v3 =	vadd.f32 v4, v3  }
0x6b6: {  	v4 =	vld [tilespmem:s1+$0x94A0]  }
0x6b7: {  	v3 =	vadd.f32 v5, v3  }
0x6b8: {  	v5 =	vld [tilespmem:s1+$0x94B0]  }
0x6b9: {  	v3 =	vadd.f32 v6, v3  }
0x6ba: {  	v6 =	vld [tilespmem:s1+$0x94C0]  }
0x6bb: {  	v3 =	vadd.f32 v4, v3  }
0x6bc: {  	v4 =	vld [tilespmem:s1+$0x94D0]  }
0x6bd: {  	v3 =	vadd.f32 v5, v3  }
0x6be: {  	v5 =	vld [tilespmem:s1+$0x94E0]  }
0x6bf: {  	v3 =	vadd.f32 v6, v3  }
0x6c0: {  	v6 =	vld [tilespmem:s1+$0x94F0]  }
0x6c1: {  	v3 =	vadd.f32 v4, v3  }
0x6c2: {  	v4 =	vld [tilespmem:s1+$0x9880]  }
0x6c3: {  	v3 =	vadd.f32 v5, v3  }
0x6c4: {  	v5 =	vld [tilespmem:s1+$0x9890]  }
0x6c5: {  	v3 =	vadd.f32 v6, v3  }
0x6c6: {  	v6 =	vld [tilespmem:s1+$0x98A0]  }
0x6c7: {  	v3 =	vadd.f32 v4, v3  }
0x6c8: {  	v4 =	vld [tilespmem:s1+$0x98B0]  }
0x6c9: {  	v3 =	vadd.f32 v5, v3  }
0x6ca: {  	v5 =	vld [tilespmem:s1+$0x98C0]  }
0x6cb: {  	v3 =	vadd.f32 v6, v3  }
0x6cc: {  	v6 =	vld [tilespmem:s1+$0x98D0]  }
0x6cd: {  	v3 =	vadd.f32 v4, v3  }
0x6ce: {  	s18 =	sand.u32 $0x7, s0;
	v4 =	vld [tilespmem:s1+$0x98E0]  }
0x6cf: {  	s4 =	sshll.u32 s18, $0x7;
	v3 =	vadd.f32 v5, v3  }
0x6d0: {  	s17 =	sadd.s32 $0x0, s4;
	v5 =	vld [tilespmem:s1+$0x98F0]  }
0x6d1: {  	s31 =	sor.u32 $0x1C00, s17;
	v3 =	vadd.f32 v6, v3  }
0x6d2: {  	v6 =	vld [tilespmem:s31+$0x8080]  }
0x6d3: {  	s4 =	sor.u32 $0x1C10, s17;
	v3 =	vadd.f32 v4, v3  }
0x6d4: {  	v4 =	vld [tilespmem:s4+$0x8080]  }
0x6d5: {  	s8 =	sor.u32 $0x1C20, s17;
	v3 =	vadd.f32 v5, v3  }
0x6d6: {  	v5 =	vld [tilespmem:s8+$0x8080]  }
0x6d7: {  	s9 =	sor.u32 $0x1C30, s17;
	v3 =	vadd.f32 v6, v3  }
0x6d8: {  	v6 =	vld [tilespmem:s9+$0x8080]  }
0x6d9: {  	v3 =	vadd.f32 v4, v3  }
0x6da: {  	s10 =	sor.u32 $0x1C40, s17  }
0x6db: {  	v7 =	vld [tilespmem:s10+$0x8080];
	v3 =	vadd.f32 v5, v3  }
0x6dc: {  	s18 =	sor.u32 $0x1C50, s17  }
0x6dd: {  	v5 =	vadd.f32 v6, v3;
	v3 =	vld [tilespmem:s18+$0x8080]  }
0x6de: {  	s31 =	sor.u32 $0x1C60, s17  }
0x6df: {  	s10 =	simm.s32 $0x400;
	s1 =	simm.s32 $0x0;
	s17 =	sor.u32 $0x1C70, s17;
	v4 =	vld [tilespmem:s31+$0x8080]  }
0x6e0: {  	s4 =	simm.s32 $0x80;
	s8 =	simm.s32 $0xFFFFC400;
	s9 =	simm.s32 $0x100;
	v5 =	vadd.f32 v7, v5  }
.LBB2_12:
0x6e1: {  	p0 =	sne.s32 s9, $0x780;
	s10 =	sand.u32 $0x2000, s10;
	s4 =	sand.u32 $0x380, s4;
	v6 =	vld [tilespmem:s17+$0x8080]  }
0x6e2: {  	s10 =	sor.u32 s4, s10;
	v3 =	vadd.f32 v3, v5;
	s4 =	smov.u32 s9  }
0x6e3: {  	v5 =	vld [tilespmem:s10+$0x8080]  }
0x6e4: {  	v3 =	vadd.f32 v4, v3  }
0x6e5: {  	v4 =	vld [tilespmem:s10+$0x8090]  }
0x6e6: {  	v3 =	vadd.f32 v6, v3  }
0x6e7: {  	v6 =	vld [tilespmem:s10+$0x80A0]  }
0x6e8: {  	v3 =	vadd.f32 v5, v3  }
0x6e9: {  	v5 =	vld [tilespmem:s10+$0x80B0]  }
0x6ea: {  	v3 =	vadd.f32 v4, v3  }
0x6eb: {  	v4 =	vld [tilespmem:s10+$0x80C0]  }
0x6ec: {  	v3 =	vadd.f32 v6, v3  }
0x6ed: {  	v6 =	vld [tilespmem:s10+$0x80D0]  }
0x6ee: {  	v3 =	vadd.f32 v5, v3  }
0x6ef: {  	v5 =	vld [tilespmem:s10+$0x80E0]  }
0x6f0: {  	v3 =	vadd.f32 v4, v3  }
0x6f1: {  	v4 =	vld [tilespmem:s10+$0x80F0]  }
0x6f2: {  	v3 =	vadd.f32 v6, v3  }
0x6f3: {  	v6 =	vld [tilespmem:s10+$0x8480]  }
0x6f4: {  	v3 =	vadd.f32 v5, v3  }
0x6f5: {  	v5 =	vld [tilespmem:s10+$0x8490]  }
0x6f6: {  	v3 =	vadd.f32 v4, v3  }
0x6f7: {  	v4 =	vld [tilespmem:s10+$0x84A0]  }
0x6f8: {  	v3 =	vadd.f32 v6, v3  }
0x6f9: {  	v6 =	vld [tilespmem:s10+$0x84B0]  }
0x6fa: {  	v3 =	vadd.f32 v5, v3  }
0x6fb: {  	v5 =	vld [tilespmem:s10+$0x84C0]  }
0x6fc: {  	v3 =	vadd.f32 v4, v3  }
0x6fd: {  	v4 =	vld [tilespmem:s10+$0x84D0]  }
0x6fe: {  	v3 =	vadd.f32 v6, v3  }
0x6ff: {  	v6 =	vld [tilespmem:s10+$0x84E0]  }
0x700: {  	v3 =	vadd.f32 v5, v3  }
0x701: {  	v5 =	vld [tilespmem:s10+$0x84F0]  }
0x702: {  	v3 =	vadd.f32 v4, v3  }
0x703: {  	v4 =	vld [tilespmem:s10+$0x8880]  }
0x704: {  	v3 =	vadd.f32 v6, v3  }
0x705: {  	v6 =	vld [tilespmem:s10+$0x8890]  }
0x706: {  	v3 =	vadd.f32 v5, v3  }
0x707: {  	v5 =	vld [tilespmem:s10+$0x88A0]  }
0x708: {  	v3 =	vadd.f32 v4, v3  }
0x709: {  	v4 =	vld [tilespmem:s10+$0x88B0]  }
0x70a: {  	v3 =	vadd.f32 v6, v3  }
0x70b: {  	v6 =	vld [tilespmem:s10+$0x88C0]  }
0x70c: {  	v3 =	vadd.f32 v5, v3  }
0x70d: {  	v5 =	vld [tilespmem:s10+$0x88D0]  }
0x70e: {  	v3 =	vadd.f32 v4, v3  }
0x70f: {  	v4 =	vld [tilespmem:s10+$0x88E0]  }
0x710: {  	v3 =	vadd.f32 v6, v3  }
0x711: {  	v6 =	vld [tilespmem:s10+$0x88F0]  }
0x712: {  	v3 =	vadd.f32 v5, v3  }
0x713: {  	v5 =	vld [tilespmem:s10+$0x8C80]  }
0x714: {  	v3 =	vadd.f32 v4, v3  }
0x715: {  	v4 =	vld [tilespmem:s10+$0x8C90]  }
0x716: {  	v3 =	vadd.f32 v6, v3  }
0x717: {  	v6 =	vld [tilespmem:s10+$0x8CA0]  }
0x718: {  	v3 =	vadd.f32 v5, v3  }
0x719: {  	v5 =	vld [tilespmem:s10+$0x8CB0]  }
0x71a: {  	v3 =	vadd.f32 v4, v3  }
0x71b: {  	v4 =	vld [tilespmem:s10+$0x8CC0]  }
0x71c: {  	v3 =	vadd.f32 v6, v3  }
0x71d: {  	v6 =	vld [tilespmem:s10+$0x8CD0]  }
0x71e: {  	v3 =	vadd.f32 v5, v3  }
0x71f: {  	v5 =	vld [tilespmem:s10+$0x8CE0]  }
0x720: {  	v3 =	vadd.f32 v4, v3  }
0x721: {  	v4 =	vld [tilespmem:s10+$0x8CF0]  }
0x722: {  	v3 =	vadd.f32 v6, v3  }
0x723: {  	v6 =	vld [tilespmem:s10+$0x9080]  }
0x724: {  	v3 =	vadd.f32 v5, v3  }
0x725: {  	v5 =	vld [tilespmem:s10+$0x9090]  }
0x726: {  	v3 =	vadd.f32 v4, v3  }
0x727: {  	v4 =	vld [tilespmem:s10+$0x90A0]  }
0x728: {  	v3 =	vadd.f32 v6, v3  }
0x729: {  	v6 =	vld [tilespmem:s10+$0x90B0]  }
0x72a: {  	v3 =	vadd.f32 v5, v3  }
0x72b: {  	v5 =	vld [tilespmem:s10+$0x90C0]  }
0x72c: {  	v3 =	vadd.f32 v4, v3  }
0x72d: {  	v4 =	vld [tilespmem:s10+$0x90D0]  }
0x72e: {  	v3 =	vadd.f32 v6, v3  }
0x72f: {  	v6 =	vld [tilespmem:s10+$0x90E0]  }
0x730: {  	v3 =	vadd.f32 v5, v3  }
0x731: {  	v5 =	vld [tilespmem:s10+$0x90F0]  }
0x732: {  	v3 =	vadd.f32 v4, v3  }
0x733: {  	v4 =	vld [tilespmem:s10+$0x9480]  }
0x734: {  	v3 =	vadd.f32 v6, v3  }
0x735: {  	v6 =	vld [tilespmem:s10+$0x9490]  }
0x736: {  	v3 =	vadd.f32 v5, v3  }
0x737: {  	v5 =	vld [tilespmem:s10+$0x94A0]  }
0x738: {  	v3 =	vadd.f32 v4, v3  }
0x739: {  	v4 =	vld [tilespmem:s10+$0x94B0]  }
0x73a: {  	v3 =	vadd.f32 v6, v3  }
0x73b: {  	v6 =	vld [tilespmem:s10+$0x94C0]  }
0x73c: {  	v3 =	vadd.f32 v5, v3  }
0x73d: {  	v5 =	vld [tilespmem:s10+$0x94D0]  }
0x73e: {  	v3 =	vadd.f32 v4, v3  }
0x73f: {  	v4 =	vld [tilespmem:s10+$0x94E0]  }
0x740: {  	v3 =	vadd.f32 v6, v3  }
0x741: {  	v6 =	vld [tilespmem:s10+$0x94F0]  }
0x742: {  	v3 =	vadd.f32 v5, v3  }
0x743: {  	v5 =	vld [tilespmem:s10+$0x9880]  }
0x744: {  	v3 =	vadd.f32 v4, v3  }
0x745: {  	v4 =	vld [tilespmem:s10+$0x9890]  }
0x746: {  	v3 =	vadd.f32 v6, v3  }
0x747: {  	v6 =	vld [tilespmem:s10+$0x98A0]  }
0x748: {  	v3 =	vadd.f32 v5, v3  }
0x749: {  	v5 =	vld [tilespmem:s10+$0x98B0]  }
0x74a: {  	v3 =	vadd.f32 v4, v3  }
0x74b: {  	v4 =	vld [tilespmem:s10+$0x98C0]  }
0x74c: {  	v3 =	vadd.f32 v6, v3  }
0x74d: {  	v6 =	vld [tilespmem:s10+$0x98D0]  }
0x74e: {  	s0 =	sadd.s32 $0x1, s0;
	v3 =	vadd.f32 v5, v3  }
0x74f: {  	s17 =	sand.u32 $0x7, s0;
	v5 =	vld [tilespmem:s10+$0x98E0]  }
0x750: {  	s1 =	sadd.s32 $0x400, s1;
	s17 =	sshll.u32 s17, $0x7;
	v3 =	vadd.f32 v4, v3  }
0x751: {  	s17 =	sadd.s32 s17, s1;
	v4 =	vld [tilespmem:s10+$0x98F0]  }
0x752: {  	s10 =	sor.u32 $0x1C00, s17;
	v3 =	vadd.f32 v6, v3  }
0x753: {  	v6 =	vld [tilespmem:s10+$0x8080]  }
0x754: {  	s10 =	sor.u32 $0x1C10, s17;
	v3 =	vadd.f32 v5, v3  }
0x755: {  	v5 =	vld [tilespmem:s10+$0x8080]  }
0x756: {  	s10 =	sor.u32 $0x1C20, s17;
	v3 =	vadd.f32 v4, v3  }
0x757: {  	v4 =	vld [tilespmem:s10+$0x8080]  }
0x758: {  	s10 =	sor.u32 $0x1C30, s17;
	v3 =	vadd.f32 v6, v3  }
0x759: {  	v6 =	vld [tilespmem:s10+$0x8080]  }
0x75a: {  	s10 =	sor.u32 $0x1C40, s17;
	v3 =	vadd.f32 v5, v3  }
0x75b: {  	v5 =	vld [tilespmem:s10+$0x8080]  }
.Ltmp5:
0x75c: {  	s10 =	sor.u32 $0x1C50, s17;
	v4 =	vadd.f32 v4, v3;
	(pc) =	sbr.rel @p0 .LBB2_12-.Ltmp5, $4  }
0x75d: {  	v3 =	vld [tilespmem:s10+$0x8080]  }
0x75e: {  	s10 =	sor.u32 $0x1C60, s17;
	v6 =	vadd.f32 v6, v4  }
0x75f: {  	s8 =	sadd.s32 $0x400, s8;
	v4 =	vld [tilespmem:s10+$0x8080]  }
0x760: {  	s9 =	sadd.s32 $0x80, s9;
	s17 =	sor.u32 $0x1C70, s17;
	s10 =	sadd.s32 $0x4000, s8;
	v5 =	vadd.f32 v5, v6  }
0x761: {  	s8 =	sand.u32 $0x2000, s10;
	s4 =	sand.u32 $0x380, s4;
	v6 =	vld [tilespmem:s17+$0x8080]  }
0x762: {  	s4 =	sor.u32 s4, s8;
	v3 =	vadd.f32 v3, v5  }
0x763: {  	v5 =	vld [tilespmem:s4+$0x8080]  }
0x764: {  	v3 =	vadd.f32 v4, v3  }
0x765: {  	v4 =	vld [tilespmem:s4+$0x8090]  }
0x766: {  	v3 =	vadd.f32 v6, v3  }
0x767: {  	v6 =	vld [tilespmem:s4+$0x80A0]  }
0x768: {  	v3 =	vadd.f32 v5, v3  }
0x769: {  	v5 =	vld [tilespmem:s4+$0x80B0]  }
0x76a: {  	v3 =	vadd.f32 v4, v3  }
0x76b: {  	v4 =	vld [tilespmem:s4+$0x80C0]  }
0x76c: {  	v3 =	vadd.f32 v6, v3  }
0x76d: {  	v6 =	vld [tilespmem:s4+$0x80D0]  }
0x76e: {  	v3 =	vadd.f32 v5, v3  }
0x76f: {  	v5 =	vld [tilespmem:s4+$0x80E0]  }
0x770: {  	v3 =	vadd.f32 v4, v3  }
0x771: {  	v4 =	vld [tilespmem:s4+$0x80F0]  }
0x772: {  	v3 =	vadd.f32 v6, v3  }
0x773: {  	v6 =	vld [tilespmem:s4+$0x8480]  }
0x774: {  	v3 =	vadd.f32 v5, v3  }
0x775: {  	v5 =	vld [tilespmem:s4+$0x8490]  }
0x776: {  	v3 =	vadd.f32 v4, v3  }
0x777: {  	v4 =	vld [tilespmem:s4+$0x84A0]  }
0x778: {  	v3 =	vadd.f32 v6, v3  }
0x779: {  	v6 =	vld [tilespmem:s4+$0x84B0]  }
0x77a: {  	v3 =	vadd.f32 v5, v3  }
0x77b: {  	v5 =	vld [tilespmem:s4+$0x84C0]  }
0x77c: {  	v3 =	vadd.f32 v4, v3  }
0x77d: {  	v4 =	vld [tilespmem:s4+$0x84D0]  }
0x77e: {  	v3 =	vadd.f32 v6, v3  }
0x77f: {  	v6 =	vld [tilespmem:s4+$0x84E0]  }
0x780: {  	v3 =	vadd.f32 v5, v3  }
0x781: {  	v5 =	vld [tilespmem:s4+$0x84F0]  }
0x782: {  	v3 =	vadd.f32 v4, v3  }
0x783: {  	v4 =	vld [tilespmem:s4+$0x8880]  }
0x784: {  	v3 =	vadd.f32 v6, v3  }
0x785: {  	v6 =	vld [tilespmem:s4+$0x8890]  }
0x786: {  	v3 =	vadd.f32 v5, v3  }
0x787: {  	v5 =	vld [tilespmem:s4+$0x88A0]  }
0x788: {  	v3 =	vadd.f32 v4, v3  }
0x789: {  	v4 =	vld [tilespmem:s4+$0x88B0]  }
0x78a: {  	v3 =	vadd.f32 v6, v3  }
0x78b: {  	v6 =	vld [tilespmem:s4+$0x88C0]  }
0x78c: {  	v3 =	vadd.f32 v5, v3  }
0x78d: {  	v5 =	vld [tilespmem:s4+$0x88D0]  }
0x78e: {  	v3 =	vadd.f32 v4, v3  }
0x78f: {  	v4 =	vld [tilespmem:s4+$0x88E0]  }
0x790: {  	v3 =	vadd.f32 v6, v3  }
0x791: {  	v6 =	vld [tilespmem:s4+$0x88F0]  }
0x792: {  	v3 =	vadd.f32 v5, v3  }
0x793: {  	v5 =	vld [tilespmem:s4+$0x8C80]  }
0x794: {  	v3 =	vadd.f32 v4, v3  }
0x795: {  	v4 =	vld [tilespmem:s4+$0x8C90]  }
0x796: {  	v3 =	vadd.f32 v6, v3  }
0x797: {  	v6 =	vld [tilespmem:s4+$0x8CA0]  }
0x798: {  	v3 =	vadd.f32 v5, v3  }
0x799: {  	v5 =	vld [tilespmem:s4+$0x8CB0]  }
0x79a: {  	v3 =	vadd.f32 v4, v3  }
0x79b: {  	v4 =	vld [tilespmem:s4+$0x8CC0]  }
0x79c: {  	v3 =	vadd.f32 v6, v3  }
0x79d: {  	v6 =	vld [tilespmem:s4+$0x8CD0]  }
0x79e: {  	v3 =	vadd.f32 v5, v3  }
0x79f: {  	v5 =	vld [tilespmem:s4+$0x8CE0]  }
0x7a0: {  	v3 =	vadd.f32 v4, v3  }
0x7a1: {  	v4 =	vld [tilespmem:s4+$0x8CF0]  }
0x7a2: {  	v3 =	vadd.f32 v6, v3  }
0x7a3: {  	v6 =	vld [tilespmem:s4+$0x9080]  }
0x7a4: {  	v3 =	vadd.f32 v5, v3  }
0x7a5: {  	v5 =	vld [tilespmem:s4+$0x9090]  }
0x7a6: {  	v3 =	vadd.f32 v4, v3  }
0x7a7: {  	v4 =	vld [tilespmem:s4+$0x90A0]  }
0x7a8: {  	v3 =	vadd.f32 v6, v3  }
0x7a9: {  	v6 =	vld [tilespmem:s4+$0x90B0]  }
0x7aa: {  	v3 =	vadd.f32 v5, v3  }
0x7ab: {  	v5 =	vld [tilespmem:s4+$0x90C0]  }
0x7ac: {  	v3 =	vadd.f32 v4, v3  }
0x7ad: {  	v4 =	vld [tilespmem:s4+$0x90D0]  }
0x7ae: {  	v3 =	vadd.f32 v6, v3  }
0x7af: {  	v6 =	vld [tilespmem:s4+$0x90E0]  }
0x7b0: {  	v3 =	vadd.f32 v5, v3  }
0x7b1: {  	v5 =	vld [tilespmem:s4+$0x90F0]  }
0x7b2: {  	v3 =	vadd.f32 v4, v3  }
0x7b3: {  	v4 =	vld [tilespmem:s4+$0x9480]  }
0x7b4: {  	v3 =	vadd.f32 v6, v3  }
0x7b5: {  	v6 =	vld [tilespmem:s4+$0x9490]  }
0x7b6: {  	v3 =	vadd.f32 v5, v3  }
0x7b7: {  	v5 =	vld [tilespmem:s4+$0x94A0]  }
0x7b8: {  	v3 =	vadd.f32 v4, v3  }
0x7b9: {  	v4 =	vld [tilespmem:s4+$0x94B0]  }
0x7ba: {  	v3 =	vadd.f32 v6, v3  }
0x7bb: {  	v6 =	vld [tilespmem:s4+$0x94C0]  }
0x7bc: {  	v3 =	vadd.f32 v5, v3  }
0x7bd: {  	v5 =	vld [tilespmem:s4+$0x94D0]  }
0x7be: {  	v3 =	vadd.f32 v4, v3  }
0x7bf: {  	v4 =	vld [tilespmem:s4+$0x94E0]  }
0x7c0: {  	v3 =	vadd.f32 v6, v3  }
0x7c1: {  	v6 =	vld [tilespmem:s4+$0x94F0]  }
0x7c2: {  	v3 =	vadd.f32 v5, v3  }
0x7c3: {  	v5 =	vld [tilespmem:s4+$0x9880]  }
0x7c4: {  	v3 =	vadd.f32 v4, v3  }
0x7c5: {  	v4 =	vld [tilespmem:s4+$0x9890]  }
0x7c6: {  	v3 =	vadd.f32 v6, v3  }
0x7c7: {  	v6 =	vld [tilespmem:s4+$0x98A0]  }
0x7c8: {  	v3 =	vadd.f32 v5, v3  }
0x7c9: {  	v5 =	vld [tilespmem:s4+$0x98B0]  }
0x7ca: {  	v3 =	vadd.f32 v4, v3  }
0x7cb: {  	v4 =	vld [tilespmem:s4+$0x98C0]  }
0x7cc: {  	v3 =	vadd.f32 v6, v3  }
0x7cd: {  	v6 =	vld [tilespmem:s4+$0x98D0]  }
0x7ce: {  	s0 =	sadd.s32 $0x1, s0;
	v3 =	vadd.f32 v5, v3  }
0x7cf: {  	s0 =	sand.u32 $0x7, s0;
	v5 =	vld [tilespmem:s4+$0x98E0]  }
0x7d0: {  	s1 =	sadd.s32 $0x400, s1;
	s0 =	sshll.u32 s0, $0x7;
	v3 =	vadd.f32 v4, v3  }
0x7d1: {  	s0 =	sadd.s32 s0, s1;
	v4 =	vld [tilespmem:s4+$0x98F0]  }
0x7d2: {  	s1 =	sor.u32 $0x1C00, s0;
	v3 =	vadd.f32 v6, v3  }
0x7d3: {  	v6 =	vld [tilespmem:s1+$0x8080]  }
0x7d4: {  	s4 =	sor.u32 $0x1C10, s0;
	v3 =	vadd.f32 v5, v3  }
0x7d5: {  	v5 =	vld [tilespmem:s4+$0x8080]  }
0x7d6: {  	s8 =	sor.u32 $0x1C20, s0;
	v3 =	vadd.f32 v4, v3  }
0x7d7: {  	v4 =	vld [tilespmem:s8+$0x8080]  }
0x7d8: {  	s9 =	sor.u32 $0x1C30, s0;
	v3 =	vadd.f32 v6, v3  }
0x7d9: {  	v6 =	vld [tilespmem:s9+$0x8080]  }
0x7da: {  	s10 =	sor.u32 $0x1C40, s0;
	v3 =	vadd.f32 v5, v3  }
0x7db: {  	v5 =	vld [tilespmem:s10+$0x8080]  }
0x7dc: {  	s17 =	sor.u32 $0x1C50, s0;
	v3 =	vadd.f32 v4, v3  }
0x7dd: {  	v4 =	vld [tilespmem:s17+$0x8080]  }
0x7de: {  	s18 =	sor.u32 $0x1C60, s0;
	v3 =	vadd.f32 v6, v3  }
0x7df: {  	s0 =	sor.u32 $0x1C70, s0;
	v6 =	vld [tilespmem:s18+$0x8080]  }
0x7e0: {  	s31 =	simm.s32 $0x0;
	v7 =	vld [tilespmem:s0+$0x8080];
	_ =	swait.ge [sflag:s26], $0x4000;
	v3 =	vadd.f32 v5, v3  }
0x7e1: {  	s8 =	sand.u32 $0x2000, s31;
	s9 =	sand.u32 $0x380, s31;
	[sflag:s26] =	ssyncset.done $0x0  }
0x7e2: {  	s1 =	sor.u32 s9, s8;
	[sflag:s26] =	ssyncadd.s32 $0xFFFFC000;
	v3 =	vadd.f32 v4, v3  }
0x7e3: {  	v4 =	vld [tilespmem:s1+$0xC080]  }
0x7e4: {  	v3 =	vadd.f32 v6, v3  }
0x7e5: {  	v5 =	vld [tilespmem:s1+$0xC090]  }
0x7e6: {  	v3 =	vadd.f32 v7, v3  }
0x7e7: {  	v6 =	vld [tilespmem:s1+$0xC0A0]  }
0x7e8: {  	v3 =	vadd.f32 v4, v3  }
0x7e9: {  	v4 =	vld [tilespmem:s1+$0xC0B0]  }
0x7ea: {  	v3 =	vadd.f32 v5, v3  }
0x7eb: {  	v5 =	vld [tilespmem:s1+$0xC0C0]  }
0x7ec: {  	v3 =	vadd.f32 v6, v3  }
0x7ed: {  	v6 =	vld [tilespmem:s1+$0xC0D0]  }
0x7ee: {  	v3 =	vadd.f32 v4, v3  }
0x7ef: {  	v4 =	vld [tilespmem:s1+$0xC0E0]  }
0x7f0: {  	s10 =	sand.u32 $0xFFFFE000, s31;
	v3 =	vadd.f32 v5, v3  }
0x7f1: {  	s4 =	sadd.s32 $0x0, s10;
	v5 =	vld [tilespmem:s1+$0xC0F0]  }
0x7f2: {  	s17 =	sor.u32 $0x4400, s4;
	v3 =	vadd.f32 v6, v3  }
0x7f3: {  	v6 =	vld [tilespmem:s17+$0x8080]  }
0x7f4: {  	v3 =	vadd.f32 v4, v3  }
0x7f5: {  	v4 =	vld [tilespmem:s17+$0x8090]  }
0x7f6: {  	v3 =	vadd.f32 v5, v3  }
0x7f7: {  	v5 =	vld [tilespmem:s17+$0x80A0]  }
0x7f8: {  	v3 =	vadd.f32 v6, v3  }
0x7f9: {  	v6 =	vld [tilespmem:s17+$0x80B0]  }
0x7fa: {  	v3 =	vadd.f32 v4, v3  }
0x7fb: {  	v4 =	vld [tilespmem:s17+$0x80C0]  }
0x7fc: {  	v3 =	vadd.f32 v5, v3  }
0x7fd: {  	v5 =	vld [tilespmem:s17+$0x80D0]  }
0x7fe: {  	v3 =	vadd.f32 v6, v3  }
0x7ff: {  	v6 =	vld [tilespmem:s17+$0x80E0]  }
0x800: {  	v3 =	vadd.f32 v4, v3  }
0x801: {  	v4 =	vld [tilespmem:s17+$0x80F0]  }
0x802: {  	v3 =	vadd.f32 v5, v3  }
0x803: {  	v5 =	vld [tilespmem:s1+$0xC880]  }
0x804: {  	v3 =	vadd.f32 v6, v3  }
0x805: {  	v6 =	vld [tilespmem:s1+$0xC890]  }
0x806: {  	v3 =	vadd.f32 v4, v3  }
0x807: {  	v4 =	vld [tilespmem:s1+$0xC8A0]  }
0x808: {  	v3 =	vadd.f32 v5, v3  }
0x809: {  	v5 =	vld [tilespmem:s1+$0xC8B0]  }
0x80a: {  	v3 =	vadd.f32 v6, v3  }
0x80b: {  	v6 =	vld [tilespmem:s1+$0xC8C0]  }
0x80c: {  	v3 =	vadd.f32 v4, v3  }
0x80d: {  	v4 =	vld [tilespmem:s1+$0xC8D0]  }
0x80e: {  	v3 =	vadd.f32 v5, v3  }
0x80f: {  	v5 =	vld [tilespmem:s1+$0xC8E0]  }
0x810: {  	v3 =	vadd.f32 v6, v3  }
0x811: {  	v6 =	vld [tilespmem:s1+$0xC8F0]  }
0x812: {  	s18 =	sor.u32 $0x4C00, s4;
	v3 =	vadd.f32 v4, v3  }
0x813: {  	v4 =	vld [tilespmem:s18+$0x8080]  }
0x814: {  	v3 =	vadd.f32 v5, v3  }
0x815: {  	v5 =	vld [tilespmem:s18+$0x8090]  }
0x816: {  	v3 =	vadd.f32 v6, v3  }
0x817: {  	v6 =	vld [tilespmem:s18+$0x80A0]  }
0x818: {  	v3 =	vadd.f32 v4, v3  }
0x819: {  	v4 =	vld [tilespmem:s18+$0x80B0]  }
0x81a: {  	v3 =	vadd.f32 v5, v3  }
0x81b: {  	v5 =	vld [tilespmem:s18+$0x80C0]  }
0x81c: {  	v3 =	vadd.f32 v6, v3  }
0x81d: {  	v6 =	vld [tilespmem:s18+$0x80D0]  }
0x81e: {  	v3 =	vadd.f32 v4, v3  }
0x81f: {  	v4 =	vld [tilespmem:s18+$0x80E0]  }
0x820: {  	v3 =	vadd.f32 v5, v3  }
0x821: {  	v5 =	vld [tilespmem:s18+$0x80F0]  }
0x822: {  	v3 =	vadd.f32 v6, v3  }
0x823: {  	v6 =	vld [tilespmem:s1+$0xD080]  }
0x824: {  	v3 =	vadd.f32 v4, v3  }
0x825: {  	v4 =	vld [tilespmem:s1+$0xD090]  }
0x826: {  	v3 =	vadd.f32 v5, v3  }
0x827: {  	v5 =	vld [tilespmem:s1+$0xD0A0]  }
0x828: {  	v3 =	vadd.f32 v6, v3  }
0x829: {  	v6 =	vld [tilespmem:s1+$0xD0B0]  }
0x82a: {  	v3 =	vadd.f32 v4, v3  }
0x82b: {  	v4 =	vld [tilespmem:s1+$0xD0C0]  }
0x82c: {  	v3 =	vadd.f32 v5, v3  }
0x82d: {  	v5 =	vld [tilespmem:s1+$0xD0D0]  }
0x82e: {  	v3 =	vadd.f32 v6, v3  }
0x82f: {  	v6 =	vld [tilespmem:s1+$0xD0E0]  }
0x830: {  	v3 =	vadd.f32 v4, v3  }
0x831: {  	v4 =	vld [tilespmem:s1+$0xD0F0]  }
0x832: {  	s4 =	sor.u32 $0x5400, s4;
	v3 =	vadd.f32 v5, v3  }
0x833: {  	v5 =	vld [tilespmem:s4+$0x8080]  }
0x834: {  	v3 =	vadd.f32 v6, v3  }
0x835: {  	v6 =	vld [tilespmem:s4+$0x8090]  }
0x836: {  	v3 =	vadd.f32 v4, v3  }
0x837: {  	v4 =	vld [tilespmem:s4+$0x80A0]  }
0x838: {  	v3 =	vadd.f32 v5, v3  }
0x839: {  	v5 =	vld [tilespmem:s4+$0x80B0]  }
0x83a: {  	v3 =	vadd.f32 v6, v3  }
0x83b: {  	v6 =	vld [tilespmem:s4+$0x80C0]  }
0x83c: {  	v3 =	vadd.f32 v4, v3  }
0x83d: {  	v4 =	vld [tilespmem:s4+$0x80D0]  }
0x83e: {  	v3 =	vadd.f32 v5, v3  }
0x83f: {  	v5 =	vld [tilespmem:s4+$0x80E0]  }
0x840: {  	v3 =	vadd.f32 v6, v3  }
0x841: {  	v6 =	vld [tilespmem:s4+$0x80F0]  }
0x842: {  	v3 =	vadd.f32 v4, v3  }
0x843: {  	v4 =	vld [tilespmem:s1+$0xD880]  }
0x844: {  	v3 =	vadd.f32 v5, v3  }
0x845: {  	v5 =	vld [tilespmem:s1+$0xD890]  }
0x846: {  	v3 =	vadd.f32 v6, v3  }
0x847: {  	v6 =	vld [tilespmem:s1+$0xD8A0]  }
0x848: {  	v3 =	vadd.f32 v4, v3  }
0x849: {  	v4 =	vld [tilespmem:s1+$0xD8B0]  }
0x84a: {  	v3 =	vadd.f32 v5, v3  }
0x84b: {  	v5 =	vld [tilespmem:s1+$0xD8C0]  }
0x84c: {  	v3 =	vadd.f32 v6, v3  }
0x84d: {  	v6 =	vld [tilespmem:s1+$0xD8D0]  }
0x84e: {  	v3 =	vadd.f32 v4, v3  }
0x84f: {  	v4 =	vld [tilespmem:s1+$0xD8E0]  }
0x850: {  	v3 =	vadd.f32 v5, v3  }
0x851: {  	s0 =	sor.u32 s31, s31;
	v5 =	vld [tilespmem:s1+$0xD8F0]  }
0x852: {  	s31 =	sor.u32 $0x5C00, s0;
	v3 =	vadd.f32 v6, v3  }
0x853: {  	v6 =	vld [tilespmem:s31+$0x8080]  }
0x854: {  	v3 =	vadd.f32 v4, v3  }
0x855: {  	v4 =	vld [tilespmem:s31+$0x8090]  }
0x856: {  	v3 =	vadd.f32 v5, v3  }
0x857: {  	v5 =	vld [tilespmem:s31+$0x80A0]  }
0x858: {  	v3 =	vadd.f32 v6, v3  }
0x859: {  	v6 =	vld [tilespmem:s31+$0x80B0]  }
0x85a: {  	v3 =	vadd.f32 v4, v3  }
0x85b: {  	v7 =	vld [tilespmem:s31+$0x80C0]  }
0x85c: {  	v4 =	vadd.f32 v5, v3  }
0x85d: {  	v3 =	vld [tilespmem:s31+$0x80D0]  }
0x85e: {  	v5 =	vadd.f32 v6, v4  }
0x85f: {  	v4 =	vld [tilespmem:s31+$0x80E0]  }
0x860: {  	s0 =	simm.s32 $0x400;
	s1 =	simm.s32 $0x80;
	v6 =	vadd.f32 v7, v5  }
0x861: {  	s8 =	sand.u32 $0x2000, s0;
	s4 =	simm.s32 $0x800;
	s9 =	sand.u32 $0x380, s1;
	v5 =	vld [tilespmem:s31+$0x80F0]  }
.LBB2_14:
0x862: {  	p0 =	sne.s32 s4, $0x3C00;
	s8 =	sor.u32 s9, s8;
	v3 =	vadd.f32 v3, v6  }
0x863: {  	v6 =	vld [tilespmem:s8+$0xC080]  }
0x864: {  	v3 =	vadd.f32 v4, v3  }
0x865: {  	v4 =	vld [tilespmem:s8+$0xC090]  }
0x866: {  	v3 =	vadd.f32 v5, v3  }
0x867: {  	v5 =	vld [tilespmem:s8+$0xC0A0]  }
0x868: {  	v3 =	vadd.f32 v6, v3  }
0x869: {  	v6 =	vld [tilespmem:s8+$0xC0B0]  }
0x86a: {  	v3 =	vadd.f32 v4, v3  }
0x86b: {  	v4 =	vld [tilespmem:s8+$0xC0C0]  }
0x86c: {  	v3 =	vadd.f32 v5, v3  }
0x86d: {  	v5 =	vld [tilespmem:s8+$0xC0D0]  }
0x86e: {  	v3 =	vadd.f32 v6, v3  }
0x86f: {  	v6 =	vld [tilespmem:s8+$0xC0E0]  }
0x870: {  	s9 =	sand.u32 $0xFFFFE000, s0;
	v3 =	vadd.f32 v4, v3  }
0x871: {  	s9 =	sadd.s32 s9, s1;
	v4 =	vld [tilespmem:s8+$0xC0F0]  }
0x872: {  	s10 =	sor.u32 $0x4400, s9;
	v3 =	vadd.f32 v5, v3  }
0x873: {  	v5 =	vld [tilespmem:s10+$0x8080]  }
0x874: {  	v3 =	vadd.f32 v6, v3  }
0x875: {  	v6 =	vld [tilespmem:s10+$0x8090]  }
0x876: {  	v3 =	vadd.f32 v4, v3  }
0x877: {  	v4 =	vld [tilespmem:s10+$0x80A0]  }
0x878: {  	v3 =	vadd.f32 v5, v3  }
0x879: {  	v5 =	vld [tilespmem:s10+$0x80B0]  }
0x87a: {  	v3 =	vadd.f32 v6, v3  }
0x87b: {  	v6 =	vld [tilespmem:s10+$0x80C0]  }
0x87c: {  	v3 =	vadd.f32 v4, v3  }
0x87d: {  	v4 =	vld [tilespmem:s10+$0x80D0]  }
0x87e: {  	v3 =	vadd.f32 v5, v3  }
0x87f: {  	v5 =	vld [tilespmem:s10+$0x80E0]  }
0x880: {  	v3 =	vadd.f32 v6, v3  }
0x881: {  	v6 =	vld [tilespmem:s10+$0x80F0]  }
0x882: {  	v3 =	vadd.f32 v4, v3  }
0x883: {  	v4 =	vld [tilespmem:s8+$0xC880]  }
0x884: {  	v3 =	vadd.f32 v5, v3  }
0x885: {  	v5 =	vld [tilespmem:s8+$0xC890]  }
0x886: {  	v3 =	vadd.f32 v6, v3  }
0x887: {  	v6 =	vld [tilespmem:s8+$0xC8A0]  }
0x888: {  	v3 =	vadd.f32 v4, v3  }
0x889: {  	v4 =	vld [tilespmem:s8+$0xC8B0]  }
0x88a: {  	v3 =	vadd.f32 v5, v3  }
0x88b: {  	v5 =	vld [tilespmem:s8+$0xC8C0]  }
0x88c: {  	v3 =	vadd.f32 v6, v3  }
0x88d: {  	v6 =	vld [tilespmem:s8+$0xC8D0]  }
0x88e: {  	v3 =	vadd.f32 v4, v3  }
0x88f: {  	v4 =	vld [tilespmem:s8+$0xC8E0]  }
0x890: {  	v3 =	vadd.f32 v5, v3  }
0x891: {  	v5 =	vld [tilespmem:s8+$0xC8F0]  }
0x892: {  	s10 =	sor.u32 $0x4C00, s9;
	v3 =	vadd.f32 v6, v3  }
0x893: {  	v6 =	vld [tilespmem:s10+$0x8080]  }
0x894: {  	v3 =	vadd.f32 v4, v3  }
0x895: {  	v4 =	vld [tilespmem:s10+$0x8090]  }
0x896: {  	v3 =	vadd.f32 v5, v3  }
0x897: {  	v5 =	vld [tilespmem:s10+$0x80A0]  }
0x898: {  	v3 =	vadd.f32 v6, v3  }
0x899: {  	v6 =	vld [tilespmem:s10+$0x80B0]  }
0x89a: {  	v3 =	vadd.f32 v4, v3  }
0x89b: {  	v4 =	vld [tilespmem:s10+$0x80C0]  }
0x89c: {  	v3 =	vadd.f32 v5, v3  }
0x89d: {  	v5 =	vld [tilespmem:s10+$0x80D0]  }
0x89e: {  	v3 =	vadd.f32 v6, v3  }
0x89f: {  	v6 =	vld [tilespmem:s10+$0x80E0]  }
0x8a0: {  	v3 =	vadd.f32 v4, v3  }
0x8a1: {  	v4 =	vld [tilespmem:s10+$0x80F0]  }
0x8a2: {  	v3 =	vadd.f32 v5, v3  }
0x8a3: {  	v5 =	vld [tilespmem:s8+$0xD080]  }
0x8a4: {  	v3 =	vadd.f32 v6, v3  }
0x8a5: {  	v6 =	vld [tilespmem:s8+$0xD090]  }
0x8a6: {  	v3 =	vadd.f32 v4, v3  }
0x8a7: {  	v4 =	vld [tilespmem:s8+$0xD0A0]  }
0x8a8: {  	v3 =	vadd.f32 v5, v3  }
0x8a9: {  	v5 =	vld [tilespmem:s8+$0xD0B0]  }
0x8aa: {  	v3 =	vadd.f32 v6, v3  }
0x8ab: {  	v6 =	vld [tilespmem:s8+$0xD0C0]  }
0x8ac: {  	v3 =	vadd.f32 v4, v3  }
0x8ad: {  	v4 =	vld [tilespmem:s8+$0xD0D0]  }
0x8ae: {  	v3 =	vadd.f32 v5, v3  }
0x8af: {  	v5 =	vld [tilespmem:s8+$0xD0E0]  }
0x8b0: {  	v3 =	vadd.f32 v6, v3  }
0x8b1: {  	v6 =	vld [tilespmem:s8+$0xD0F0]  }
0x8b2: {  	s9 =	sor.u32 $0x5400, s9;
	v3 =	vadd.f32 v4, v3  }
0x8b3: {  	v4 =	vld [tilespmem:s9+$0x8080]  }
0x8b4: {  	v3 =	vadd.f32 v5, v3  }
0x8b5: {  	v5 =	vld [tilespmem:s9+$0x8090]  }
0x8b6: {  	v3 =	vadd.f32 v6, v3  }
0x8b7: {  	v6 =	vld [tilespmem:s9+$0x80A0]  }
0x8b8: {  	v3 =	vadd.f32 v4, v3  }
0x8b9: {  	v4 =	vld [tilespmem:s9+$0x80B0]  }
0x8ba: {  	v3 =	vadd.f32 v5, v3  }
0x8bb: {  	v5 =	vld [tilespmem:s9+$0x80C0]  }
0x8bc: {  	v3 =	vadd.f32 v6, v3  }
0x8bd: {  	v6 =	vld [tilespmem:s9+$0x80D0]  }
0x8be: {  	v3 =	vadd.f32 v4, v3  }
0x8bf: {  	v4 =	vld [tilespmem:s9+$0x80E0]  }
0x8c0: {  	v3 =	vadd.f32 v5, v3  }
0x8c1: {  	v5 =	vld [tilespmem:s9+$0x80F0]  }
0x8c2: {  	v3 =	vadd.f32 v6, v3  }
0x8c3: {  	v6 =	vld [tilespmem:s8+$0xD880]  }
0x8c4: {  	v3 =	vadd.f32 v4, v3  }
0x8c5: {  	v4 =	vld [tilespmem:s8+$0xD890]  }
0x8c6: {  	v3 =	vadd.f32 v5, v3  }
0x8c7: {  	v5 =	vld [tilespmem:s8+$0xD8A0]  }
0x8c8: {  	v3 =	vadd.f32 v6, v3  }
0x8c9: {  	v6 =	vld [tilespmem:s8+$0xD8B0]  }
0x8ca: {  	v3 =	vadd.f32 v4, v3  }
0x8cb: {  	v4 =	vld [tilespmem:s8+$0xD8C0]  }
0x8cc: {  	v3 =	vadd.f32 v5, v3  }
0x8cd: {  	v5 =	vld [tilespmem:s8+$0xD8D0]  }
0x8ce: {  	v3 =	vadd.f32 v6, v3  }
0x8cf: {  	v6 =	vld [tilespmem:s8+$0xD8E0]  }
0x8d0: {  	v3 =	vadd.f32 v4, v3  }
0x8d1: {  	v4 =	vld [tilespmem:s8+$0xD8F0];
	s8 =	sor.u32 s0, s1;
	s0 =	smov.u32 s4  }
0x8d2: {  	v3 =	vadd.f32 v5, v3;
	s10 =	sor.u32 $0x5C00, s8  }
0x8d3: {  	v5 =	vld [tilespmem:s10+$0x8080]  }
0x8d4: {  	v3 =	vadd.f32 v6, v3  }
0x8d5: {  	v6 =	vld [tilespmem:s10+$0x8090]  }
0x8d6: {  	v3 =	vadd.f32 v4, v3  }
0x8d7: {  	v4 =	vld [tilespmem:s10+$0x80A0]  }
0x8d8: {  	v3 =	vadd.f32 v5, v3  }
0x8d9: {  	v5 =	vld [tilespmem:s10+$0x80B0]  }
0x8da: {  	v3 =	vadd.f32 v6, v3  }
0x8db: {  	v6 =	vld [tilespmem:s10+$0x80C0]  }
0x8dc: {  	v4 =	vadd.f32 v4, v3  }
.Ltmp6:
0x8dd: {  	v3 =	vld [tilespmem:s10+$0x80D0];
	(pc) =	sbr.rel @p0 .LBB2_14-.Ltmp6, $4  }
0x8de: {  	v5 =	vadd.f32 v5, v4  }
0x8df: {  	v4 =	vld [tilespmem:s10+$0x80E0]  }
0x8e0: {  	s1 =	sadd.s32 $0x80, s1;
	v6 =	vadd.f32 v6, v5  }
0x8e1: {  	s4 =	sadd.s32 $0x400, s4;
	s8 =	sand.u32 $0x2000, s0;
	s9 =	sand.u32 $0x380, s1;
	v5 =	vld [tilespmem:s10+$0x80F0]  }
0x8e2: {  	s4 =	sor.u32 s9, s8;
	v3 =	vadd.f32 v3, v6  }
0x8e3: {  	v6 =	vld [tilespmem:s4+$0xC080]  }
0x8e4: {  	v3 =	vadd.f32 v4, v3  }
0x8e5: {  	v4 =	vld [tilespmem:s4+$0xC090]  }
0x8e6: {  	v3 =	vadd.f32 v5, v3  }
0x8e7: {  	v5 =	vld [tilespmem:s4+$0xC0A0]  }
0x8e8: {  	v3 =	vadd.f32 v6, v3  }
0x8e9: {  	v6 =	vld [tilespmem:s4+$0xC0B0]  }
0x8ea: {  	v3 =	vadd.f32 v4, v3  }
0x8eb: {  	v4 =	vld [tilespmem:s4+$0xC0C0]  }
0x8ec: {  	v3 =	vadd.f32 v5, v3  }
0x8ed: {  	v5 =	vld [tilespmem:s4+$0xC0D0]  }
0x8ee: {  	v3 =	vadd.f32 v6, v3  }
0x8ef: {  	v6 =	vld [tilespmem:s4+$0xC0E0]  }
0x8f0: {  	s17 =	sand.u32 $0xFFFFE000, s0;
	v3 =	vadd.f32 v4, v3  }
0x8f1: {  	s8 =	sadd.s32 s17, s1;
	v4 =	vld [tilespmem:s4+$0xC0F0]  }
0x8f2: {  	s18 =	sor.u32 $0x4400, s8;
	v3 =	vadd.f32 v5, v3  }
0x8f3: {  	v5 =	vld [tilespmem:s18+$0x8080]  }
0x8f4: {  	v3 =	vadd.f32 v6, v3  }
0x8f5: {  	v6 =	vld [tilespmem:s18+$0x8090]  }
0x8f6: {  	v3 =	vadd.f32 v4, v3  }
0x8f7: {  	v4 =	vld [tilespmem:s18+$0x80A0]  }
0x8f8: {  	v3 =	vadd.f32 v5, v3  }
0x8f9: {  	v5 =	vld [tilespmem:s18+$0x80B0]  }
0x8fa: {  	v3 =	vadd.f32 v6, v3  }
0x8fb: {  	v6 =	vld [tilespmem:s18+$0x80C0]  }
0x8fc: {  	v3 =	vadd.f32 v4, v3  }
0x8fd: {  	v4 =	vld [tilespmem:s18+$0x80D0]  }
0x8fe: {  	v3 =	vadd.f32 v5, v3  }
0x8ff: {  	v5 =	vld [tilespmem:s18+$0x80E0]  }
0x900: {  	v3 =	vadd.f32 v6, v3  }
0x901: {  	v6 =	vld [tilespmem:s18+$0x80F0]  }
0x902: {  	v3 =	vadd.f32 v4, v3  }
0x903: {  	v4 =	vld [tilespmem:s4+$0xC880]  }
0x904: {  	v3 =	vadd.f32 v5, v3  }
0x905: {  	v5 =	vld [tilespmem:s4+$0xC890]  }
0x906: {  	v3 =	vadd.f32 v6, v3  }
0x907: {  	v6 =	vld [tilespmem:s4+$0xC8A0]  }
0x908: {  	v3 =	vadd.f32 v4, v3  }
0x909: {  	v4 =	vld [tilespmem:s4+$0xC8B0]  }
0x90a: {  	v3 =	vadd.f32 v5, v3  }
0x90b: {  	v5 =	vld [tilespmem:s4+$0xC8C0]  }
0x90c: {  	v3 =	vadd.f32 v6, v3  }
0x90d: {  	v6 =	vld [tilespmem:s4+$0xC8D0]  }
0x90e: {  	v3 =	vadd.f32 v4, v3  }
0x90f: {  	v4 =	vld [tilespmem:s4+$0xC8E0]  }
0x910: {  	v3 =	vadd.f32 v5, v3  }
0x911: {  	v5 =	vld [tilespmem:s4+$0xC8F0]  }
0x912: {  	s31 =	sor.u32 $0x4C00, s8;
	v3 =	vadd.f32 v6, v3  }
0x913: {  	v6 =	vld [tilespmem:s31+$0x8080]  }
0x914: {  	v3 =	vadd.f32 v4, v3  }
0x915: {  	v4 =	vld [tilespmem:s31+$0x8090]  }
0x916: {  	v3 =	vadd.f32 v5, v3  }
0x917: {  	v5 =	vld [tilespmem:s31+$0x80A0]  }
0x918: {  	v3 =	vadd.f32 v6, v3  }
0x919: {  	v6 =	vld [tilespmem:s31+$0x80B0]  }
0x91a: {  	v3 =	vadd.f32 v4, v3  }
0x91b: {  	v4 =	vld [tilespmem:s31+$0x80C0]  }
0x91c: {  	v3 =	vadd.f32 v5, v3  }
0x91d: {  	v5 =	vld [tilespmem:s31+$0x80D0]  }
0x91e: {  	v3 =	vadd.f32 v6, v3  }
0x91f: {  	v6 =	vld [tilespmem:s31+$0x80E0]  }
0x920: {  	v3 =	vadd.f32 v4, v3  }
0x921: {  	v4 =	vld [tilespmem:s31+$0x80F0]  }
0x922: {  	v3 =	vadd.f32 v5, v3  }
0x923: {  	v5 =	vld [tilespmem:s4+$0xD080]  }
0x924: {  	v3 =	vadd.f32 v6, v3  }
0x925: {  	v6 =	vld [tilespmem:s4+$0xD090]  }
0x926: {  	v3 =	vadd.f32 v4, v3  }
0x927: {  	v4 =	vld [tilespmem:s4+$0xD0A0]  }
0x928: {  	v3 =	vadd.f32 v5, v3  }
0x929: {  	v5 =	vld [tilespmem:s4+$0xD0B0]  }
0x92a: {  	v3 =	vadd.f32 v6, v3  }
0x92b: {  	v6 =	vld [tilespmem:s4+$0xD0C0]  }
0x92c: {  	v3 =	vadd.f32 v4, v3  }
0x92d: {  	v4 =	vld [tilespmem:s4+$0xD0D0]  }
0x92e: {  	v3 =	vadd.f32 v5, v3  }
0x92f: {  	v5 =	vld [tilespmem:s4+$0xD0E0]  }
0x930: {  	v3 =	vadd.f32 v6, v3  }
0x931: {  	v6 =	vld [tilespmem:s4+$0xD0F0]  }
0x932: {  	s8 =	sor.u32 $0x5400, s8;
	v3 =	vadd.f32 v4, v3  }
0x933: {  	v4 =	vld [tilespmem:s8+$0x8080]  }
0x934: {  	v3 =	vadd.f32 v5, v3  }
0x935: {  	v5 =	vld [tilespmem:s8+$0x8090]  }
0x936: {  	v3 =	vadd.f32 v6, v3  }
0x937: {  	v6 =	vld [tilespmem:s8+$0x80A0]  }
0x938: {  	v3 =	vadd.f32 v4, v3  }
0x939: {  	v4 =	vld [tilespmem:s8+$0x80B0]  }
0x93a: {  	v3 =	vadd.f32 v5, v3  }
0x93b: {  	v5 =	vld [tilespmem:s8+$0x80C0]  }
0x93c: {  	v3 =	vadd.f32 v6, v3  }
0x93d: {  	v6 =	vld [tilespmem:s8+$0x80D0]  }
0x93e: {  	v3 =	vadd.f32 v4, v3  }
0x93f: {  	v4 =	vld [tilespmem:s8+$0x80E0]  }
0x940: {  	v3 =	vadd.f32 v5, v3  }
0x941: {  	v5 =	vld [tilespmem:s8+$0x80F0]  }
0x942: {  	v3 =	vadd.f32 v6, v3  }
0x943: {  	v6 =	vld [tilespmem:s4+$0xD880]  }
0x944: {  	v3 =	vadd.f32 v4, v3  }
0x945: {  	v4 =	vld [tilespmem:s4+$0xD890]  }
0x946: {  	v3 =	vadd.f32 v5, v3  }
0x947: {  	v5 =	vld [tilespmem:s4+$0xD8A0]  }
0x948: {  	v3 =	vadd.f32 v6, v3  }
0x949: {  	v6 =	vld [tilespmem:s4+$0xD8B0]  }
0x94a: {  	v3 =	vadd.f32 v4, v3  }
0x94b: {  	v4 =	vld [tilespmem:s4+$0xD8C0]  }
0x94c: {  	v3 =	vadd.f32 v5, v3  }
0x94d: {  	v5 =	vld [tilespmem:s4+$0xD8D0]  }
0x94e: {  	v3 =	vadd.f32 v6, v3  }
0x94f: {  	v6 =	vld [tilespmem:s4+$0xD8E0]  }
0x950: {  	v3 =	vadd.f32 v4, v3  }
0x951: {  	s8 =	sor.u32 s0, s1;
	v4 =	vld [tilespmem:s4+$0xD8F0]  }
0x952: {  	s0 =	sor.u32 $0x5C00, s8;
	v3 =	vadd.f32 v5, v3  }
0x953: {  	v5 =	vld [tilespmem:s0+$0x8080]  }
0x954: {  	v3 =	vadd.f32 v6, v3  }
0x955: {  	v6 =	vld [tilespmem:s0+$0x8090]  }
0x956: {  	v3 =	vadd.f32 v4, v3  }
0x957: {  	v4 =	vld [tilespmem:s0+$0x80A0]  }
0x958: {  	v3 =	vadd.f32 v5, v3  }
0x959: {  	v5 =	vld [tilespmem:s0+$0x80B0]  }
0x95a: {  	v3 =	vadd.f32 v6, v3  }
0x95b: {  	v6 =	vld [tilespmem:s0+$0x80C0]  }
0x95c: {  	v3 =	vadd.f32 v4, v3  }
0x95d: {  	v4 =	vld [tilespmem:s0+$0x80D0]  }
0x95e: {  	v7 =	vld [tilespmem:s0+$0x80F0];
	v3 =	vadd.f32 v5, v3  }
0x95f: {  	v5 =	vld [tilespmem:s0+$0x80E0];
	s0 =	simm.s32 $0x0  }
0x960: {  	_ =	swait.ge [sflag:s26], $0x4000;
	s9 =	sand.u32 $0x2000, s0;
	s10 =	sand.u32 $0x380, s0;
	v3 =	vadd.f32 v6, v3  }
0x961: {  	[sflag:s26] =	ssyncset.done $0x0;
	s1 =	sor.u32 s10, s9  }
0x962: {  	[sflag:s26] =	ssyncadd.s32 $0xFFFFC000;
	s1 =	sadd.s32 $0x8080, s1;
	v3 =	vadd.f32 v4, v3  }
0x963: {  	v4 =	vld [tilespmem:s1+$0x8000]  }
0x964: {  	v3 =	vadd.f32 v5, v3  }
0x965: {  	v5 =	vld [tilespmem:s1+$0x8010]  }
0x966: {  	v3 =	vadd.f32 v7, v3  }
0x967: {  	v6 =	vld [tilespmem:s1+$0x8020]  }
0x968: {  	v3 =	vadd.f32 v4, v3  }
0x969: {  	v4 =	vld [tilespmem:s1+$0x8030]  }
0x96a: {  	v3 =	vadd.f32 v5, v3  }
0x96b: {  	v5 =	vld [tilespmem:s1+$0x8040]  }
0x96c: {  	v3 =	vadd.f32 v6, v3  }
0x96d: {  	v6 =	vld [tilespmem:s1+$0x8050]  }
0x96e: {  	v3 =	vadd.f32 v4, v3  }
0x96f: {  	v4 =	vld [tilespmem:s1+$0x8060]  }
0x970: {  	s17 =	sand.u32 $0xFFFFE000, s0;
	v3 =	vadd.f32 v5, v3  }
0x971: {  	s4 =	sadd.s32 $0x0, s17;
	v5 =	vld [tilespmem:s1+$0x8070]  }
0x972: {  	s18 =	sor.u32 $0x8400, s4;
	v3 =	vadd.f32 v6, v3  }
0x973: {  	v6 =	vld [tilespmem:s18+$0x8080]  }
0x974: {  	v3 =	vadd.f32 v4, v3  }
0x975: {  	v4 =	vld [tilespmem:s18+$0x8090]  }
0x976: {  	v3 =	vadd.f32 v5, v3  }
0x977: {  	v5 =	vld [tilespmem:s18+$0x80A0]  }
0x978: {  	v3 =	vadd.f32 v6, v3  }
0x979: {  	v6 =	vld [tilespmem:s18+$0x80B0]  }
0x97a: {  	v3 =	vadd.f32 v4, v3  }
0x97b: {  	v4 =	vld [tilespmem:s18+$0x80C0]  }
0x97c: {  	v3 =	vadd.f32 v5, v3  }
0x97d: {  	v5 =	vld [tilespmem:s18+$0x80D0]  }
0x97e: {  	v3 =	vadd.f32 v6, v3  }
0x97f: {  	v6 =	vld [tilespmem:s18+$0x80E0]  }
0x980: {  	v3 =	vadd.f32 v4, v3  }
0x981: {  	v4 =	vld [tilespmem:s18+$0x80F0]  }
0x982: {  	v3 =	vadd.f32 v5, v3  }
0x983: {  	v5 =	vld [tilespmem:s1+$0x8800]  }
0x984: {  	v3 =	vadd.f32 v6, v3  }
0x985: {  	v6 =	vld [tilespmem:s1+$0x8810]  }
0x986: {  	v3 =	vadd.f32 v4, v3  }
0x987: {  	v4 =	vld [tilespmem:s1+$0x8820]  }
0x988: {  	v3 =	vadd.f32 v5, v3  }
0x989: {  	v5 =	vld [tilespmem:s1+$0x8830]  }
0x98a: {  	v3 =	vadd.f32 v6, v3  }
0x98b: {  	v6 =	vld [tilespmem:s1+$0x8840]  }
0x98c: {  	v3 =	vadd.f32 v4, v3  }
0x98d: {  	v4 =	vld [tilespmem:s1+$0x8850]  }
0x98e: {  	v3 =	vadd.f32 v5, v3  }
0x98f: {  	v5 =	vld [tilespmem:s1+$0x8860]  }
0x990: {  	v3 =	vadd.f32 v6, v3  }
0x991: {  	v6 =	vld [tilespmem:s1+$0x8870]  }
0x992: {  	s31 =	sor.u32 $0x8C00, s4;
	v3 =	vadd.f32 v4, v3  }
0x993: {  	v4 =	vld [tilespmem:s31+$0x8080]  }
0x994: {  	v3 =	vadd.f32 v5, v3  }
0x995: {  	v5 =	vld [tilespmem:s31+$0x8090]  }
0x996: {  	v3 =	vadd.f32 v6, v3  }
0x997: {  	v6 =	vld [tilespmem:s31+$0x80A0]  }
0x998: {  	v3 =	vadd.f32 v4, v3  }
0x999: {  	v4 =	vld [tilespmem:s31+$0x80B0]  }
0x99a: {  	v3 =	vadd.f32 v5, v3  }
0x99b: {  	v5 =	vld [tilespmem:s31+$0x80C0]  }
0x99c: {  	v3 =	vadd.f32 v6, v3  }
0x99d: {  	v6 =	vld [tilespmem:s31+$0x80D0]  }
0x99e: {  	v3 =	vadd.f32 v4, v3  }
0x99f: {  	v4 =	vld [tilespmem:s31+$0x80E0]  }
0x9a0: {  	v3 =	vadd.f32 v5, v3  }
0x9a1: {  	v5 =	vld [tilespmem:s31+$0x80F0]  }
0x9a2: {  	v3 =	vadd.f32 v6, v3  }
0x9a3: {  	v6 =	vld [tilespmem:s1+$0x9000]  }
0x9a4: {  	v3 =	vadd.f32 v4, v3  }
0x9a5: {  	v4 =	vld [tilespmem:s1+$0x9010]  }
0x9a6: {  	v3 =	vadd.f32 v5, v3  }
0x9a7: {  	v5 =	vld [tilespmem:s1+$0x9020]  }
0x9a8: {  	v3 =	vadd.f32 v6, v3  }
0x9a9: {  	v6 =	vld [tilespmem:s1+$0x9030]  }
0x9aa: {  	v3 =	vadd.f32 v4, v3  }
0x9ab: {  	v4 =	vld [tilespmem:s1+$0x9040]  }
0x9ac: {  	v3 =	vadd.f32 v5, v3  }
0x9ad: {  	v5 =	vld [tilespmem:s1+$0x9050]  }
0x9ae: {  	v3 =	vadd.f32 v6, v3  }
0x9af: {  	v6 =	vld [tilespmem:s1+$0x9060]  }
0x9b0: {  	v3 =	vadd.f32 v4, v3  }
0x9b1: {  	v4 =	vld [tilespmem:s1+$0x9070]  }
0x9b2: {  	s4 =	sor.u32 $0x9400, s4;
	v3 =	vadd.f32 v5, v3  }
0x9b3: {  	v5 =	vld [tilespmem:s4+$0x8080]  }
0x9b4: {  	v3 =	vadd.f32 v6, v3  }
0x9b5: {  	v6 =	vld [tilespmem:s4+$0x8090]  }
0x9b6: {  	v3 =	vadd.f32 v4, v3  }
0x9b7: {  	v4 =	vld [tilespmem:s4+$0x80A0]  }
0x9b8: {  	v3 =	vadd.f32 v5, v3  }
0x9b9: {  	v5 =	vld [tilespmem:s4+$0x80B0]  }
0x9ba: {  	v3 =	vadd.f32 v6, v3  }
0x9bb: {  	v6 =	vld [tilespmem:s4+$0x80C0]  }
0x9bc: {  	v3 =	vadd.f32 v4, v3  }
0x9bd: {  	v4 =	vld [tilespmem:s4+$0x80D0]  }
0x9be: {  	v3 =	vadd.f32 v5, v3  }
0x9bf: {  	v5 =	vld [tilespmem:s4+$0x80E0]  }
0x9c0: {  	v3 =	vadd.f32 v6, v3  }
0x9c1: {  	v6 =	vld [tilespmem:s4+$0x80F0]  }
0x9c2: {  	v3 =	vadd.f32 v4, v3  }
0x9c3: {  	v4 =	vld [tilespmem:s1+$0x9800]  }
0x9c4: {  	v3 =	vadd.f32 v5, v3  }
0x9c5: {  	v5 =	vld [tilespmem:s1+$0x9810]  }
0x9c6: {  	v3 =	vadd.f32 v6, v3  }
0x9c7: {  	v6 =	vld [tilespmem:s1+$0x9820]  }
0x9c8: {  	v3 =	vadd.f32 v4, v3  }
0x9c9: {  	v4 =	vld [tilespmem:s1+$0x9830]  }
0x9ca: {  	v3 =	vadd.f32 v5, v3  }
0x9cb: {  	v5 =	vld [tilespmem:s1+$0x9840]  }
0x9cc: {  	v3 =	vadd.f32 v6, v3  }
0x9cd: {  	v6 =	vld [tilespmem:s1+$0x9850]  }
0x9ce: {  	v3 =	vadd.f32 v4, v3  }
0x9cf: {  	v4 =	vld [tilespmem:s1+$0x9860]  }
0x9d0: {  	v3 =	vadd.f32 v5, v3  }
0x9d1: {  	s0 =	sor.u32 s0, s0;
	v5 =	vld [tilespmem:s1+$0x9870]  }
0x9d2: {  	s8 =	sor.u32 $0x9C00, s0;
	v3 =	vadd.f32 v6, v3  }
0x9d3: {  	v6 =	vld [tilespmem:s8+$0x8080]  }
0x9d4: {  	v3 =	vadd.f32 v4, v3  }
0x9d5: {  	v4 =	vld [tilespmem:s8+$0x8090]  }
0x9d6: {  	v3 =	vadd.f32 v5, v3  }
0x9d7: {  	v5 =	vld [tilespmem:s8+$0x80A0]  }
0x9d8: {  	v3 =	vadd.f32 v6, v3  }
0x9d9: {  	v6 =	vld [tilespmem:s8+$0x80B0]  }
0x9da: {  	v3 =	vadd.f32 v4, v3  }
0x9db: {  	v7 =	vld [tilespmem:s8+$0x80C0]  }
0x9dc: {  	v3 =	vadd.f32 v5, v3  }
0x9dd: {  	v4 =	vld [tilespmem:s8+$0x80D0]  }
0x9de: {  	v5 =	vadd.f32 v6, v3  }
0x9df: {  	s0 =	simm.s32 $0x400;
	s1 =	simm.s32 $0x80;
	v3 =	vld [tilespmem:s8+$0x80E0]  }
0x9e0: {  	s9 =	sand.u32 $0x2000, s0;
	s4 =	simm.s32 $0x800;
	s10 =	sand.u32 $0x380, s1;
	v5 =	vadd.f32 v7, v5  }
.LBB2_16:
0x9e1: {  	p0 =	sne.s32 s4, $0x3C00;
	s9 =	sor.u32 s10, s9;
	v6 =	vld [tilespmem:s8+$0x80F0]  }
0x9e2: {  	s8 =	sadd.s32 $0x8080, s9;
	v4 =	vadd.f32 v4, v5  }
0x9e3: {  	v5 =	vld [tilespmem:s8+$0x8000]  }
0x9e4: {  	v3 =	vadd.f32 v3, v4  }
0x9e5: {  	v4 =	vld [tilespmem:s8+$0x8010]  }
0x9e6: {  	v3 =	vadd.f32 v6, v3  }
0x9e7: {  	v6 =	vld [tilespmem:s8+$0x8020]  }
0x9e8: {  	v3 =	vadd.f32 v5, v3  }
0x9e9: {  	v5 =	vld [tilespmem:s8+$0x8030]  }
0x9ea: {  	v3 =	vadd.f32 v4, v3  }
0x9eb: {  	v4 =	vld [tilespmem:s8+$0x8040]  }
0x9ec: {  	v3 =	vadd.f32 v6, v3  }
0x9ed: {  	v6 =	vld [tilespmem:s8+$0x8050]  }
0x9ee: {  	v3 =	vadd.f32 v5, v3  }
0x9ef: {  	v5 =	vld [tilespmem:s8+$0x8060]  }
0x9f0: {  	s9 =	sand.u32 $0xFFFFE000, s0;
	v3 =	vadd.f32 v4, v3  }
0x9f1: {  	s9 =	sadd.s32 s9, s1;
	v4 =	vld [tilespmem:s8+$0x8070]  }
0x9f2: {  	s10 =	sor.u32 $0x8400, s9;
	v3 =	vadd.f32 v6, v3  }
0x9f3: {  	v6 =	vld [tilespmem:s10+$0x8080]  }
0x9f4: {  	v3 =	vadd.f32 v5, v3  }
0x9f5: {  	v5 =	vld [tilespmem:s10+$0x8090]  }
0x9f6: {  	v3 =	vadd.f32 v4, v3  }
0x9f7: {  	v4 =	vld [tilespmem:s10+$0x80A0]  }
0x9f8: {  	v3 =	vadd.f32 v6, v3  }
0x9f9: {  	v6 =	vld [tilespmem:s10+$0x80B0]  }
0x9fa: {  	v3 =	vadd.f32 v5, v3  }
0x9fb: {  	v5 =	vld [tilespmem:s10+$0x80C0]  }
0x9fc: {  	v3 =	vadd.f32 v4, v3  }
0x9fd: {  	v4 =	vld [tilespmem:s10+$0x80D0]  }
0x9fe: {  	v3 =	vadd.f32 v6, v3  }
0x9ff: {  	v6 =	vld [tilespmem:s10+$0x80E0]  }
0xa00: {  	v3 =	vadd.f32 v5, v3  }
0xa01: {  	v5 =	vld [tilespmem:s10+$0x80F0]  }
0xa02: {  	v3 =	vadd.f32 v4, v3  }
0xa03: {  	v4 =	vld [tilespmem:s8+$0x8800]  }
0xa04: {  	v3 =	vadd.f32 v6, v3  }
0xa05: {  	v6 =	vld [tilespmem:s8+$0x8810]  }
0xa06: {  	v3 =	vadd.f32 v5, v3  }
0xa07: {  	v5 =	vld [tilespmem:s8+$0x8820]  }
0xa08: {  	v3 =	vadd.f32 v4, v3  }
0xa09: {  	v4 =	vld [tilespmem:s8+$0x8830]  }
0xa0a: {  	v3 =	vadd.f32 v6, v3  }
0xa0b: {  	v6 =	vld [tilespmem:s8+$0x8840]  }
0xa0c: {  	v3 =	vadd.f32 v5, v3  }
0xa0d: {  	v5 =	vld [tilespmem:s8+$0x8850]  }
0xa0e: {  	v3 =	vadd.f32 v4, v3  }
0xa0f: {  	v4 =	vld [tilespmem:s8+$0x8860]  }
0xa10: {  	v3 =	vadd.f32 v6, v3  }
0xa11: {  	v6 =	vld [tilespmem:s8+$0x8870]  }
0xa12: {  	s10 =	sor.u32 $0x8C00, s9;
	v3 =	vadd.f32 v5, v3  }
0xa13: {  	v5 =	vld [tilespmem:s10+$0x8080]  }
0xa14: {  	v3 =	vadd.f32 v4, v3  }
0xa15: {  	v4 =	vld [tilespmem:s10+$0x8090]  }
0xa16: {  	v3 =	vadd.f32 v6, v3  }
0xa17: {  	v6 =	vld [tilespmem:s10+$0x80A0]  }
0xa18: {  	v3 =	vadd.f32 v5, v3  }
0xa19: {  	v5 =	vld [tilespmem:s10+$0x80B0]  }
0xa1a: {  	v3 =	vadd.f32 v4, v3  }
0xa1b: {  	v4 =	vld [tilespmem:s10+$0x80C0]  }
0xa1c: {  	v3 =	vadd.f32 v6, v3  }
0xa1d: {  	v6 =	vld [tilespmem:s10+$0x80D0]  }
0xa1e: {  	v3 =	vadd.f32 v5, v3  }
0xa1f: {  	v5 =	vld [tilespmem:s10+$0x80E0]  }
0xa20: {  	v3 =	vadd.f32 v4, v3  }
0xa21: {  	v4 =	vld [tilespmem:s10+$0x80F0]  }
0xa22: {  	v3 =	vadd.f32 v6, v3  }
0xa23: {  	v6 =	vld [tilespmem:s8+$0x9000]  }
0xa24: {  	v3 =	vadd.f32 v5, v3  }
0xa25: {  	v5 =	vld [tilespmem:s8+$0x9010]  }
0xa26: {  	v3 =	vadd.f32 v4, v3  }
0xa27: {  	v4 =	vld [tilespmem:s8+$0x9020]  }
0xa28: {  	v3 =	vadd.f32 v6, v3  }
0xa29: {  	v6 =	vld [tilespmem:s8+$0x9030]  }
0xa2a: {  	v3 =	vadd.f32 v5, v3  }
0xa2b: {  	v5 =	vld [tilespmem:s8+$0x9040]  }
0xa2c: {  	v3 =	vadd.f32 v4, v3  }
0xa2d: {  	v4 =	vld [tilespmem:s8+$0x9050]  }
0xa2e: {  	v3 =	vadd.f32 v6, v3  }
0xa2f: {  	v6 =	vld [tilespmem:s8+$0x9060]  }
0xa30: {  	v3 =	vadd.f32 v5, v3  }
0xa31: {  	v5 =	vld [tilespmem:s8+$0x9070]  }
0xa32: {  	s9 =	sor.u32 $0x9400, s9;
	v3 =	vadd.f32 v4, v3  }
0xa33: {  	v4 =	vld [tilespmem:s9+$0x8080]  }
0xa34: {  	v3 =	vadd.f32 v6, v3  }
0xa35: {  	v6 =	vld [tilespmem:s9+$0x8090]  }
0xa36: {  	v3 =	vadd.f32 v5, v3  }
0xa37: {  	v5 =	vld [tilespmem:s9+$0x80A0]  }
0xa38: {  	v3 =	vadd.f32 v4, v3  }
0xa39: {  	v4 =	vld [tilespmem:s9+$0x80B0]  }
0xa3a: {  	v3 =	vadd.f32 v6, v3  }
0xa3b: {  	v6 =	vld [tilespmem:s9+$0x80C0]  }
0xa3c: {  	v3 =	vadd.f32 v5, v3  }
0xa3d: {  	v5 =	vld [tilespmem:s9+$0x80D0]  }
0xa3e: {  	v3 =	vadd.f32 v4, v3  }
0xa3f: {  	v4 =	vld [tilespmem:s9+$0x80E0]  }
0xa40: {  	v3 =	vadd.f32 v6, v3  }
0xa41: {  	v6 =	vld [tilespmem:s9+$0x80F0]  }
0xa42: {  	v3 =	vadd.f32 v5, v3  }
0xa43: {  	v5 =	vld [tilespmem:s8+$0x9800]  }
0xa44: {  	v3 =	vadd.f32 v4, v3  }
0xa45: {  	v4 =	vld [tilespmem:s8+$0x9810]  }
0xa46: {  	v3 =	vadd.f32 v6, v3  }
0xa47: {  	v6 =	vld [tilespmem:s8+$0x9820]  }
0xa48: {  	v3 =	vadd.f32 v5, v3  }
0xa49: {  	v5 =	vld [tilespmem:s8+$0x9830]  }
0xa4a: {  	v3 =	vadd.f32 v4, v3  }
0xa4b: {  	v4 =	vld [tilespmem:s8+$0x9840]  }
0xa4c: {  	v3 =	vadd.f32 v6, v3  }
0xa4d: {  	v6 =	vld [tilespmem:s8+$0x9850]  }
0xa4e: {  	v3 =	vadd.f32 v5, v3  }
0xa4f: {  	v5 =	vld [tilespmem:s8+$0x9860]  }
0xa50: {  	v3 =	vadd.f32 v4, v3  }
0xa51: {  	v4 =	vld [tilespmem:s8+$0x9870];
	s8 =	sor.u32 s0, s1;
	s0 =	smov.u32 s4  }
0xa52: {  	v3 =	vadd.f32 v6, v3;
	s8 =	sor.u32 $0x9C00, s8  }
0xa53: {  	v6 =	vld [tilespmem:s8+$0x8080]  }
0xa54: {  	v3 =	vadd.f32 v5, v3  }
0xa55: {  	v5 =	vld [tilespmem:s8+$0x8090]  }
0xa56: {  	v3 =	vadd.f32 v4, v3  }
0xa57: {  	v4 =	vld [tilespmem:s8+$0x80A0]  }
0xa58: {  	v3 =	vadd.f32 v6, v3  }
0xa59: {  	v6 =	vld [tilespmem:s8+$0x80B0]  }
0xa5a: {  	v3 =	vadd.f32 v5, v3  }
0xa5b: {  	v5 =	vld [tilespmem:s8+$0x80C0]  }
.Ltmp7:
0xa5c: {  	v3 =	vadd.f32 v4, v3;
	(pc) =	sbr.rel @p0 .LBB2_16-.Ltmp7, $4  }
0xa5d: {  	v4 =	vld [tilespmem:s8+$0x80D0]  }
0xa5e: {  	v6 =	vadd.f32 v6, v3  }
0xa5f: {  	s1 =	sadd.s32 $0x80, s1;
	v3 =	vld [tilespmem:s8+$0x80E0]  }
0xa60: {  	s4 =	sadd.s32 $0x400, s4;
	s9 =	sand.u32 $0x2000, s0;
	s10 =	sand.u32 $0x380, s1;
	v5 =	vadd.f32 v5, v6  }
0xa61: {  	s4 =	sor.u32 s10, s9  }
0xa62: {  	v6 =	vld [tilespmem:s8+$0x80F0];
	s4 =	sadd.s32 $0x8080, s4  }
0xa63: {  	v7 =	vld [tilespmem:s4+$0x8000]  }
0xa64: {  	v8 =	vld [tilespmem:s4+$0x8010]  }
0xa65: {  	v4 =	vadd.f32 v4, v5;
	v9 =	vld [tilespmem:s4+$0x8020]  }
0xa66: {  	v55 =	vld [tilespmem:s4+$0x8030]  }
0xa67: {  	v10 =	vld [tilespmem:s4+$0x8040];
	v3 =	vadd.f32 v3, v4  }
0xa68: {  	v56 =	vld [tilespmem:s4+$0x8050]  }
0xa69: {  	v11 =	vld [tilespmem:s4+$0x8060];
	v3 =	vadd.f32 v6, v3  }
0xa6a: {  	v57 =	vld [tilespmem:s4+$0x8070]  }
0xa6b: {  	v39 =	vld [tilespmem:s4+$0x8800];
	v3 =	vadd.f32 v7, v3  }
0xa6c: {  	v40 =	vld [tilespmem:s4+$0x8810]  }
0xa6d: {  	v41 =	vld [tilespmem:s4+$0x8820];
	v3 =	vadd.f32 v8, v3  }
0xa6e: {  	v42 =	vld [tilespmem:s4+$0x8830]  }
0xa6f: {  	v43 =	vld [tilespmem:s4+$0x8840];
	v3 =	vadd.f32 v9, v3  }
0xa70: {  	v44 =	vld [tilespmem:s4+$0x8850]  }
0xa71: {  	v27 =	vld [tilespmem:s4+$0x8860];
	v3 =	vadd.f32 v55, v3  }
0xa72: {  	v45 =	vld [tilespmem:s4+$0x8870]  }
0xa73: {  	s17 =	sand.u32 $0xFFFFE000, s0;
	v28 =	vld [tilespmem:s4+$0x9000];
	v3 =	vadd.f32 v10, v3  }
0xa74: {  	s8 =	sadd.s32 s17, s1;
	v29 =	vld [tilespmem:s4+$0x9010]  }
0xa75: {  	s18 =	sor.u32 $0x8400, s8;
	v30 =	vld [tilespmem:s4+$0x9020];
	v3 =	vadd.f32 v56, v3  }
0xa76: {  	v12 =	vld [tilespmem:s18+$0x8080]  }
0xa77: {  	v31 =	vld [tilespmem:s4+$0x9030];
	v3 =	vadd.f32 v11, v3  }
0xa78: {  	v58 =	vld [tilespmem:s18+$0x8090]  }
0xa79: {  	v32 =	vld [tilespmem:s4+$0x9040];
	v3 =	vadd.f32 v57, v3  }
0xa7a: {  	v13 =	vld [tilespmem:s18+$0x80A0]  }
0xa7b: {  	v46 =	vld [tilespmem:s4+$0x9050];
	v3 =	vadd.f32 v12, v3  }
0xa7c: {  	v59 =	vld [tilespmem:s18+$0x80B0]  }
0xa7d: {  	v33 =	vld [tilespmem:s4+$0x9060];
	v3 =	vadd.f32 v58, v3  }
0xa7e: {  	v14 =	vld [tilespmem:s18+$0x80C0]  }
0xa7f: {  	v47 =	vld [tilespmem:s4+$0x9070];
	v3 =	vadd.f32 v13, v3  }
0xa80: {  	v60 =	vld [tilespmem:s18+$0x80D0]  }
0xa81: {  	v34 =	vld [tilespmem:s4+$0x9800];
	v3 =	vadd.f32 v59, v3  }
0xa82: {  	v15 =	vld [tilespmem:s18+$0x80E0]  }
0xa83: {  	v48 =	vld [tilespmem:s4+$0x9810];
	v3 =	vadd.f32 v14, v3  }
0xa84: {  	v61 =	vld [tilespmem:s18+$0x80F0]  }
0xa85: {  	v35 =	vld [tilespmem:s4+$0x9820];
	v3 =	vadd.f32 v60, v3  }
0xa86: {  	v49 =	vld [tilespmem:s4+$0x9830]  }
0xa87: {  	v36 =	vld [tilespmem:s4+$0x9840];
	v3 =	vadd.f32 v15, v3  }
0xa88: {  	v50 =	vld [tilespmem:s4+$0x9850]  }
0xa89: {  	v37 =	vld [tilespmem:s4+$0x9860];
	v3 =	vadd.f32 v61, v3  }
0xa8a: {  	s31 =	sor.u32 $0x8C00, s8;
	v38 =	vld [tilespmem:s4+$0x9870]  }
0xa8b: {  	v16 =	vld [tilespmem:s31+$0x8080];
	v3 =	vadd.f32 v39, v3  }
0xa8c: {  	v62 =	vld [tilespmem:s31+$0x8090]  }
0xa8d: {  	v17 =	vld [tilespmem:s31+$0x80A0];
	v3 =	vadd.f32 v40, v3  }
0xa8e: {  	v18 =	vld [tilespmem:s31+$0x80B0]  }
0xa8f: {  	v19 =	vld [tilespmem:s31+$0x80C0];
	v3 =	vadd.f32 v41, v3  }
0xa90: {  	v63 =	vld [tilespmem:s31+$0x80D0]  }
0xa91: {  	v20 =	vld [tilespmem:s31+$0x80E0];
	v3 =	vadd.f32 v42, v3  }
0xa92: {  	s8 =	sor.u32 $0x9400, s8;
	v21 =	vld [tilespmem:s31+$0x80F0]  }
0xa93: {  	v22 =	vld [tilespmem:s8+$0x8080];
	v3 =	vadd.f32 v43, v3  }
0xa94: {  	v23 =	vld [tilespmem:s8+$0x80A0]  }
0xa95: {  	v24 =	vld [tilespmem:s8+$0x80C0];
	v3 =	vadd.f32 v44, v3  }
0xa96: {  	s1 =	sor.u32 s0, s1;
	v25 =	vld [tilespmem:s8+$0x80E0]  }
0xa97: {  	s0 =	sor.u32 $0x9C00, s1;
	v26 =	vld [tilespmem:s8+$0x80F0];
	v3 =	vadd.f32 v27, v3  }
0xa98: {  	v5 =	vld [tilespmem:s0+$0x80D0]  }
0xa99: {  	v4 =	vld [tilespmem:s0+$0x80E0];
	v3 =	vadd.f32 v45, v3  }
0xa9a: {  	v6 =	vld [tilespmem:s0+$0x80C0]  }
0xa9b: {  	v7 =	vld [tilespmem:s8+$0x80B0];
	v3 =	vadd.f32 v16, v3  }
0xa9c: {  	v10 =	vld [tilespmem:s0+$0x80B0]  }
0xa9d: {  	v12 =	vld [tilespmem:s8+$0x8090];
	v3 =	vadd.f32 v62, v3  }
0xa9e: {  	v13 =	vld [tilespmem:s8+$0x80D0]  }
0xa9f: {  	v39 =	vld [tilespmem:s0+$0x8080];
	v17 =	vadd.f32 v17, v3  }
0xaa0: {  	v40 =	vld [tilespmem:s0+$0x80A0]  }
0xaa1: {  	v16 =	vld [tilespmem:s0+$0x8090];
	v17 =	vadd.f32 v18, v17  }
0xaa2: {  	v3 =	vld [tilespmem:s0+$0x80F0];
	_ =	swait.ge [sflag:s29], $0x8000  }
0xaa3: {  	[sflag:s29] =	ssyncset.done $0x0;
	v17 =	vadd.f32 v19, v17  }
0xaa4: {  	v54 =	vld [tilespmem:$0x1FFE0];
	[sflag:s29] =	ssyncadd.s32 $0xFFFF8000  }
0xaa5: {  	v51 =	vld [tilespmem:s16+$0x0];
	v11 =	vadd.f32 v63, v17;
	_ =	sdelay $0x1  }
0xaa6: {  	v52 =	vld [tilespmem:s16+$0x80];
	v11 =	vadd.f32 v20, v11;
	_ =	sdelay $0x1  }
0xaa7: {  	v53 =	vld [tilespmem:s16+$0x100];
	vm2 =	vnez.u8 v54;
	v11 =	vadd.f32 v21, v11  }
0xaa8: {  	v17 =	vnsel vm2, $0x0, v51  }
0xaa9: {  	v55 =	vld [tilespmem:s16+$0x180];
	v17 =	vadd.f32 $0.0e+00, v17;
	v11 =	vadd.f32 v28, v11  }
0xaaa: {  	v18 =	vsel vm3, $0x0, v52  }
0xaab: {  	v56 =	vld [tilespmem:s16+$0x200];
	v17 =	vadd.f32 v18, v17;
	v11 =	vadd.f32 v29, v11  }
0xaac: {  	v19 =	vsel vm4, $0x0, v53  }
0xaad: {  	v57 =	vld [tilespmem:s16+$0x280];
	v17 =	vadd.f32 v19, v17;
	v11 =	vadd.f32 v30, v11  }
0xaae: {  	s4 =	rddreg [dreg:$0x8];
	v20 =	vsel vm5, $0x0, v55  }
0xaaf: {  	v58 =	vld [tilespmem:s4+$0x80];
	v17 =	vadd.f32 v20, v17;
	v11 =	vadd.f32 v31, v11  }
0xab0: {  	s8 =	rddreg [dreg:$0x9];
	v18 =	vsel vm6, $0x0, v56  }
0xab1: {  	v59 =	vld [tilespmem:s8+$0x80];
	v17 =	vadd.f32 v18, v17;
	v11 =	vadd.f32 v32, v11  }
0xab2: {  	s9 =	rddreg [dreg:$0xa];
	v19 =	vsel vm7, $0x0, v57  }
0xab3: {  	v61 =	vld [tilespmem:s9+$0x0];
	v60 =	vadd.f32 v19, v17;
	v8 =	vadd.f32 v46, v11  }
0xab4: {  	s10 =	rddreg [dreg:$0xb];
	v62 =	vsel vm8, $0x0, v58  }
0xab5: {  	v63 =	vld [tilespmem:s10+$0x0];
	v11 =	vadd.f32 v62, v60;
	v8 =	vadd.f32 v33, v8  }
0xab6: {  	s17 =	rddreg [dreg:$0xc];
	v18 =	vsel vm9, $0x0, v59  }
0xab7: {  	v21 =	vld [tilespmem:s17+$0x0];
	v20 =	vadd.f32 v18, v11;
	v8 =	vadd.f32 v47, v8  }
0xab8: {  	s18 =	rddreg [dreg:$0xd];
	v17 =	vsel vm10, $0x0, v61  }
0xab9: {  	v9 =	vadd.f32 v17, v20;
	v8 =	vadd.f32 v22, v8;
	v22 =	vld [tilespmem:s18+$0x0]  }
0xaba: {  	s31 =	rddreg [dreg:$0xe];
	v28 =	vsel vm11, $0x0, v63  }
0xabb: {  	v29 =	vld [tilespmem:s31+$0x0];
	v9 =	vadd.f32 v28, v9;
	v8 =	vadd.f32 v12, v8  }
0xabc: {  	s1 =	rddreg [dreg:$0x11];
	v11 =	vsel vm12, $0x0, v21  }
0xabd: {  	v30 =	vld [tilespmem:s1+$0x0];
	v9 =	vadd.f32 v11, v9;
	v8 =	vadd.f32 v23, v8  }
0xabe: {  	s4 =	rddreg [dreg:$0x12];
	v17 =	vsel vm13, $0x0, v22  }
0xabf: {  	v32 =	vld [tilespmem:s4+$0x0];
	v7 =	vadd.f32 v7, v8;
	v31 =	vadd.f32 v17, v9  }
0xac0: {  	v43 =	vld [tilespmem:$0x1FFF0];
	v12 =	vsel vm14, $0x0, v29  }
0xac1: {  	v33 =	vld [tilespmem:s15+$0x2400];
	v7 =	vadd.f32 v24, v7;
	v8 =	vadd.f32 v12, v31  }
0xac2: {  	s8 =	rddreg [dreg:$0x13];
	v11 =	vsel vm15, $0x0, v30  }
0xac3: {  	v41 =	vld [tilespmem:s8+$0x0];
	v7 =	vadd.f32 v13, v7;
	v8 =	vadd.f32 v11, v8  }
0xac4: {  	s9 =	rddreg [dreg:$0x14];
	v9 =	vsel vm1, $0x0, v32  }
0xac5: {  	v42 =	vld [tilespmem:s9+$0x0];
	vm0 =	vnez.u8 v43;
	v7 =	vadd.f32 v25, v7;
	v8 =	vadd.f32 v9, v8  }
0xac6: {  	s10 =	rddreg [dreg:$0x15];
	v12 =	vsel vm0, $0x0, v33  }
0xac7: {  	v44 =	vld [tilespmem:s10+$0x0];
	v7 =	vadd.f32 v26, v7;
	v8 =	vadd.f32 v12, v8  }
0xac8: {  	s17 =	rddreg [dreg:$0x16];
	v11 =	vnsel vm2, $0x0, v41  }
0xac9: {  	v45 =	vld [tilespmem:s17+$0x0];
	v7 =	vadd.f32 v34, v7;
	v8 =	vadd.f32 v11, v8  }
0xaca: {  	s18 =	rddreg [dreg:$0x17];
	v9 =	vsel vm3, $0x0, v42  }
0xacb: {  	v46 =	vld [tilespmem:s18+$0x0];
	v7 =	vadd.f32 v48, v7;
	v8 =	vadd.f32 v9, v8  }
0xacc: {  	s31 =	rddreg [dreg:$0x18];
	v12 =	vsel vm4, $0x0, v44  }
0xacd: {  	v47 =	vld [tilespmem:s31+$0x0];
	v7 =	vadd.f32 v35, v7;
	v8 =	vadd.f32 v12, v8  }
0xace: {  	s1 =	rddreg [dreg:$0x19];
	v11 =	vsel vm5, $0x0, v45  }
0xacf: {  	v48 =	vld [tilespmem:s1+$0x0];
	v7 =	vadd.f32 v49, v7;
	v8 =	vadd.f32 v11, v8  }
0xad0: {  	v9 =	vsel vm6, $0x0, v46  }
0xad1: {  	v49 =	vld [tilespmem:s15+$0x4410];
	v7 =	vadd.f32 v36, v7;
	v8 =	vadd.f32 v9, v8  }
0xad2: {  	s4 =	rddreg [dreg:$0x1a];
	v12 =	vsel vm7, $0x0, v47  }
0xad3: {  	v7 =	vadd.f32 v50, v7;
	v8 =	vadd.f32 v12, v8;
	v50 =	vld [tilespmem:s4+$0x0]  }
0xad4: {  	s8 =	rddreg [dreg:$0x1b];
	v11 =	vsel vm8, $0x0, v48  }
0xad5: {  	v51 =	vld [tilespmem:s8+$0x0];
	v7 =	vadd.f32 v37, v7;
	v8 =	vadd.f32 v11, v8  }
0xad6: {  	s9 =	rddreg [dreg:$0x1c];
	v9 =	vsel vm9, $0x0, v49  }
0xad7: {  	v52 =	vld [tilespmem:s9+$0x0];
	v7 =	vadd.f32 v38, v7;
	v8 =	vadd.f32 v9, v8  }
0xad8: {  	s10 =	rddreg [dreg:$0x1d];
	v12 =	vsel vm10, $0x0, v50  }
0xad9: {  	v53 =	vld [tilespmem:s10+$0x0];
	v7 =	vadd.f32 v39, v7;
	v8 =	vadd.f32 v12, v8  }
0xada: {  	v11 =	vsel vm11, $0x0, v51  }
0xadb: {  	v54 =	vld [tilespmem:s19+$0x0];
	v7 =	vadd.f32 v16, v7;
	v8 =	vadd.f32 v11, v8  }
0xadc: {  	v9 =	vsel vm12, $0x0, v52  }
0xadd: {  	v55 =	vld [tilespmem:s20+$0x0];
	v7 =	vadd.f32 v40, v7;
	v8 =	vadd.f32 v9, v8  }
0xade: {  	v12 =	vsel vm13, $0x0, v53  }
0xadf: {  	v56 =	vld [tilespmem:s21+$0x0];
	v7 =	vadd.f32 v10, v7;
	v8 =	vadd.f32 v12, v8  }
0xae0: {  	v11 =	vsel vm14, $0x0, v54  }
0xae1: {  	v58 =	vld [tilespmem:s15+$0x6410];
	v6 =	vadd.f32 v6, v7;
	v57 =	vadd.f32 v11, v8  }
0xae2: {  	v9 =	vsel vm15, $0x0, v55  }
0xae3: {  	v5 =	vadd.f32 v5, v6;
	v59 =	vadd.f32 v9, v57  }
0xae4: {  	v60 =	vsel vm1, $0x0, v56  }
0xae5: {  	v4 =	vadd.f32 v4, v5;
	v61 =	vadd.f32 v60, v59  }
0xae6: {  	v62 =	vsel vm0, $0x0, v58  }
0xae7: {  	v3 =	vadd.f32 v3, v4;
	v63 =	vadd.f32 v62, v61;
	_ =	sdelay $0x1  }
0xae8: {  	v3 =	vmul.f32 $1.000010000e-06, v3;
	v4 =	vmul.f32 $8.999990220e-01, v63;
	_ =	sdelay $0x1  }
0xae9: {  	v3 =	vadd.f32 v4, v3;
	_ =	sdelay $0x1  }
0xaea: {  	s17 =	rddreg [dreg:$0xf];
	s18 =	simm.s32 $0x18080;
	[tilespmem:$0x18080] =	vst v3  }
0xaeb: {  	[hbm4b:s17+s3] =	stream.linear.scatter [tilespmem:s18], [sflag:$0x3], $0x80, $0x38;
	[tilespmem:$0x18100] =	vst v63  }
0xaec: {  	_ =	swait.ge [sflag:s22], $0x80  }
0xaed: {  	s30 =	sadd.s32 $0x1, s30;
	s31 =	rddreg [dreg:$0x10]  }
0xaee: {  	p0 =	sne.s32 s30, s31  }
.Ltmp8:
0xaef: {  	_ = 	snop;
	(pc) =	sbr.rel @p0 .LBB2_1-.Ltmp8, $3  }
0xaf0: {  	_ =	sdelay $0x1  }
0xaf1: {  	[sflag:s22] =	ssyncset.done $0x0  }
0xaf2: {  	[sflag:s22] =	ssyncadd.s32 $0xFFFFFF80  }
0xaf3: {  	_ =	sfence.sel $0x180000  }
0xaf4: {  	[bflag:$0x0] =	sbarrier.arrive $0xFFFF  }
0xaf5: {  	_ =	strace $0x90000047  }
0xaf6: {  	s0 =	stileid.u32;
	[bflag:$0x2] =	sbarrier.arrive $0xFFFF  }
0xaf7: {  	p0 =	sne.s32 s0, $0x0;
	s0 =	rddreg [dreg:$0x3]  }
0xaf8: {  	s0 =	sadd.s32 @!p0 $0x100000, s0  }
0xaf9: {  	[sflag:s0] =	ssyncadd.tile.s32 @!p0 $0x1;
	_ =	shalt  }
.Lfunc_end2:
_tile_overlayer_lowered:
.L_overlay_start_2:
0xafa: {  	(tag) =	ssettag $0x2  }
0xafb: {  	s0 =	rddreg [dreg:$0x0];
	s2 =	stileid.u32  }
0xafc: {  	s1 =	rddreg [dreg:$0x1];
	p0 =	sne.s32 s2, $0x0  }
0xafd: {  	s3 =	rddreg [dreg:$0x2];
	[bflag:$0x3] =	sbarrier.arrive $0xFFFF;
	s2 =	simm.s32 @!p0 $0x1C03  }
0xafe: {  	[timem:s3], [sflag:s2] =	dma.local @!p0 [hbm:s0], s1  }
0xaff: {  	s0 =	simm.s32 @!p0 $0x3  }
0xb00: {  	_ =	swait.ge @!p0 [sflag:s0], s1  }
0xb01: {  	s1 =	ssub.s32 @!p0 $0x0, s1;
	[sflag:s0] =	ssyncset.done @!p0 $0x0  }
0xb02: {  	[sflag:s0] =	ssyncadd.s32 @!p0 s1  }
0xb03: {  	[bflag:$0x3] =	sbarrier.arrive $0xFFFF  }
0xb04: {  	_ =	shalt  }

</sc_bundles>
